<compile_context>
chip_gen: v7x
topology: tpu7x:2x2x1
jax: 0.10.2.dev20260603
libtpu: 0.0.44.dev20260713+nightly
codegen_flags: <defaults>
</compile_context>

<pallas_src>
import jax
import jax.numpy as jnp
from jax import lax
from jax.experimental import pallas as pl
from jax.experimental.pallas import tpu as pltpu
from jax.experimental.pallas import tpu_sc as plsc

TOTAL_GRAPHS = 100000
STOP = 100000
D = 128
BATCH = 16384

NC = 2
NS = 16
NW = NC * NS
BPW = BATCH // NW
LANES = 16
CHUNKS = BPW // LANES


def _body(idx_hbm, table_hbm, stop_hbm, out_hbm, idx_v, safe_v, rows_v,
          bits_s, pos_s, cnt_s, sem):
    wid = lax.axis_index("s") * NC + lax.axis_index("c")
    base = wid * BPW

    pltpu.sync_copy(idx_hbm.at[pl.ds(base, BPW)], idx_v)

    for i in range(CHUNKS):
        v = idx_v[pl.ds(i * LANES, LANES)]
        safe_v[pl.ds(i * LANES, LANES)] = jnp.where(v == STOP, 0, v)
    gather = pltpu.async_copy(table_hbm.at[safe_v], rows_v, sem)

    lane = lax.iota(jnp.int32, LANES)
    perms = [lane ^ st for st in (8, 4, 2, 1)]
    for i in range(CHUNKS):
        v = idx_v[pl.ds(i * LANES, LANES)]
        bitv = jnp.where(v == STOP, jnp.int32(1) << lane, 0)
        for p in perms:
            bitv = bitv + bitv[p]
        bits_s[i] = bitv[0]

    cnt_s[0] = 0

    def scan_chunk(g, carry):
        b = bits_s[g]

        @pl.when(b != 0)
        def _():
            for j in range(LANES):
                @pl.when((b >> j) & 1 != 0)
                def _():
                    c = cnt_s[0]
                    pos_s[c] = g * LANES + j
                    cnt_s[0] = c + 1
        return carry

    lax.fori_loop(0, CHUNKS, scan_chunk, 0)

    gather.wait()

    cnt = cnt_s[0]

    def patch_group(g, carry):
        @pl.when(cnt > g * LANES)
        def _():
            for j in range(LANES):
                p = g * LANES + j

                @pl.when(p < cnt)
                def _():
                    pltpu.sync_copy(stop_hbm, rows_v.at[pos_s[p]])
        return carry

    lax.fori_loop(0, CHUNKS, patch_group, 0)

    pltpu.sync_copy(rows_v, out_hbm.at[pl.ds(base, BPW)])


@jax.jit
def _gather(idx, table, stop):
    mesh = plsc.VectorSubcoreMesh(core_axis_name="c", subcore_axis_name="s",
                                  num_cores=NC, num_subcores=NS)
    return pl.kernel(
        _body,
        out_type=jax.ShapeDtypeStruct((BATCH, D), jnp.float32),
        mesh=mesh,
        scratch_types=[
            pltpu.VMEM((BPW,), jnp.int32),
            pltpu.VMEM((BPW,), jnp.int32),
            pltpu.VMEM((BPW, D), jnp.float32),
            pltpu.SMEM((CHUNKS,), jnp.int32),
            pltpu.SMEM((BPW,), jnp.int32),
            pltpu.SMEM((8,), jnp.int32),
            pltpu.SemaphoreType.DMA,
        ],
    )(idx, table, stop)


def kernel(symbol_tensor_in, graph_table, stop_embedding):
    return _gather(symbol_tensor_in.astype(jnp.int32), graph_table,
                   stop_embedding)

# --- scband reference (transcript-rebuilt; emitter-appended) ---
"""Pipeline reference for scband-symbol-gnnembedder-83811991814273 (READ-ONLY COPY).

The authoritative reference and input builder live on the scoring server;
editing this copy changes nothing except your own understanding.
"""

import jax, jax.numpy as jnp
import numpy as np

TOTAL_GRAPHS = 100000
STOP_IDX = 100000
EMBED_DIM = 128
BATCH = 16384


def setup_inputs(seed: int = 0) -> dict:
    key = jax.random.key(seed)
    k1, k2, k3 = jax.random.split(key, 3)
    symbol_tensor_in = jax.random.randint(k1, (BATCH,), 0, TOTAL_GRAPHS + 1)
    # Precomputed GNN graph embeddings act as the index->graph->embedding pipeline
    graph_table = jax.random.normal(k2, (TOTAL_GRAPHS, EMBED_DIM), dtype=jnp.float32)
    bound = 1.0 / np.sqrt(EMBED_DIM)
    stop_embedding = jax.random.uniform(k3, (EMBED_DIM,), minval=-bound, maxval=bound, dtype=jnp.float32)
    return {"symbol_tensor_in": symbol_tensor_in, "graph_table": graph_table, "stop_embedding": stop_embedding}


def reference(symbol_tensor_in, graph_table, stop_embedding):
    # _zip_graph_embeddings_and_stop_symbols with stops_pre_filtered_flag=False:
    # zero-init buffer, scatter stop embedding into stop locations, gather graph
    # embeddings for the remaining symbols and scatter them into the buffer.
    stop_locations = symbol_tensor_in == STOP_IDX
    # gather graph embeddings (clamp stop slots to a valid index; overwritten below)
    safe_idx = jnp.where(stop_locations, 0, symbol_tensor_in)
    embeddings_of_graphs = jnp.take(graph_table, safe_idx, axis=0)
    embeddings = jnp.zeros((symbol_tensor_in.shape[0], EMBED_DIM), dtype=jnp.float32)
    embeddings = jnp.where(stop_locations[:, None], stop_embedding[None, :], embeddings_of_graphs)
    return embeddings

if __name__ == "__main__":
    import jax
    _d = setup_inputs()
    print(jax.jit(kernel)(*tuple(_d.values())))

</pallas_src>

<mosaic_0001>
#map = affine_map<(d0, d1) -> (0)>
#map1 = affine_map<(d0, d1) -> (0, 0)>
module attributes {stable_mosaic.version = 14 : i64} {
  func.func @_body(%arg0: i32, %arg1: i32, %arg2: memref<16384xi32, #tpu.memory_space<hbm>>, %arg3: memref<100000x128xf32, #tpu.memory_space<hbm>>, %arg4: memref<128xf32, #tpu.memory_space<hbm>>, %arg5: memref<16384x128xf32, #tpu.memory_space<hbm>>, %arg6: memref<512xi32, #tpu.memory_space<vmem>>, %arg7: memref<512xi32, #tpu.memory_space<vmem>>, %arg8: memref<512x128xf32, #tpu.memory_space<vmem>>, %arg9: memref<32xi32, #tpu.memory_space<smem>>, %arg10: memref<512xi32, #tpu.memory_space<smem>>, %arg11: memref<8xi32, #tpu.memory_space<smem>>, %arg12: memref<!tpu.dma_semaphore, #tpu.memory_space<semaphore_mem>>) attributes {dimension_semantics = [#tpu.dimension_semantics<core_parallel>, #tpu.dimension_semantics<subcore_parallel>], iteration_bounds = array<i64: 2, 16>, scalar_prefetch = 0 : i64, scratch_operands = 7 : i64, tpu.core_type = #tpu.core_type<sc_vector_subcore>, window_params = [{transform_indices = #map}, {transform_indices = #map1}, {transform_indices = #map}, {transform_indices = #map1}]} {
    %mul3A = arith.constant 2 : i32
    %mul3A_0 = arith.muli %arg1, %mul3A : i32
    %add3A = arith.addi %mul3A_0, %arg0 : i32
    %mul3A_1 = arith.constant 512 : i32
    %mul3A_2 = arith.muli %add3A, %mul3A_1 : i32
    "tpu.region"() ({
      %run_scoped3A = tpu.sem_alloc : memref<!tpu.dma_semaphore, #tpu.memory_space<semaphore_mem>>
      %dma_start3A_2393 = tpu.memref_slice %arg2[%mul3A_2] : memref<16384xi32, #tpu.memory_space<hbm>> -> memref<512xi32, #tpu.memory_space<hbm>>
      %dma_start3A_2394 = tpu.memref_slice %arg2[%mul3A_2] : memref<16384xi32, #tpu.memory_space<hbm>> -> memref<512xi32, #tpu.memory_space<hbm>>
      tpu.enqueue_dma source(%dma_start3A_2394 : memref<512xi32, #tpu.memory_space<hbm>>) target(%arg6 : memref<512xi32, #tpu.memory_space<vmem>>) target_semaphore(%run_scoped3A : memref<!tpu.dma_semaphore, #tpu.memory_space<semaphore_mem>>)
      %dma_wait3A_2395 = tpu.memref_slice %arg2[%mul3A_2] : memref<16384xi32, #tpu.memory_space<hbm>> -> memref<512xi32, #tpu.memory_space<hbm>>
      %dma_wait3A_2396 = tpu.memref_slice %arg2[%mul3A_2] : memref<16384xi32, #tpu.memory_space<hbm>> -> memref<512xi32, #tpu.memory_space<hbm>>
      tpu.wait_dma2 semaphore(%run_scoped3A : memref<!tpu.dma_semaphore, #tpu.memory_space<semaphore_mem>>) src(%dma_wait3A_2396 : memref<512xi32, #tpu.memory_space<hbm>>) dst(%arg6 : memref<512xi32, #tpu.memory_space<vmem>>)
      tpu.yield
    }) : () -> ()
    %get3A = arith.constant 0 : index
    %get3A_3 = tpu.vector_load %arg6[%get3A] {strides = array<i32>} : memref<512xi32, #tpu.memory_space<vmem>>, vector<16xi32>,
    %get3A_4 = vector.shape_cast %get3A_3 : vector<16xi32> to vector<16xi32>
    %eq3A = arith.constant 100000 : i32
    %eq3A_5 = vector.broadcast %eq3A : i32 to vector<16xi32>
    %eq3A_6 = arith.cmpi eq, %get3A_4, %eq3A_5 : vector<16xi32>
    %jit3A = arith.constant 0 : i32
    %broadcast_in_dim3A = vector.broadcast %jit3A : i32 to vector<16xi32>
    %select_n3A = arith.select %eq3A_6, %broadcast_in_dim3A, %get3A_4 : vector<16xi1>, vector<16xi32>
    %swap3A = arith.constant 0 : index
    %swap3A_7 = tpu.vector_load %arg7[%swap3A] {strides = array<i32>} : memref<512xi32, #tpu.memory_space<vmem>>, vector<16xi32>,
    %swap3A_8 = vector.shape_cast %swap3A_7 : vector<16xi32> to vector<16xi32>
    %swap3A_9 = vector.shape_cast %select_n3A : vector<16xi32> to vector<16xi32>
    tpu.vector_store %arg7[%swap3A], %swap3A_9 {strides = array<i32>} : memref<512xi32, #tpu.memory_space<vmem>>, vector<16xi32>,
    %get3A_10 = arith.constant 16 : index
    %get3A_11 = tpu.vector_load %arg6[%get3A_10] {strides = array<i32>} : memref<512xi32, #tpu.memory_space<vmem>>, vector<16xi32>,
    %get3A_12 = vector.shape_cast %get3A_11 : vector<16xi32> to vector<16xi32>
    %eq3A_13 = arith.constant 100000 : i32
    %eq3A_14 = vector.broadcast %eq3A_13 : i32 to vector<16xi32>
    %eq3A_15 = arith.cmpi eq, %get3A_12, %eq3A_14 : vector<16xi32>
    %jit3A_16 = arith.constant 0 : i32
    %broadcast_in_dim3A_17 = vector.broadcast %jit3A_16 : i32 to vector<16xi32>
    %select_n3A_18 = arith.select %eq3A_15, %broadcast_in_dim3A_17, %get3A_12 : vector<16xi1>, vector<16xi32>
    %swap3A_19 = arith.constant 16 : index
    %swap3A_20 = tpu.vector_load %arg7[%swap3A_19] {strides = array<i32>} : memref<512xi32, #tpu.memory_space<vmem>>, vector<16xi32>,
    %swap3A_21 = vector.shape_cast %swap3A_20 : vector<16xi32> to vector<16xi32>
    %swap3A_22 = vector.shape_cast %select_n3A_18 : vector<16xi32> to vector<16xi32>
    tpu.vector_store %arg7[%swap3A_19], %swap3A_22 {strides = array<i32>} : memref<512xi32, #tpu.memory_space<vmem>>, vector<16xi32>,
    %get3A_23 = arith.constant 32 : index
    %get3A_24 = tpu.vector_load %arg6[%get3A_23] {strides = array<i32>} : memref<512xi32, #tpu.memory_space<vmem>>, vector<16xi32>,
    %get3A_25 = vector.shape_cast %get3A_24 : vector<16xi32> to vector<16xi32>
    %eq3A_26 = arith.constant 100000 : i32
    %eq3A_27 = vector.broadcast %eq3A_26 : i32 to vector<16xi32>
    %eq3A_28 = arith.cmpi eq, %get3A_25, %eq3A_27 : vector<16xi32>
    %jit3A_29 = arith.constant 0 : i32
    %broadcast_in_dim3A_30 = vector.broadcast %jit3A_29 : i32 to vector<16xi32>
    %select_n3A_31 = arith.select %eq3A_28, %broadcast_in_dim3A_30, %get3A_25 : vector<16xi1>, vector<16xi32>
    %swap3A_32 = arith.constant 32 : index
    %swap3A_33 = tpu.vector_load %arg7[%swap3A_32] {strides = array<i32>} : memref<512xi32, #tpu.memory_space<vmem>>, vector<16xi32>,
    %swap3A_34 = vector.shape_cast %swap3A_33 : vector<16xi32> to vector<16xi32>
    %swap3A_35 = vector.shape_cast %select_n3A_31 : vector<16xi32> to vector<16xi32>
    tpu.vector_store %arg7[%swap3A_32], %swap3A_35 {strides = array<i32>} : memref<512xi32, #tpu.memory_space<vmem>>, vector<16xi32>,
    %get3A_36 = arith.constant 48 : index
    %get3A_37 = tpu.vector_load %arg6[%get3A_36] {strides = array<i32>} : memref<512xi32, #tpu.memory_space<vmem>>, vector<16xi32>,
    %get3A_38 = vector.shape_cast %get3A_37 : vector<16xi32> to vector<16xi32>
    %eq3A_39 = arith.constant 100000 : i32
    %eq3A_40 = vector.broadcast %eq3A_39 : i32 to vector<16xi32>
    %eq3A_41 = arith.cmpi eq, %get3A_38, %eq3A_40 : vector<16xi32>
    %jit3A_42 = arith.constant 0 : i32
    %broadcast_in_dim3A_43 = vector.broadcast %jit3A_42 : i32 to vector<16xi32>
    %select_n3A_44 = arith.select %eq3A_41, %broadcast_in_dim3A_43, %get3A_38 : vector<16xi1>, vector<16xi32>
    %swap3A_45 = arith.constant 48 : index
    %swap3A_46 = tpu.vector_load %arg7[%swap3A_45] {strides = array<i32>} : memref<512xi32, #tpu.memory_space<vmem>>, vector<16xi32>,
    %swap3A_47 = vector.shape_cast %swap3A_46 : vector<16xi32> to vector<16xi32>
    %swap3A_48 = vector.shape_cast %select_n3A_44 : vector<16xi32> to vector<16xi32>
    tpu.vector_store %arg7[%swap3A_45], %swap3A_48 {strides = array<i32>} : memref<512xi32, #tpu.memory_space<vmem>>, vector<16xi32>,
    %get3A_49 = arith.constant 64 : index
    %get3A_50 = tpu.vector_load %arg6[%get3A_49] {strides = array<i32>} : memref<512xi32, #tpu.memory_space<vmem>>, vector<16xi32>,
    %get3A_51 = vector.shape_cast %get3A_50 : vector<16xi32> to vector<16xi32>
    %eq3A_52 = arith.constant 100000 : i32
    %eq3A_53 = vector.broadcast %eq3A_52 : i32 to vector<16xi32>
    %eq3A_54 = arith.cmpi eq, %get3A_51, %eq3A_53 : vector<16xi32>
    %jit3A_55 = arith.constant 0 : i32
    %broadcast_in_dim3A_56 = vector.broadcast %jit3A_55 : i32 to vector<16xi32>
    %select_n3A_57 = arith.select %eq3A_54, %broadcast_in_dim3A_56, %get3A_51 : vector<16xi1>, vector<16xi32>
    %swap3A_58 = arith.constant 64 : index
    %swap3A_59 = tpu.vector_load %arg7[%swap3A_58] {strides = array<i32>} : memref<512xi32, #tpu.memory_space<vmem>>, vector<16xi32>,
    %swap3A_60 = vector.shape_cast %swap3A_59 : vector<16xi32> to vector<16xi32>
    %swap3A_61 = vector.shape_cast %select_n3A_57 : vector<16xi32> to vector<16xi32>
    tpu.vector_store %arg7[%swap3A_58], %swap3A_61 {strides = array<i32>} : memref<512xi32, #tpu.memory_space<vmem>>, vector<16xi32>,
    %get3A_62 = arith.constant 80 : index
    %get3A_63 = tpu.vector_load %arg6[%get3A_62] {strides = array<i32>} : memref<512xi32, #tpu.memory_space<vmem>>, vector<16xi32>,
    %get3A_64 = vector.shape_cast %get3A_63 : vector<16xi32> to vector<16xi32>
    %eq3A_65 = arith.constant 100000 : i32
    %eq3A_66 = vector.broadcast %eq3A_65 : i32 to vector<16xi32>
    %eq3A_67 = arith.cmpi eq, %get3A_64, %eq3A_66 : vector<16xi32>
    %jit3A_68 = arith.constant 0 : i32
    %broadcast_in_dim3A_69 = vector.broadcast %jit3A_68 : i32 to vector<16xi32>
    %select_n3A_70 = arith.select %eq3A_67, %broadcast_in_dim3A_69, %get3A_64 : vector<16xi1>, vector<16xi32>
    %swap3A_71 = arith.constant 80 : index
    %swap3A_72 = tpu.vector_load %arg7[%swap3A_71] {strides = array<i32>} : memref<512xi32, #tpu.memory_space<vmem>>, vector<16xi32>,
    %swap3A_73 = vector.shape_cast %swap3A_72 : vector<16xi32> to vector<16xi32>
    %swap3A_74 = vector.shape_cast %select_n3A_70 : vector<16xi32> to vector<16xi32>
    tpu.vector_store %arg7[%swap3A_71], %swap3A_74 {strides = array<i32>} : memref<512xi32, #tpu.memory_space<vmem>>, vector<16xi32>,
    %get3A_75 = arith.constant 96 : index
    %get3A_76 = tpu.vector_load %arg6[%get3A_75] {strides = array<i32>} : memref<512xi32, #tpu.memory_space<vmem>>, vector<16xi32>,
    %get3A_77 = vector.shape_cast %get3A_76 : vector<16xi32> to vector<16xi32>
    %eq3A_78 = arith.constant 100000 : i32
    %eq3A_79 = vector.broadcast %eq3A_78 : i32 to vector<16xi32>
    %eq3A_80 = arith.cmpi eq, %get3A_77, %eq3A_79 : vector<16xi32>
    %jit3A_81 = arith.constant 0 : i32
    %broadcast_in_dim3A_82 = vector.broadcast %jit3A_81 : i32 to vector<16xi32>
    %select_n3A_83 = arith.select %eq3A_80, %broadcast_in_dim3A_82, %get3A_77 : vector<16xi1>, vector<16xi32>
    %swap3A_84 = arith.constant 96 : index
    %swap3A_85 = tpu.vector_load %arg7[%swap3A_84] {strides = array<i32>} : memref<512xi32, #tpu.memory_space<vmem>>, vector<16xi32>,
    %swap3A_86 = vector.shape_cast %swap3A_85 : vector<16xi32> to vector<16xi32>
    %swap3A_87 = vector.shape_cast %select_n3A_83 : vector<16xi32> to vector<16xi32>
    tpu.vector_store %arg7[%swap3A_84], %swap3A_87 {strides = array<i32>} : memref<512xi32, #tpu.memory_space<vmem>>, vector<16xi32>,
    %get3A_88 = arith.constant 112 : index
    %get3A_89 = tpu.vector_load %arg6[%get3A_88] {strides = array<i32>} : memref<512xi32, #tpu.memory_space<vmem>>, vector<16xi32>,
    %get3A_90 = vector.shape_cast %get3A_89 : vector<16xi32> to vector<16xi32>
    %eq3A_91 = arith.constant 100000 : i32
    %eq3A_92 = vector.broadcast %eq3A_91 : i32 to vector<16xi32>
    %eq3A_93 = arith.cmpi eq, %get3A_90, %eq3A_92 : vector<16xi32>
    %jit3A_94 = arith.constant 0 : i32
    %broadcast_in_dim3A_95 = vector.broadcast %jit3A_94 : i32 to vector<16xi32>
    %select_n3A_96 = arith.select %eq3A_93, %broadcast_in_dim3A_95, %get3A_90 : vector<16xi1>, vector<16xi32>
    %swap3A_97 = arith.constant 112 : index
    %swap3A_98 = tpu.vector_load %arg7[%swap3A_97] {strides = array<i32>} : memref<512xi32, #tpu.memory_space<vmem>>, vector<16xi32>,
    %swap3A_99 = vector.shape_cast %swap3A_98 : vector<16xi32> to vector<16xi32>
    %swap3A_100 = vector.shape_cast %select_n3A_96 : vector<16xi32> to vector<16xi32>
    tpu.vector_store %arg7[%swap3A_97], %swap3A_100 {strides = array<i32>} : memref<512xi32, #tpu.memory_space<vmem>>, vector<16xi32>,
    %get3A_101 = arith.constant 128 : index
    %get3A_102 = tpu.vector_load %arg6[%get3A_101] {strides = array<i32>} : memref<512xi32, #tpu.memory_space<vmem>>, vector<16xi32>,
    %get3A_103 = vector.shape_cast %get3A_102 : vector<16xi32> to vector<16xi32>
    %eq3A_104 = arith.constant 100000 : i32
    %eq3A_105 = vector.broadcast %eq3A_104 : i32 to vector<16xi32>
    %eq3A_106 = arith.cmpi eq, %get3A_103, %eq3A_105 : vector<16xi32>
    %jit3A_107 = arith.constant 0 : i32
    %broadcast_in_dim3A_108 = vector.broadcast %jit3A_107 : i32 to vector<16xi32>
    %select_n3A_109 = arith.select %eq3A_106, %broadcast_in_dim3A_108, %get3A_103 : vector<16xi1>, vector<16xi32>
    %swap3A_110 = arith.constant 128 : index
    %swap3A_111 = tpu.vector_load %arg7[%swap3A_110] {strides = array<i32>} : memref<512xi32, #tpu.memory_space<vmem>>, vector<16xi32>,
    %swap3A_112 = vector.shape_cast %swap3A_111 : vector<16xi32> to vector<16xi32>
    %swap3A_113 = vector.shape_cast %select_n3A_109 : vector<16xi32> to vector<16xi32>
    tpu.vector_store %arg7[%swap3A_110], %swap3A_113 {strides = array<i32>} : memref<512xi32, #tpu.memory_space<vmem>>, vector<16xi32>,
    %get3A_114 = arith.constant 144 : index
    %get3A_115 = tpu.vector_load %arg6[%get3A_114] {strides = array<i32>} : memref<512xi32, #tpu.memory_space<vmem>>, vector<16xi32>,
    %get3A_116 = vector.shape_cast %get3A_115 : vector<16xi32> to vector<16xi32>
    %eq3A_117 = arith.constant 100000 : i32
    %eq3A_118 = vector.broadcast %eq3A_117 : i32 to vector<16xi32>
    %eq3A_119 = arith.cmpi eq, %get3A_116, %eq3A_118 : vector<16xi32>
    %jit3A_120 = arith.constant 0 : i32
    %broadcast_in_dim3A_121 = vector.broadcast %jit3A_120 : i32 to vector<16xi32>
    %select_n3A_122 = arith.select %eq3A_119, %broadcast_in_dim3A_121, %get3A_116 : vector<16xi1>, vector<16xi32>
    %swap3A_123 = arith.constant 144 : index
    %swap3A_124 = tpu.vector_load %arg7[%swap3A_123] {strides = array<i32>} : memref<512xi32, #tpu.memory_space<vmem>>, vector<16xi32>,
    %swap3A_125 = vector.shape_cast %swap3A_124 : vector<16xi32> to vector<16xi32>
    %swap3A_126 = vector.shape_cast %select_n3A_122 : vector<16xi32> to vector<16xi32>
    tpu.vector_store %arg7[%swap3A_123], %swap3A_126 {strides = array<i32>} : memref<512xi32, #tpu.memory_space<vmem>>, vector<16xi32>,
    %get3A_127 = arith.constant 160 : index
    %get3A_128 = tpu.vector_load %arg6[%get3A_127] {strides = array<i32>} : memref<512xi32, #tpu.memory_space<vmem>>, vector<16xi32>,
    %get3A_129 = vector.shape_cast %get3A_128 : vector<16xi32> to vector<16xi32>
    %eq3A_130 = arith.constant 100000 : i32
    %eq3A_131 = vector.broadcast %eq3A_130 : i32 to vector<16xi32>
    %eq3A_132 = arith.cmpi eq, %get3A_129, %eq3A_131 : vector<16xi32>
    %jit3A_133 = arith.constant 0 : i32
    %broadcast_in_dim3A_134 = vector.broadcast %jit3A_133 : i32 to vector<16xi32>
    %select_n3A_135 = arith.select %eq3A_132, %broadcast_in_dim3A_134, %get3A_129 : vector<16xi1>, vector<16xi32>
    %swap3A_136 = arith.constant 160 : index
    %swap3A_137 = tpu.vector_load %arg7[%swap3A_136] {strides = array<i32>} : memref<512xi32, #tpu.memory_space<vmem>>, vector<16xi32>,
    %swap3A_138 = vector.shape_cast %swap3A_137 : vector<16xi32> to vector<16xi32>
    %swap3A_139 = vector.shape_cast %select_n3A_135 : vector<16xi32> to vector<16xi32>
    tpu.vector_store %arg7[%swap3A_136], %swap3A_139 {strides = array<i32>} : memref<512xi32, #tpu.memory_space<vmem>>, vector<16xi32>,
    %get3A_140 = arith.constant 176 : index
    %get3A_141 = tpu.vector_load %arg6[%get3A_140] {strides = array<i32>} : memref<512xi32, #tpu.memory_space<vmem>>, vector<16xi32>,
    %get3A_142 = vector.shape_cast %get3A_141 : vector<16xi32> to vector<16xi32>
    %eq3A_143 = arith.constant 100000 : i32
    %eq3A_144 = vector.broadcast %eq3A_143 : i32 to vector<16xi32>
    %eq3A_145 = arith.cmpi eq, %get3A_142, %eq3A_144 : vector<16xi32>
    %jit3A_146 = arith.constant 0 : i32
    %broadcast_in_dim3A_147 = vector.broadcast %jit3A_146 : i32 to vector<16xi32>
    %select_n3A_148 = arith.select %eq3A_145, %broadcast_in_dim3A_147, %get3A_142 : vector<16xi1>, vector<16xi32>
    %swap3A_149 = arith.constant 176 : index
    %swap3A_150 = tpu.vector_load %arg7[%swap3A_149] {strides = array<i32>} : memref<512xi32, #tpu.memory_space<vmem>>, vector<16xi32>,
    %swap3A_151 = vector.shape_cast %swap3A_150 : vector<16xi32> to vector<16xi32>
    %swap3A_152 = vector.shape_cast %select_n3A_148 : vector<16xi32> to vector<16xi32>
    tpu.vector_store %arg7[%swap3A_149], %swap3A_152 {strides = array<i32>} : memref<512xi32, #tpu.memory_space<vmem>>, vector<16xi32>,
    %get3A_153 = arith.constant 192 : index
    %get3A_154 = tpu.vector_load %arg6[%get3A_153] {strides = array<i32>} : memref<512xi32, #tpu.memory_space<vmem>>, vector<16xi32>,
    %get3A_155 = vector.shape_cast %get3A_154 : vector<16xi32> to vector<16xi32>
    %eq3A_156 = arith.constant 100000 : i32
    %eq3A_157 = vector.broadcast %eq3A_156 : i32 to vector<16xi32>
    %eq3A_158 = arith.cmpi eq, %get3A_155, %eq3A_157 : vector<16xi32>
    %jit3A_159 = arith.constant 0 : i32
    %broadcast_in_dim3A_160 = vector.broadcast %jit3A_159 : i32 to vector<16xi32>
    %select_n3A_161 = arith.select %eq3A_158, %broadcast_in_dim3A_160, %get3A_155 : vector<16xi1>, vector<16xi32>
    %swap3A_162 = arith.constant 192 : index
    %swap3A_163 = tpu.vector_load %arg7[%swap3A_162] {strides = array<i32>} : memref<512xi32, #tpu.memory_space<vmem>>, vector<16xi32>,
    %swap3A_164 = vector.shape_cast %swap3A_163 : vector<16xi32> to vector<16xi32>
    %swap3A_165 = vector.shape_cast %select_n3A_161 : vector<16xi32> to vector<16xi32>
    tpu.vector_store %arg7[%swap3A_162], %swap3A_165 {strides = array<i32>} : memref<512xi32, #tpu.memory_space<vmem>>, vector<16xi32>,
    %get3A_166 = arith.constant 208 : index
    %get3A_167 = tpu.vector_load %arg6[%get3A_166] {strides = array<i32>} : memref<512xi32, #tpu.memory_space<vmem>>, vector<16xi32>,
    %get3A_168 = vector.shape_cast %get3A_167 : vector<16xi32> to vector<16xi32>
    %eq3A_169 = arith.constant 100000 : i32
    %eq3A_170 = vector.broadcast %eq3A_169 : i32 to vector<16xi32>
    %eq3A_171 = arith.cmpi eq, %get3A_168, %eq3A_170 : vector<16xi32>
    %jit3A_172 = arith.constant 0 : i32
    %broadcast_in_dim3A_173 = vector.broadcast %jit3A_172 : i32 to vector<16xi32>
    %select_n3A_174 = arith.select %eq3A_171, %broadcast_in_dim3A_173, %get3A_168 : vector<16xi1>, vector<16xi32>
    %swap3A_175 = arith.constant 208 : index
    %swap3A_176 = tpu.vector_load %arg7[%swap3A_175] {strides = array<i32>} : memref<512xi32, #tpu.memory_space<vmem>>, vector<16xi32>,
    %swap3A_177 = vector.shape_cast %swap3A_176 : vector<16xi32> to vector<16xi32>
    %swap3A_178 = vector.shape_cast %select_n3A_174 : vector<16xi32> to vector<16xi32>
    tpu.vector_store %arg7[%swap3A_175], %swap3A_178 {strides = array<i32>} : memref<512xi32, #tpu.memory_space<vmem>>, vector<16xi32>,
    %get3A_179 = arith.constant 224 : index
    %get3A_180 = tpu.vector_load %arg6[%get3A_179] {strides = array<i32>} : memref<512xi32, #tpu.memory_space<vmem>>, vector<16xi32>,
    %get3A_181 = vector.shape_cast %get3A_180 : vector<16xi32> to vector<16xi32>
    %eq3A_182 = arith.constant 100000 : i32
    %eq3A_183 = vector.broadcast %eq3A_182 : i32 to vector<16xi32>
    %eq3A_184 = arith.cmpi eq, %get3A_181, %eq3A_183 : vector<16xi32>
    %jit3A_185 = arith.constant 0 : i32
    %broadcast_in_dim3A_186 = vector.broadcast %jit3A_185 : i32 to vector<16xi32>
    %select_n3A_187 = arith.select %eq3A_184, %broadcast_in_dim3A_186, %get3A_181 : vector<16xi1>, vector<16xi32>
    %swap3A_188 = arith.constant 224 : index
    %swap3A_189 = tpu.vector_load %arg7[%swap3A_188] {strides = array<i32>} : memref<512xi32, #tpu.memory_space<vmem>>, vector<16xi32>,
    %swap3A_190 = vector.shape_cast %swap3A_189 : vector<16xi32> to vector<16xi32>
    %swap3A_191 = vector.shape_cast %select_n3A_187 : vector<16xi32> to vector<16xi32>
    tpu.vector_store %arg7[%swap3A_188], %swap3A_191 {strides = array<i32>} : memref<512xi32, #tpu.memory_space<vmem>>, vector<16xi32>,
    %get3A_192 = arith.constant 240 : index
    %get3A_193 = tpu.vector_load %arg6[%get3A_192] {strides = array<i32>} : memref<512xi32, #tpu.memory_space<vmem>>, vector<16xi32>,
    %get3A_194 = vector.shape_cast %get3A_193 : vector<16xi32> to vector<16xi32>
    %eq3A_195 = arith.constant 100000 : i32
    %eq3A_196 = vector.broadcast %eq3A_195 : i32 to vector<16xi32>
    %eq3A_197 = arith.cmpi eq, %get3A_194, %eq3A_196 : vector<16xi32>
    %jit3A_198 = arith.constant 0 : i32
    %broadcast_in_dim3A_199 = vector.broadcast %jit3A_198 : i32 to vector<16xi32>
    %select_n3A_200 = arith.select %eq3A_197, %broadcast_in_dim3A_199, %get3A_194 : vector<16xi1>, vector<16xi32>
    %swap3A_201 = arith.constant 240 : index
    %swap3A_202 = tpu.vector_load %arg7[%swap3A_201] {strides = array<i32>} : memref<512xi32, #tpu.memory_space<vmem>>, vector<16xi32>,
    %swap3A_203 = vector.shape_cast %swap3A_202 : vector<16xi32> to vector<16xi32>
    %swap3A_204 = vector.shape_cast %select_n3A_200 : vector<16xi32> to vector<16xi32>
    tpu.vector_store %arg7[%swap3A_201], %swap3A_204 {strides = array<i32>} : memref<512xi32, #tpu.memory_space<vmem>>, vector<16xi32>,
    %get3A_205 = arith.constant 256 : index
    %get3A_206 = tpu.vector_load %arg6[%get3A_205] {strides = array<i32>} : memref<512xi32, #tpu.memory_space<vmem>>, vector<16xi32>,
    %get3A_207 = vector.shape_cast %get3A_206 : vector<16xi32> to vector<16xi32>
    %eq3A_208 = arith.constant 100000 : i32
    %eq3A_209 = vector.broadcast %eq3A_208 : i32 to vector<16xi32>
    %eq3A_210 = arith.cmpi eq, %get3A_207, %eq3A_209 : vector<16xi32>
    %jit3A_211 = arith.constant 0 : i32
    %broadcast_in_dim3A_212 = vector.broadcast %jit3A_211 : i32 to vector<16xi32>
    %select_n3A_213 = arith.select %eq3A_210, %broadcast_in_dim3A_212, %get3A_207 : vector<16xi1>, vector<16xi32>
    %swap3A_214 = arith.constant 256 : index
    %swap3A_215 = tpu.vector_load %arg7[%swap3A_214] {strides = array<i32>} : memref<512xi32, #tpu.memory_space<vmem>>, vector<16xi32>,
    %swap3A_216 = vector.shape_cast %swap3A_215 : vector<16xi32> to vector<16xi32>
    %swap3A_217 = vector.shape_cast %select_n3A_213 : vector<16xi32> to vector<16xi32>
    tpu.vector_store %arg7[%swap3A_214], %swap3A_217 {strides = array<i32>} : memref<512xi32, #tpu.memory_space<vmem>>, vector<16xi32>,
    %get3A_218 = arith.constant 272 : index
    %get3A_219 = tpu.vector_load %arg6[%get3A_218] {strides = array<i32>} : memref<512xi32, #tpu.memory_space<vmem>>, vector<16xi32>,
    %get3A_220 = vector.shape_cast %get3A_219 : vector<16xi32> to vector<16xi32>
    %eq3A_221 = arith.constant 100000 : i32
    %eq3A_222 = vector.broadcast %eq3A_221 : i32 to vector<16xi32>
    %eq3A_223 = arith.cmpi eq, %get3A_220, %eq3A_222 : vector<16xi32>
    %jit3A_224 = arith.constant 0 : i32
    %broadcast_in_dim3A_225 = vector.broadcast %jit3A_224 : i32 to vector<16xi32>
    %select_n3A_226 = arith.select %eq3A_223, %broadcast_in_dim3A_225, %get3A_220 : vector<16xi1>, vector<16xi32>
    %swap3A_227 = arith.constant 272 : index
    %swap3A_228 = tpu.vector_load %arg7[%swap3A_227] {strides = array<i32>} : memref<512xi32, #tpu.memory_space<vmem>>, vector<16xi32>,
    %swap3A_229 = vector.shape_cast %swap3A_228 : vector<16xi32> to vector<16xi32>
    %swap3A_230 = vector.shape_cast %select_n3A_226 : vector<16xi32> to vector<16xi32>
    tpu.vector_store %arg7[%swap3A_227], %swap3A_230 {strides = array<i32>} : memref<512xi32, #tpu.memory_space<vmem>>, vector<16xi32>,
    %get3A_231 = arith.constant 288 : index
    %get3A_232 = tpu.vector_load %arg6[%get3A_231] {strides = array<i32>} : memref<512xi32, #tpu.memory_space<vmem>>, vector<16xi32>,
    %get3A_233 = vector.shape_cast %get3A_232 : vector<16xi32> to vector<16xi32>
    %eq3A_234 = arith.constant 100000 : i32
    %eq3A_235 = vector.broadcast %eq3A_234 : i32 to vector<16xi32>
    %eq3A_236 = arith.cmpi eq, %get3A_233, %eq3A_235 : vector<16xi32>
    %jit3A_237 = arith.constant 0 : i32
    %broadcast_in_dim3A_238 = vector.broadcast %jit3A_237 : i32 to vector<16xi32>
    %select_n3A_239 = arith.select %eq3A_236, %broadcast_in_dim3A_238, %get3A_233 : vector<16xi1>, vector<16xi32>
    %swap3A_240 = arith.constant 288 : index
    %swap3A_241 = tpu.vector_load %arg7[%swap3A_240] {strides = array<i32>} : memref<512xi32, #tpu.memory_space<vmem>>, vector<16xi32>,
    %swap3A_242 = vector.shape_cast %swap3A_241 : vector<16xi32> to vector<16xi32>
    %swap3A_243 = vector.shape_cast %select_n3A_239 : vector<16xi32> to vector<16xi32>
    tpu.vector_store %arg7[%swap3A_240], %swap3A_243 {strides = array<i32>} : memref<512xi32, #tpu.memory_space<vmem>>, vector<16xi32>,
    %get3A_244 = arith.constant 304 : index
    %get3A_245 = tpu.vector_load %arg6[%get3A_244] {strides = array<i32>} : memref<512xi32, #tpu.memory_space<vmem>>, vector<16xi32>,
    %get3A_246 = vector.shape_cast %get3A_245 : vector<16xi32> to vector<16xi32>
    %eq3A_247 = arith.constant 100000 : i32
    %eq3A_248 = vector.broadcast %eq3A_247 : i32 to vector<16xi32>
    %eq3A_249 = arith.cmpi eq, %get3A_246, %eq3A_248 : vector<16xi32>
    %jit3A_250 = arith.constant 0 : i32
    %broadcast_in_dim3A_251 = vector.broadcast %jit3A_250 : i32 to vector<16xi32>
    %select_n3A_252 = arith.select %eq3A_249, %broadcast_in_dim3A_251, %get3A_246 : vector<16xi1>, vector<16xi32>
    %swap3A_253 = arith.constant 304 : index
    %swap3A_254 = tpu.vector_load %arg7[%swap3A_253] {strides = array<i32>} : memref<512xi32, #tpu.memory_space<vmem>>, vector<16xi32>,
    %swap3A_255 = vector.shape_cast %swap3A_254 : vector<16xi32> to vector<16xi32>
    %swap3A_256 = vector.shape_cast %select_n3A_252 : vector<16xi32> to vector<16xi32>
    tpu.vector_store %arg7[%swap3A_253], %swap3A_256 {strides = array<i32>} : memref<512xi32, #tpu.memory_space<vmem>>, vector<16xi32>,
    %get3A_257 = arith.constant 320 : index
    %get3A_258 = tpu.vector_load %arg6[%get3A_257] {strides = array<i32>} : memref<512xi32, #tpu.memory_space<vmem>>, vector<16xi32>,
    %get3A_259 = vector.shape_cast %get3A_258 : vector<16xi32> to vector<16xi32>
    %eq3A_260 = arith.constant 100000 : i32
    %eq3A_261 = vector.broadcast %eq3A_260 : i32 to vector<16xi32>
    %eq3A_262 = arith.cmpi eq, %get3A_259, %eq3A_261 : vector<16xi32>
    %jit3A_263 = arith.constant 0 : i32
    %broadcast_in_dim3A_264 = vector.broadcast %jit3A_263 : i32 to vector<16xi32>
    %select_n3A_265 = arith.select %eq3A_262, %broadcast_in_dim3A_264, %get3A_259 : vector<16xi1>, vector<16xi32>
    %swap3A_266 = arith.constant 320 : index
    %swap3A_267 = tpu.vector_load %arg7[%swap3A_266] {strides = array<i32>} : memref<512xi32, #tpu.memory_space<vmem>>, vector<16xi32>,
    %swap3A_268 = vector.shape_cast %swap3A_267 : vector<16xi32> to vector<16xi32>
    %swap3A_269 = vector.shape_cast %select_n3A_265 : vector<16xi32> to vector<16xi32>
    tpu.vector_store %arg7[%swap3A_266], %swap3A_269 {strides = array<i32>} : memref<512xi32, #tpu.memory_space<vmem>>, vector<16xi32>,
    %get3A_270 = arith.constant 336 : index
    %get3A_271 = tpu.vector_load %arg6[%get3A_270] {strides = array<i32>} : memref<512xi32, #tpu.memory_space<vmem>>, vector<16xi32>,
    %get3A_272 = vector.shape_cast %get3A_271 : vector<16xi32> to vector<16xi32>
    %eq3A_273 = arith.constant 100000 : i32
    %eq3A_274 = vector.broadcast %eq3A_273 : i32 to vector<16xi32>
    %eq3A_275 = arith.cmpi eq, %get3A_272, %eq3A_274 : vector<16xi32>
    %jit3A_276 = arith.constant 0 : i32
    %broadcast_in_dim3A_277 = vector.broadcast %jit3A_276 : i32 to vector<16xi32>
    %select_n3A_278 = arith.select %eq3A_275, %broadcast_in_dim3A_277, %get3A_272 : vector<16xi1>, vector<16xi32>
    %swap3A_279 = arith.constant 336 : index
    %swap3A_280 = tpu.vector_load %arg7[%swap3A_279] {strides = array<i32>} : memref<512xi32, #tpu.memory_space<vmem>>, vector<16xi32>,
    %swap3A_281 = vector.shape_cast %swap3A_280 : vector<16xi32> to vector<16xi32>
    %swap3A_282 = vector.shape_cast %select_n3A_278 : vector<16xi32> to vector<16xi32>
    tpu.vector_store %arg7[%swap3A_279], %swap3A_282 {strides = array<i32>} : memref<512xi32, #tpu.memory_space<vmem>>, vector<16xi32>,
    %get3A_283 = arith.constant 352 : index
    %get3A_284 = tpu.vector_load %arg6[%get3A_283] {strides = array<i32>} : memref<512xi32, #tpu.memory_space<vmem>>, vector<16xi32>,
    %get3A_285 = vector.shape_cast %get3A_284 : vector<16xi32> to vector<16xi32>
    %eq3A_286 = arith.constant 100000 : i32
    %eq3A_287 = vector.broadcast %eq3A_286 : i32 to vector<16xi32>
    %eq3A_288 = arith.cmpi eq, %get3A_285, %eq3A_287 : vector<16xi32>
    %jit3A_289 = arith.constant 0 : i32
    %broadcast_in_dim3A_290 = vector.broadcast %jit3A_289 : i32 to vector<16xi32>
    %select_n3A_291 = arith.select %eq3A_288, %broadcast_in_dim3A_290, %get3A_285 : vector<16xi1>, vector<16xi32>
    %swap3A_292 = arith.constant 352 : index
    %swap3A_293 = tpu.vector_load %arg7[%swap3A_292] {strides = array<i32>} : memref<512xi32, #tpu.memory_space<vmem>>, vector<16xi32>,
    %swap3A_294 = vector.shape_cast %swap3A_293 : vector<16xi32> to vector<16xi32>
    %swap3A_295 = vector.shape_cast %select_n3A_291 : vector<16xi32> to vector<16xi32>
    tpu.vector_store %arg7[%swap3A_292], %swap3A_295 {strides = array<i32>} : memref<512xi32, #tpu.memory_space<vmem>>, vector<16xi32>,
    %get3A_296 = arith.constant 368 : index
    %get3A_297 = tpu.vector_load %arg6[%get3A_296] {strides = array<i32>} : memref<512xi32, #tpu.memory_space<vmem>>, vector<16xi32>,
    %get3A_298 = vector.shape_cast %get3A_297 : vector<16xi32> to vector<16xi32>
    %eq3A_299 = arith.constant 100000 : i32
    %eq3A_300 = vector.broadcast %eq3A_299 : i32 to vector<16xi32>
    %eq3A_301 = arith.cmpi eq, %get3A_298, %eq3A_300 : vector<16xi32>
    %jit3A_302 = arith.constant 0 : i32
    %broadcast_in_dim3A_303 = vector.broadcast %jit3A_302 : i32 to vector<16xi32>
    %select_n3A_304 = arith.select %eq3A_301, %broadcast_in_dim3A_303, %get3A_298 : vector<16xi1>, vector<16xi32>
    %swap3A_305 = arith.constant 368 : index
    %swap3A_306 = tpu.vector_load %arg7[%swap3A_305] {strides = array<i32>} : memref<512xi32, #tpu.memory_space<vmem>>, vector<16xi32>,
    %swap3A_307 = vector.shape_cast %swap3A_306 : vector<16xi32> to vector<16xi32>
    %swap3A_308 = vector.shape_cast %select_n3A_304 : vector<16xi32> to vector<16xi32>
    tpu.vector_store %arg7[%swap3A_305], %swap3A_308 {strides = array<i32>} : memref<512xi32, #tpu.memory_space<vmem>>, vector<16xi32>,
    %get3A_309 = arith.constant 384 : index
    %get3A_310 = tpu.vector_load %arg6[%get3A_309] {strides = array<i32>} : memref<512xi32, #tpu.memory_space<vmem>>, vector<16xi32>,
    %get3A_311 = vector.shape_cast %get3A_310 : vector<16xi32> to vector<16xi32>
    %eq3A_312 = arith.constant 100000 : i32
    %eq3A_313 = vector.broadcast %eq3A_312 : i32 to vector<16xi32>
    %eq3A_314 = arith.cmpi eq, %get3A_311, %eq3A_313 : vector<16xi32>
    %jit3A_315 = arith.constant 0 : i32
    %broadcast_in_dim3A_316 = vector.broadcast %jit3A_315 : i32 to vector<16xi32>
    %select_n3A_317 = arith.select %eq3A_314, %broadcast_in_dim3A_316, %get3A_311 : vector<16xi1>, vector<16xi32>
    %swap3A_318 = arith.constant 384 : index
    %swap3A_319 = tpu.vector_load %arg7[%swap3A_318] {strides = array<i32>} : memref<512xi32, #tpu.memory_space<vmem>>, vector<16xi32>,
    %swap3A_320 = vector.shape_cast %swap3A_319 : vector<16xi32> to vector<16xi32>
    %swap3A_321 = vector.shape_cast %select_n3A_317 : vector<16xi32> to vector<16xi32>
    tpu.vector_store %arg7[%swap3A_318], %swap3A_321 {strides = array<i32>} : memref<512xi32, #tpu.memory_space<vmem>>, vector<16xi32>,
    %get3A_322 = arith.constant 400 : index
    %get3A_323 = tpu.vector_load %arg6[%get3A_322] {strides = array<i32>} : memref<512xi32, #tpu.memory_space<vmem>>, vector<16xi32>,
    %get3A_324 = vector.shape_cast %get3A_323 : vector<16xi32> to vector<16xi32>
    %eq3A_325 = arith.constant 100000 : i32
    %eq3A_326 = vector.broadcast %eq3A_325 : i32 to vector<16xi32>
    %eq3A_327 = arith.cmpi eq, %get3A_324, %eq3A_326 : vector<16xi32>
    %jit3A_328 = arith.constant 0 : i32
    %broadcast_in_dim3A_329 = vector.broadcast %jit3A_328 : i32 to vector<16xi32>
    %select_n3A_330 = arith.select %eq3A_327, %broadcast_in_dim3A_329, %get3A_324 : vector<16xi1>, vector<16xi32>
    %swap3A_331 = arith.constant 400 : index
    %swap3A_332 = tpu.vector_load %arg7[%swap3A_331] {strides = array<i32>} : memref<512xi32, #tpu.memory_space<vmem>>, vector<16xi32>,
    %swap3A_333 = vector.shape_cast %swap3A_332 : vector<16xi32> to vector<16xi32>
    %swap3A_334 = vector.shape_cast %select_n3A_330 : vector<16xi32> to vector<16xi32>
    tpu.vector_store %arg7[%swap3A_331], %swap3A_334 {strides = array<i32>} : memref<512xi32, #tpu.memory_space<vmem>>, vector<16xi32>,
    %get3A_335 = arith.constant 416 : index
    %get3A_336 = tpu.vector_load %arg6[%get3A_335] {strides = array<i32>} : memref<512xi32, #tpu.memory_space<vmem>>, vector<16xi32>,
    %get3A_337 = vector.shape_cast %get3A_336 : vector<16xi32> to vector<16xi32>
    %eq3A_338 = arith.constant 100000 : i32
    %eq3A_339 = vector.broadcast %eq3A_338 : i32 to vector<16xi32>
    %eq3A_340 = arith.cmpi eq, %get3A_337, %eq3A_339 : vector<16xi32>
    %jit3A_341 = arith.constant 0 : i32
    %broadcast_in_dim3A_342 = vector.broadcast %jit3A_341 : i32 to vector<16xi32>
    %select_n3A_343 = arith.select %eq3A_340, %broadcast_in_dim3A_342, %get3A_337 : vector<16xi1>, vector<16xi32>
    %swap3A_344 = arith.constant 416 : index
    %swap3A_345 = tpu.vector_load %arg7[%swap3A_344] {strides = array<i32>} : memref<512xi32, #tpu.memory_space<vmem>>, vector<16xi32>,
    %swap3A_346 = vector.shape_cast %swap3A_345 : vector<16xi32> to vector<16xi32>
    %swap3A_347 = vector.shape_cast %select_n3A_343 : vector<16xi32> to vector<16xi32>
    tpu.vector_store %arg7[%swap3A_344], %swap3A_347 {strides = array<i32>} : memref<512xi32, #tpu.memory_space<vmem>>, vector<16xi32>,
    %get3A_348 = arith.constant 432 : index
    %get3A_349 = tpu.vector_load %arg6[%get3A_348] {strides = array<i32>} : memref<512xi32, #tpu.memory_space<vmem>>, vector<16xi32>,
    %get3A_350 = vector.shape_cast %get3A_349 : vector<16xi32> to vector<16xi32>
    %eq3A_351 = arith.constant 100000 : i32
    %eq3A_352 = vector.broadcast %eq3A_351 : i32 to vector<16xi32>
    %eq3A_353 = arith.cmpi eq, %get3A_350, %eq3A_352 : vector<16xi32>
    %jit3A_354 = arith.constant 0 : i32
    %broadcast_in_dim3A_355 = vector.broadcast %jit3A_354 : i32 to vector<16xi32>
    %select_n3A_356 = arith.select %eq3A_353, %broadcast_in_dim3A_355, %get3A_350 : vector<16xi1>, vector<16xi32>
    %swap3A_357 = arith.constant 432 : index
    %swap3A_358 = tpu.vector_load %arg7[%swap3A_357] {strides = array<i32>} : memref<512xi32, #tpu.memory_space<vmem>>, vector<16xi32>,
    %swap3A_359 = vector.shape_cast %swap3A_358 : vector<16xi32> to vector<16xi32>
    %swap3A_360 = vector.shape_cast %select_n3A_356 : vector<16xi32> to vector<16xi32>
    tpu.vector_store %arg7[%swap3A_357], %swap3A_360 {strides = array<i32>} : memref<512xi32, #tpu.memory_space<vmem>>, vector<16xi32>,
    %get3A_361 = arith.constant 448 : index
    %get3A_362 = tpu.vector_load %arg6[%get3A_361] {strides = array<i32>} : memref<512xi32, #tpu.memory_space<vmem>>, vector<16xi32>,
    %get3A_363 = vector.shape_cast %get3A_362 : vector<16xi32> to vector<16xi32>
    %eq3A_364 = arith.constant 100000 : i32
    %eq3A_365 = vector.broadcast %eq3A_364 : i32 to vector<16xi32>
    %eq3A_366 = arith.cmpi eq, %get3A_363, %eq3A_365 : vector<16xi32>
    %jit3A_367 = arith.constant 0 : i32
    %broadcast_in_dim3A_368 = vector.broadcast %jit3A_367 : i32 to vector<16xi32>
    %select_n3A_369 = arith.select %eq3A_366, %broadcast_in_dim3A_368, %get3A_363 : vector<16xi1>, vector<16xi32>
    %swap3A_370 = arith.constant 448 : index
    %swap3A_371 = tpu.vector_load %arg7[%swap3A_370] {strides = array<i32>} : memref<512xi32, #tpu.memory_space<vmem>>, vector<16xi32>,
    %swap3A_372 = vector.shape_cast %swap3A_371 : vector<16xi32> to vector<16xi32>
    %swap3A_373 = vector.shape_cast %select_n3A_369 : vector<16xi32> to vector<16xi32>
    tpu.vector_store %arg7[%swap3A_370], %swap3A_373 {strides = array<i32>} : memref<512xi32, #tpu.memory_space<vmem>>, vector<16xi32>,
    %get3A_374 = arith.constant 464 : index
    %get3A_375 = tpu.vector_load %arg6[%get3A_374] {strides = array<i32>} : memref<512xi32, #tpu.memory_space<vmem>>, vector<16xi32>,
    %get3A_376 = vector.shape_cast %get3A_375 : vector<16xi32> to vector<16xi32>
    %eq3A_377 = arith.constant 100000 : i32
    %eq3A_378 = vector.broadcast %eq3A_377 : i32 to vector<16xi32>
    %eq3A_379 = arith.cmpi eq, %get3A_376, %eq3A_378 : vector<16xi32>
    %jit3A_380 = arith.constant 0 : i32
    %broadcast_in_dim3A_381 = vector.broadcast %jit3A_380 : i32 to vector<16xi32>
    %select_n3A_382 = arith.select %eq3A_379, %broadcast_in_dim3A_381, %get3A_376 : vector<16xi1>, vector<16xi32>
    %swap3A_383 = arith.constant 464 : index
    %swap3A_384 = tpu.vector_load %arg7[%swap3A_383] {strides = array<i32>} : memref<512xi32, #tpu.memory_space<vmem>>, vector<16xi32>,
    %swap3A_385 = vector.shape_cast %swap3A_384 : vector<16xi32> to vector<16xi32>
    %swap3A_386 = vector.shape_cast %select_n3A_382 : vector<16xi32> to vector<16xi32>
    tpu.vector_store %arg7[%swap3A_383], %swap3A_386 {strides = array<i32>} : memref<512xi32, #tpu.memory_space<vmem>>, vector<16xi32>,
    %get3A_387 = arith.constant 480 : index
    %get3A_388 = tpu.vector_load %arg6[%get3A_387] {strides = array<i32>} : memref<512xi32, #tpu.memory_space<vmem>>, vector<16xi32>,
    %get3A_389 = vector.shape_cast %get3A_388 : vector<16xi32> to vector<16xi32>
    %eq3A_390 = arith.constant 100000 : i32
    %eq3A_391 = vector.broadcast %eq3A_390 : i32 to vector<16xi32>
    %eq3A_392 = arith.cmpi eq, %get3A_389, %eq3A_391 : vector<16xi32>
    %jit3A_393 = arith.constant 0 : i32
    %broadcast_in_dim3A_394 = vector.broadcast %jit3A_393 : i32 to vector<16xi32>
    %select_n3A_395 = arith.select %eq3A_392, %broadcast_in_dim3A_394, %get3A_389 : vector<16xi1>, vector<16xi32>
    %swap3A_396 = arith.constant 480 : index
    %swap3A_397 = tpu.vector_load %arg7[%swap3A_396] {strides = array<i32>} : memref<512xi32, #tpu.memory_space<vmem>>, vector<16xi32>,
    %swap3A_398 = vector.shape_cast %swap3A_397 : vector<16xi32> to vector<16xi32>
    %swap3A_399 = vector.shape_cast %select_n3A_395 : vector<16xi32> to vector<16xi32>
    tpu.vector_store %arg7[%swap3A_396], %swap3A_399 {strides = array<i32>} : memref<512xi32, #tpu.memory_space<vmem>>, vector<16xi32>,
    %get3A_400 = arith.constant 496 : index
    %get3A_401 = tpu.vector_load %arg6[%get3A_400] {strides = array<i32>} : memref<512xi32, #tpu.memory_space<vmem>>, vector<16xi32>,
    %get3A_402 = vector.shape_cast %get3A_401 : vector<16xi32> to vector<16xi32>
    %eq3A_403 = arith.constant 100000 : i32
    %eq3A_404 = vector.broadcast %eq3A_403 : i32 to vector<16xi32>
    %eq3A_405 = arith.cmpi eq, %get3A_402, %eq3A_404 : vector<16xi32>
    %jit3A_406 = arith.constant 0 : i32
    %broadcast_in_dim3A_407 = vector.broadcast %jit3A_406 : i32 to vector<16xi32>
    %select_n3A_408 = arith.select %eq3A_405, %broadcast_in_dim3A_407, %get3A_402 : vector<16xi1>, vector<16xi32>
    %swap3A_409 = arith.constant 496 : index
    %swap3A_410 = tpu.vector_load %arg7[%swap3A_409] {strides = array<i32>} : memref<512xi32, #tpu.memory_space<vmem>>, vector<16xi32>,
    %swap3A_411 = vector.shape_cast %swap3A_410 : vector<16xi32> to vector<16xi32>
    %swap3A_412 = vector.shape_cast %select_n3A_408 : vector<16xi32> to vector<16xi32>
    tpu.vector_store %arg7[%swap3A_409], %swap3A_412 {strides = array<i32>} : memref<512xi32, #tpu.memory_space<vmem>>, vector<16xi32>,
    %dma_start3A = arith.constant 0 : i32
    %dma_start3A_413 = arith.constant 0 : i32
    %dma_start3A_414 = tpu.memref_slice %arg3[%dma_start3A, %dma_start3A_413] : memref<100000x128xf32, #tpu.memory_space<hbm>> -> memref<100000x128xf32, #tpu.memory_space<hbm>>
    tpu.enqueue_indirect_dma source(%dma_start3A_414 : memref<100000x128xf32, #tpu.memory_space<hbm>>) target(%arg8 : memref<512x128xf32, #tpu.memory_space<vmem>>) offsets(%arg7 : memref<512xi32, #tpu.memory_space<vmem>>) semaphore(%arg12 : memref<!tpu.dma_semaphore, #tpu.memory_space<semaphore_mem>>)
    %iota3A = tpu.iota {dimensions = array<i32: 0>} : vector<16xi32>
    %xor3A = arith.constant 8 : i32
    %xor3A_415 = vector.broadcast %xor3A : i32 to vector<16xi32>
    %xor3A_416 = arith.xori %iota3A, %xor3A_415 : vector<16xi32>
    %xor3A_417 = arith.constant 4 : i32
    %xor3A_418 = vector.broadcast %xor3A_417 : i32 to vector<16xi32>
    %xor3A_419 = arith.xori %iota3A, %xor3A_418 : vector<16xi32>
    %xor3A_420 = arith.constant 2 : i32
    %xor3A_421 = vector.broadcast %xor3A_420 : i32 to vector<16xi32>
    %xor3A_422 = arith.xori %iota3A, %xor3A_421 : vector<16xi32>
    %xor3A_423 = arith.constant 1 : i32
    %xor3A_424 = vector.broadcast %xor3A_423 : i32 to vector<16xi32>
    %xor3A_425 = arith.xori %iota3A, %xor3A_424 : vector<16xi32>
    %get3A_426 = arith.constant 0 : index
    %get3A_427 = tpu.vector_load %arg6[%get3A_426] {strides = array<i32>} : memref<512xi32, #tpu.memory_space<vmem>>, vector<16xi32>,
    %get3A_428 = vector.shape_cast %get3A_427 : vector<16xi32> to vector<16xi32>
    %eq3A_429 = arith.constant 100000 : i32
    %eq3A_430 = vector.broadcast %eq3A_429 : i32 to vector<16xi32>
    %eq3A_431 = arith.cmpi eq, %get3A_428, %eq3A_430 : vector<16xi32>
    %shift_left3A = arith.constant 1 : i32
    %shift_left3A_432 = vector.broadcast %shift_left3A : i32 to vector<16xi32>
    %shift_left3A_433 = arith.shli %shift_left3A_432, %iota3A : vector<16xi32>
    %jit3A_434 = arith.constant 0 : i32
    %broadcast_in_dim3A_435 = vector.broadcast %jit3A_434 : i32 to vector<16xi32>
    %select_n3A_436 = arith.select %eq3A_431, %shift_left3A_433, %broadcast_in_dim3A_435 : vector<16xi1>, vector<16xi32>
    %lt3A = arith.constant 0 : i32
    %lt3A_437 = vector.broadcast %lt3A : i32 to vector<16xi32>
    %lt3A_438 = arith.cmpi slt, %xor3A_416, %lt3A_437 : vector<16xi32>
    %add3A_439 = arith.constant 16 : i32
    %add3A_440 = vector.broadcast %add3A_439 : i32 to vector<16xi32>
    %add3A_441 = arith.addi %xor3A_416, %add3A_440 : vector<16xi32>
    %select_n3A_442 = arith.select %lt3A_438, %add3A_441, %xor3A_416 : vector<16xi1>, vector<16xi32>
    %broadcast_in_dim3A_443 = vector.shape_cast %select_n3A_442 : vector<16xi32> to vector<16x1xi32>
    %gather3A = vector.shape_cast %broadcast_in_dim3A_443 : vector<16x1xi32> to vector<16xi32>
    %gather3A_444 = tpu.dynamic_gather %select_n3A_436[%gather3A] in [0] : vector<16xi32>, vector<16xi32> -> vector<16xi32>
    %add3A_445 = arith.addi %select_n3A_436, %gather3A_444 : vector<16xi32>
    %lt3A_446 = arith.constant 0 : i32
    %lt3A_447 = vector.broadcast %lt3A_446 : i32 to vector<16xi32>
    %lt3A_448 = arith.cmpi slt, %xor3A_419, %lt3A_447 : vector<16xi32>
    %add3A_449 = arith.constant 16 : i32
    %add3A_450 = vector.broadcast %add3A_449 : i32 to vector<16xi32>
    %add3A_451 = arith.addi %xor3A_419, %add3A_450 : vector<16xi32>
    %select_n3A_452 = arith.select %lt3A_448, %add3A_451, %xor3A_419 : vector<16xi1>, vector<16xi32>
    %broadcast_in_dim3A_453 = vector.shape_cast %select_n3A_452 : vector<16xi32> to vector<16x1xi32>
    %gather3A_454 = vector.shape_cast %broadcast_in_dim3A_453 : vector<16x1xi32> to vector<16xi32>
    %gather3A_455 = tpu.dynamic_gather %add3A_445[%gather3A_454] in [0] : vector<16xi32>, vector<16xi32> -> vector<16xi32>
    %add3A_456 = arith.addi %add3A_445, %gather3A_455 : vector<16xi32>
    %lt3A_457 = arith.constant 0 : i32
    %lt3A_458 = vector.broadcast %lt3A_457 : i32 to vector<16xi32>
    %lt3A_459 = arith.cmpi slt, %xor3A_422, %lt3A_458 : vector<16xi32>
    %add3A_460 = arith.constant 16 : i32
    %add3A_461 = vector.broadcast %add3A_460 : i32 to vector<16xi32>
    %add3A_462 = arith.addi %xor3A_422, %add3A_461 : vector<16xi32>
    %select_n3A_463 = arith.select %lt3A_459, %add3A_462, %xor3A_422 : vector<16xi1>, vector<16xi32>
    %broadcast_in_dim3A_464 = vector.shape_cast %select_n3A_463 : vector<16xi32> to vector<16x1xi32>
    %gather3A_465 = vector.shape_cast %broadcast_in_dim3A_464 : vector<16x1xi32> to vector<16xi32>
    %gather3A_466 = tpu.dynamic_gather %add3A_456[%gather3A_465] in [0] : vector<16xi32>, vector<16xi32> -> vector<16xi32>
    %add3A_467 = arith.addi %add3A_456, %gather3A_466 : vector<16xi32>
    %lt3A_468 = arith.constant 0 : i32
    %lt3A_469 = vector.broadcast %lt3A_468 : i32 to vector<16xi32>
    %lt3A_470 = arith.cmpi slt, %xor3A_425, %lt3A_469 : vector<16xi32>
    %add3A_471 = arith.constant 16 : i32
    %add3A_472 = vector.broadcast %add3A_471 : i32 to vector<16xi32>
    %add3A_473 = arith.addi %xor3A_425, %add3A_472 : vector<16xi32>
    %select_n3A_474 = arith.select %lt3A_470, %add3A_473, %xor3A_425 : vector<16xi1>, vector<16xi32>
    %broadcast_in_dim3A_475 = vector.shape_cast %select_n3A_474 : vector<16xi32> to vector<16x1xi32>
    %gather3A_476 = vector.shape_cast %broadcast_in_dim3A_475 : vector<16x1xi32> to vector<16xi32>
    %gather3A_477 = tpu.dynamic_gather %add3A_467[%gather3A_476] in [0] : vector<16xi32>, vector<16xi32> -> vector<16xi32>
    %add3A_478 = arith.addi %add3A_467, %gather3A_477 : vector<16xi32>
    %slice3A = vector.extract_strided_slice %add3A_478 {offsets = [0], sizes = [1], strides = [1]} : vector<16xi32> to vector<1xi32>
    %squeeze3A = vector.extract %slice3A[0] : i32 from vector<1xi32>
    %swap3A_479 = arith.constant 0 : i32
    %swap3A_480 = arith.index_cast %swap3A_479 : i32 to index
    %swap3A_481 = memref.load %arg9[%swap3A_480] : memref<32xi32, #tpu.memory_space<smem>>
    memref.store %squeeze3A, %arg9[%swap3A_480] : memref<32xi32, #tpu.memory_space<smem>>
    %get3A_482 = arith.constant 16 : index
    %get3A_483 = tpu.vector_load %arg6[%get3A_482] {strides = array<i32>} : memref<512xi32, #tpu.memory_space<vmem>>, vector<16xi32>,
    %get3A_484 = vector.shape_cast %get3A_483 : vector<16xi32> to vector<16xi32>
    %eq3A_485 = arith.constant 100000 : i32
    %eq3A_486 = vector.broadcast %eq3A_485 : i32 to vector<16xi32>
    %eq3A_487 = arith.cmpi eq, %get3A_484, %eq3A_486 : vector<16xi32>
    %shift_left3A_488 = arith.constant 1 : i32
    %shift_left3A_489 = vector.broadcast %shift_left3A_488 : i32 to vector<16xi32>
    %shift_left3A_490 = arith.shli %shift_left3A_489, %iota3A : vector<16xi32>
    %jit3A_491 = arith.constant 0 : i32
    %broadcast_in_dim3A_492 = vector.broadcast %jit3A_491 : i32 to vector<16xi32>
    %select_n3A_493 = arith.select %eq3A_487, %shift_left3A_490, %broadcast_in_dim3A_492 : vector<16xi1>, vector<16xi32>
    %lt3A_494 = arith.constant 0 : i32
    %lt3A_495 = vector.broadcast %lt3A_494 : i32 to vector<16xi32>
    %lt3A_496 = arith.cmpi slt, %xor3A_416, %lt3A_495 : vector<16xi32>
    %add3A_497 = arith.constant 16 : i32
    %add3A_498 = vector.broadcast %add3A_497 : i32 to vector<16xi32>
    %add3A_499 = arith.addi %xor3A_416, %add3A_498 : vector<16xi32>
    %select_n3A_500 = arith.select %lt3A_496, %add3A_499, %xor3A_416 : vector<16xi1>, vector<16xi32>
    %broadcast_in_dim3A_501 = vector.shape_cast %select_n3A_500 : vector<16xi32> to vector<16x1xi32>
    %gather3A_502 = vector.shape_cast %broadcast_in_dim3A_501 : vector<16x1xi32> to vector<16xi32>
    %gather3A_503 = tpu.dynamic_gather %select_n3A_493[%gather3A_502] in [0] : vector<16xi32>, vector<16xi32> -> vector<16xi32>
    %add3A_504 = arith.addi %select_n3A_493, %gather3A_503 : vector<16xi32>
    %lt3A_505 = arith.constant 0 : i32
    %lt3A_506 = vector.broadcast %lt3A_505 : i32 to vector<16xi32>
    %lt3A_507 = arith.cmpi slt, %xor3A_419, %lt3A_506 : vector<16xi32>
    %add3A_508 = arith.constant 16 : i32
    %add3A_509 = vector.broadcast %add3A_508 : i32 to vector<16xi32>
    %add3A_510 = arith.addi %xor3A_419, %add3A_509 : vector<16xi32>
    %select_n3A_511 = arith.select %lt3A_507, %add3A_510, %xor3A_419 : vector<16xi1>, vector<16xi32>
    %broadcast_in_dim3A_512 = vector.shape_cast %select_n3A_511 : vector<16xi32> to vector<16x1xi32>
    %gather3A_513 = vector.shape_cast %broadcast_in_dim3A_512 : vector<16x1xi32> to vector<16xi32>
    %gather3A_514 = tpu.dynamic_gather %add3A_504[%gather3A_513] in [0] : vector<16xi32>, vector<16xi32> -> vector<16xi32>
    %add3A_515 = arith.addi %add3A_504, %gather3A_514 : vector<16xi32>
    %lt3A_516 = arith.constant 0 : i32
    %lt3A_517 = vector.broadcast %lt3A_516 : i32 to vector<16xi32>
    %lt3A_518 = arith.cmpi slt, %xor3A_422, %lt3A_517 : vector<16xi32>
    %add3A_519 = arith.constant 16 : i32
    %add3A_520 = vector.broadcast %add3A_519 : i32 to vector<16xi32>
    %add3A_521 = arith.addi %xor3A_422, %add3A_520 : vector<16xi32>
    %select_n3A_522 = arith.select %lt3A_518, %add3A_521, %xor3A_422 : vector<16xi1>, vector<16xi32>
    %broadcast_in_dim3A_523 = vector.shape_cast %select_n3A_522 : vector<16xi32> to vector<16x1xi32>
    %gather3A_524 = vector.shape_cast %broadcast_in_dim3A_523 : vector<16x1xi32> to vector<16xi32>
    %gather3A_525 = tpu.dynamic_gather %add3A_515[%gather3A_524] in [0] : vector<16xi32>, vector<16xi32> -> vector<16xi32>
    %add3A_526 = arith.addi %add3A_515, %gather3A_525 : vector<16xi32>
    %lt3A_527 = arith.constant 0 : i32
    %lt3A_528 = vector.broadcast %lt3A_527 : i32 to vector<16xi32>
    %lt3A_529 = arith.cmpi slt, %xor3A_425, %lt3A_528 : vector<16xi32>
    %add3A_530 = arith.constant 16 : i32
    %add3A_531 = vector.broadcast %add3A_530 : i32 to vector<16xi32>
    %add3A_532 = arith.addi %xor3A_425, %add3A_531 : vector<16xi32>
    %select_n3A_533 = arith.select %lt3A_529, %add3A_532, %xor3A_425 : vector<16xi1>, vector<16xi32>
    %broadcast_in_dim3A_534 = vector.shape_cast %select_n3A_533 : vector<16xi32> to vector<16x1xi32>
    %gather3A_535 = vector.shape_cast %broadcast_in_dim3A_534 : vector<16x1xi32> to vector<16xi32>
    %gather3A_536 = tpu.dynamic_gather %add3A_526[%gather3A_535] in [0] : vector<16xi32>, vector<16xi32> -> vector<16xi32>
    %add3A_537 = arith.addi %add3A_526, %gather3A_536 : vector<16xi32>
    %slice3A_538 = vector.extract_strided_slice %add3A_537 {offsets = [0], sizes = [1], strides = [1]} : vector<16xi32> to vector<1xi32>
    %squeeze3A_539 = vector.extract %slice3A_538[0] : i32 from vector<1xi32>
    %swap3A_540 = arith.constant 1 : i32
    %swap3A_541 = arith.index_cast %swap3A_540 : i32 to index
    %swap3A_542 = memref.load %arg9[%swap3A_541] : memref<32xi32, #tpu.memory_space<smem>>
    memref.store %squeeze3A_539, %arg9[%swap3A_541] : memref<32xi32, #tpu.memory_space<smem>>
    %get3A_543 = arith.constant 32 : index
    %get3A_544 = tpu.vector_load %arg6[%get3A_543] {strides = array<i32>} : memref<512xi32, #tpu.memory_space<vmem>>, vector<16xi32>,
    %get3A_545 = vector.shape_cast %get3A_544 : vector<16xi32> to vector<16xi32>
    %eq3A_546 = arith.constant 100000 : i32
    %eq3A_547 = vector.broadcast %eq3A_546 : i32 to vector<16xi32>
    %eq3A_548 = arith.cmpi eq, %get3A_545, %eq3A_547 : vector<16xi32>
    %shift_left3A_549 = arith.constant 1 : i32
    %shift_left3A_550 = vector.broadcast %shift_left3A_549 : i32 to vector<16xi32>
    %shift_left3A_551 = arith.shli %shift_left3A_550, %iota3A : vector<16xi32>
    %jit3A_552 = arith.constant 0 : i32
    %broadcast_in_dim3A_553 = vector.broadcast %jit3A_552 : i32 to vector<16xi32>
    %select_n3A_554 = arith.select %eq3A_548, %shift_left3A_551, %broadcast_in_dim3A_553 : vector<16xi1>, vector<16xi32>
    %lt3A_555 = arith.constant 0 : i32
    %lt3A_556 = vector.broadcast %lt3A_555 : i32 to vector<16xi32>
    %lt3A_557 = arith.cmpi slt, %xor3A_416, %lt3A_556 : vector<16xi32>
    %add3A_558 = arith.constant 16 : i32
    %add3A_559 = vector.broadcast %add3A_558 : i32 to vector<16xi32>
    %add3A_560 = arith.addi %xor3A_416, %add3A_559 : vector<16xi32>
    %select_n3A_561 = arith.select %lt3A_557, %add3A_560, %xor3A_416 : vector<16xi1>, vector<16xi32>
    %broadcast_in_dim3A_562 = vector.shape_cast %select_n3A_561 : vector<16xi32> to vector<16x1xi32>
    %gather3A_563 = vector.shape_cast %broadcast_in_dim3A_562 : vector<16x1xi32> to vector<16xi32>
    %gather3A_564 = tpu.dynamic_gather %select_n3A_554[%gather3A_563] in [0] : vector<16xi32>, vector<16xi32> -> vector<16xi32>
    %add3A_565 = arith.addi %select_n3A_554, %gather3A_564 : vector<16xi32>
    %lt3A_566 = arith.constant 0 : i32
    %lt3A_567 = vector.broadcast %lt3A_566 : i32 to vector<16xi32>
    %lt3A_568 = arith.cmpi slt, %xor3A_419, %lt3A_567 : vector<16xi32>
    %add3A_569 = arith.constant 16 : i32
    %add3A_570 = vector.broadcast %add3A_569 : i32 to vector<16xi32>
    %add3A_571 = arith.addi %xor3A_419, %add3A_570 : vector<16xi32>
    %select_n3A_572 = arith.select %lt3A_568, %add3A_571, %xor3A_419 : vector<16xi1>, vector<16xi32>
    %broadcast_in_dim3A_573 = vector.shape_cast %select_n3A_572 : vector<16xi32> to vector<16x1xi32>
    %gather3A_574 = vector.shape_cast %broadcast_in_dim3A_573 : vector<16x1xi32> to vector<16xi32>
    %gather3A_575 = tpu.dynamic_gather %add3A_565[%gather3A_574] in [0] : vector<16xi32>, vector<16xi32> -> vector<16xi32>
    %add3A_576 = arith.addi %add3A_565, %gather3A_575 : vector<16xi32>
    %lt3A_577 = arith.constant 0 : i32
    %lt3A_578 = vector.broadcast %lt3A_577 : i32 to vector<16xi32>
    %lt3A_579 = arith.cmpi slt, %xor3A_422, %lt3A_578 : vector<16xi32>
    %add3A_580 = arith.constant 16 : i32
    %add3A_581 = vector.broadcast %add3A_580 : i32 to vector<16xi32>
    %add3A_582 = arith.addi %xor3A_422, %add3A_581 : vector<16xi32>
    %select_n3A_583 = arith.select %lt3A_579, %add3A_582, %xor3A_422 : vector<16xi1>, vector<16xi32>
    %broadcast_in_dim3A_584 = vector.shape_cast %select_n3A_583 : vector<16xi32> to vector<16x1xi32>
    %gather3A_585 = vector.shape_cast %broadcast_in_dim3A_584 : vector<16x1xi32> to vector<16xi32>
    %gather3A_586 = tpu.dynamic_gather %add3A_576[%gather3A_585] in [0] : vector<16xi32>, vector<16xi32> -> vector<16xi32>
    %add3A_587 = arith.addi %add3A_576, %gather3A_586 : vector<16xi32>
    %lt3A_588 = arith.constant 0 : i32
    %lt3A_589 = vector.broadcast %lt3A_588 : i32 to vector<16xi32>
    %lt3A_590 = arith.cmpi slt, %xor3A_425, %lt3A_589 : vector<16xi32>
    %add3A_591 = arith.constant 16 : i32
    %add3A_592 = vector.broadcast %add3A_591 : i32 to vector<16xi32>
    %add3A_593 = arith.addi %xor3A_425, %add3A_592 : vector<16xi32>
    %select_n3A_594 = arith.select %lt3A_590, %add3A_593, %xor3A_425 : vector<16xi1>, vector<16xi32>
    %broadcast_in_dim3A_595 = vector.shape_cast %select_n3A_594 : vector<16xi32> to vector<16x1xi32>
    %gather3A_596 = vector.shape_cast %broadcast_in_dim3A_595 : vector<16x1xi32> to vector<16xi32>
    %gather3A_597 = tpu.dynamic_gather %add3A_587[%gather3A_596] in [0] : vector<16xi32>, vector<16xi32> -> vector<16xi32>
    %add3A_598 = arith.addi %add3A_587, %gather3A_597 : vector<16xi32>
    %slice3A_599 = vector.extract_strided_slice %add3A_598 {offsets = [0], sizes = [1], strides = [1]} : vector<16xi32> to vector<1xi32>
    %squeeze3A_600 = vector.extract %slice3A_599[0] : i32 from vector<1xi32>
    %swap3A_601 = arith.constant 2 : i32
    %swap3A_602 = arith.index_cast %swap3A_601 : i32 to index
    %swap3A_603 = memref.load %arg9[%swap3A_602] : memref<32xi32, #tpu.memory_space<smem>>
    memref.store %squeeze3A_600, %arg9[%swap3A_602] : memref<32xi32, #tpu.memory_space<smem>>
    %get3A_604 = arith.constant 48 : index
    %get3A_605 = tpu.vector_load %arg6[%get3A_604] {strides = array<i32>} : memref<512xi32, #tpu.memory_space<vmem>>, vector<16xi32>,
    %get3A_606 = vector.shape_cast %get3A_605 : vector<16xi32> to vector<16xi32>
    %eq3A_607 = arith.constant 100000 : i32
    %eq3A_608 = vector.broadcast %eq3A_607 : i32 to vector<16xi32>
    %eq3A_609 = arith.cmpi eq, %get3A_606, %eq3A_608 : vector<16xi32>
    %shift_left3A_610 = arith.constant 1 : i32
    %shift_left3A_611 = vector.broadcast %shift_left3A_610 : i32 to vector<16xi32>
    %shift_left3A_612 = arith.shli %shift_left3A_611, %iota3A : vector<16xi32>
    %jit3A_613 = arith.constant 0 : i32
    %broadcast_in_dim3A_614 = vector.broadcast %jit3A_613 : i32 to vector<16xi32>
    %select_n3A_615 = arith.select %eq3A_609, %shift_left3A_612, %broadcast_in_dim3A_614 : vector<16xi1>, vector<16xi32>
    %lt3A_616 = arith.constant 0 : i32
    %lt3A_617 = vector.broadcast %lt3A_616 : i32 to vector<16xi32>
    %lt3A_618 = arith.cmpi slt, %xor3A_416, %lt3A_617 : vector<16xi32>
    %add3A_619 = arith.constant 16 : i32
    %add3A_620 = vector.broadcast %add3A_619 : i32 to vector<16xi32>
    %add3A_621 = arith.addi %xor3A_416, %add3A_620 : vector<16xi32>
    %select_n3A_622 = arith.select %lt3A_618, %add3A_621, %xor3A_416 : vector<16xi1>, vector<16xi32>
    %broadcast_in_dim3A_623 = vector.shape_cast %select_n3A_622 : vector<16xi32> to vector<16x1xi32>
    %gather3A_624 = vector.shape_cast %broadcast_in_dim3A_623 : vector<16x1xi32> to vector<16xi32>
    %gather3A_625 = tpu.dynamic_gather %select_n3A_615[%gather3A_624] in [0] : vector<16xi32>, vector<16xi32> -> vector<16xi32>
    %add3A_626 = arith.addi %select_n3A_615, %gather3A_625 : vector<16xi32>
    %lt3A_627 = arith.constant 0 : i32
    %lt3A_628 = vector.broadcast %lt3A_627 : i32 to vector<16xi32>
    %lt3A_629 = arith.cmpi slt, %xor3A_419, %lt3A_628 : vector<16xi32>
    %add3A_630 = arith.constant 16 : i32
    %add3A_631 = vector.broadcast %add3A_630 : i32 to vector<16xi32>
    %add3A_632 = arith.addi %xor3A_419, %add3A_631 : vector<16xi32>
    %select_n3A_633 = arith.select %lt3A_629, %add3A_632, %xor3A_419 : vector<16xi1>, vector<16xi32>
    %broadcast_in_dim3A_634 = vector.shape_cast %select_n3A_633 : vector<16xi32> to vector<16x1xi32>
    %gather3A_635 = vector.shape_cast %broadcast_in_dim3A_634 : vector<16x1xi32> to vector<16xi32>
    %gather3A_636 = tpu.dynamic_gather %add3A_626[%gather3A_635] in [0] : vector<16xi32>, vector<16xi32> -> vector<16xi32>
    %add3A_637 = arith.addi %add3A_626, %gather3A_636 : vector<16xi32>
    %lt3A_638 = arith.constant 0 : i32
    %lt3A_639 = vector.broadcast %lt3A_638 : i32 to vector<16xi32>
    %lt3A_640 = arith.cmpi slt, %xor3A_422, %lt3A_639 : vector<16xi32>
    %add3A_641 = arith.constant 16 : i32
    %add3A_642 = vector.broadcast %add3A_641 : i32 to vector<16xi32>
    %add3A_643 = arith.addi %xor3A_422, %add3A_642 : vector<16xi32>
    %select_n3A_644 = arith.select %lt3A_640, %add3A_643, %xor3A_422 : vector<16xi1>, vector<16xi32>
    %broadcast_in_dim3A_645 = vector.shape_cast %select_n3A_644 : vector<16xi32> to vector<16x1xi32>
    %gather3A_646 = vector.shape_cast %broadcast_in_dim3A_645 : vector<16x1xi32> to vector<16xi32>
    %gather3A_647 = tpu.dynamic_gather %add3A_637[%gather3A_646] in [0] : vector<16xi32>, vector<16xi32> -> vector<16xi32>
    %add3A_648 = arith.addi %add3A_637, %gather3A_647 : vector<16xi32>
    %lt3A_649 = arith.constant 0 : i32
    %lt3A_650 = vector.broadcast %lt3A_649 : i32 to vector<16xi32>
    %lt3A_651 = arith.cmpi slt, %xor3A_425, %lt3A_650 : vector<16xi32>
    %add3A_652 = arith.constant 16 : i32
    %add3A_653 = vector.broadcast %add3A_652 : i32 to vector<16xi32>
    %add3A_654 = arith.addi %xor3A_425, %add3A_653 : vector<16xi32>
    %select_n3A_655 = arith.select %lt3A_651, %add3A_654, %xor3A_425 : vector<16xi1>, vector<16xi32>
    %broadcast_in_dim3A_656 = vector.shape_cast %select_n3A_655 : vector<16xi32> to vector<16x1xi32>
    %gather3A_657 = vector.shape_cast %broadcast_in_dim3A_656 : vector<16x1xi32> to vector<16xi32>
    %gather3A_658 = tpu.dynamic_gather %add3A_648[%gather3A_657] in [0] : vector<16xi32>, vector<16xi32> -> vector<16xi32>
    %add3A_659 = arith.addi %add3A_648, %gather3A_658 : vector<16xi32>
    %slice3A_660 = vector.extract_strided_slice %add3A_659 {offsets = [0], sizes = [1], strides = [1]} : vector<16xi32> to vector<1xi32>
    %squeeze3A_661 = vector.extract %slice3A_660[0] : i32 from vector<1xi32>
    %swap3A_662 = arith.constant 3 : i32
    %swap3A_663 = arith.index_cast %swap3A_662 : i32 to index
    %swap3A_664 = memref.load %arg9[%swap3A_663] : memref<32xi32, #tpu.memory_space<smem>>
    memref.store %squeeze3A_661, %arg9[%swap3A_663] : memref<32xi32, #tpu.memory_space<smem>>
    %get3A_665 = arith.constant 64 : index
    %get3A_666 = tpu.vector_load %arg6[%get3A_665] {strides = array<i32>} : memref<512xi32, #tpu.memory_space<vmem>>, vector<16xi32>,
    %get3A_667 = vector.shape_cast %get3A_666 : vector<16xi32> to vector<16xi32>
    %eq3A_668 = arith.constant 100000 : i32
    %eq3A_669 = vector.broadcast %eq3A_668 : i32 to vector<16xi32>
    %eq3A_670 = arith.cmpi eq, %get3A_667, %eq3A_669 : vector<16xi32>
    %shift_left3A_671 = arith.constant 1 : i32
    %shift_left3A_672 = vector.broadcast %shift_left3A_671 : i32 to vector<16xi32>
    %shift_left3A_673 = arith.shli %shift_left3A_672, %iota3A : vector<16xi32>
    %jit3A_674 = arith.constant 0 : i32
    %broadcast_in_dim3A_675 = vector.broadcast %jit3A_674 : i32 to vector<16xi32>
    %select_n3A_676 = arith.select %eq3A_670, %shift_left3A_673, %broadcast_in_dim3A_675 : vector<16xi1>, vector<16xi32>
    %lt3A_677 = arith.constant 0 : i32
    %lt3A_678 = vector.broadcast %lt3A_677 : i32 to vector<16xi32>
    %lt3A_679 = arith.cmpi slt, %xor3A_416, %lt3A_678 : vector<16xi32>
    %add3A_680 = arith.constant 16 : i32
    %add3A_681 = vector.broadcast %add3A_680 : i32 to vector<16xi32>
    %add3A_682 = arith.addi %xor3A_416, %add3A_681 : vector<16xi32>
    %select_n3A_683 = arith.select %lt3A_679, %add3A_682, %xor3A_416 : vector<16xi1>, vector<16xi32>
    %broadcast_in_dim3A_684 = vector.shape_cast %select_n3A_683 : vector<16xi32> to vector<16x1xi32>
    %gather3A_685 = vector.shape_cast %broadcast_in_dim3A_684 : vector<16x1xi32> to vector<16xi32>
    %gather3A_686 = tpu.dynamic_gather %select_n3A_676[%gather3A_685] in [0] : vector<16xi32>, vector<16xi32> -> vector<16xi32>
    %add3A_687 = arith.addi %select_n3A_676, %gather3A_686 : vector<16xi32>
    %lt3A_688 = arith.constant 0 : i32
    %lt3A_689 = vector.broadcast %lt3A_688 : i32 to vector<16xi32>
    %lt3A_690 = arith.cmpi slt, %xor3A_419, %lt3A_689 : vector<16xi32>
    %add3A_691 = arith.constant 16 : i32
    %add3A_692 = vector.broadcast %add3A_691 : i32 to vector<16xi32>
    %add3A_693 = arith.addi %xor3A_419, %add3A_692 : vector<16xi32>
    %select_n3A_694 = arith.select %lt3A_690, %add3A_693, %xor3A_419 : vector<16xi1>, vector<16xi32>
    %broadcast_in_dim3A_695 = vector.shape_cast %select_n3A_694 : vector<16xi32> to vector<16x1xi32>
    %gather3A_696 = vector.shape_cast %broadcast_in_dim3A_695 : vector<16x1xi32> to vector<16xi32>
    %gather3A_697 = tpu.dynamic_gather %add3A_687[%gather3A_696] in [0] : vector<16xi32>, vector<16xi32> -> vector<16xi32>
    %add3A_698 = arith.addi %add3A_687, %gather3A_697 : vector<16xi32>
    %lt3A_699 = arith.constant 0 : i32
    %lt3A_700 = vector.broadcast %lt3A_699 : i32 to vector<16xi32>
    %lt3A_701 = arith.cmpi slt, %xor3A_422, %lt3A_700 : vector<16xi32>
    %add3A_702 = arith.constant 16 : i32
    %add3A_703 = vector.broadcast %add3A_702 : i32 to vector<16xi32>
    %add3A_704 = arith.addi %xor3A_422, %add3A_703 : vector<16xi32>
    %select_n3A_705 = arith.select %lt3A_701, %add3A_704, %xor3A_422 : vector<16xi1>, vector<16xi32>
    %broadcast_in_dim3A_706 = vector.shape_cast %select_n3A_705 : vector<16xi32> to vector<16x1xi32>
    %gather3A_707 = vector.shape_cast %broadcast_in_dim3A_706 : vector<16x1xi32> to vector<16xi32>
    %gather3A_708 = tpu.dynamic_gather %add3A_698[%gather3A_707] in [0] : vector<16xi32>, vector<16xi32> -> vector<16xi32>
    %add3A_709 = arith.addi %add3A_698, %gather3A_708 : vector<16xi32>
    %lt3A_710 = arith.constant 0 : i32
    %lt3A_711 = vector.broadcast %lt3A_710 : i32 to vector<16xi32>
    %lt3A_712 = arith.cmpi slt, %xor3A_425, %lt3A_711 : vector<16xi32>
    %add3A_713 = arith.constant 16 : i32
    %add3A_714 = vector.broadcast %add3A_713 : i32 to vector<16xi32>
    %add3A_715 = arith.addi %xor3A_425, %add3A_714 : vector<16xi32>
    %select_n3A_716 = arith.select %lt3A_712, %add3A_715, %xor3A_425 : vector<16xi1>, vector<16xi32>
    %broadcast_in_dim3A_717 = vector.shape_cast %select_n3A_716 : vector<16xi32> to vector<16x1xi32>
    %gather3A_718 = vector.shape_cast %broadcast_in_dim3A_717 : vector<16x1xi32> to vector<16xi32>
    %gather3A_719 = tpu.dynamic_gather %add3A_709[%gather3A_718] in [0] : vector<16xi32>, vector<16xi32> -> vector<16xi32>
    %add3A_720 = arith.addi %add3A_709, %gather3A_719 : vector<16xi32>
    %slice3A_721 = vector.extract_strided_slice %add3A_720 {offsets = [0], sizes = [1], strides = [1]} : vector<16xi32> to vector<1xi32>
    %squeeze3A_722 = vector.extract %slice3A_721[0] : i32 from vector<1xi32>
    %swap3A_723 = arith.constant 4 : i32
    %swap3A_724 = arith.index_cast %swap3A_723 : i32 to index
    %swap3A_725 = memref.load %arg9[%swap3A_724] : memref<32xi32, #tpu.memory_space<smem>>
    memref.store %squeeze3A_722, %arg9[%swap3A_724] : memref<32xi32, #tpu.memory_space<smem>>
    %get3A_726 = arith.constant 80 : index
    %get3A_727 = tpu.vector_load %arg6[%get3A_726] {strides = array<i32>} : memref<512xi32, #tpu.memory_space<vmem>>, vector<16xi32>,
    %get3A_728 = vector.shape_cast %get3A_727 : vector<16xi32> to vector<16xi32>
    %eq3A_729 = arith.constant 100000 : i32
    %eq3A_730 = vector.broadcast %eq3A_729 : i32 to vector<16xi32>
    %eq3A_731 = arith.cmpi eq, %get3A_728, %eq3A_730 : vector<16xi32>
    %shift_left3A_732 = arith.constant 1 : i32
    %shift_left3A_733 = vector.broadcast %shift_left3A_732 : i32 to vector<16xi32>
    %shift_left3A_734 = arith.shli %shift_left3A_733, %iota3A : vector<16xi32>
    %jit3A_735 = arith.constant 0 : i32
    %broadcast_in_dim3A_736 = vector.broadcast %jit3A_735 : i32 to vector<16xi32>
    %select_n3A_737 = arith.select %eq3A_731, %shift_left3A_734, %broadcast_in_dim3A_736 : vector<16xi1>, vector<16xi32>
    %lt3A_738 = arith.constant 0 : i32
    %lt3A_739 = vector.broadcast %lt3A_738 : i32 to vector<16xi32>
    %lt3A_740 = arith.cmpi slt, %xor3A_416, %lt3A_739 : vector<16xi32>
    %add3A_741 = arith.constant 16 : i32
    %add3A_742 = vector.broadcast %add3A_741 : i32 to vector<16xi32>
    %add3A_743 = arith.addi %xor3A_416, %add3A_742 : vector<16xi32>
    %select_n3A_744 = arith.select %lt3A_740, %add3A_743, %xor3A_416 : vector<16xi1>, vector<16xi32>
    %broadcast_in_dim3A_745 = vector.shape_cast %select_n3A_744 : vector<16xi32> to vector<16x1xi32>
    %gather3A_746 = vector.shape_cast %broadcast_in_dim3A_745 : vector<16x1xi32> to vector<16xi32>
    %gather3A_747 = tpu.dynamic_gather %select_n3A_737[%gather3A_746] in [0] : vector<16xi32>, vector<16xi32> -> vector<16xi32>
    %add3A_748 = arith.addi %select_n3A_737, %gather3A_747 : vector<16xi32>
    %lt3A_749 = arith.constant 0 : i32
    %lt3A_750 = vector.broadcast %lt3A_749 : i32 to vector<16xi32>
    %lt3A_751 = arith.cmpi slt, %xor3A_419, %lt3A_750 : vector<16xi32>
    %add3A_752 = arith.constant 16 : i32
    %add3A_753 = vector.broadcast %add3A_752 : i32 to vector<16xi32>
    %add3A_754 = arith.addi %xor3A_419, %add3A_753 : vector<16xi32>
    %select_n3A_755 = arith.select %lt3A_751, %add3A_754, %xor3A_419 : vector<16xi1>, vector<16xi32>
    %broadcast_in_dim3A_756 = vector.shape_cast %select_n3A_755 : vector<16xi32> to vector<16x1xi32>
    %gather3A_757 = vector.shape_cast %broadcast_in_dim3A_756 : vector<16x1xi32> to vector<16xi32>
    %gather3A_758 = tpu.dynamic_gather %add3A_748[%gather3A_757] in [0] : vector<16xi32>, vector<16xi32> -> vector<16xi32>
    %add3A_759 = arith.addi %add3A_748, %gather3A_758 : vector<16xi32>
    %lt3A_760 = arith.constant 0 : i32
    %lt3A_761 = vector.broadcast %lt3A_760 : i32 to vector<16xi32>
    %lt3A_762 = arith.cmpi slt, %xor3A_422, %lt3A_761 : vector<16xi32>
    %add3A_763 = arith.constant 16 : i32
    %add3A_764 = vector.broadcast %add3A_763 : i32 to vector<16xi32>
    %add3A_765 = arith.addi %xor3A_422, %add3A_764 : vector<16xi32>
    %select_n3A_766 = arith.select %lt3A_762, %add3A_765, %xor3A_422 : vector<16xi1>, vector<16xi32>
    %broadcast_in_dim3A_767 = vector.shape_cast %select_n3A_766 : vector<16xi32> to vector<16x1xi32>
    %gather3A_768 = vector.shape_cast %broadcast_in_dim3A_767 : vector<16x1xi32> to vector<16xi32>
    %gather3A_769 = tpu.dynamic_gather %add3A_759[%gather3A_768] in [0] : vector<16xi32>, vector<16xi32> -> vector<16xi32>
    %add3A_770 = arith.addi %add3A_759, %gather3A_769 : vector<16xi32>
    %lt3A_771 = arith.constant 0 : i32
    %lt3A_772 = vector.broadcast %lt3A_771 : i32 to vector<16xi32>
    %lt3A_773 = arith.cmpi slt, %xor3A_425, %lt3A_772 : vector<16xi32>
    %add3A_774 = arith.constant 16 : i32
    %add3A_775 = vector.broadcast %add3A_774 : i32 to vector<16xi32>
    %add3A_776 = arith.addi %xor3A_425, %add3A_775 : vector<16xi32>
    %select_n3A_777 = arith.select %lt3A_773, %add3A_776, %xor3A_425 : vector<16xi1>, vector<16xi32>
    %broadcast_in_dim3A_778 = vector.shape_cast %select_n3A_777 : vector<16xi32> to vector<16x1xi32>
    %gather3A_779 = vector.shape_cast %broadcast_in_dim3A_778 : vector<16x1xi32> to vector<16xi32>
    %gather3A_780 = tpu.dynamic_gather %add3A_770[%gather3A_779] in [0] : vector<16xi32>, vector<16xi32> -> vector<16xi32>
    %add3A_781 = arith.addi %add3A_770, %gather3A_780 : vector<16xi32>
    %slice3A_782 = vector.extract_strided_slice %add3A_781 {offsets = [0], sizes = [1], strides = [1]} : vector<16xi32> to vector<1xi32>
    %squeeze3A_783 = vector.extract %slice3A_782[0] : i32 from vector<1xi32>
    %swap3A_784 = arith.constant 5 : i32
    %swap3A_785 = arith.index_cast %swap3A_784 : i32 to index
    %swap3A_786 = memref.load %arg9[%swap3A_785] : memref<32xi32, #tpu.memory_space<smem>>
    memref.store %squeeze3A_783, %arg9[%swap3A_785] : memref<32xi32, #tpu.memory_space<smem>>
    %get3A_787 = arith.constant 96 : index
    %get3A_788 = tpu.vector_load %arg6[%get3A_787] {strides = array<i32>} : memref<512xi32, #tpu.memory_space<vmem>>, vector<16xi32>,
    %get3A_789 = vector.shape_cast %get3A_788 : vector<16xi32> to vector<16xi32>
    %eq3A_790 = arith.constant 100000 : i32
    %eq3A_791 = vector.broadcast %eq3A_790 : i32 to vector<16xi32>
    %eq3A_792 = arith.cmpi eq, %get3A_789, %eq3A_791 : vector<16xi32>
    %shift_left3A_793 = arith.constant 1 : i32
    %shift_left3A_794 = vector.broadcast %shift_left3A_793 : i32 to vector<16xi32>
    %shift_left3A_795 = arith.shli %shift_left3A_794, %iota3A : vector<16xi32>
    %jit3A_796 = arith.constant 0 : i32
    %broadcast_in_dim3A_797 = vector.broadcast %jit3A_796 : i32 to vector<16xi32>
    %select_n3A_798 = arith.select %eq3A_792, %shift_left3A_795, %broadcast_in_dim3A_797 : vector<16xi1>, vector<16xi32>
    %lt3A_799 = arith.constant 0 : i32
    %lt3A_800 = vector.broadcast %lt3A_799 : i32 to vector<16xi32>
    %lt3A_801 = arith.cmpi slt, %xor3A_416, %lt3A_800 : vector<16xi32>
    %add3A_802 = arith.constant 16 : i32
    %add3A_803 = vector.broadcast %add3A_802 : i32 to vector<16xi32>
    %add3A_804 = arith.addi %xor3A_416, %add3A_803 : vector<16xi32>
    %select_n3A_805 = arith.select %lt3A_801, %add3A_804, %xor3A_416 : vector<16xi1>, vector<16xi32>
    %broadcast_in_dim3A_806 = vector.shape_cast %select_n3A_805 : vector<16xi32> to vector<16x1xi32>
    %gather3A_807 = vector.shape_cast %broadcast_in_dim3A_806 : vector<16x1xi32> to vector<16xi32>
    %gather3A_808 = tpu.dynamic_gather %select_n3A_798[%gather3A_807] in [0] : vector<16xi32>, vector<16xi32> -> vector<16xi32>
    %add3A_809 = arith.addi %select_n3A_798, %gather3A_808 : vector<16xi32>
    %lt3A_810 = arith.constant 0 : i32
    %lt3A_811 = vector.broadcast %lt3A_810 : i32 to vector<16xi32>
    %lt3A_812 = arith.cmpi slt, %xor3A_419, %lt3A_811 : vector<16xi32>
    %add3A_813 = arith.constant 16 : i32
    %add3A_814 = vector.broadcast %add3A_813 : i32 to vector<16xi32>
    %add3A_815 = arith.addi %xor3A_419, %add3A_814 : vector<16xi32>
    %select_n3A_816 = arith.select %lt3A_812, %add3A_815, %xor3A_419 : vector<16xi1>, vector<16xi32>
    %broadcast_in_dim3A_817 = vector.shape_cast %select_n3A_816 : vector<16xi32> to vector<16x1xi32>
    %gather3A_818 = vector.shape_cast %broadcast_in_dim3A_817 : vector<16x1xi32> to vector<16xi32>
    %gather3A_819 = tpu.dynamic_gather %add3A_809[%gather3A_818] in [0] : vector<16xi32>, vector<16xi32> -> vector<16xi32>
    %add3A_820 = arith.addi %add3A_809, %gather3A_819 : vector<16xi32>
    %lt3A_821 = arith.constant 0 : i32
    %lt3A_822 = vector.broadcast %lt3A_821 : i32 to vector<16xi32>
    %lt3A_823 = arith.cmpi slt, %xor3A_422, %lt3A_822 : vector<16xi32>
    %add3A_824 = arith.constant 16 : i32
    %add3A_825 = vector.broadcast %add3A_824 : i32 to vector<16xi32>
    %add3A_826 = arith.addi %xor3A_422, %add3A_825 : vector<16xi32>
    %select_n3A_827 = arith.select %lt3A_823, %add3A_826, %xor3A_422 : vector<16xi1>, vector<16xi32>
    %broadcast_in_dim3A_828 = vector.shape_cast %select_n3A_827 : vector<16xi32> to vector<16x1xi32>
    %gather3A_829 = vector.shape_cast %broadcast_in_dim3A_828 : vector<16x1xi32> to vector<16xi32>
    %gather3A_830 = tpu.dynamic_gather %add3A_820[%gather3A_829] in [0] : vector<16xi32>, vector<16xi32> -> vector<16xi32>
    %add3A_831 = arith.addi %add3A_820, %gather3A_830 : vector<16xi32>
    %lt3A_832 = arith.constant 0 : i32
    %lt3A_833 = vector.broadcast %lt3A_832 : i32 to vector<16xi32>
    %lt3A_834 = arith.cmpi slt, %xor3A_425, %lt3A_833 : vector<16xi32>
    %add3A_835 = arith.constant 16 : i32
    %add3A_836 = vector.broadcast %add3A_835 : i32 to vector<16xi32>
    %add3A_837 = arith.addi %xor3A_425, %add3A_836 : vector<16xi32>
    %select_n3A_838 = arith.select %lt3A_834, %add3A_837, %xor3A_425 : vector<16xi1>, vector<16xi32>
    %broadcast_in_dim3A_839 = vector.shape_cast %select_n3A_838 : vector<16xi32> to vector<16x1xi32>
    %gather3A_840 = vector.shape_cast %broadcast_in_dim3A_839 : vector<16x1xi32> to vector<16xi32>
    %gather3A_841 = tpu.dynamic_gather %add3A_831[%gather3A_840] in [0] : vector<16xi32>, vector<16xi32> -> vector<16xi32>
    %add3A_842 = arith.addi %add3A_831, %gather3A_841 : vector<16xi32>
    %slice3A_843 = vector.extract_strided_slice %add3A_842 {offsets = [0], sizes = [1], strides = [1]} : vector<16xi32> to vector<1xi32>
    %squeeze3A_844 = vector.extract %slice3A_843[0] : i32 from vector<1xi32>
    %swap3A_845 = arith.constant 6 : i32
    %swap3A_846 = arith.index_cast %swap3A_845 : i32 to index
    %swap3A_847 = memref.load %arg9[%swap3A_846] : memref<32xi32, #tpu.memory_space<smem>>
    memref.store %squeeze3A_844, %arg9[%swap3A_846] : memref<32xi32, #tpu.memory_space<smem>>
    %get3A_848 = arith.constant 112 : index
    %get3A_849 = tpu.vector_load %arg6[%get3A_848] {strides = array<i32>} : memref<512xi32, #tpu.memory_space<vmem>>, vector<16xi32>,
    %get3A_850 = vector.shape_cast %get3A_849 : vector<16xi32> to vector<16xi32>
    %eq3A_851 = arith.constant 100000 : i32
    %eq3A_852 = vector.broadcast %eq3A_851 : i32 to vector<16xi32>
    %eq3A_853 = arith.cmpi eq, %get3A_850, %eq3A_852 : vector<16xi32>
    %shift_left3A_854 = arith.constant 1 : i32
    %shift_left3A_855 = vector.broadcast %shift_left3A_854 : i32 to vector<16xi32>
    %shift_left3A_856 = arith.shli %shift_left3A_855, %iota3A : vector<16xi32>
    %jit3A_857 = arith.constant 0 : i32
    %broadcast_in_dim3A_858 = vector.broadcast %jit3A_857 : i32 to vector<16xi32>
    %select_n3A_859 = arith.select %eq3A_853, %shift_left3A_856, %broadcast_in_dim3A_858 : vector<16xi1>, vector<16xi32>
    %lt3A_860 = arith.constant 0 : i32
    %lt3A_861 = vector.broadcast %lt3A_860 : i32 to vector<16xi32>
    %lt3A_862 = arith.cmpi slt, %xor3A_416, %lt3A_861 : vector<16xi32>
    %add3A_863 = arith.constant 16 : i32
    %add3A_864 = vector.broadcast %add3A_863 : i32 to vector<16xi32>
    %add3A_865 = arith.addi %xor3A_416, %add3A_864 : vector<16xi32>
    %select_n3A_866 = arith.select %lt3A_862, %add3A_865, %xor3A_416 : vector<16xi1>, vector<16xi32>
    %broadcast_in_dim3A_867 = vector.shape_cast %select_n3A_866 : vector<16xi32> to vector<16x1xi32>
    %gather3A_868 = vector.shape_cast %broadcast_in_dim3A_867 : vector<16x1xi32> to vector<16xi32>
    %gather3A_869 = tpu.dynamic_gather %select_n3A_859[%gather3A_868] in [0] : vector<16xi32>, vector<16xi32> -> vector<16xi32>
    %add3A_870 = arith.addi %select_n3A_859, %gather3A_869 : vector<16xi32>
    %lt3A_871 = arith.constant 0 : i32
    %lt3A_872 = vector.broadcast %lt3A_871 : i32 to vector<16xi32>
    %lt3A_873 = arith.cmpi slt, %xor3A_419, %lt3A_872 : vector<16xi32>
    %add3A_874 = arith.constant 16 : i32
    %add3A_875 = vector.broadcast %add3A_874 : i32 to vector<16xi32>
    %add3A_876 = arith.addi %xor3A_419, %add3A_875 : vector<16xi32>
    %select_n3A_877 = arith.select %lt3A_873, %add3A_876, %xor3A_419 : vector<16xi1>, vector<16xi32>
    %broadcast_in_dim3A_878 = vector.shape_cast %select_n3A_877 : vector<16xi32> to vector<16x1xi32>
    %gather3A_879 = vector.shape_cast %broadcast_in_dim3A_878 : vector<16x1xi32> to vector<16xi32>
    %gather3A_880 = tpu.dynamic_gather %add3A_870[%gather3A_879] in [0] : vector<16xi32>, vector<16xi32> -> vector<16xi32>
    %add3A_881 = arith.addi %add3A_870, %gather3A_880 : vector<16xi32>
    %lt3A_882 = arith.constant 0 : i32
    %lt3A_883 = vector.broadcast %lt3A_882 : i32 to vector<16xi32>
    %lt3A_884 = arith.cmpi slt, %xor3A_422, %lt3A_883 : vector<16xi32>
    %add3A_885 = arith.constant 16 : i32
    %add3A_886 = vector.broadcast %add3A_885 : i32 to vector<16xi32>
    %add3A_887 = arith.addi %xor3A_422, %add3A_886 : vector<16xi32>
    %select_n3A_888 = arith.select %lt3A_884, %add3A_887, %xor3A_422 : vector<16xi1>, vector<16xi32>
    %broadcast_in_dim3A_889 = vector.shape_cast %select_n3A_888 : vector<16xi32> to vector<16x1xi32>
    %gather3A_890 = vector.shape_cast %broadcast_in_dim3A_889 : vector<16x1xi32> to vector<16xi32>
    %gather3A_891 = tpu.dynamic_gather %add3A_881[%gather3A_890] in [0] : vector<16xi32>, vector<16xi32> -> vector<16xi32>
    %add3A_892 = arith.addi %add3A_881, %gather3A_891 : vector<16xi32>
    %lt3A_893 = arith.constant 0 : i32
    %lt3A_894 = vector.broadcast %lt3A_893 : i32 to vector<16xi32>
    %lt3A_895 = arith.cmpi slt, %xor3A_425, %lt3A_894 : vector<16xi32>
    %add3A_896 = arith.constant 16 : i32
    %add3A_897 = vector.broadcast %add3A_896 : i32 to vector<16xi32>
    %add3A_898 = arith.addi %xor3A_425, %add3A_897 : vector<16xi32>
    %select_n3A_899 = arith.select %lt3A_895, %add3A_898, %xor3A_425 : vector<16xi1>, vector<16xi32>
    %broadcast_in_dim3A_900 = vector.shape_cast %select_n3A_899 : vector<16xi32> to vector<16x1xi32>
    %gather3A_901 = vector.shape_cast %broadcast_in_dim3A_900 : vector<16x1xi32> to vector<16xi32>
    %gather3A_902 = tpu.dynamic_gather %add3A_892[%gather3A_901] in [0] : vector<16xi32>, vector<16xi32> -> vector<16xi32>
    %add3A_903 = arith.addi %add3A_892, %gather3A_902 : vector<16xi32>
    %slice3A_904 = vector.extract_strided_slice %add3A_903 {offsets = [0], sizes = [1], strides = [1]} : vector<16xi32> to vector<1xi32>
    %squeeze3A_905 = vector.extract %slice3A_904[0] : i32 from vector<1xi32>
    %swap3A_906 = arith.constant 7 : i32
    %swap3A_907 = arith.index_cast %swap3A_906 : i32 to index
    %swap3A_908 = memref.load %arg9[%swap3A_907] : memref<32xi32, #tpu.memory_space<smem>>
    memref.store %squeeze3A_905, %arg9[%swap3A_907] : memref<32xi32, #tpu.memory_space<smem>>
    %get3A_909 = arith.constant 128 : index
    %get3A_910 = tpu.vector_load %arg6[%get3A_909] {strides = array<i32>} : memref<512xi32, #tpu.memory_space<vmem>>, vector<16xi32>,
    %get3A_911 = vector.shape_cast %get3A_910 : vector<16xi32> to vector<16xi32>
    %eq3A_912 = arith.constant 100000 : i32
    %eq3A_913 = vector.broadcast %eq3A_912 : i32 to vector<16xi32>
    %eq3A_914 = arith.cmpi eq, %get3A_911, %eq3A_913 : vector<16xi32>
    %shift_left3A_915 = arith.constant 1 : i32
    %shift_left3A_916 = vector.broadcast %shift_left3A_915 : i32 to vector<16xi32>
    %shift_left3A_917 = arith.shli %shift_left3A_916, %iota3A : vector<16xi32>
    %jit3A_918 = arith.constant 0 : i32
    %broadcast_in_dim3A_919 = vector.broadcast %jit3A_918 : i32 to vector<16xi32>
    %select_n3A_920 = arith.select %eq3A_914, %shift_left3A_917, %broadcast_in_dim3A_919 : vector<16xi1>, vector<16xi32>
    %lt3A_921 = arith.constant 0 : i32
    %lt3A_922 = vector.broadcast %lt3A_921 : i32 to vector<16xi32>
    %lt3A_923 = arith.cmpi slt, %xor3A_416, %lt3A_922 : vector<16xi32>
    %add3A_924 = arith.constant 16 : i32
    %add3A_925 = vector.broadcast %add3A_924 : i32 to vector<16xi32>
    %add3A_926 = arith.addi %xor3A_416, %add3A_925 : vector<16xi32>
    %select_n3A_927 = arith.select %lt3A_923, %add3A_926, %xor3A_416 : vector<16xi1>, vector<16xi32>
    %broadcast_in_dim3A_928 = vector.shape_cast %select_n3A_927 : vector<16xi32> to vector<16x1xi32>
    %gather3A_929 = vector.shape_cast %broadcast_in_dim3A_928 : vector<16x1xi32> to vector<16xi32>
    %gather3A_930 = tpu.dynamic_gather %select_n3A_920[%gather3A_929] in [0] : vector<16xi32>, vector<16xi32> -> vector<16xi32>
    %add3A_931 = arith.addi %select_n3A_920, %gather3A_930 : vector<16xi32>
    %lt3A_932 = arith.constant 0 : i32
    %lt3A_933 = vector.broadcast %lt3A_932 : i32 to vector<16xi32>
    %lt3A_934 = arith.cmpi slt, %xor3A_419, %lt3A_933 : vector<16xi32>
    %add3A_935 = arith.constant 16 : i32
    %add3A_936 = vector.broadcast %add3A_935 : i32 to vector<16xi32>
    %add3A_937 = arith.addi %xor3A_419, %add3A_936 : vector<16xi32>
    %select_n3A_938 = arith.select %lt3A_934, %add3A_937, %xor3A_419 : vector<16xi1>, vector<16xi32>
    %broadcast_in_dim3A_939 = vector.shape_cast %select_n3A_938 : vector<16xi32> to vector<16x1xi32>
    %gather3A_940 = vector.shape_cast %broadcast_in_dim3A_939 : vector<16x1xi32> to vector<16xi32>
    %gather3A_941 = tpu.dynamic_gather %add3A_931[%gather3A_940] in [0] : vector<16xi32>, vector<16xi32> -> vector<16xi32>
    %add3A_942 = arith.addi %add3A_931, %gather3A_941 : vector<16xi32>
    %lt3A_943 = arith.constant 0 : i32
    %lt3A_944 = vector.broadcast %lt3A_943 : i32 to vector<16xi32>
    %lt3A_945 = arith.cmpi slt, %xor3A_422, %lt3A_944 : vector<16xi32>
    %add3A_946 = arith.constant 16 : i32
    %add3A_947 = vector.broadcast %add3A_946 : i32 to vector<16xi32>
    %add3A_948 = arith.addi %xor3A_422, %add3A_947 : vector<16xi32>
    %select_n3A_949 = arith.select %lt3A_945, %add3A_948, %xor3A_422 : vector<16xi1>, vector<16xi32>
    %broadcast_in_dim3A_950 = vector.shape_cast %select_n3A_949 : vector<16xi32> to vector<16x1xi32>
    %gather3A_951 = vector.shape_cast %broadcast_in_dim3A_950 : vector<16x1xi32> to vector<16xi32>
    %gather3A_952 = tpu.dynamic_gather %add3A_942[%gather3A_951] in [0] : vector<16xi32>, vector<16xi32> -> vector<16xi32>
    %add3A_953 = arith.addi %add3A_942, %gather3A_952 : vector<16xi32>
    %lt3A_954 = arith.constant 0 : i32
    %lt3A_955 = vector.broadcast %lt3A_954 : i32 to vector<16xi32>
    %lt3A_956 = arith.cmpi slt, %xor3A_425, %lt3A_955 : vector<16xi32>
    %add3A_957 = arith.constant 16 : i32
    %add3A_958 = vector.broadcast %add3A_957 : i32 to vector<16xi32>
    %add3A_959 = arith.addi %xor3A_425, %add3A_958 : vector<16xi32>
    %select_n3A_960 = arith.select %lt3A_956, %add3A_959, %xor3A_425 : vector<16xi1>, vector<16xi32>
    %broadcast_in_dim3A_961 = vector.shape_cast %select_n3A_960 : vector<16xi32> to vector<16x1xi32>
    %gather3A_962 = vector.shape_cast %broadcast_in_dim3A_961 : vector<16x1xi32> to vector<16xi32>
    %gather3A_963 = tpu.dynamic_gather %add3A_953[%gather3A_962] in [0] : vector<16xi32>, vector<16xi32> -> vector<16xi32>
    %add3A_964 = arith.addi %add3A_953, %gather3A_963 : vector<16xi32>
    %slice3A_965 = vector.extract_strided_slice %add3A_964 {offsets = [0], sizes = [1], strides = [1]} : vector<16xi32> to vector<1xi32>
    %squeeze3A_966 = vector.extract %slice3A_965[0] : i32 from vector<1xi32>
    %swap3A_967 = arith.constant 8 : i32
    %swap3A_968 = arith.index_cast %swap3A_967 : i32 to index
    %swap3A_969 = memref.load %arg9[%swap3A_968] : memref<32xi32, #tpu.memory_space<smem>>
    memref.store %squeeze3A_966, %arg9[%swap3A_968] : memref<32xi32, #tpu.memory_space<smem>>
    %get3A_970 = arith.constant 144 : index
    %get3A_971 = tpu.vector_load %arg6[%get3A_970] {strides = array<i32>} : memref<512xi32, #tpu.memory_space<vmem>>, vector<16xi32>,
    %get3A_972 = vector.shape_cast %get3A_971 : vector<16xi32> to vector<16xi32>
    %eq3A_973 = arith.constant 100000 : i32
    %eq3A_974 = vector.broadcast %eq3A_973 : i32 to vector<16xi32>
    %eq3A_975 = arith.cmpi eq, %get3A_972, %eq3A_974 : vector<16xi32>
    %shift_left3A_976 = arith.constant 1 : i32
    %shift_left3A_977 = vector.broadcast %shift_left3A_976 : i32 to vector<16xi32>
    %shift_left3A_978 = arith.shli %shift_left3A_977, %iota3A : vector<16xi32>
    %jit3A_979 = arith.constant 0 : i32
    %broadcast_in_dim3A_980 = vector.broadcast %jit3A_979 : i32 to vector<16xi32>
    %select_n3A_981 = arith.select %eq3A_975, %shift_left3A_978, %broadcast_in_dim3A_980 : vector<16xi1>, vector<16xi32>
    %lt3A_982 = arith.constant 0 : i32
    %lt3A_983 = vector.broadcast %lt3A_982 : i32 to vector<16xi32>
    %lt3A_984 = arith.cmpi slt, %xor3A_416, %lt3A_983 : vector<16xi32>
    %add3A_985 = arith.constant 16 : i32
    %add3A_986 = vector.broadcast %add3A_985 : i32 to vector<16xi32>
    %add3A_987 = arith.addi %xor3A_416, %add3A_986 : vector<16xi32>
    %select_n3A_988 = arith.select %lt3A_984, %add3A_987, %xor3A_416 : vector<16xi1>, vector<16xi32>
    %broadcast_in_dim3A_989 = vector.shape_cast %select_n3A_988 : vector<16xi32> to vector<16x1xi32>
    %gather3A_990 = vector.shape_cast %broadcast_in_dim3A_989 : vector<16x1xi32> to vector<16xi32>
    %gather3A_991 = tpu.dynamic_gather %select_n3A_981[%gather3A_990] in [0] : vector<16xi32>, vector<16xi32> -> vector<16xi32>
    %add3A_992 = arith.addi %select_n3A_981, %gather3A_991 : vector<16xi32>
    %lt3A_993 = arith.constant 0 : i32
    %lt3A_994 = vector.broadcast %lt3A_993 : i32 to vector<16xi32>
    %lt3A_995 = arith.cmpi slt, %xor3A_419, %lt3A_994 : vector<16xi32>
    %add3A_996 = arith.constant 16 : i32
    %add3A_997 = vector.broadcast %add3A_996 : i32 to vector<16xi32>
    %add3A_998 = arith.addi %xor3A_419, %add3A_997 : vector<16xi32>
    %select_n3A_999 = arith.select %lt3A_995, %add3A_998, %xor3A_419 : vector<16xi1>, vector<16xi32>
    %broadcast_in_dim3A_1000 = vector.shape_cast %select_n3A_999 : vector<16xi32> to vector<16x1xi32>
    %gather3A_1001 = vector.shape_cast %broadcast_in_dim3A_1000 : vector<16x1xi32> to vector<16xi32>
    %gather3A_1002 = tpu.dynamic_gather %add3A_992[%gather3A_1001] in [0] : vector<16xi32>, vector<16xi32> -> vector<16xi32>
    %add3A_1003 = arith.addi %add3A_992, %gather3A_1002 : vector<16xi32>
    %lt3A_1004 = arith.constant 0 : i32
    %lt3A_1005 = vector.broadcast %lt3A_1004 : i32 to vector<16xi32>
    %lt3A_1006 = arith.cmpi slt, %xor3A_422, %lt3A_1005 : vector<16xi32>
    %add3A_1007 = arith.constant 16 : i32
    %add3A_1008 = vector.broadcast %add3A_1007 : i32 to vector<16xi32>
    %add3A_1009 = arith.addi %xor3A_422, %add3A_1008 : vector<16xi32>
    %select_n3A_1010 = arith.select %lt3A_1006, %add3A_1009, %xor3A_422 : vector<16xi1>, vector<16xi32>
    %broadcast_in_dim3A_1011 = vector.shape_cast %select_n3A_1010 : vector<16xi32> to vector<16x1xi32>
    %gather3A_1012 = vector.shape_cast %broadcast_in_dim3A_1011 : vector<16x1xi32> to vector<16xi32>
    %gather3A_1013 = tpu.dynamic_gather %add3A_1003[%gather3A_1012] in [0] : vector<16xi32>, vector<16xi32> -> vector<16xi32>
    %add3A_1014 = arith.addi %add3A_1003, %gather3A_1013 : vector<16xi32>
    %lt3A_1015 = arith.constant 0 : i32
    %lt3A_1016 = vector.broadcast %lt3A_1015 : i32 to vector<16xi32>
    %lt3A_1017 = arith.cmpi slt, %xor3A_425, %lt3A_1016 : vector<16xi32>
    %add3A_1018 = arith.constant 16 : i32
    %add3A_1019 = vector.broadcast %add3A_1018 : i32 to vector<16xi32>
    %add3A_1020 = arith.addi %xor3A_425, %add3A_1019 : vector<16xi32>
    %select_n3A_1021 = arith.select %lt3A_1017, %add3A_1020, %xor3A_425 : vector<16xi1>, vector<16xi32>
    %broadcast_in_dim3A_1022 = vector.shape_cast %select_n3A_1021 : vector<16xi32> to vector<16x1xi32>
    %gather3A_1023 = vector.shape_cast %broadcast_in_dim3A_1022 : vector<16x1xi32> to vector<16xi32>
    %gather3A_1024 = tpu.dynamic_gather %add3A_1014[%gather3A_1023] in [0] : vector<16xi32>, vector<16xi32> -> vector<16xi32>
    %add3A_1025 = arith.addi %add3A_1014, %gather3A_1024 : vector<16xi32>
    %slice3A_1026 = vector.extract_strided_slice %add3A_1025 {offsets = [0], sizes = [1], strides = [1]} : vector<16xi32> to vector<1xi32>
    %squeeze3A_1027 = vector.extract %slice3A_1026[0] : i32 from vector<1xi32>
    %swap3A_1028 = arith.constant 9 : i32
    %swap3A_1029 = arith.index_cast %swap3A_1028 : i32 to index
    %swap3A_1030 = memref.load %arg9[%swap3A_1029] : memref<32xi32, #tpu.memory_space<smem>>
    memref.store %squeeze3A_1027, %arg9[%swap3A_1029] : memref<32xi32, #tpu.memory_space<smem>>
    %get3A_1031 = arith.constant 160 : index
    %get3A_1032 = tpu.vector_load %arg6[%get3A_1031] {strides = array<i32>} : memref<512xi32, #tpu.memory_space<vmem>>, vector<16xi32>,
    %get3A_1033 = vector.shape_cast %get3A_1032 : vector<16xi32> to vector<16xi32>
    %eq3A_1034 = arith.constant 100000 : i32
    %eq3A_1035 = vector.broadcast %eq3A_1034 : i32 to vector<16xi32>
    %eq3A_1036 = arith.cmpi eq, %get3A_1033, %eq3A_1035 : vector<16xi32>
    %shift_left3A_1037 = arith.constant 1 : i32
    %shift_left3A_1038 = vector.broadcast %shift_left3A_1037 : i32 to vector<16xi32>
    %shift_left3A_1039 = arith.shli %shift_left3A_1038, %iota3A : vector<16xi32>
    %jit3A_1040 = arith.constant 0 : i32
    %broadcast_in_dim3A_1041 = vector.broadcast %jit3A_1040 : i32 to vector<16xi32>
    %select_n3A_1042 = arith.select %eq3A_1036, %shift_left3A_1039, %broadcast_in_dim3A_1041 : vector<16xi1>, vector<16xi32>
    %lt3A_1043 = arith.constant 0 : i32
    %lt3A_1044 = vector.broadcast %lt3A_1043 : i32 to vector<16xi32>
    %lt3A_1045 = arith.cmpi slt, %xor3A_416, %lt3A_1044 : vector<16xi32>
    %add3A_1046 = arith.constant 16 : i32
    %add3A_1047 = vector.broadcast %add3A_1046 : i32 to vector<16xi32>
    %add3A_1048 = arith.addi %xor3A_416, %add3A_1047 : vector<16xi32>
    %select_n3A_1049 = arith.select %lt3A_1045, %add3A_1048, %xor3A_416 : vector<16xi1>, vector<16xi32>
    %broadcast_in_dim3A_1050 = vector.shape_cast %select_n3A_1049 : vector<16xi32> to vector<16x1xi32>
    %gather3A_1051 = vector.shape_cast %broadcast_in_dim3A_1050 : vector<16x1xi32> to vector<16xi32>
    %gather3A_1052 = tpu.dynamic_gather %select_n3A_1042[%gather3A_1051] in [0] : vector<16xi32>, vector<16xi32> -> vector<16xi32>
    %add3A_1053 = arith.addi %select_n3A_1042, %gather3A_1052 : vector<16xi32>
    %lt3A_1054 = arith.constant 0 : i32
    %lt3A_1055 = vector.broadcast %lt3A_1054 : i32 to vector<16xi32>
    %lt3A_1056 = arith.cmpi slt, %xor3A_419, %lt3A_1055 : vector<16xi32>
    %add3A_1057 = arith.constant 16 : i32
    %add3A_1058 = vector.broadcast %add3A_1057 : i32 to vector<16xi32>
    %add3A_1059 = arith.addi %xor3A_419, %add3A_1058 : vector<16xi32>
    %select_n3A_1060 = arith.select %lt3A_1056, %add3A_1059, %xor3A_419 : vector<16xi1>, vector<16xi32>
    %broadcast_in_dim3A_1061 = vector.shape_cast %select_n3A_1060 : vector<16xi32> to vector<16x1xi32>
    %gather3A_1062 = vector.shape_cast %broadcast_in_dim3A_1061 : vector<16x1xi32> to vector<16xi32>
    %gather3A_1063 = tpu.dynamic_gather %add3A_1053[%gather3A_1062] in [0] : vector<16xi32>, vector<16xi32> -> vector<16xi32>
    %add3A_1064 = arith.addi %add3A_1053, %gather3A_1063 : vector<16xi32>
    %lt3A_1065 = arith.constant 0 : i32
    %lt3A_1066 = vector.broadcast %lt3A_1065 : i32 to vector<16xi32>
    %lt3A_1067 = arith.cmpi slt, %xor3A_422, %lt3A_1066 : vector<16xi32>
    %add3A_1068 = arith.constant 16 : i32
    %add3A_1069 = vector.broadcast %add3A_1068 : i32 to vector<16xi32>
    %add3A_1070 = arith.addi %xor3A_422, %add3A_1069 : vector<16xi32>
    %select_n3A_1071 = arith.select %lt3A_1067, %add3A_1070, %xor3A_422 : vector<16xi1>, vector<16xi32>
    %broadcast_in_dim3A_1072 = vector.shape_cast %select_n3A_1071 : vector<16xi32> to vector<16x1xi32>
    %gather3A_1073 = vector.shape_cast %broadcast_in_dim3A_1072 : vector<16x1xi32> to vector<16xi32>
    %gather3A_1074 = tpu.dynamic_gather %add3A_1064[%gather3A_1073] in [0] : vector<16xi32>, vector<16xi32> -> vector<16xi32>
    %add3A_1075 = arith.addi %add3A_1064, %gather3A_1074 : vector<16xi32>
    %lt3A_1076 = arith.constant 0 : i32
    %lt3A_1077 = vector.broadcast %lt3A_1076 : i32 to vector<16xi32>
    %lt3A_1078 = arith.cmpi slt, %xor3A_425, %lt3A_1077 : vector<16xi32>
    %add3A_1079 = arith.constant 16 : i32
    %add3A_1080 = vector.broadcast %add3A_1079 : i32 to vector<16xi32>
    %add3A_1081 = arith.addi %xor3A_425, %add3A_1080 : vector<16xi32>
    %select_n3A_1082 = arith.select %lt3A_1078, %add3A_1081, %xor3A_425 : vector<16xi1>, vector<16xi32>
    %broadcast_in_dim3A_1083 = vector.shape_cast %select_n3A_1082 : vector<16xi32> to vector<16x1xi32>
    %gather3A_1084 = vector.shape_cast %broadcast_in_dim3A_1083 : vector<16x1xi32> to vector<16xi32>
    %gather3A_1085 = tpu.dynamic_gather %add3A_1075[%gather3A_1084] in [0] : vector<16xi32>, vector<16xi32> -> vector<16xi32>
    %add3A_1086 = arith.addi %add3A_1075, %gather3A_1085 : vector<16xi32>
    %slice3A_1087 = vector.extract_strided_slice %add3A_1086 {offsets = [0], sizes = [1], strides = [1]} : vector<16xi32> to vector<1xi32>
    %squeeze3A_1088 = vector.extract %slice3A_1087[0] : i32 from vector<1xi32>
    %swap3A_1089 = arith.constant 10 : i32
    %swap3A_1090 = arith.index_cast %swap3A_1089 : i32 to index
    %swap3A_1091 = memref.load %arg9[%swap3A_1090] : memref<32xi32, #tpu.memory_space<smem>>
    memref.store %squeeze3A_1088, %arg9[%swap3A_1090] : memref<32xi32, #tpu.memory_space<smem>>
    %get3A_1092 = arith.constant 176 : index
    %get3A_1093 = tpu.vector_load %arg6[%get3A_1092] {strides = array<i32>} : memref<512xi32, #tpu.memory_space<vmem>>, vector<16xi32>,
    %get3A_1094 = vector.shape_cast %get3A_1093 : vector<16xi32> to vector<16xi32>
    %eq3A_1095 = arith.constant 100000 : i32
    %eq3A_1096 = vector.broadcast %eq3A_1095 : i32 to vector<16xi32>
    %eq3A_1097 = arith.cmpi eq, %get3A_1094, %eq3A_1096 : vector<16xi32>
    %shift_left3A_1098 = arith.constant 1 : i32
    %shift_left3A_1099 = vector.broadcast %shift_left3A_1098 : i32 to vector<16xi32>
    %shift_left3A_1100 = arith.shli %shift_left3A_1099, %iota3A : vector<16xi32>
    %jit3A_1101 = arith.constant 0 : i32
    %broadcast_in_dim3A_1102 = vector.broadcast %jit3A_1101 : i32 to vector<16xi32>
    %select_n3A_1103 = arith.select %eq3A_1097, %shift_left3A_1100, %broadcast_in_dim3A_1102 : vector<16xi1>, vector<16xi32>
    %lt3A_1104 = arith.constant 0 : i32
    %lt3A_1105 = vector.broadcast %lt3A_1104 : i32 to vector<16xi32>
    %lt3A_1106 = arith.cmpi slt, %xor3A_416, %lt3A_1105 : vector<16xi32>
    %add3A_1107 = arith.constant 16 : i32
    %add3A_1108 = vector.broadcast %add3A_1107 : i32 to vector<16xi32>
    %add3A_1109 = arith.addi %xor3A_416, %add3A_1108 : vector<16xi32>
    %select_n3A_1110 = arith.select %lt3A_1106, %add3A_1109, %xor3A_416 : vector<16xi1>, vector<16xi32>
    %broadcast_in_dim3A_1111 = vector.shape_cast %select_n3A_1110 : vector<16xi32> to vector<16x1xi32>
    %gather3A_1112 = vector.shape_cast %broadcast_in_dim3A_1111 : vector<16x1xi32> to vector<16xi32>
    %gather3A_1113 = tpu.dynamic_gather %select_n3A_1103[%gather3A_1112] in [0] : vector<16xi32>, vector<16xi32> -> vector<16xi32>
    %add3A_1114 = arith.addi %select_n3A_1103, %gather3A_1113 : vector<16xi32>
    %lt3A_1115 = arith.constant 0 : i32
    %lt3A_1116 = vector.broadcast %lt3A_1115 : i32 to vector<16xi32>
    %lt3A_1117 = arith.cmpi slt, %xor3A_419, %lt3A_1116 : vector<16xi32>
    %add3A_1118 = arith.constant 16 : i32
    %add3A_1119 = vector.broadcast %add3A_1118 : i32 to vector<16xi32>
    %add3A_1120 = arith.addi %xor3A_419, %add3A_1119 : vector<16xi32>
    %select_n3A_1121 = arith.select %lt3A_1117, %add3A_1120, %xor3A_419 : vector<16xi1>, vector<16xi32>
    %broadcast_in_dim3A_1122 = vector.shape_cast %select_n3A_1121 : vector<16xi32> to vector<16x1xi32>
    %gather3A_1123 = vector.shape_cast %broadcast_in_dim3A_1122 : vector<16x1xi32> to vector<16xi32>
    %gather3A_1124 = tpu.dynamic_gather %add3A_1114[%gather3A_1123] in [0] : vector<16xi32>, vector<16xi32> -> vector<16xi32>
    %add3A_1125 = arith.addi %add3A_1114, %gather3A_1124 : vector<16xi32>
    %lt3A_1126 = arith.constant 0 : i32
    %lt3A_1127 = vector.broadcast %lt3A_1126 : i32 to vector<16xi32>
    %lt3A_1128 = arith.cmpi slt, %xor3A_422, %lt3A_1127 : vector<16xi32>
    %add3A_1129 = arith.constant 16 : i32
    %add3A_1130 = vector.broadcast %add3A_1129 : i32 to vector<16xi32>
    %add3A_1131 = arith.addi %xor3A_422, %add3A_1130 : vector<16xi32>
    %select_n3A_1132 = arith.select %lt3A_1128, %add3A_1131, %xor3A_422 : vector<16xi1>, vector<16xi32>
    %broadcast_in_dim3A_1133 = vector.shape_cast %select_n3A_1132 : vector<16xi32> to vector<16x1xi32>
    %gather3A_1134 = vector.shape_cast %broadcast_in_dim3A_1133 : vector<16x1xi32> to vector<16xi32>
    %gather3A_1135 = tpu.dynamic_gather %add3A_1125[%gather3A_1134] in [0] : vector<16xi32>, vector<16xi32> -> vector<16xi32>
    %add3A_1136 = arith.addi %add3A_1125, %gather3A_1135 : vector<16xi32>
    %lt3A_1137 = arith.constant 0 : i32
    %lt3A_1138 = vector.broadcast %lt3A_1137 : i32 to vector<16xi32>
    %lt3A_1139 = arith.cmpi slt, %xor3A_425, %lt3A_1138 : vector<16xi32>
    %add3A_1140 = arith.constant 16 : i32
    %add3A_1141 = vector.broadcast %add3A_1140 : i32 to vector<16xi32>
    %add3A_1142 = arith.addi %xor3A_425, %add3A_1141 : vector<16xi32>
    %select_n3A_1143 = arith.select %lt3A_1139, %add3A_1142, %xor3A_425 : vector<16xi1>, vector<16xi32>
    %broadcast_in_dim3A_1144 = vector.shape_cast %select_n3A_1143 : vector<16xi32> to vector<16x1xi32>
    %gather3A_1145 = vector.shape_cast %broadcast_in_dim3A_1144 : vector<16x1xi32> to vector<16xi32>
    %gather3A_1146 = tpu.dynamic_gather %add3A_1136[%gather3A_1145] in [0] : vector<16xi32>, vector<16xi32> -> vector<16xi32>
    %add3A_1147 = arith.addi %add3A_1136, %gather3A_1146 : vector<16xi32>
    %slice3A_1148 = vector.extract_strided_slice %add3A_1147 {offsets = [0], sizes = [1], strides = [1]} : vector<16xi32> to vector<1xi32>
    %squeeze3A_1149 = vector.extract %slice3A_1148[0] : i32 from vector<1xi32>
    %swap3A_1150 = arith.constant 11 : i32
    %swap3A_1151 = arith.index_cast %swap3A_1150 : i32 to index
    %swap3A_1152 = memref.load %arg9[%swap3A_1151] : memref<32xi32, #tpu.memory_space<smem>>
    memref.store %squeeze3A_1149, %arg9[%swap3A_1151] : memref<32xi32, #tpu.memory_space<smem>>
    %get3A_1153 = arith.constant 192 : index
    %get3A_1154 = tpu.vector_load %arg6[%get3A_1153] {strides = array<i32>} : memref<512xi32, #tpu.memory_space<vmem>>, vector<16xi32>,
    %get3A_1155 = vector.shape_cast %get3A_1154 : vector<16xi32> to vector<16xi32>
    %eq3A_1156 = arith.constant 100000 : i32
    %eq3A_1157 = vector.broadcast %eq3A_1156 : i32 to vector<16xi32>
    %eq3A_1158 = arith.cmpi eq, %get3A_1155, %eq3A_1157 : vector<16xi32>
    %shift_left3A_1159 = arith.constant 1 : i32
    %shift_left3A_1160 = vector.broadcast %shift_left3A_1159 : i32 to vector<16xi32>
    %shift_left3A_1161 = arith.shli %shift_left3A_1160, %iota3A : vector<16xi32>
    %jit3A_1162 = arith.constant 0 : i32
    %broadcast_in_dim3A_1163 = vector.broadcast %jit3A_1162 : i32 to vector<16xi32>
    %select_n3A_1164 = arith.select %eq3A_1158, %shift_left3A_1161, %broadcast_in_dim3A_1163 : vector<16xi1>, vector<16xi32>
    %lt3A_1165 = arith.constant 0 : i32
    %lt3A_1166 = vector.broadcast %lt3A_1165 : i32 to vector<16xi32>
    %lt3A_1167 = arith.cmpi slt, %xor3A_416, %lt3A_1166 : vector<16xi32>
    %add3A_1168 = arith.constant 16 : i32
    %add3A_1169 = vector.broadcast %add3A_1168 : i32 to vector<16xi32>
    %add3A_1170 = arith.addi %xor3A_416, %add3A_1169 : vector<16xi32>
    %select_n3A_1171 = arith.select %lt3A_1167, %add3A_1170, %xor3A_416 : vector<16xi1>, vector<16xi32>
    %broadcast_in_dim3A_1172 = vector.shape_cast %select_n3A_1171 : vector<16xi32> to vector<16x1xi32>
    %gather3A_1173 = vector.shape_cast %broadcast_in_dim3A_1172 : vector<16x1xi32> to vector<16xi32>
    %gather3A_1174 = tpu.dynamic_gather %select_n3A_1164[%gather3A_1173] in [0] : vector<16xi32>, vector<16xi32> -> vector<16xi32>
    %add3A_1175 = arith.addi %select_n3A_1164, %gather3A_1174 : vector<16xi32>
    %lt3A_1176 = arith.constant 0 : i32
    %lt3A_1177 = vector.broadcast %lt3A_1176 : i32 to vector<16xi32>
    %lt3A_1178 = arith.cmpi slt, %xor3A_419, %lt3A_1177 : vector<16xi32>
    %add3A_1179 = arith.constant 16 : i32
    %add3A_1180 = vector.broadcast %add3A_1179 : i32 to vector<16xi32>
    %add3A_1181 = arith.addi %xor3A_419, %add3A_1180 : vector<16xi32>
    %select_n3A_1182 = arith.select %lt3A_1178, %add3A_1181, %xor3A_419 : vector<16xi1>, vector<16xi32>
    %broadcast_in_dim3A_1183 = vector.shape_cast %select_n3A_1182 : vector<16xi32> to vector<16x1xi32>
    %gather3A_1184 = vector.shape_cast %broadcast_in_dim3A_1183 : vector<16x1xi32> to vector<16xi32>
    %gather3A_1185 = tpu.dynamic_gather %add3A_1175[%gather3A_1184] in [0] : vector<16xi32>, vector<16xi32> -> vector<16xi32>
    %add3A_1186 = arith.addi %add3A_1175, %gather3A_1185 : vector<16xi32>
    %lt3A_1187 = arith.constant 0 : i32
    %lt3A_1188 = vector.broadcast %lt3A_1187 : i32 to vector<16xi32>
    %lt3A_1189 = arith.cmpi slt, %xor3A_422, %lt3A_1188 : vector<16xi32>
    %add3A_1190 = arith.constant 16 : i32
    %add3A_1191 = vector.broadcast %add3A_1190 : i32 to vector<16xi32>
    %add3A_1192 = arith.addi %xor3A_422, %add3A_1191 : vector<16xi32>
    %select_n3A_1193 = arith.select %lt3A_1189, %add3A_1192, %xor3A_422 : vector<16xi1>, vector<16xi32>
    %broadcast_in_dim3A_1194 = vector.shape_cast %select_n3A_1193 : vector<16xi32> to vector<16x1xi32>
    %gather3A_1195 = vector.shape_cast %broadcast_in_dim3A_1194 : vector<16x1xi32> to vector<16xi32>
    %gather3A_1196 = tpu.dynamic_gather %add3A_1186[%gather3A_1195] in [0] : vector<16xi32>, vector<16xi32> -> vector<16xi32>
    %add3A_1197 = arith.addi %add3A_1186, %gather3A_1196 : vector<16xi32>
    %lt3A_1198 = arith.constant 0 : i32
    %lt3A_1199 = vector.broadcast %lt3A_1198 : i32 to vector<16xi32>
    %lt3A_1200 = arith.cmpi slt, %xor3A_425, %lt3A_1199 : vector<16xi32>
    %add3A_1201 = arith.constant 16 : i32
    %add3A_1202 = vector.broadcast %add3A_1201 : i32 to vector<16xi32>
    %add3A_1203 = arith.addi %xor3A_425, %add3A_1202 : vector<16xi32>
    %select_n3A_1204 = arith.select %lt3A_1200, %add3A_1203, %xor3A_425 : vector<16xi1>, vector<16xi32>
    %broadcast_in_dim3A_1205 = vector.shape_cast %select_n3A_1204 : vector<16xi32> to vector<16x1xi32>
    %gather3A_1206 = vector.shape_cast %broadcast_in_dim3A_1205 : vector<16x1xi32> to vector<16xi32>
    %gather3A_1207 = tpu.dynamic_gather %add3A_1197[%gather3A_1206] in [0] : vector<16xi32>, vector<16xi32> -> vector<16xi32>
    %add3A_1208 = arith.addi %add3A_1197, %gather3A_1207 : vector<16xi32>
    %slice3A_1209 = vector.extract_strided_slice %add3A_1208 {offsets = [0], sizes = [1], strides = [1]} : vector<16xi32> to vector<1xi32>
    %squeeze3A_1210 = vector.extract %slice3A_1209[0] : i32 from vector<1xi32>
    %swap3A_1211 = arith.constant 12 : i32
    %swap3A_1212 = arith.index_cast %swap3A_1211 : i32 to index
    %swap3A_1213 = memref.load %arg9[%swap3A_1212] : memref<32xi32, #tpu.memory_space<smem>>
    memref.store %squeeze3A_1210, %arg9[%swap3A_1212] : memref<32xi32, #tpu.memory_space<smem>>
    %get3A_1214 = arith.constant 208 : index
    %get3A_1215 = tpu.vector_load %arg6[%get3A_1214] {strides = array<i32>} : memref<512xi32, #tpu.memory_space<vmem>>, vector<16xi32>,
    %get3A_1216 = vector.shape_cast %get3A_1215 : vector<16xi32> to vector<16xi32>
    %eq3A_1217 = arith.constant 100000 : i32
    %eq3A_1218 = vector.broadcast %eq3A_1217 : i32 to vector<16xi32>
    %eq3A_1219 = arith.cmpi eq, %get3A_1216, %eq3A_1218 : vector<16xi32>
    %shift_left3A_1220 = arith.constant 1 : i32
    %shift_left3A_1221 = vector.broadcast %shift_left3A_1220 : i32 to vector<16xi32>
    %shift_left3A_1222 = arith.shli %shift_left3A_1221, %iota3A : vector<16xi32>
    %jit3A_1223 = arith.constant 0 : i32
    %broadcast_in_dim3A_1224 = vector.broadcast %jit3A_1223 : i32 to vector<16xi32>
    %select_n3A_1225 = arith.select %eq3A_1219, %shift_left3A_1222, %broadcast_in_dim3A_1224 : vector<16xi1>, vector<16xi32>
    %lt3A_1226 = arith.constant 0 : i32
    %lt3A_1227 = vector.broadcast %lt3A_1226 : i32 to vector<16xi32>
    %lt3A_1228 = arith.cmpi slt, %xor3A_416, %lt3A_1227 : vector<16xi32>
    %add3A_1229 = arith.constant 16 : i32
    %add3A_1230 = vector.broadcast %add3A_1229 : i32 to vector<16xi32>
    %add3A_1231 = arith.addi %xor3A_416, %add3A_1230 : vector<16xi32>
    %select_n3A_1232 = arith.select %lt3A_1228, %add3A_1231, %xor3A_416 : vector<16xi1>, vector<16xi32>
    %broadcast_in_dim3A_1233 = vector.shape_cast %select_n3A_1232 : vector<16xi32> to vector<16x1xi32>
    %gather3A_1234 = vector.shape_cast %broadcast_in_dim3A_1233 : vector<16x1xi32> to vector<16xi32>
    %gather3A_1235 = tpu.dynamic_gather %select_n3A_1225[%gather3A_1234] in [0] : vector<16xi32>, vector<16xi32> -> vector<16xi32>
    %add3A_1236 = arith.addi %select_n3A_1225, %gather3A_1235 : vector<16xi32>
    %lt3A_1237 = arith.constant 0 : i32
    %lt3A_1238 = vector.broadcast %lt3A_1237 : i32 to vector<16xi32>
    %lt3A_1239 = arith.cmpi slt, %xor3A_419, %lt3A_1238 : vector<16xi32>
    %add3A_1240 = arith.constant 16 : i32
    %add3A_1241 = vector.broadcast %add3A_1240 : i32 to vector<16xi32>
    %add3A_1242 = arith.addi %xor3A_419, %add3A_1241 : vector<16xi32>
    %select_n3A_1243 = arith.select %lt3A_1239, %add3A_1242, %xor3A_419 : vector<16xi1>, vector<16xi32>
    %broadcast_in_dim3A_1244 = vector.shape_cast %select_n3A_1243 : vector<16xi32> to vector<16x1xi32>
    %gather3A_1245 = vector.shape_cast %broadcast_in_dim3A_1244 : vector<16x1xi32> to vector<16xi32>
    %gather3A_1246 = tpu.dynamic_gather %add3A_1236[%gather3A_1245] in [0] : vector<16xi32>, vector<16xi32> -> vector<16xi32>
    %add3A_1247 = arith.addi %add3A_1236, %gather3A_1246 : vector<16xi32>
    %lt3A_1248 = arith.constant 0 : i32
    %lt3A_1249 = vector.broadcast %lt3A_1248 : i32 to vector<16xi32>
    %lt3A_1250 = arith.cmpi slt, %xor3A_422, %lt3A_1249 : vector<16xi32>
    %add3A_1251 = arith.constant 16 : i32
    %add3A_1252 = vector.broadcast %add3A_1251 : i32 to vector<16xi32>
    %add3A_1253 = arith.addi %xor3A_422, %add3A_1252 : vector<16xi32>
    %select_n3A_1254 = arith.select %lt3A_1250, %add3A_1253, %xor3A_422 : vector<16xi1>, vector<16xi32>
    %broadcast_in_dim3A_1255 = vector.shape_cast %select_n3A_1254 : vector<16xi32> to vector<16x1xi32>
    %gather3A_1256 = vector.shape_cast %broadcast_in_dim3A_1255 : vector<16x1xi32> to vector<16xi32>
    %gather3A_1257 = tpu.dynamic_gather %add3A_1247[%gather3A_1256] in [0] : vector<16xi32>, vector<16xi32> -> vector<16xi32>
    %add3A_1258 = arith.addi %add3A_1247, %gather3A_1257 : vector<16xi32>
    %lt3A_1259 = arith.constant 0 : i32
    %lt3A_1260 = vector.broadcast %lt3A_1259 : i32 to vector<16xi32>
    %lt3A_1261 = arith.cmpi slt, %xor3A_425, %lt3A_1260 : vector<16xi32>
    %add3A_1262 = arith.constant 16 : i32
    %add3A_1263 = vector.broadcast %add3A_1262 : i32 to vector<16xi32>
    %add3A_1264 = arith.addi %xor3A_425, %add3A_1263 : vector<16xi32>
    %select_n3A_1265 = arith.select %lt3A_1261, %add3A_1264, %xor3A_425 : vector<16xi1>, vector<16xi32>
    %broadcast_in_dim3A_1266 = vector.shape_cast %select_n3A_1265 : vector<16xi32> to vector<16x1xi32>
    %gather3A_1267 = vector.shape_cast %broadcast_in_dim3A_1266 : vector<16x1xi32> to vector<16xi32>
    %gather3A_1268 = tpu.dynamic_gather %add3A_1258[%gather3A_1267] in [0] : vector<16xi32>, vector<16xi32> -> vector<16xi32>
    %add3A_1269 = arith.addi %add3A_1258, %gather3A_1268 : vector<16xi32>
    %slice3A_1270 = vector.extract_strided_slice %add3A_1269 {offsets = [0], sizes = [1], strides = [1]} : vector<16xi32> to vector<1xi32>
    %squeeze3A_1271 = vector.extract %slice3A_1270[0] : i32 from vector<1xi32>
    %swap3A_1272 = arith.constant 13 : i32
    %swap3A_1273 = arith.index_cast %swap3A_1272 : i32 to index
    %swap3A_1274 = memref.load %arg9[%swap3A_1273] : memref<32xi32, #tpu.memory_space<smem>>
    memref.store %squeeze3A_1271, %arg9[%swap3A_1273] : memref<32xi32, #tpu.memory_space<smem>>
    %get3A_1275 = arith.constant 224 : index
    %get3A_1276 = tpu.vector_load %arg6[%get3A_1275] {strides = array<i32>} : memref<512xi32, #tpu.memory_space<vmem>>, vector<16xi32>,
    %get3A_1277 = vector.shape_cast %get3A_1276 : vector<16xi32> to vector<16xi32>
    %eq3A_1278 = arith.constant 100000 : i32
    %eq3A_1279 = vector.broadcast %eq3A_1278 : i32 to vector<16xi32>
    %eq3A_1280 = arith.cmpi eq, %get3A_1277, %eq3A_1279 : vector<16xi32>
    %shift_left3A_1281 = arith.constant 1 : i32
    %shift_left3A_1282 = vector.broadcast %shift_left3A_1281 : i32 to vector<16xi32>
    %shift_left3A_1283 = arith.shli %shift_left3A_1282, %iota3A : vector<16xi32>
    %jit3A_1284 = arith.constant 0 : i32
    %broadcast_in_dim3A_1285 = vector.broadcast %jit3A_1284 : i32 to vector<16xi32>
    %select_n3A_1286 = arith.select %eq3A_1280, %shift_left3A_1283, %broadcast_in_dim3A_1285 : vector<16xi1>, vector<16xi32>
    %lt3A_1287 = arith.constant 0 : i32
    %lt3A_1288 = vector.broadcast %lt3A_1287 : i32 to vector<16xi32>
    %lt3A_1289 = arith.cmpi slt, %xor3A_416, %lt3A_1288 : vector<16xi32>
    %add3A_1290 = arith.constant 16 : i32
    %add3A_1291 = vector.broadcast %add3A_1290 : i32 to vector<16xi32>
    %add3A_1292 = arith.addi %xor3A_416, %add3A_1291 : vector<16xi32>
    %select_n3A_1293 = arith.select %lt3A_1289, %add3A_1292, %xor3A_416 : vector<16xi1>, vector<16xi32>
    %broadcast_in_dim3A_1294 = vector.shape_cast %select_n3A_1293 : vector<16xi32> to vector<16x1xi32>
    %gather3A_1295 = vector.shape_cast %broadcast_in_dim3A_1294 : vector<16x1xi32> to vector<16xi32>
    %gather3A_1296 = tpu.dynamic_gather %select_n3A_1286[%gather3A_1295] in [0] : vector<16xi32>, vector<16xi32> -> vector<16xi32>
    %add3A_1297 = arith.addi %select_n3A_1286, %gather3A_1296 : vector<16xi32>
    %lt3A_1298 = arith.constant 0 : i32
    %lt3A_1299 = vector.broadcast %lt3A_1298 : i32 to vector<16xi32>
    %lt3A_1300 = arith.cmpi slt, %xor3A_419, %lt3A_1299 : vector<16xi32>
    %add3A_1301 = arith.constant 16 : i32
    %add3A_1302 = vector.broadcast %add3A_1301 : i32 to vector<16xi32>
    %add3A_1303 = arith.addi %xor3A_419, %add3A_1302 : vector<16xi32>
    %select_n3A_1304 = arith.select %lt3A_1300, %add3A_1303, %xor3A_419 : vector<16xi1>, vector<16xi32>
    %broadcast_in_dim3A_1305 = vector.shape_cast %select_n3A_1304 : vector<16xi32> to vector<16x1xi32>
    %gather3A_1306 = vector.shape_cast %broadcast_in_dim3A_1305 : vector<16x1xi32> to vector<16xi32>
    %gather3A_1307 = tpu.dynamic_gather %add3A_1297[%gather3A_1306] in [0] : vector<16xi32>, vector<16xi32> -> vector<16xi32>
    %add3A_1308 = arith.addi %add3A_1297, %gather3A_1307 : vector<16xi32>
    %lt3A_1309 = arith.constant 0 : i32
    %lt3A_1310 = vector.broadcast %lt3A_1309 : i32 to vector<16xi32>
    %lt3A_1311 = arith.cmpi slt, %xor3A_422, %lt3A_1310 : vector<16xi32>
    %add3A_1312 = arith.constant 16 : i32
    %add3A_1313 = vector.broadcast %add3A_1312 : i32 to vector<16xi32>
    %add3A_1314 = arith.addi %xor3A_422, %add3A_1313 : vector<16xi32>
    %select_n3A_1315 = arith.select %lt3A_1311, %add3A_1314, %xor3A_422 : vector<16xi1>, vector<16xi32>
    %broadcast_in_dim3A_1316 = vector.shape_cast %select_n3A_1315 : vector<16xi32> to vector<16x1xi32>
    %gather3A_1317 = vector.shape_cast %broadcast_in_dim3A_1316 : vector<16x1xi32> to vector<16xi32>
    %gather3A_1318 = tpu.dynamic_gather %add3A_1308[%gather3A_1317] in [0] : vector<16xi32>, vector<16xi32> -> vector<16xi32>
    %add3A_1319 = arith.addi %add3A_1308, %gather3A_1318 : vector<16xi32>
    %lt3A_1320 = arith.constant 0 : i32
    %lt3A_1321 = vector.broadcast %lt3A_1320 : i32 to vector<16xi32>
    %lt3A_1322 = arith.cmpi slt, %xor3A_425, %lt3A_1321 : vector<16xi32>
    %add3A_1323 = arith.constant 16 : i32
    %add3A_1324 = vector.broadcast %add3A_1323 : i32 to vector<16xi32>
    %add3A_1325 = arith.addi %xor3A_425, %add3A_1324 : vector<16xi32>
    %select_n3A_1326 = arith.select %lt3A_1322, %add3A_1325, %xor3A_425 : vector<16xi1>, vector<16xi32>
    %broadcast_in_dim3A_1327 = vector.shape_cast %select_n3A_1326 : vector<16xi32> to vector<16x1xi32>
    %gather3A_1328 = vector.shape_cast %broadcast_in_dim3A_1327 : vector<16x1xi32> to vector<16xi32>
    %gather3A_1329 = tpu.dynamic_gather %add3A_1319[%gather3A_1328] in [0] : vector<16xi32>, vector<16xi32> -> vector<16xi32>
    %add3A_1330 = arith.addi %add3A_1319, %gather3A_1329 : vector<16xi32>
    %slice3A_1331 = vector.extract_strided_slice %add3A_1330 {offsets = [0], sizes = [1], strides = [1]} : vector<16xi32> to vector<1xi32>
    %squeeze3A_1332 = vector.extract %slice3A_1331[0] : i32 from vector<1xi32>
    %swap3A_1333 = arith.constant 14 : i32
    %swap3A_1334 = arith.index_cast %swap3A_1333 : i32 to index
    %swap3A_1335 = memref.load %arg9[%swap3A_1334] : memref<32xi32, #tpu.memory_space<smem>>
    memref.store %squeeze3A_1332, %arg9[%swap3A_1334] : memref<32xi32, #tpu.memory_space<smem>>
    %get3A_1336 = arith.constant 240 : index
    %get3A_1337 = tpu.vector_load %arg6[%get3A_1336] {strides = array<i32>} : memref<512xi32, #tpu.memory_space<vmem>>, vector<16xi32>,
    %get3A_1338 = vector.shape_cast %get3A_1337 : vector<16xi32> to vector<16xi32>
    %eq3A_1339 = arith.constant 100000 : i32
    %eq3A_1340 = vector.broadcast %eq3A_1339 : i32 to vector<16xi32>
    %eq3A_1341 = arith.cmpi eq, %get3A_1338, %eq3A_1340 : vector<16xi32>
    %shift_left3A_1342 = arith.constant 1 : i32
    %shift_left3A_1343 = vector.broadcast %shift_left3A_1342 : i32 to vector<16xi32>
    %shift_left3A_1344 = arith.shli %shift_left3A_1343, %iota3A : vector<16xi32>
    %jit3A_1345 = arith.constant 0 : i32
    %broadcast_in_dim3A_1346 = vector.broadcast %jit3A_1345 : i32 to vector<16xi32>
    %select_n3A_1347 = arith.select %eq3A_1341, %shift_left3A_1344, %broadcast_in_dim3A_1346 : vector<16xi1>, vector<16xi32>
    %lt3A_1348 = arith.constant 0 : i32
    %lt3A_1349 = vector.broadcast %lt3A_1348 : i32 to vector<16xi32>
    %lt3A_1350 = arith.cmpi slt, %xor3A_416, %lt3A_1349 : vector<16xi32>
    %add3A_1351 = arith.constant 16 : i32
    %add3A_1352 = vector.broadcast %add3A_1351 : i32 to vector<16xi32>
    %add3A_1353 = arith.addi %xor3A_416, %add3A_1352 : vector<16xi32>
    %select_n3A_1354 = arith.select %lt3A_1350, %add3A_1353, %xor3A_416 : vector<16xi1>, vector<16xi32>
    %broadcast_in_dim3A_1355 = vector.shape_cast %select_n3A_1354 : vector<16xi32> to vector<16x1xi32>
    %gather3A_1356 = vector.shape_cast %broadcast_in_dim3A_1355 : vector<16x1xi32> to vector<16xi32>
    %gather3A_1357 = tpu.dynamic_gather %select_n3A_1347[%gather3A_1356] in [0] : vector<16xi32>, vector<16xi32> -> vector<16xi32>
    %add3A_1358 = arith.addi %select_n3A_1347, %gather3A_1357 : vector<16xi32>
    %lt3A_1359 = arith.constant 0 : i32
    %lt3A_1360 = vector.broadcast %lt3A_1359 : i32 to vector<16xi32>
    %lt3A_1361 = arith.cmpi slt, %xor3A_419, %lt3A_1360 : vector<16xi32>
    %add3A_1362 = arith.constant 16 : i32
    %add3A_1363 = vector.broadcast %add3A_1362 : i32 to vector<16xi32>
    %add3A_1364 = arith.addi %xor3A_419, %add3A_1363 : vector<16xi32>
    %select_n3A_1365 = arith.select %lt3A_1361, %add3A_1364, %xor3A_419 : vector<16xi1>, vector<16xi32>
    %broadcast_in_dim3A_1366 = vector.shape_cast %select_n3A_1365 : vector<16xi32> to vector<16x1xi32>
    %gather3A_1367 = vector.shape_cast %broadcast_in_dim3A_1366 : vector<16x1xi32> to vector<16xi32>
    %gather3A_1368 = tpu.dynamic_gather %add3A_1358[%gather3A_1367] in [0] : vector<16xi32>, vector<16xi32> -> vector<16xi32>
    %add3A_1369 = arith.addi %add3A_1358, %gather3A_1368 : vector<16xi32>
    %lt3A_1370 = arith.constant 0 : i32
    %lt3A_1371 = vector.broadcast %lt3A_1370 : i32 to vector<16xi32>
    %lt3A_1372 = arith.cmpi slt, %xor3A_422, %lt3A_1371 : vector<16xi32>
    %add3A_1373 = arith.constant 16 : i32
    %add3A_1374 = vector.broadcast %add3A_1373 : i32 to vector<16xi32>
    %add3A_1375 = arith.addi %xor3A_422, %add3A_1374 : vector<16xi32>
    %select_n3A_1376 = arith.select %lt3A_1372, %add3A_1375, %xor3A_422 : vector<16xi1>, vector<16xi32>
    %broadcast_in_dim3A_1377 = vector.shape_cast %select_n3A_1376 : vector<16xi32> to vector<16x1xi32>
    %gather3A_1378 = vector.shape_cast %broadcast_in_dim3A_1377 : vector<16x1xi32> to vector<16xi32>
    %gather3A_1379 = tpu.dynamic_gather %add3A_1369[%gather3A_1378] in [0] : vector<16xi32>, vector<16xi32> -> vector<16xi32>
    %add3A_1380 = arith.addi %add3A_1369, %gather3A_1379 : vector<16xi32>
    %lt3A_1381 = arith.constant 0 : i32
    %lt3A_1382 = vector.broadcast %lt3A_1381 : i32 to vector<16xi32>
    %lt3A_1383 = arith.cmpi slt, %xor3A_425, %lt3A_1382 : vector<16xi32>
    %add3A_1384 = arith.constant 16 : i32
    %add3A_1385 = vector.broadcast %add3A_1384 : i32 to vector<16xi32>
    %add3A_1386 = arith.addi %xor3A_425, %add3A_1385 : vector<16xi32>
    %select_n3A_1387 = arith.select %lt3A_1383, %add3A_1386, %xor3A_425 : vector<16xi1>, vector<16xi32>
    %broadcast_in_dim3A_1388 = vector.shape_cast %select_n3A_1387 : vector<16xi32> to vector<16x1xi32>
    %gather3A_1389 = vector.shape_cast %broadcast_in_dim3A_1388 : vector<16x1xi32> to vector<16xi32>
    %gather3A_1390 = tpu.dynamic_gather %add3A_1380[%gather3A_1389] in [0] : vector<16xi32>, vector<16xi32> -> vector<16xi32>
    %add3A_1391 = arith.addi %add3A_1380, %gather3A_1390 : vector<16xi32>
    %slice3A_1392 = vector.extract_strided_slice %add3A_1391 {offsets = [0], sizes = [1], strides = [1]} : vector<16xi32> to vector<1xi32>
    %squeeze3A_1393 = vector.extract %slice3A_1392[0] : i32 from vector<1xi32>
    %swap3A_1394 = arith.constant 15 : i32
    %swap3A_1395 = arith.index_cast %swap3A_1394 : i32 to index
    %swap3A_1396 = memref.load %arg9[%swap3A_1395] : memref<32xi32, #tpu.memory_space<smem>>
    memref.store %squeeze3A_1393, %arg9[%swap3A_1395] : memref<32xi32, #tpu.memory_space<smem>>
    %get3A_1397 = arith.constant 256 : index
    %get3A_1398 = tpu.vector_load %arg6[%get3A_1397] {strides = array<i32>} : memref<512xi32, #tpu.memory_space<vmem>>, vector<16xi32>,
    %get3A_1399 = vector.shape_cast %get3A_1398 : vector<16xi32> to vector<16xi32>
    %eq3A_1400 = arith.constant 100000 : i32
    %eq3A_1401 = vector.broadcast %eq3A_1400 : i32 to vector<16xi32>
    %eq3A_1402 = arith.cmpi eq, %get3A_1399, %eq3A_1401 : vector<16xi32>
    %shift_left3A_1403 = arith.constant 1 : i32
    %shift_left3A_1404 = vector.broadcast %shift_left3A_1403 : i32 to vector<16xi32>
    %shift_left3A_1405 = arith.shli %shift_left3A_1404, %iota3A : vector<16xi32>
    %jit3A_1406 = arith.constant 0 : i32
    %broadcast_in_dim3A_1407 = vector.broadcast %jit3A_1406 : i32 to vector<16xi32>
    %select_n3A_1408 = arith.select %eq3A_1402, %shift_left3A_1405, %broadcast_in_dim3A_1407 : vector<16xi1>, vector<16xi32>
    %lt3A_1409 = arith.constant 0 : i32
    %lt3A_1410 = vector.broadcast %lt3A_1409 : i32 to vector<16xi32>
    %lt3A_1411 = arith.cmpi slt, %xor3A_416, %lt3A_1410 : vector<16xi32>
    %add3A_1412 = arith.constant 16 : i32
    %add3A_1413 = vector.broadcast %add3A_1412 : i32 to vector<16xi32>
    %add3A_1414 = arith.addi %xor3A_416, %add3A_1413 : vector<16xi32>
    %select_n3A_1415 = arith.select %lt3A_1411, %add3A_1414, %xor3A_416 : vector<16xi1>, vector<16xi32>
    %broadcast_in_dim3A_1416 = vector.shape_cast %select_n3A_1415 : vector<16xi32> to vector<16x1xi32>
    %gather3A_1417 = vector.shape_cast %broadcast_in_dim3A_1416 : vector<16x1xi32> to vector<16xi32>
    %gather3A_1418 = tpu.dynamic_gather %select_n3A_1408[%gather3A_1417] in [0] : vector<16xi32>, vector<16xi32> -> vector<16xi32>
    %add3A_1419 = arith.addi %select_n3A_1408, %gather3A_1418 : vector<16xi32>
    %lt3A_1420 = arith.constant 0 : i32
    %lt3A_1421 = vector.broadcast %lt3A_1420 : i32 to vector<16xi32>
    %lt3A_1422 = arith.cmpi slt, %xor3A_419, %lt3A_1421 : vector<16xi32>
    %add3A_1423 = arith.constant 16 : i32
    %add3A_1424 = vector.broadcast %add3A_1423 : i32 to vector<16xi32>
    %add3A_1425 = arith.addi %xor3A_419, %add3A_1424 : vector<16xi32>
    %select_n3A_1426 = arith.select %lt3A_1422, %add3A_1425, %xor3A_419 : vector<16xi1>, vector<16xi32>
    %broadcast_in_dim3A_1427 = vector.shape_cast %select_n3A_1426 : vector<16xi32> to vector<16x1xi32>
    %gather3A_1428 = vector.shape_cast %broadcast_in_dim3A_1427 : vector<16x1xi32> to vector<16xi32>
    %gather3A_1429 = tpu.dynamic_gather %add3A_1419[%gather3A_1428] in [0] : vector<16xi32>, vector<16xi32> -> vector<16xi32>
    %add3A_1430 = arith.addi %add3A_1419, %gather3A_1429 : vector<16xi32>
    %lt3A_1431 = arith.constant 0 : i32
    %lt3A_1432 = vector.broadcast %lt3A_1431 : i32 to vector<16xi32>
    %lt3A_1433 = arith.cmpi slt, %xor3A_422, %lt3A_1432 : vector<16xi32>
    %add3A_1434 = arith.constant 16 : i32
    %add3A_1435 = vector.broadcast %add3A_1434 : i32 to vector<16xi32>
    %add3A_1436 = arith.addi %xor3A_422, %add3A_1435 : vector<16xi32>
    %select_n3A_1437 = arith.select %lt3A_1433, %add3A_1436, %xor3A_422 : vector<16xi1>, vector<16xi32>
    %broadcast_in_dim3A_1438 = vector.shape_cast %select_n3A_1437 : vector<16xi32> to vector<16x1xi32>
    %gather3A_1439 = vector.shape_cast %broadcast_in_dim3A_1438 : vector<16x1xi32> to vector<16xi32>
    %gather3A_1440 = tpu.dynamic_gather %add3A_1430[%gather3A_1439] in [0] : vector<16xi32>, vector<16xi32> -> vector<16xi32>
    %add3A_1441 = arith.addi %add3A_1430, %gather3A_1440 : vector<16xi32>
    %lt3A_1442 = arith.constant 0 : i32
    %lt3A_1443 = vector.broadcast %lt3A_1442 : i32 to vector<16xi32>
    %lt3A_1444 = arith.cmpi slt, %xor3A_425, %lt3A_1443 : vector<16xi32>
    %add3A_1445 = arith.constant 16 : i32
    %add3A_1446 = vector.broadcast %add3A_1445 : i32 to vector<16xi32>
    %add3A_1447 = arith.addi %xor3A_425, %add3A_1446 : vector<16xi32>
    %select_n3A_1448 = arith.select %lt3A_1444, %add3A_1447, %xor3A_425 : vector<16xi1>, vector<16xi32>
    %broadcast_in_dim3A_1449 = vector.shape_cast %select_n3A_1448 : vector<16xi32> to vector<16x1xi32>
    %gather3A_1450 = vector.shape_cast %broadcast_in_dim3A_1449 : vector<16x1xi32> to vector<16xi32>
    %gather3A_1451 = tpu.dynamic_gather %add3A_1441[%gather3A_1450] in [0] : vector<16xi32>, vector<16xi32> -> vector<16xi32>
    %add3A_1452 = arith.addi %add3A_1441, %gather3A_1451 : vector<16xi32>
    %slice3A_1453 = vector.extract_strided_slice %add3A_1452 {offsets = [0], sizes = [1], strides = [1]} : vector<16xi32> to vector<1xi32>
    %squeeze3A_1454 = vector.extract %slice3A_1453[0] : i32 from vector<1xi32>
    %swap3A_1455 = arith.constant 16 : i32
    %swap3A_1456 = arith.index_cast %swap3A_1455 : i32 to index
    %swap3A_1457 = memref.load %arg9[%swap3A_1456] : memref<32xi32, #tpu.memory_space<smem>>
    memref.store %squeeze3A_1454, %arg9[%swap3A_1456] : memref<32xi32, #tpu.memory_space<smem>>
    %get3A_1458 = arith.constant 272 : index
    %get3A_1459 = tpu.vector_load %arg6[%get3A_1458] {strides = array<i32>} : memref<512xi32, #tpu.memory_space<vmem>>, vector<16xi32>,
    %get3A_1460 = vector.shape_cast %get3A_1459 : vector<16xi32> to vector<16xi32>
    %eq3A_1461 = arith.constant 100000 : i32
    %eq3A_1462 = vector.broadcast %eq3A_1461 : i32 to vector<16xi32>
    %eq3A_1463 = arith.cmpi eq, %get3A_1460, %eq3A_1462 : vector<16xi32>
    %shift_left3A_1464 = arith.constant 1 : i32
    %shift_left3A_1465 = vector.broadcast %shift_left3A_1464 : i32 to vector<16xi32>
    %shift_left3A_1466 = arith.shli %shift_left3A_1465, %iota3A : vector<16xi32>
    %jit3A_1467 = arith.constant 0 : i32
    %broadcast_in_dim3A_1468 = vector.broadcast %jit3A_1467 : i32 to vector<16xi32>
    %select_n3A_1469 = arith.select %eq3A_1463, %shift_left3A_1466, %broadcast_in_dim3A_1468 : vector<16xi1>, vector<16xi32>
    %lt3A_1470 = arith.constant 0 : i32
    %lt3A_1471 = vector.broadcast %lt3A_1470 : i32 to vector<16xi32>
    %lt3A_1472 = arith.cmpi slt, %xor3A_416, %lt3A_1471 : vector<16xi32>
    %add3A_1473 = arith.constant 16 : i32
    %add3A_1474 = vector.broadcast %add3A_1473 : i32 to vector<16xi32>
    %add3A_1475 = arith.addi %xor3A_416, %add3A_1474 : vector<16xi32>
    %select_n3A_1476 = arith.select %lt3A_1472, %add3A_1475, %xor3A_416 : vector<16xi1>, vector<16xi32>
    %broadcast_in_dim3A_1477 = vector.shape_cast %select_n3A_1476 : vector<16xi32> to vector<16x1xi32>
    %gather3A_1478 = vector.shape_cast %broadcast_in_dim3A_1477 : vector<16x1xi32> to vector<16xi32>
    %gather3A_1479 = tpu.dynamic_gather %select_n3A_1469[%gather3A_1478] in [0] : vector<16xi32>, vector<16xi32> -> vector<16xi32>
    %add3A_1480 = arith.addi %select_n3A_1469, %gather3A_1479 : vector<16xi32>
    %lt3A_1481 = arith.constant 0 : i32
    %lt3A_1482 = vector.broadcast %lt3A_1481 : i32 to vector<16xi32>
    %lt3A_1483 = arith.cmpi slt, %xor3A_419, %lt3A_1482 : vector<16xi32>
    %add3A_1484 = arith.constant 16 : i32
    %add3A_1485 = vector.broadcast %add3A_1484 : i32 to vector<16xi32>
    %add3A_1486 = arith.addi %xor3A_419, %add3A_1485 : vector<16xi32>
    %select_n3A_1487 = arith.select %lt3A_1483, %add3A_1486, %xor3A_419 : vector<16xi1>, vector<16xi32>
    %broadcast_in_dim3A_1488 = vector.shape_cast %select_n3A_1487 : vector<16xi32> to vector<16x1xi32>
    %gather3A_1489 = vector.shape_cast %broadcast_in_dim3A_1488 : vector<16x1xi32> to vector<16xi32>
    %gather3A_1490 = tpu.dynamic_gather %add3A_1480[%gather3A_1489] in [0] : vector<16xi32>, vector<16xi32> -> vector<16xi32>
    %add3A_1491 = arith.addi %add3A_1480, %gather3A_1490 : vector<16xi32>
    %lt3A_1492 = arith.constant 0 : i32
    %lt3A_1493 = vector.broadcast %lt3A_1492 : i32 to vector<16xi32>
    %lt3A_1494 = arith.cmpi slt, %xor3A_422, %lt3A_1493 : vector<16xi32>
    %add3A_1495 = arith.constant 16 : i32
    %add3A_1496 = vector.broadcast %add3A_1495 : i32 to vector<16xi32>
    %add3A_1497 = arith.addi %xor3A_422, %add3A_1496 : vector<16xi32>
    %select_n3A_1498 = arith.select %lt3A_1494, %add3A_1497, %xor3A_422 : vector<16xi1>, vector<16xi32>
    %broadcast_in_dim3A_1499 = vector.shape_cast %select_n3A_1498 : vector<16xi32> to vector<16x1xi32>
    %gather3A_1500 = vector.shape_cast %broadcast_in_dim3A_1499 : vector<16x1xi32> to vector<16xi32>
    %gather3A_1501 = tpu.dynamic_gather %add3A_1491[%gather3A_1500] in [0] : vector<16xi32>, vector<16xi32> -> vector<16xi32>
    %add3A_1502 = arith.addi %add3A_1491, %gather3A_1501 : vector<16xi32>
    %lt3A_1503 = arith.constant 0 : i32
    %lt3A_1504 = vector.broadcast %lt3A_1503 : i32 to vector<16xi32>
    %lt3A_1505 = arith.cmpi slt, %xor3A_425, %lt3A_1504 : vector<16xi32>
    %add3A_1506 = arith.constant 16 : i32
    %add3A_1507 = vector.broadcast %add3A_1506 : i32 to vector<16xi32>
    %add3A_1508 = arith.addi %xor3A_425, %add3A_1507 : vector<16xi32>
    %select_n3A_1509 = arith.select %lt3A_1505, %add3A_1508, %xor3A_425 : vector<16xi1>, vector<16xi32>
    %broadcast_in_dim3A_1510 = vector.shape_cast %select_n3A_1509 : vector<16xi32> to vector<16x1xi32>
    %gather3A_1511 = vector.shape_cast %broadcast_in_dim3A_1510 : vector<16x1xi32> to vector<16xi32>
    %gather3A_1512 = tpu.dynamic_gather %add3A_1502[%gather3A_1511] in [0] : vector<16xi32>, vector<16xi32> -> vector<16xi32>
    %add3A_1513 = arith.addi %add3A_1502, %gather3A_1512 : vector<16xi32>
    %slice3A_1514 = vector.extract_strided_slice %add3A_1513 {offsets = [0], sizes = [1], strides = [1]} : vector<16xi32> to vector<1xi32>
    %squeeze3A_1515 = vector.extract %slice3A_1514[0] : i32 from vector<1xi32>
    %swap3A_1516 = arith.constant 17 : i32
    %swap3A_1517 = arith.index_cast %swap3A_1516 : i32 to index
    %swap3A_1518 = memref.load %arg9[%swap3A_1517] : memref<32xi32, #tpu.memory_space<smem>>
    memref.store %squeeze3A_1515, %arg9[%swap3A_1517] : memref<32xi32, #tpu.memory_space<smem>>
    %get3A_1519 = arith.constant 288 : index
    %get3A_1520 = tpu.vector_load %arg6[%get3A_1519] {strides = array<i32>} : memref<512xi32, #tpu.memory_space<vmem>>, vector<16xi32>,
    %get3A_1521 = vector.shape_cast %get3A_1520 : vector<16xi32> to vector<16xi32>
    %eq3A_1522 = arith.constant 100000 : i32
    %eq3A_1523 = vector.broadcast %eq3A_1522 : i32 to vector<16xi32>
    %eq3A_1524 = arith.cmpi eq, %get3A_1521, %eq3A_1523 : vector<16xi32>
    %shift_left3A_1525 = arith.constant 1 : i32
    %shift_left3A_1526 = vector.broadcast %shift_left3A_1525 : i32 to vector<16xi32>
    %shift_left3A_1527 = arith.shli %shift_left3A_1526, %iota3A : vector<16xi32>
    %jit3A_1528 = arith.constant 0 : i32
    %broadcast_in_dim3A_1529 = vector.broadcast %jit3A_1528 : i32 to vector<16xi32>
    %select_n3A_1530 = arith.select %eq3A_1524, %shift_left3A_1527, %broadcast_in_dim3A_1529 : vector<16xi1>, vector<16xi32>
    %lt3A_1531 = arith.constant 0 : i32
    %lt3A_1532 = vector.broadcast %lt3A_1531 : i32 to vector<16xi32>
    %lt3A_1533 = arith.cmpi slt, %xor3A_416, %lt3A_1532 : vector<16xi32>
    %add3A_1534 = arith.constant 16 : i32
    %add3A_1535 = vector.broadcast %add3A_1534 : i32 to vector<16xi32>
    %add3A_1536 = arith.addi %xor3A_416, %add3A_1535 : vector<16xi32>
    %select_n3A_1537 = arith.select %lt3A_1533, %add3A_1536, %xor3A_416 : vector<16xi1>, vector<16xi32>
    %broadcast_in_dim3A_1538 = vector.shape_cast %select_n3A_1537 : vector<16xi32> to vector<16x1xi32>
    %gather3A_1539 = vector.shape_cast %broadcast_in_dim3A_1538 : vector<16x1xi32> to vector<16xi32>
    %gather3A_1540 = tpu.dynamic_gather %select_n3A_1530[%gather3A_1539] in [0] : vector<16xi32>, vector<16xi32> -> vector<16xi32>
    %add3A_1541 = arith.addi %select_n3A_1530, %gather3A_1540 : vector<16xi32>
    %lt3A_1542 = arith.constant 0 : i32
    %lt3A_1543 = vector.broadcast %lt3A_1542 : i32 to vector<16xi32>
    %lt3A_1544 = arith.cmpi slt, %xor3A_419, %lt3A_1543 : vector<16xi32>
    %add3A_1545 = arith.constant 16 : i32
    %add3A_1546 = vector.broadcast %add3A_1545 : i32 to vector<16xi32>
    %add3A_1547 = arith.addi %xor3A_419, %add3A_1546 : vector<16xi32>
    %select_n3A_1548 = arith.select %lt3A_1544, %add3A_1547, %xor3A_419 : vector<16xi1>, vector<16xi32>
    %broadcast_in_dim3A_1549 = vector.shape_cast %select_n3A_1548 : vector<16xi32> to vector<16x1xi32>
    %gather3A_1550 = vector.shape_cast %broadcast_in_dim3A_1549 : vector<16x1xi32> to vector<16xi32>
    %gather3A_1551 = tpu.dynamic_gather %add3A_1541[%gather3A_1550] in [0] : vector<16xi32>, vector<16xi32> -> vector<16xi32>
    %add3A_1552 = arith.addi %add3A_1541, %gather3A_1551 : vector<16xi32>
    %lt3A_1553 = arith.constant 0 : i32
    %lt3A_1554 = vector.broadcast %lt3A_1553 : i32 to vector<16xi32>
    %lt3A_1555 = arith.cmpi slt, %xor3A_422, %lt3A_1554 : vector<16xi32>
    %add3A_1556 = arith.constant 16 : i32
    %add3A_1557 = vector.broadcast %add3A_1556 : i32 to vector<16xi32>
    %add3A_1558 = arith.addi %xor3A_422, %add3A_1557 : vector<16xi32>
    %select_n3A_1559 = arith.select %lt3A_1555, %add3A_1558, %xor3A_422 : vector<16xi1>, vector<16xi32>
    %broadcast_in_dim3A_1560 = vector.shape_cast %select_n3A_1559 : vector<16xi32> to vector<16x1xi32>
    %gather3A_1561 = vector.shape_cast %broadcast_in_dim3A_1560 : vector<16x1xi32> to vector<16xi32>
    %gather3A_1562 = tpu.dynamic_gather %add3A_1552[%gather3A_1561] in [0] : vector<16xi32>, vector<16xi32> -> vector<16xi32>
    %add3A_1563 = arith.addi %add3A_1552, %gather3A_1562 : vector<16xi32>
    %lt3A_1564 = arith.constant 0 : i32
    %lt3A_1565 = vector.broadcast %lt3A_1564 : i32 to vector<16xi32>
    %lt3A_1566 = arith.cmpi slt, %xor3A_425, %lt3A_1565 : vector<16xi32>
    %add3A_1567 = arith.constant 16 : i32
    %add3A_1568 = vector.broadcast %add3A_1567 : i32 to vector<16xi32>
    %add3A_1569 = arith.addi %xor3A_425, %add3A_1568 : vector<16xi32>
    %select_n3A_1570 = arith.select %lt3A_1566, %add3A_1569, %xor3A_425 : vector<16xi1>, vector<16xi32>
    %broadcast_in_dim3A_1571 = vector.shape_cast %select_n3A_1570 : vector<16xi32> to vector<16x1xi32>
    %gather3A_1572 = vector.shape_cast %broadcast_in_dim3A_1571 : vector<16x1xi32> to vector<16xi32>
    %gather3A_1573 = tpu.dynamic_gather %add3A_1563[%gather3A_1572] in [0] : vector<16xi32>, vector<16xi32> -> vector<16xi32>
    %add3A_1574 = arith.addi %add3A_1563, %gather3A_1573 : vector<16xi32>
    %slice3A_1575 = vector.extract_strided_slice %add3A_1574 {offsets = [0], sizes = [1], strides = [1]} : vector<16xi32> to vector<1xi32>
    %squeeze3A_1576 = vector.extract %slice3A_1575[0] : i32 from vector<1xi32>
    %swap3A_1577 = arith.constant 18 : i32
    %swap3A_1578 = arith.index_cast %swap3A_1577 : i32 to index
    %swap3A_1579 = memref.load %arg9[%swap3A_1578] : memref<32xi32, #tpu.memory_space<smem>>
    memref.store %squeeze3A_1576, %arg9[%swap3A_1578] : memref<32xi32, #tpu.memory_space<smem>>
    %get3A_1580 = arith.constant 304 : index
    %get3A_1581 = tpu.vector_load %arg6[%get3A_1580] {strides = array<i32>} : memref<512xi32, #tpu.memory_space<vmem>>, vector<16xi32>,
    %get3A_1582 = vector.shape_cast %get3A_1581 : vector<16xi32> to vector<16xi32>
    %eq3A_1583 = arith.constant 100000 : i32
    %eq3A_1584 = vector.broadcast %eq3A_1583 : i32 to vector<16xi32>
    %eq3A_1585 = arith.cmpi eq, %get3A_1582, %eq3A_1584 : vector<16xi32>
    %shift_left3A_1586 = arith.constant 1 : i32
    %shift_left3A_1587 = vector.broadcast %shift_left3A_1586 : i32 to vector<16xi32>
    %shift_left3A_1588 = arith.shli %shift_left3A_1587, %iota3A : vector<16xi32>
    %jit3A_1589 = arith.constant 0 : i32
    %broadcast_in_dim3A_1590 = vector.broadcast %jit3A_1589 : i32 to vector<16xi32>
    %select_n3A_1591 = arith.select %eq3A_1585, %shift_left3A_1588, %broadcast_in_dim3A_1590 : vector<16xi1>, vector<16xi32>
    %lt3A_1592 = arith.constant 0 : i32
    %lt3A_1593 = vector.broadcast %lt3A_1592 : i32 to vector<16xi32>
    %lt3A_1594 = arith.cmpi slt, %xor3A_416, %lt3A_1593 : vector<16xi32>
    %add3A_1595 = arith.constant 16 : i32
    %add3A_1596 = vector.broadcast %add3A_1595 : i32 to vector<16xi32>
    %add3A_1597 = arith.addi %xor3A_416, %add3A_1596 : vector<16xi32>
    %select_n3A_1598 = arith.select %lt3A_1594, %add3A_1597, %xor3A_416 : vector<16xi1>, vector<16xi32>
    %broadcast_in_dim3A_1599 = vector.shape_cast %select_n3A_1598 : vector<16xi32> to vector<16x1xi32>
    %gather3A_1600 = vector.shape_cast %broadcast_in_dim3A_1599 : vector<16x1xi32> to vector<16xi32>
    %gather3A_1601 = tpu.dynamic_gather %select_n3A_1591[%gather3A_1600] in [0] : vector<16xi32>, vector<16xi32> -> vector<16xi32>
    %add3A_1602 = arith.addi %select_n3A_1591, %gather3A_1601 : vector<16xi32>
    %lt3A_1603 = arith.constant 0 : i32
    %lt3A_1604 = vector.broadcast %lt3A_1603 : i32 to vector<16xi32>
    %lt3A_1605 = arith.cmpi slt, %xor3A_419, %lt3A_1604 : vector<16xi32>
    %add3A_1606 = arith.constant 16 : i32
    %add3A_1607 = vector.broadcast %add3A_1606 : i32 to vector<16xi32>
    %add3A_1608 = arith.addi %xor3A_419, %add3A_1607 : vector<16xi32>
    %select_n3A_1609 = arith.select %lt3A_1605, %add3A_1608, %xor3A_419 : vector<16xi1>, vector<16xi32>
    %broadcast_in_dim3A_1610 = vector.shape_cast %select_n3A_1609 : vector<16xi32> to vector<16x1xi32>
    %gather3A_1611 = vector.shape_cast %broadcast_in_dim3A_1610 : vector<16x1xi32> to vector<16xi32>
    %gather3A_1612 = tpu.dynamic_gather %add3A_1602[%gather3A_1611] in [0] : vector<16xi32>, vector<16xi32> -> vector<16xi32>
    %add3A_1613 = arith.addi %add3A_1602, %gather3A_1612 : vector<16xi32>
    %lt3A_1614 = arith.constant 0 : i32
    %lt3A_1615 = vector.broadcast %lt3A_1614 : i32 to vector<16xi32>
    %lt3A_1616 = arith.cmpi slt, %xor3A_422, %lt3A_1615 : vector<16xi32>
    %add3A_1617 = arith.constant 16 : i32
    %add3A_1618 = vector.broadcast %add3A_1617 : i32 to vector<16xi32>
    %add3A_1619 = arith.addi %xor3A_422, %add3A_1618 : vector<16xi32>
    %select_n3A_1620 = arith.select %lt3A_1616, %add3A_1619, %xor3A_422 : vector<16xi1>, vector<16xi32>
    %broadcast_in_dim3A_1621 = vector.shape_cast %select_n3A_1620 : vector<16xi32> to vector<16x1xi32>
    %gather3A_1622 = vector.shape_cast %broadcast_in_dim3A_1621 : vector<16x1xi32> to vector<16xi32>
    %gather3A_1623 = tpu.dynamic_gather %add3A_1613[%gather3A_1622] in [0] : vector<16xi32>, vector<16xi32> -> vector<16xi32>
    %add3A_1624 = arith.addi %add3A_1613, %gather3A_1623 : vector<16xi32>
    %lt3A_1625 = arith.constant 0 : i32
    %lt3A_1626 = vector.broadcast %lt3A_1625 : i32 to vector<16xi32>
    %lt3A_1627 = arith.cmpi slt, %xor3A_425, %lt3A_1626 : vector<16xi32>
    %add3A_1628 = arith.constant 16 : i32
    %add3A_1629 = vector.broadcast %add3A_1628 : i32 to vector<16xi32>
    %add3A_1630 = arith.addi %xor3A_425, %add3A_1629 : vector<16xi32>
    %select_n3A_1631 = arith.select %lt3A_1627, %add3A_1630, %xor3A_425 : vector<16xi1>, vector<16xi32>
    %broadcast_in_dim3A_1632 = vector.shape_cast %select_n3A_1631 : vector<16xi32> to vector<16x1xi32>
    %gather3A_1633 = vector.shape_cast %broadcast_in_dim3A_1632 : vector<16x1xi32> to vector<16xi32>
    %gather3A_1634 = tpu.dynamic_gather %add3A_1624[%gather3A_1633] in [0] : vector<16xi32>, vector<16xi32> -> vector<16xi32>
    %add3A_1635 = arith.addi %add3A_1624, %gather3A_1634 : vector<16xi32>
    %slice3A_1636 = vector.extract_strided_slice %add3A_1635 {offsets = [0], sizes = [1], strides = [1]} : vector<16xi32> to vector<1xi32>
    %squeeze3A_1637 = vector.extract %slice3A_1636[0] : i32 from vector<1xi32>
    %swap3A_1638 = arith.constant 19 : i32
    %swap3A_1639 = arith.index_cast %swap3A_1638 : i32 to index
    %swap3A_1640 = memref.load %arg9[%swap3A_1639] : memref<32xi32, #tpu.memory_space<smem>>
    memref.store %squeeze3A_1637, %arg9[%swap3A_1639] : memref<32xi32, #tpu.memory_space<smem>>
    %get3A_1641 = arith.constant 320 : index
    %get3A_1642 = tpu.vector_load %arg6[%get3A_1641] {strides = array<i32>} : memref<512xi32, #tpu.memory_space<vmem>>, vector<16xi32>,
    %get3A_1643 = vector.shape_cast %get3A_1642 : vector<16xi32> to vector<16xi32>
    %eq3A_1644 = arith.constant 100000 : i32
    %eq3A_1645 = vector.broadcast %eq3A_1644 : i32 to vector<16xi32>
    %eq3A_1646 = arith.cmpi eq, %get3A_1643, %eq3A_1645 : vector<16xi32>
    %shift_left3A_1647 = arith.constant 1 : i32
    %shift_left3A_1648 = vector.broadcast %shift_left3A_1647 : i32 to vector<16xi32>
    %shift_left3A_1649 = arith.shli %shift_left3A_1648, %iota3A : vector<16xi32>
    %jit3A_1650 = arith.constant 0 : i32
    %broadcast_in_dim3A_1651 = vector.broadcast %jit3A_1650 : i32 to vector<16xi32>
    %select_n3A_1652 = arith.select %eq3A_1646, %shift_left3A_1649, %broadcast_in_dim3A_1651 : vector<16xi1>, vector<16xi32>
    %lt3A_1653 = arith.constant 0 : i32
    %lt3A_1654 = vector.broadcast %lt3A_1653 : i32 to vector<16xi32>
    %lt3A_1655 = arith.cmpi slt, %xor3A_416, %lt3A_1654 : vector<16xi32>
    %add3A_1656 = arith.constant 16 : i32
    %add3A_1657 = vector.broadcast %add3A_1656 : i32 to vector<16xi32>
    %add3A_1658 = arith.addi %xor3A_416, %add3A_1657 : vector<16xi32>
    %select_n3A_1659 = arith.select %lt3A_1655, %add3A_1658, %xor3A_416 : vector<16xi1>, vector<16xi32>
    %broadcast_in_dim3A_1660 = vector.shape_cast %select_n3A_1659 : vector<16xi32> to vector<16x1xi32>
    %gather3A_1661 = vector.shape_cast %broadcast_in_dim3A_1660 : vector<16x1xi32> to vector<16xi32>
    %gather3A_1662 = tpu.dynamic_gather %select_n3A_1652[%gather3A_1661] in [0] : vector<16xi32>, vector<16xi32> -> vector<16xi32>
    %add3A_1663 = arith.addi %select_n3A_1652, %gather3A_1662 : vector<16xi32>
    %lt3A_1664 = arith.constant 0 : i32
    %lt3A_1665 = vector.broadcast %lt3A_1664 : i32 to vector<16xi32>
    %lt3A_1666 = arith.cmpi slt, %xor3A_419, %lt3A_1665 : vector<16xi32>
    %add3A_1667 = arith.constant 16 : i32
    %add3A_1668 = vector.broadcast %add3A_1667 : i32 to vector<16xi32>
    %add3A_1669 = arith.addi %xor3A_419, %add3A_1668 : vector<16xi32>
    %select_n3A_1670 = arith.select %lt3A_1666, %add3A_1669, %xor3A_419 : vector<16xi1>, vector<16xi32>
    %broadcast_in_dim3A_1671 = vector.shape_cast %select_n3A_1670 : vector<16xi32> to vector<16x1xi32>
    %gather3A_1672 = vector.shape_cast %broadcast_in_dim3A_1671 : vector<16x1xi32> to vector<16xi32>
    %gather3A_1673 = tpu.dynamic_gather %add3A_1663[%gather3A_1672] in [0] : vector<16xi32>, vector<16xi32> -> vector<16xi32>
    %add3A_1674 = arith.addi %add3A_1663, %gather3A_1673 : vector<16xi32>
    %lt3A_1675 = arith.constant 0 : i32
    %lt3A_1676 = vector.broadcast %lt3A_1675 : i32 to vector<16xi32>
    %lt3A_1677 = arith.cmpi slt, %xor3A_422, %lt3A_1676 : vector<16xi32>
    %add3A_1678 = arith.constant 16 : i32
    %add3A_1679 = vector.broadcast %add3A_1678 : i32 to vector<16xi32>
    %add3A_1680 = arith.addi %xor3A_422, %add3A_1679 : vector<16xi32>
    %select_n3A_1681 = arith.select %lt3A_1677, %add3A_1680, %xor3A_422 : vector<16xi1>, vector<16xi32>
    %broadcast_in_dim3A_1682 = vector.shape_cast %select_n3A_1681 : vector<16xi32> to vector<16x1xi32>
    %gather3A_1683 = vector.shape_cast %broadcast_in_dim3A_1682 : vector<16x1xi32> to vector<16xi32>
    %gather3A_1684 = tpu.dynamic_gather %add3A_1674[%gather3A_1683] in [0] : vector<16xi32>, vector<16xi32> -> vector<16xi32>
    %add3A_1685 = arith.addi %add3A_1674, %gather3A_1684 : vector<16xi32>
    %lt3A_1686 = arith.constant 0 : i32
    %lt3A_1687 = vector.broadcast %lt3A_1686 : i32 to vector<16xi32>
    %lt3A_1688 = arith.cmpi slt, %xor3A_425, %lt3A_1687 : vector<16xi32>
    %add3A_1689 = arith.constant 16 : i32
    %add3A_1690 = vector.broadcast %add3A_1689 : i32 to vector<16xi32>
    %add3A_1691 = arith.addi %xor3A_425, %add3A_1690 : vector<16xi32>
    %select_n3A_1692 = arith.select %lt3A_1688, %add3A_1691, %xor3A_425 : vector<16xi1>, vector<16xi32>
    %broadcast_in_dim3A_1693 = vector.shape_cast %select_n3A_1692 : vector<16xi32> to vector<16x1xi32>
    %gather3A_1694 = vector.shape_cast %broadcast_in_dim3A_1693 : vector<16x1xi32> to vector<16xi32>
    %gather3A_1695 = tpu.dynamic_gather %add3A_1685[%gather3A_1694] in [0] : vector<16xi32>, vector<16xi32> -> vector<16xi32>
    %add3A_1696 = arith.addi %add3A_1685, %gather3A_1695 : vector<16xi32>
    %slice3A_1697 = vector.extract_strided_slice %add3A_1696 {offsets = [0], sizes = [1], strides = [1]} : vector<16xi32> to vector<1xi32>
    %squeeze3A_1698 = vector.extract %slice3A_1697[0] : i32 from vector<1xi32>
    %swap3A_1699 = arith.constant 20 : i32
    %swap3A_1700 = arith.index_cast %swap3A_1699 : i32 to index
    %swap3A_1701 = memref.load %arg9[%swap3A_1700] : memref<32xi32, #tpu.memory_space<smem>>
    memref.store %squeeze3A_1698, %arg9[%swap3A_1700] : memref<32xi32, #tpu.memory_space<smem>>
    %get3A_1702 = arith.constant 336 : index
    %get3A_1703 = tpu.vector_load %arg6[%get3A_1702] {strides = array<i32>} : memref<512xi32, #tpu.memory_space<vmem>>, vector<16xi32>,
    %get3A_1704 = vector.shape_cast %get3A_1703 : vector<16xi32> to vector<16xi32>
    %eq3A_1705 = arith.constant 100000 : i32
    %eq3A_1706 = vector.broadcast %eq3A_1705 : i32 to vector<16xi32>
    %eq3A_1707 = arith.cmpi eq, %get3A_1704, %eq3A_1706 : vector<16xi32>
    %shift_left3A_1708 = arith.constant 1 : i32
    %shift_left3A_1709 = vector.broadcast %shift_left3A_1708 : i32 to vector<16xi32>
    %shift_left3A_1710 = arith.shli %shift_left3A_1709, %iota3A : vector<16xi32>
    %jit3A_1711 = arith.constant 0 : i32
    %broadcast_in_dim3A_1712 = vector.broadcast %jit3A_1711 : i32 to vector<16xi32>
    %select_n3A_1713 = arith.select %eq3A_1707, %shift_left3A_1710, %broadcast_in_dim3A_1712 : vector<16xi1>, vector<16xi32>
    %lt3A_1714 = arith.constant 0 : i32
    %lt3A_1715 = vector.broadcast %lt3A_1714 : i32 to vector<16xi32>
    %lt3A_1716 = arith.cmpi slt, %xor3A_416, %lt3A_1715 : vector<16xi32>
    %add3A_1717 = arith.constant 16 : i32
    %add3A_1718 = vector.broadcast %add3A_1717 : i32 to vector<16xi32>
    %add3A_1719 = arith.addi %xor3A_416, %add3A_1718 : vector<16xi32>
    %select_n3A_1720 = arith.select %lt3A_1716, %add3A_1719, %xor3A_416 : vector<16xi1>, vector<16xi32>
    %broadcast_in_dim3A_1721 = vector.shape_cast %select_n3A_1720 : vector<16xi32> to vector<16x1xi32>
    %gather3A_1722 = vector.shape_cast %broadcast_in_dim3A_1721 : vector<16x1xi32> to vector<16xi32>
    %gather3A_1723 = tpu.dynamic_gather %select_n3A_1713[%gather3A_1722] in [0] : vector<16xi32>, vector<16xi32> -> vector<16xi32>
    %add3A_1724 = arith.addi %select_n3A_1713, %gather3A_1723 : vector<16xi32>
    %lt3A_1725 = arith.constant 0 : i32
    %lt3A_1726 = vector.broadcast %lt3A_1725 : i32 to vector<16xi32>
    %lt3A_1727 = arith.cmpi slt, %xor3A_419, %lt3A_1726 : vector<16xi32>
    %add3A_1728 = arith.constant 16 : i32
    %add3A_1729 = vector.broadcast %add3A_1728 : i32 to vector<16xi32>
    %add3A_1730 = arith.addi %xor3A_419, %add3A_1729 : vector<16xi32>
    %select_n3A_1731 = arith.select %lt3A_1727, %add3A_1730, %xor3A_419 : vector<16xi1>, vector<16xi32>
    %broadcast_in_dim3A_1732 = vector.shape_cast %select_n3A_1731 : vector<16xi32> to vector<16x1xi32>
    %gather3A_1733 = vector.shape_cast %broadcast_in_dim3A_1732 : vector<16x1xi32> to vector<16xi32>
    %gather3A_1734 = tpu.dynamic_gather %add3A_1724[%gather3A_1733] in [0] : vector<16xi32>, vector<16xi32> -> vector<16xi32>
    %add3A_1735 = arith.addi %add3A_1724, %gather3A_1734 : vector<16xi32>
    %lt3A_1736 = arith.constant 0 : i32
    %lt3A_1737 = vector.broadcast %lt3A_1736 : i32 to vector<16xi32>
    %lt3A_1738 = arith.cmpi slt, %xor3A_422, %lt3A_1737 : vector<16xi32>
    %add3A_1739 = arith.constant 16 : i32
    %add3A_1740 = vector.broadcast %add3A_1739 : i32 to vector<16xi32>
    %add3A_1741 = arith.addi %xor3A_422, %add3A_1740 : vector<16xi32>
    %select_n3A_1742 = arith.select %lt3A_1738, %add3A_1741, %xor3A_422 : vector<16xi1>, vector<16xi32>
    %broadcast_in_dim3A_1743 = vector.shape_cast %select_n3A_1742 : vector<16xi32> to vector<16x1xi32>
    %gather3A_1744 = vector.shape_cast %broadcast_in_dim3A_1743 : vector<16x1xi32> to vector<16xi32>
    %gather3A_1745 = tpu.dynamic_gather %add3A_1735[%gather3A_1744] in [0] : vector<16xi32>, vector<16xi32> -> vector<16xi32>
    %add3A_1746 = arith.addi %add3A_1735, %gather3A_1745 : vector<16xi32>
    %lt3A_1747 = arith.constant 0 : i32
    %lt3A_1748 = vector.broadcast %lt3A_1747 : i32 to vector<16xi32>
    %lt3A_1749 = arith.cmpi slt, %xor3A_425, %lt3A_1748 : vector<16xi32>
    %add3A_1750 = arith.constant 16 : i32
    %add3A_1751 = vector.broadcast %add3A_1750 : i32 to vector<16xi32>
    %add3A_1752 = arith.addi %xor3A_425, %add3A_1751 : vector<16xi32>
    %select_n3A_1753 = arith.select %lt3A_1749, %add3A_1752, %xor3A_425 : vector<16xi1>, vector<16xi32>
    %broadcast_in_dim3A_1754 = vector.shape_cast %select_n3A_1753 : vector<16xi32> to vector<16x1xi32>
    %gather3A_1755 = vector.shape_cast %broadcast_in_dim3A_1754 : vector<16x1xi32> to vector<16xi32>
    %gather3A_1756 = tpu.dynamic_gather %add3A_1746[%gather3A_1755] in [0] : vector<16xi32>, vector<16xi32> -> vector<16xi32>
    %add3A_1757 = arith.addi %add3A_1746, %gather3A_1756 : vector<16xi32>
    %slice3A_1758 = vector.extract_strided_slice %add3A_1757 {offsets = [0], sizes = [1], strides = [1]} : vector<16xi32> to vector<1xi32>
    %squeeze3A_1759 = vector.extract %slice3A_1758[0] : i32 from vector<1xi32>
    %swap3A_1760 = arith.constant 21 : i32
    %swap3A_1761 = arith.index_cast %swap3A_1760 : i32 to index
    %swap3A_1762 = memref.load %arg9[%swap3A_1761] : memref<32xi32, #tpu.memory_space<smem>>
    memref.store %squeeze3A_1759, %arg9[%swap3A_1761] : memref<32xi32, #tpu.memory_space<smem>>
    %get3A_1763 = arith.constant 352 : index
    %get3A_1764 = tpu.vector_load %arg6[%get3A_1763] {strides = array<i32>} : memref<512xi32, #tpu.memory_space<vmem>>, vector<16xi32>,
    %get3A_1765 = vector.shape_cast %get3A_1764 : vector<16xi32> to vector<16xi32>
    %eq3A_1766 = arith.constant 100000 : i32
    %eq3A_1767 = vector.broadcast %eq3A_1766 : i32 to vector<16xi32>
    %eq3A_1768 = arith.cmpi eq, %get3A_1765, %eq3A_1767 : vector<16xi32>
    %shift_left3A_1769 = arith.constant 1 : i32
    %shift_left3A_1770 = vector.broadcast %shift_left3A_1769 : i32 to vector<16xi32>
    %shift_left3A_1771 = arith.shli %shift_left3A_1770, %iota3A : vector<16xi32>
    %jit3A_1772 = arith.constant 0 : i32
    %broadcast_in_dim3A_1773 = vector.broadcast %jit3A_1772 : i32 to vector<16xi32>
    %select_n3A_1774 = arith.select %eq3A_1768, %shift_left3A_1771, %broadcast_in_dim3A_1773 : vector<16xi1>, vector<16xi32>
    %lt3A_1775 = arith.constant 0 : i32
    %lt3A_1776 = vector.broadcast %lt3A_1775 : i32 to vector<16xi32>
    %lt3A_1777 = arith.cmpi slt, %xor3A_416, %lt3A_1776 : vector<16xi32>
    %add3A_1778 = arith.constant 16 : i32
    %add3A_1779 = vector.broadcast %add3A_1778 : i32 to vector<16xi32>
    %add3A_1780 = arith.addi %xor3A_416, %add3A_1779 : vector<16xi32>
    %select_n3A_1781 = arith.select %lt3A_1777, %add3A_1780, %xor3A_416 : vector<16xi1>, vector<16xi32>
    %broadcast_in_dim3A_1782 = vector.shape_cast %select_n3A_1781 : vector<16xi32> to vector<16x1xi32>
    %gather3A_1783 = vector.shape_cast %broadcast_in_dim3A_1782 : vector<16x1xi32> to vector<16xi32>
    %gather3A_1784 = tpu.dynamic_gather %select_n3A_1774[%gather3A_1783] in [0] : vector<16xi32>, vector<16xi32> -> vector<16xi32>
    %add3A_1785 = arith.addi %select_n3A_1774, %gather3A_1784 : vector<16xi32>
    %lt3A_1786 = arith.constant 0 : i32
    %lt3A_1787 = vector.broadcast %lt3A_1786 : i32 to vector<16xi32>
    %lt3A_1788 = arith.cmpi slt, %xor3A_419, %lt3A_1787 : vector<16xi32>
    %add3A_1789 = arith.constant 16 : i32
    %add3A_1790 = vector.broadcast %add3A_1789 : i32 to vector<16xi32>
    %add3A_1791 = arith.addi %xor3A_419, %add3A_1790 : vector<16xi32>
    %select_n3A_1792 = arith.select %lt3A_1788, %add3A_1791, %xor3A_419 : vector<16xi1>, vector<16xi32>
    %broadcast_in_dim3A_1793 = vector.shape_cast %select_n3A_1792 : vector<16xi32> to vector<16x1xi32>
    %gather3A_1794 = vector.shape_cast %broadcast_in_dim3A_1793 : vector<16x1xi32> to vector<16xi32>
    %gather3A_1795 = tpu.dynamic_gather %add3A_1785[%gather3A_1794] in [0] : vector<16xi32>, vector<16xi32> -> vector<16xi32>
    %add3A_1796 = arith.addi %add3A_1785, %gather3A_1795 : vector<16xi32>
    %lt3A_1797 = arith.constant 0 : i32
    %lt3A_1798 = vector.broadcast %lt3A_1797 : i32 to vector<16xi32>
    %lt3A_1799 = arith.cmpi slt, %xor3A_422, %lt3A_1798 : vector<16xi32>
    %add3A_1800 = arith.constant 16 : i32
    %add3A_1801 = vector.broadcast %add3A_1800 : i32 to vector<16xi32>
    %add3A_1802 = arith.addi %xor3A_422, %add3A_1801 : vector<16xi32>
    %select_n3A_1803 = arith.select %lt3A_1799, %add3A_1802, %xor3A_422 : vector<16xi1>, vector<16xi32>
    %broadcast_in_dim3A_1804 = vector.shape_cast %select_n3A_1803 : vector<16xi32> to vector<16x1xi32>
    %gather3A_1805 = vector.shape_cast %broadcast_in_dim3A_1804 : vector<16x1xi32> to vector<16xi32>
    %gather3A_1806 = tpu.dynamic_gather %add3A_1796[%gather3A_1805] in [0] : vector<16xi32>, vector<16xi32> -> vector<16xi32>
    %add3A_1807 = arith.addi %add3A_1796, %gather3A_1806 : vector<16xi32>
    %lt3A_1808 = arith.constant 0 : i32
    %lt3A_1809 = vector.broadcast %lt3A_1808 : i32 to vector<16xi32>
    %lt3A_1810 = arith.cmpi slt, %xor3A_425, %lt3A_1809 : vector<16xi32>
    %add3A_1811 = arith.constant 16 : i32
    %add3A_1812 = vector.broadcast %add3A_1811 : i32 to vector<16xi32>
    %add3A_1813 = arith.addi %xor3A_425, %add3A_1812 : vector<16xi32>
    %select_n3A_1814 = arith.select %lt3A_1810, %add3A_1813, %xor3A_425 : vector<16xi1>, vector<16xi32>
    %broadcast_in_dim3A_1815 = vector.shape_cast %select_n3A_1814 : vector<16xi32> to vector<16x1xi32>
    %gather3A_1816 = vector.shape_cast %broadcast_in_dim3A_1815 : vector<16x1xi32> to vector<16xi32>
    %gather3A_1817 = tpu.dynamic_gather %add3A_1807[%gather3A_1816] in [0] : vector<16xi32>, vector<16xi32> -> vector<16xi32>
    %add3A_1818 = arith.addi %add3A_1807, %gather3A_1817 : vector<16xi32>
    %slice3A_1819 = vector.extract_strided_slice %add3A_1818 {offsets = [0], sizes = [1], strides = [1]} : vector<16xi32> to vector<1xi32>
    %squeeze3A_1820 = vector.extract %slice3A_1819[0] : i32 from vector<1xi32>
    %swap3A_1821 = arith.constant 22 : i32
    %swap3A_1822 = arith.index_cast %swap3A_1821 : i32 to index
    %swap3A_1823 = memref.load %arg9[%swap3A_1822] : memref<32xi32, #tpu.memory_space<smem>>
    memref.store %squeeze3A_1820, %arg9[%swap3A_1822] : memref<32xi32, #tpu.memory_space<smem>>
    %get3A_1824 = arith.constant 368 : index
    %get3A_1825 = tpu.vector_load %arg6[%get3A_1824] {strides = array<i32>} : memref<512xi32, #tpu.memory_space<vmem>>, vector<16xi32>,
    %get3A_1826 = vector.shape_cast %get3A_1825 : vector<16xi32> to vector<16xi32>
    %eq3A_1827 = arith.constant 100000 : i32
    %eq3A_1828 = vector.broadcast %eq3A_1827 : i32 to vector<16xi32>
    %eq3A_1829 = arith.cmpi eq, %get3A_1826, %eq3A_1828 : vector<16xi32>
    %shift_left3A_1830 = arith.constant 1 : i32
    %shift_left3A_1831 = vector.broadcast %shift_left3A_1830 : i32 to vector<16xi32>
    %shift_left3A_1832 = arith.shli %shift_left3A_1831, %iota3A : vector<16xi32>
    %jit3A_1833 = arith.constant 0 : i32
    %broadcast_in_dim3A_1834 = vector.broadcast %jit3A_1833 : i32 to vector<16xi32>
    %select_n3A_1835 = arith.select %eq3A_1829, %shift_left3A_1832, %broadcast_in_dim3A_1834 : vector<16xi1>, vector<16xi32>
    %lt3A_1836 = arith.constant 0 : i32
    %lt3A_1837 = vector.broadcast %lt3A_1836 : i32 to vector<16xi32>
    %lt3A_1838 = arith.cmpi slt, %xor3A_416, %lt3A_1837 : vector<16xi32>
    %add3A_1839 = arith.constant 16 : i32
    %add3A_1840 = vector.broadcast %add3A_1839 : i32 to vector<16xi32>
    %add3A_1841 = arith.addi %xor3A_416, %add3A_1840 : vector<16xi32>
    %select_n3A_1842 = arith.select %lt3A_1838, %add3A_1841, %xor3A_416 : vector<16xi1>, vector<16xi32>
    %broadcast_in_dim3A_1843 = vector.shape_cast %select_n3A_1842 : vector<16xi32> to vector<16x1xi32>
    %gather3A_1844 = vector.shape_cast %broadcast_in_dim3A_1843 : vector<16x1xi32> to vector<16xi32>
    %gather3A_1845 = tpu.dynamic_gather %select_n3A_1835[%gather3A_1844] in [0] : vector<16xi32>, vector<16xi32> -> vector<16xi32>
    %add3A_1846 = arith.addi %select_n3A_1835, %gather3A_1845 : vector<16xi32>
    %lt3A_1847 = arith.constant 0 : i32
    %lt3A_1848 = vector.broadcast %lt3A_1847 : i32 to vector<16xi32>
    %lt3A_1849 = arith.cmpi slt, %xor3A_419, %lt3A_1848 : vector<16xi32>
    %add3A_1850 = arith.constant 16 : i32
    %add3A_1851 = vector.broadcast %add3A_1850 : i32 to vector<16xi32>
    %add3A_1852 = arith.addi %xor3A_419, %add3A_1851 : vector<16xi32>
    %select_n3A_1853 = arith.select %lt3A_1849, %add3A_1852, %xor3A_419 : vector<16xi1>, vector<16xi32>
    %broadcast_in_dim3A_1854 = vector.shape_cast %select_n3A_1853 : vector<16xi32> to vector<16x1xi32>
    %gather3A_1855 = vector.shape_cast %broadcast_in_dim3A_1854 : vector<16x1xi32> to vector<16xi32>
    %gather3A_1856 = tpu.dynamic_gather %add3A_1846[%gather3A_1855] in [0] : vector<16xi32>, vector<16xi32> -> vector<16xi32>
    %add3A_1857 = arith.addi %add3A_1846, %gather3A_1856 : vector<16xi32>
    %lt3A_1858 = arith.constant 0 : i32
    %lt3A_1859 = vector.broadcast %lt3A_1858 : i32 to vector<16xi32>
    %lt3A_1860 = arith.cmpi slt, %xor3A_422, %lt3A_1859 : vector<16xi32>
    %add3A_1861 = arith.constant 16 : i32
    %add3A_1862 = vector.broadcast %add3A_1861 : i32 to vector<16xi32>
    %add3A_1863 = arith.addi %xor3A_422, %add3A_1862 : vector<16xi32>
    %select_n3A_1864 = arith.select %lt3A_1860, %add3A_1863, %xor3A_422 : vector<16xi1>, vector<16xi32>
    %broadcast_in_dim3A_1865 = vector.shape_cast %select_n3A_1864 : vector<16xi32> to vector<16x1xi32>
    %gather3A_1866 = vector.shape_cast %broadcast_in_dim3A_1865 : vector<16x1xi32> to vector<16xi32>
    %gather3A_1867 = tpu.dynamic_gather %add3A_1857[%gather3A_1866] in [0] : vector<16xi32>, vector<16xi32> -> vector<16xi32>
    %add3A_1868 = arith.addi %add3A_1857, %gather3A_1867 : vector<16xi32>
    %lt3A_1869 = arith.constant 0 : i32
    %lt3A_1870 = vector.broadcast %lt3A_1869 : i32 to vector<16xi32>
    %lt3A_1871 = arith.cmpi slt, %xor3A_425, %lt3A_1870 : vector<16xi32>
    %add3A_1872 = arith.constant 16 : i32
    %add3A_1873 = vector.broadcast %add3A_1872 : i32 to vector<16xi32>
    %add3A_1874 = arith.addi %xor3A_425, %add3A_1873 : vector<16xi32>
    %select_n3A_1875 = arith.select %lt3A_1871, %add3A_1874, %xor3A_425 : vector<16xi1>, vector<16xi32>
    %broadcast_in_dim3A_1876 = vector.shape_cast %select_n3A_1875 : vector<16xi32> to vector<16x1xi32>
    %gather3A_1877 = vector.shape_cast %broadcast_in_dim3A_1876 : vector<16x1xi32> to vector<16xi32>
    %gather3A_1878 = tpu.dynamic_gather %add3A_1868[%gather3A_1877] in [0] : vector<16xi32>, vector<16xi32> -> vector<16xi32>
    %add3A_1879 = arith.addi %add3A_1868, %gather3A_1878 : vector<16xi32>
    %slice3A_1880 = vector.extract_strided_slice %add3A_1879 {offsets = [0], sizes = [1], strides = [1]} : vector<16xi32> to vector<1xi32>
    %squeeze3A_1881 = vector.extract %slice3A_1880[0] : i32 from vector<1xi32>
    %swap3A_1882 = arith.constant 23 : i32
    %swap3A_1883 = arith.index_cast %swap3A_1882 : i32 to index
    %swap3A_1884 = memref.load %arg9[%swap3A_1883] : memref<32xi32, #tpu.memory_space<smem>>
    memref.store %squeeze3A_1881, %arg9[%swap3A_1883] : memref<32xi32, #tpu.memory_space<smem>>
    %get3A_1885 = arith.constant 384 : index
    %get3A_1886 = tpu.vector_load %arg6[%get3A_1885] {strides = array<i32>} : memref<512xi32, #tpu.memory_space<vmem>>, vector<16xi32>,
    %get3A_1887 = vector.shape_cast %get3A_1886 : vector<16xi32> to vector<16xi32>
    %eq3A_1888 = arith.constant 100000 : i32
    %eq3A_1889 = vector.broadcast %eq3A_1888 : i32 to vector<16xi32>
    %eq3A_1890 = arith.cmpi eq, %get3A_1887, %eq3A_1889 : vector<16xi32>
    %shift_left3A_1891 = arith.constant 1 : i32
    %shift_left3A_1892 = vector.broadcast %shift_left3A_1891 : i32 to vector<16xi32>
    %shift_left3A_1893 = arith.shli %shift_left3A_1892, %iota3A : vector<16xi32>
    %jit3A_1894 = arith.constant 0 : i32
    %broadcast_in_dim3A_1895 = vector.broadcast %jit3A_1894 : i32 to vector<16xi32>
    %select_n3A_1896 = arith.select %eq3A_1890, %shift_left3A_1893, %broadcast_in_dim3A_1895 : vector<16xi1>, vector<16xi32>
    %lt3A_1897 = arith.constant 0 : i32
    %lt3A_1898 = vector.broadcast %lt3A_1897 : i32 to vector<16xi32>
    %lt3A_1899 = arith.cmpi slt, %xor3A_416, %lt3A_1898 : vector<16xi32>
    %add3A_1900 = arith.constant 16 : i32
    %add3A_1901 = vector.broadcast %add3A_1900 : i32 to vector<16xi32>
    %add3A_1902 = arith.addi %xor3A_416, %add3A_1901 : vector<16xi32>
    %select_n3A_1903 = arith.select %lt3A_1899, %add3A_1902, %xor3A_416 : vector<16xi1>, vector<16xi32>
    %broadcast_in_dim3A_1904 = vector.shape_cast %select_n3A_1903 : vector<16xi32> to vector<16x1xi32>
    %gather3A_1905 = vector.shape_cast %broadcast_in_dim3A_1904 : vector<16x1xi32> to vector<16xi32>
    %gather3A_1906 = tpu.dynamic_gather %select_n3A_1896[%gather3A_1905] in [0] : vector<16xi32>, vector<16xi32> -> vector<16xi32>
    %add3A_1907 = arith.addi %select_n3A_1896, %gather3A_1906 : vector<16xi32>
    %lt3A_1908 = arith.constant 0 : i32
    %lt3A_1909 = vector.broadcast %lt3A_1908 : i32 to vector<16xi32>
    %lt3A_1910 = arith.cmpi slt, %xor3A_419, %lt3A_1909 : vector<16xi32>
    %add3A_1911 = arith.constant 16 : i32
    %add3A_1912 = vector.broadcast %add3A_1911 : i32 to vector<16xi32>
    %add3A_1913 = arith.addi %xor3A_419, %add3A_1912 : vector<16xi32>
    %select_n3A_1914 = arith.select %lt3A_1910, %add3A_1913, %xor3A_419 : vector<16xi1>, vector<16xi32>
    %broadcast_in_dim3A_1915 = vector.shape_cast %select_n3A_1914 : vector<16xi32> to vector<16x1xi32>
    %gather3A_1916 = vector.shape_cast %broadcast_in_dim3A_1915 : vector<16x1xi32> to vector<16xi32>
    %gather3A_1917 = tpu.dynamic_gather %add3A_1907[%gather3A_1916] in [0] : vector<16xi32>, vector<16xi32> -> vector<16xi32>
    %add3A_1918 = arith.addi %add3A_1907, %gather3A_1917 : vector<16xi32>
    %lt3A_1919 = arith.constant 0 : i32
    %lt3A_1920 = vector.broadcast %lt3A_1919 : i32 to vector<16xi32>
    %lt3A_1921 = arith.cmpi slt, %xor3A_422, %lt3A_1920 : vector<16xi32>
    %add3A_1922 = arith.constant 16 : i32
    %add3A_1923 = vector.broadcast %add3A_1922 : i32 to vector<16xi32>
    %add3A_1924 = arith.addi %xor3A_422, %add3A_1923 : vector<16xi32>
    %select_n3A_1925 = arith.select %lt3A_1921, %add3A_1924, %xor3A_422 : vector<16xi1>, vector<16xi32>
    %broadcast_in_dim3A_1926 = vector.shape_cast %select_n3A_1925 : vector<16xi32> to vector<16x1xi32>
    %gather3A_1927 = vector.shape_cast %broadcast_in_dim3A_1926 : vector<16x1xi32> to vector<16xi32>
    %gather3A_1928 = tpu.dynamic_gather %add3A_1918[%gather3A_1927] in [0] : vector<16xi32>, vector<16xi32> -> vector<16xi32>
    %add3A_1929 = arith.addi %add3A_1918, %gather3A_1928 : vector<16xi32>
    %lt3A_1930 = arith.constant 0 : i32
    %lt3A_1931 = vector.broadcast %lt3A_1930 : i32 to vector<16xi32>
    %lt3A_1932 = arith.cmpi slt, %xor3A_425, %lt3A_1931 : vector<16xi32>
    %add3A_1933 = arith.constant 16 : i32
    %add3A_1934 = vector.broadcast %add3A_1933 : i32 to vector<16xi32>
    %add3A_1935 = arith.addi %xor3A_425, %add3A_1934 : vector<16xi32>
    %select_n3A_1936 = arith.select %lt3A_1932, %add3A_1935, %xor3A_425 : vector<16xi1>, vector<16xi32>
    %broadcast_in_dim3A_1937 = vector.shape_cast %select_n3A_1936 : vector<16xi32> to vector<16x1xi32>
    %gather3A_1938 = vector.shape_cast %broadcast_in_dim3A_1937 : vector<16x1xi32> to vector<16xi32>
    %gather3A_1939 = tpu.dynamic_gather %add3A_1929[%gather3A_1938] in [0] : vector<16xi32>, vector<16xi32> -> vector<16xi32>
    %add3A_1940 = arith.addi %add3A_1929, %gather3A_1939 : vector<16xi32>
    %slice3A_1941 = vector.extract_strided_slice %add3A_1940 {offsets = [0], sizes = [1], strides = [1]} : vector<16xi32> to vector<1xi32>
    %squeeze3A_1942 = vector.extract %slice3A_1941[0] : i32 from vector<1xi32>
    %swap3A_1943 = arith.constant 24 : i32
    %swap3A_1944 = arith.index_cast %swap3A_1943 : i32 to index
    %swap3A_1945 = memref.load %arg9[%swap3A_1944] : memref<32xi32, #tpu.memory_space<smem>>
    memref.store %squeeze3A_1942, %arg9[%swap3A_1944] : memref<32xi32, #tpu.memory_space<smem>>
    %get3A_1946 = arith.constant 400 : index
    %get3A_1947 = tpu.vector_load %arg6[%get3A_1946] {strides = array<i32>} : memref<512xi32, #tpu.memory_space<vmem>>, vector<16xi32>,
    %get3A_1948 = vector.shape_cast %get3A_1947 : vector<16xi32> to vector<16xi32>
    %eq3A_1949 = arith.constant 100000 : i32
    %eq3A_1950 = vector.broadcast %eq3A_1949 : i32 to vector<16xi32>
    %eq3A_1951 = arith.cmpi eq, %get3A_1948, %eq3A_1950 : vector<16xi32>
    %shift_left3A_1952 = arith.constant 1 : i32
    %shift_left3A_1953 = vector.broadcast %shift_left3A_1952 : i32 to vector<16xi32>
    %shift_left3A_1954 = arith.shli %shift_left3A_1953, %iota3A : vector<16xi32>
    %jit3A_1955 = arith.constant 0 : i32
    %broadcast_in_dim3A_1956 = vector.broadcast %jit3A_1955 : i32 to vector<16xi32>
    %select_n3A_1957 = arith.select %eq3A_1951, %shift_left3A_1954, %broadcast_in_dim3A_1956 : vector<16xi1>, vector<16xi32>
    %lt3A_1958 = arith.constant 0 : i32
    %lt3A_1959 = vector.broadcast %lt3A_1958 : i32 to vector<16xi32>
    %lt3A_1960 = arith.cmpi slt, %xor3A_416, %lt3A_1959 : vector<16xi32>
    %add3A_1961 = arith.constant 16 : i32
    %add3A_1962 = vector.broadcast %add3A_1961 : i32 to vector<16xi32>
    %add3A_1963 = arith.addi %xor3A_416, %add3A_1962 : vector<16xi32>
    %select_n3A_1964 = arith.select %lt3A_1960, %add3A_1963, %xor3A_416 : vector<16xi1>, vector<16xi32>
    %broadcast_in_dim3A_1965 = vector.shape_cast %select_n3A_1964 : vector<16xi32> to vector<16x1xi32>
    %gather3A_1966 = vector.shape_cast %broadcast_in_dim3A_1965 : vector<16x1xi32> to vector<16xi32>
    %gather3A_1967 = tpu.dynamic_gather %select_n3A_1957[%gather3A_1966] in [0] : vector<16xi32>, vector<16xi32> -> vector<16xi32>
    %add3A_1968 = arith.addi %select_n3A_1957, %gather3A_1967 : vector<16xi32>
    %lt3A_1969 = arith.constant 0 : i32
    %lt3A_1970 = vector.broadcast %lt3A_1969 : i32 to vector<16xi32>
    %lt3A_1971 = arith.cmpi slt, %xor3A_419, %lt3A_1970 : vector<16xi32>
    %add3A_1972 = arith.constant 16 : i32
    %add3A_1973 = vector.broadcast %add3A_1972 : i32 to vector<16xi32>
    %add3A_1974 = arith.addi %xor3A_419, %add3A_1973 : vector<16xi32>
    %select_n3A_1975 = arith.select %lt3A_1971, %add3A_1974, %xor3A_419 : vector<16xi1>, vector<16xi32>
    %broadcast_in_dim3A_1976 = vector.shape_cast %select_n3A_1975 : vector<16xi32> to vector<16x1xi32>
    %gather3A_1977 = vector.shape_cast %broadcast_in_dim3A_1976 : vector<16x1xi32> to vector<16xi32>
    %gather3A_1978 = tpu.dynamic_gather %add3A_1968[%gather3A_1977] in [0] : vector<16xi32>, vector<16xi32> -> vector<16xi32>
    %add3A_1979 = arith.addi %add3A_1968, %gather3A_1978 : vector<16xi32>
    %lt3A_1980 = arith.constant 0 : i32
    %lt3A_1981 = vector.broadcast %lt3A_1980 : i32 to vector<16xi32>
    %lt3A_1982 = arith.cmpi slt, %xor3A_422, %lt3A_1981 : vector<16xi32>
    %add3A_1983 = arith.constant 16 : i32
    %add3A_1984 = vector.broadcast %add3A_1983 : i32 to vector<16xi32>
    %add3A_1985 = arith.addi %xor3A_422, %add3A_1984 : vector<16xi32>
    %select_n3A_1986 = arith.select %lt3A_1982, %add3A_1985, %xor3A_422 : vector<16xi1>, vector<16xi32>
    %broadcast_in_dim3A_1987 = vector.shape_cast %select_n3A_1986 : vector<16xi32> to vector<16x1xi32>
    %gather3A_1988 = vector.shape_cast %broadcast_in_dim3A_1987 : vector<16x1xi32> to vector<16xi32>
    %gather3A_1989 = tpu.dynamic_gather %add3A_1979[%gather3A_1988] in [0] : vector<16xi32>, vector<16xi32> -> vector<16xi32>
    %add3A_1990 = arith.addi %add3A_1979, %gather3A_1989 : vector<16xi32>
    %lt3A_1991 = arith.constant 0 : i32
    %lt3A_1992 = vector.broadcast %lt3A_1991 : i32 to vector<16xi32>
    %lt3A_1993 = arith.cmpi slt, %xor3A_425, %lt3A_1992 : vector<16xi32>
    %add3A_1994 = arith.constant 16 : i32
    %add3A_1995 = vector.broadcast %add3A_1994 : i32 to vector<16xi32>
    %add3A_1996 = arith.addi %xor3A_425, %add3A_1995 : vector<16xi32>
    %select_n3A_1997 = arith.select %lt3A_1993, %add3A_1996, %xor3A_425 : vector<16xi1>, vector<16xi32>
    %broadcast_in_dim3A_1998 = vector.shape_cast %select_n3A_1997 : vector<16xi32> to vector<16x1xi32>
    %gather3A_1999 = vector.shape_cast %broadcast_in_dim3A_1998 : vector<16x1xi32> to vector<16xi32>
    %gather3A_2000 = tpu.dynamic_gather %add3A_1990[%gather3A_1999] in [0] : vector<16xi32>, vector<16xi32> -> vector<16xi32>
    %add3A_2001 = arith.addi %add3A_1990, %gather3A_2000 : vector<16xi32>
    %slice3A_2002 = vector.extract_strided_slice %add3A_2001 {offsets = [0], sizes = [1], strides = [1]} : vector<16xi32> to vector<1xi32>
    %squeeze3A_2003 = vector.extract %slice3A_2002[0] : i32 from vector<1xi32>
    %swap3A_2004 = arith.constant 25 : i32
    %swap3A_2005 = arith.index_cast %swap3A_2004 : i32 to index
    %swap3A_2006 = memref.load %arg9[%swap3A_2005] : memref<32xi32, #tpu.memory_space<smem>>
    memref.store %squeeze3A_2003, %arg9[%swap3A_2005] : memref<32xi32, #tpu.memory_space<smem>>
    %get3A_2007 = arith.constant 416 : index
    %get3A_2008 = tpu.vector_load %arg6[%get3A_2007] {strides = array<i32>} : memref<512xi32, #tpu.memory_space<vmem>>, vector<16xi32>,
    %get3A_2009 = vector.shape_cast %get3A_2008 : vector<16xi32> to vector<16xi32>
    %eq3A_2010 = arith.constant 100000 : i32
    %eq3A_2011 = vector.broadcast %eq3A_2010 : i32 to vector<16xi32>
    %eq3A_2012 = arith.cmpi eq, %get3A_2009, %eq3A_2011 : vector<16xi32>
    %shift_left3A_2013 = arith.constant 1 : i32
    %shift_left3A_2014 = vector.broadcast %shift_left3A_2013 : i32 to vector<16xi32>
    %shift_left3A_2015 = arith.shli %shift_left3A_2014, %iota3A : vector<16xi32>
    %jit3A_2016 = arith.constant 0 : i32
    %broadcast_in_dim3A_2017 = vector.broadcast %jit3A_2016 : i32 to vector<16xi32>
    %select_n3A_2018 = arith.select %eq3A_2012, %shift_left3A_2015, %broadcast_in_dim3A_2017 : vector<16xi1>, vector<16xi32>
    %lt3A_2019 = arith.constant 0 : i32
    %lt3A_2020 = vector.broadcast %lt3A_2019 : i32 to vector<16xi32>
    %lt3A_2021 = arith.cmpi slt, %xor3A_416, %lt3A_2020 : vector<16xi32>
    %add3A_2022 = arith.constant 16 : i32
    %add3A_2023 = vector.broadcast %add3A_2022 : i32 to vector<16xi32>
    %add3A_2024 = arith.addi %xor3A_416, %add3A_2023 : vector<16xi32>
    %select_n3A_2025 = arith.select %lt3A_2021, %add3A_2024, %xor3A_416 : vector<16xi1>, vector<16xi32>
    %broadcast_in_dim3A_2026 = vector.shape_cast %select_n3A_2025 : vector<16xi32> to vector<16x1xi32>
    %gather3A_2027 = vector.shape_cast %broadcast_in_dim3A_2026 : vector<16x1xi32> to vector<16xi32>
    %gather3A_2028 = tpu.dynamic_gather %select_n3A_2018[%gather3A_2027] in [0] : vector<16xi32>, vector<16xi32> -> vector<16xi32>
    %add3A_2029 = arith.addi %select_n3A_2018, %gather3A_2028 : vector<16xi32>
    %lt3A_2030 = arith.constant 0 : i32
    %lt3A_2031 = vector.broadcast %lt3A_2030 : i32 to vector<16xi32>
    %lt3A_2032 = arith.cmpi slt, %xor3A_419, %lt3A_2031 : vector<16xi32>
    %add3A_2033 = arith.constant 16 : i32
    %add3A_2034 = vector.broadcast %add3A_2033 : i32 to vector<16xi32>
    %add3A_2035 = arith.addi %xor3A_419, %add3A_2034 : vector<16xi32>
    %select_n3A_2036 = arith.select %lt3A_2032, %add3A_2035, %xor3A_419 : vector<16xi1>, vector<16xi32>
    %broadcast_in_dim3A_2037 = vector.shape_cast %select_n3A_2036 : vector<16xi32> to vector<16x1xi32>
    %gather3A_2038 = vector.shape_cast %broadcast_in_dim3A_2037 : vector<16x1xi32> to vector<16xi32>
    %gather3A_2039 = tpu.dynamic_gather %add3A_2029[%gather3A_2038] in [0] : vector<16xi32>, vector<16xi32> -> vector<16xi32>
    %add3A_2040 = arith.addi %add3A_2029, %gather3A_2039 : vector<16xi32>
    %lt3A_2041 = arith.constant 0 : i32
    %lt3A_2042 = vector.broadcast %lt3A_2041 : i32 to vector<16xi32>
    %lt3A_2043 = arith.cmpi slt, %xor3A_422, %lt3A_2042 : vector<16xi32>
    %add3A_2044 = arith.constant 16 : i32
    %add3A_2045 = vector.broadcast %add3A_2044 : i32 to vector<16xi32>
    %add3A_2046 = arith.addi %xor3A_422, %add3A_2045 : vector<16xi32>
    %select_n3A_2047 = arith.select %lt3A_2043, %add3A_2046, %xor3A_422 : vector<16xi1>, vector<16xi32>
    %broadcast_in_dim3A_2048 = vector.shape_cast %select_n3A_2047 : vector<16xi32> to vector<16x1xi32>
    %gather3A_2049 = vector.shape_cast %broadcast_in_dim3A_2048 : vector<16x1xi32> to vector<16xi32>
    %gather3A_2050 = tpu.dynamic_gather %add3A_2040[%gather3A_2049] in [0] : vector<16xi32>, vector<16xi32> -> vector<16xi32>
    %add3A_2051 = arith.addi %add3A_2040, %gather3A_2050 : vector<16xi32>
    %lt3A_2052 = arith.constant 0 : i32
    %lt3A_2053 = vector.broadcast %lt3A_2052 : i32 to vector<16xi32>
    %lt3A_2054 = arith.cmpi slt, %xor3A_425, %lt3A_2053 : vector<16xi32>
    %add3A_2055 = arith.constant 16 : i32
    %add3A_2056 = vector.broadcast %add3A_2055 : i32 to vector<16xi32>
    %add3A_2057 = arith.addi %xor3A_425, %add3A_2056 : vector<16xi32>
    %select_n3A_2058 = arith.select %lt3A_2054, %add3A_2057, %xor3A_425 : vector<16xi1>, vector<16xi32>
    %broadcast_in_dim3A_2059 = vector.shape_cast %select_n3A_2058 : vector<16xi32> to vector<16x1xi32>
    %gather3A_2060 = vector.shape_cast %broadcast_in_dim3A_2059 : vector<16x1xi32> to vector<16xi32>
    %gather3A_2061 = tpu.dynamic_gather %add3A_2051[%gather3A_2060] in [0] : vector<16xi32>, vector<16xi32> -> vector<16xi32>
    %add3A_2062 = arith.addi %add3A_2051, %gather3A_2061 : vector<16xi32>
    %slice3A_2063 = vector.extract_strided_slice %add3A_2062 {offsets = [0], sizes = [1], strides = [1]} : vector<16xi32> to vector<1xi32>
    %squeeze3A_2064 = vector.extract %slice3A_2063[0] : i32 from vector<1xi32>
    %swap3A_2065 = arith.constant 26 : i32
    %swap3A_2066 = arith.index_cast %swap3A_2065 : i32 to index
    %swap3A_2067 = memref.load %arg9[%swap3A_2066] : memref<32xi32, #tpu.memory_space<smem>>
    memref.store %squeeze3A_2064, %arg9[%swap3A_2066] : memref<32xi32, #tpu.memory_space<smem>>
    %get3A_2068 = arith.constant 432 : index
    %get3A_2069 = tpu.vector_load %arg6[%get3A_2068] {strides = array<i32>} : memref<512xi32, #tpu.memory_space<vmem>>, vector<16xi32>,
    %get3A_2070 = vector.shape_cast %get3A_2069 : vector<16xi32> to vector<16xi32>
    %eq3A_2071 = arith.constant 100000 : i32
    %eq3A_2072 = vector.broadcast %eq3A_2071 : i32 to vector<16xi32>
    %eq3A_2073 = arith.cmpi eq, %get3A_2070, %eq3A_2072 : vector<16xi32>
    %shift_left3A_2074 = arith.constant 1 : i32
    %shift_left3A_2075 = vector.broadcast %shift_left3A_2074 : i32 to vector<16xi32>
    %shift_left3A_2076 = arith.shli %shift_left3A_2075, %iota3A : vector<16xi32>
    %jit3A_2077 = arith.constant 0 : i32
    %broadcast_in_dim3A_2078 = vector.broadcast %jit3A_2077 : i32 to vector<16xi32>
    %select_n3A_2079 = arith.select %eq3A_2073, %shift_left3A_2076, %broadcast_in_dim3A_2078 : vector<16xi1>, vector<16xi32>
    %lt3A_2080 = arith.constant 0 : i32
    %lt3A_2081 = vector.broadcast %lt3A_2080 : i32 to vector<16xi32>
    %lt3A_2082 = arith.cmpi slt, %xor3A_416, %lt3A_2081 : vector<16xi32>
    %add3A_2083 = arith.constant 16 : i32
    %add3A_2084 = vector.broadcast %add3A_2083 : i32 to vector<16xi32>
    %add3A_2085 = arith.addi %xor3A_416, %add3A_2084 : vector<16xi32>
    %select_n3A_2086 = arith.select %lt3A_2082, %add3A_2085, %xor3A_416 : vector<16xi1>, vector<16xi32>
    %broadcast_in_dim3A_2087 = vector.shape_cast %select_n3A_2086 : vector<16xi32> to vector<16x1xi32>
    %gather3A_2088 = vector.shape_cast %broadcast_in_dim3A_2087 : vector<16x1xi32> to vector<16xi32>
    %gather3A_2089 = tpu.dynamic_gather %select_n3A_2079[%gather3A_2088] in [0] : vector<16xi32>, vector<16xi32> -> vector<16xi32>
    %add3A_2090 = arith.addi %select_n3A_2079, %gather3A_2089 : vector<16xi32>
    %lt3A_2091 = arith.constant 0 : i32
    %lt3A_2092 = vector.broadcast %lt3A_2091 : i32 to vector<16xi32>
    %lt3A_2093 = arith.cmpi slt, %xor3A_419, %lt3A_2092 : vector<16xi32>
    %add3A_2094 = arith.constant 16 : i32
    %add3A_2095 = vector.broadcast %add3A_2094 : i32 to vector<16xi32>
    %add3A_2096 = arith.addi %xor3A_419, %add3A_2095 : vector<16xi32>
    %select_n3A_2097 = arith.select %lt3A_2093, %add3A_2096, %xor3A_419 : vector<16xi1>, vector<16xi32>
    %broadcast_in_dim3A_2098 = vector.shape_cast %select_n3A_2097 : vector<16xi32> to vector<16x1xi32>
    %gather3A_2099 = vector.shape_cast %broadcast_in_dim3A_2098 : vector<16x1xi32> to vector<16xi32>
    %gather3A_2100 = tpu.dynamic_gather %add3A_2090[%gather3A_2099] in [0] : vector<16xi32>, vector<16xi32> -> vector<16xi32>
    %add3A_2101 = arith.addi %add3A_2090, %gather3A_2100 : vector<16xi32>
    %lt3A_2102 = arith.constant 0 : i32
    %lt3A_2103 = vector.broadcast %lt3A_2102 : i32 to vector<16xi32>
    %lt3A_2104 = arith.cmpi slt, %xor3A_422, %lt3A_2103 : vector<16xi32>
    %add3A_2105 = arith.constant 16 : i32
    %add3A_2106 = vector.broadcast %add3A_2105 : i32 to vector<16xi32>
    %add3A_2107 = arith.addi %xor3A_422, %add3A_2106 : vector<16xi32>
    %select_n3A_2108 = arith.select %lt3A_2104, %add3A_2107, %xor3A_422 : vector<16xi1>, vector<16xi32>
    %broadcast_in_dim3A_2109 = vector.shape_cast %select_n3A_2108 : vector<16xi32> to vector<16x1xi32>
    %gather3A_2110 = vector.shape_cast %broadcast_in_dim3A_2109 : vector<16x1xi32> to vector<16xi32>
    %gather3A_2111 = tpu.dynamic_gather %add3A_2101[%gather3A_2110] in [0] : vector<16xi32>, vector<16xi32> -> vector<16xi32>
    %add3A_2112 = arith.addi %add3A_2101, %gather3A_2111 : vector<16xi32>
    %lt3A_2113 = arith.constant 0 : i32
    %lt3A_2114 = vector.broadcast %lt3A_2113 : i32 to vector<16xi32>
    %lt3A_2115 = arith.cmpi slt, %xor3A_425, %lt3A_2114 : vector<16xi32>
    %add3A_2116 = arith.constant 16 : i32
    %add3A_2117 = vector.broadcast %add3A_2116 : i32 to vector<16xi32>
    %add3A_2118 = arith.addi %xor3A_425, %add3A_2117 : vector<16xi32>
    %select_n3A_2119 = arith.select %lt3A_2115, %add3A_2118, %xor3A_425 : vector<16xi1>, vector<16xi32>
    %broadcast_in_dim3A_2120 = vector.shape_cast %select_n3A_2119 : vector<16xi32> to vector<16x1xi32>
    %gather3A_2121 = vector.shape_cast %broadcast_in_dim3A_2120 : vector<16x1xi32> to vector<16xi32>
    %gather3A_2122 = tpu.dynamic_gather %add3A_2112[%gather3A_2121] in [0] : vector<16xi32>, vector<16xi32> -> vector<16xi32>
    %add3A_2123 = arith.addi %add3A_2112, %gather3A_2122 : vector<16xi32>
    %slice3A_2124 = vector.extract_strided_slice %add3A_2123 {offsets = [0], sizes = [1], strides = [1]} : vector<16xi32> to vector<1xi32>
    %squeeze3A_2125 = vector.extract %slice3A_2124[0] : i32 from vector<1xi32>
    %swap3A_2126 = arith.constant 27 : i32
    %swap3A_2127 = arith.index_cast %swap3A_2126 : i32 to index
    %swap3A_2128 = memref.load %arg9[%swap3A_2127] : memref<32xi32, #tpu.memory_space<smem>>
    memref.store %squeeze3A_2125, %arg9[%swap3A_2127] : memref<32xi32, #tpu.memory_space<smem>>
    %get3A_2129 = arith.constant 448 : index
    %get3A_2130 = tpu.vector_load %arg6[%get3A_2129] {strides = array<i32>} : memref<512xi32, #tpu.memory_space<vmem>>, vector<16xi32>,
    %get3A_2131 = vector.shape_cast %get3A_2130 : vector<16xi32> to vector<16xi32>
    %eq3A_2132 = arith.constant 100000 : i32
    %eq3A_2133 = vector.broadcast %eq3A_2132 : i32 to vector<16xi32>
    %eq3A_2134 = arith.cmpi eq, %get3A_2131, %eq3A_2133 : vector<16xi32>
    %shift_left3A_2135 = arith.constant 1 : i32
    %shift_left3A_2136 = vector.broadcast %shift_left3A_2135 : i32 to vector<16xi32>
    %shift_left3A_2137 = arith.shli %shift_left3A_2136, %iota3A : vector<16xi32>
    %jit3A_2138 = arith.constant 0 : i32
    %broadcast_in_dim3A_2139 = vector.broadcast %jit3A_2138 : i32 to vector<16xi32>
    %select_n3A_2140 = arith.select %eq3A_2134, %shift_left3A_2137, %broadcast_in_dim3A_2139 : vector<16xi1>, vector<16xi32>
    %lt3A_2141 = arith.constant 0 : i32
    %lt3A_2142 = vector.broadcast %lt3A_2141 : i32 to vector<16xi32>
    %lt3A_2143 = arith.cmpi slt, %xor3A_416, %lt3A_2142 : vector<16xi32>
    %add3A_2144 = arith.constant 16 : i32
    %add3A_2145 = vector.broadcast %add3A_2144 : i32 to vector<16xi32>
    %add3A_2146 = arith.addi %xor3A_416, %add3A_2145 : vector<16xi32>
    %select_n3A_2147 = arith.select %lt3A_2143, %add3A_2146, %xor3A_416 : vector<16xi1>, vector<16xi32>
    %broadcast_in_dim3A_2148 = vector.shape_cast %select_n3A_2147 : vector<16xi32> to vector<16x1xi32>
    %gather3A_2149 = vector.shape_cast %broadcast_in_dim3A_2148 : vector<16x1xi32> to vector<16xi32>
    %gather3A_2150 = tpu.dynamic_gather %select_n3A_2140[%gather3A_2149] in [0] : vector<16xi32>, vector<16xi32> -> vector<16xi32>
    %add3A_2151 = arith.addi %select_n3A_2140, %gather3A_2150 : vector<16xi32>
    %lt3A_2152 = arith.constant 0 : i32
    %lt3A_2153 = vector.broadcast %lt3A_2152 : i32 to vector<16xi32>
    %lt3A_2154 = arith.cmpi slt, %xor3A_419, %lt3A_2153 : vector<16xi32>
    %add3A_2155 = arith.constant 16 : i32
    %add3A_2156 = vector.broadcast %add3A_2155 : i32 to vector<16xi32>
    %add3A_2157 = arith.addi %xor3A_419, %add3A_2156 : vector<16xi32>
    %select_n3A_2158 = arith.select %lt3A_2154, %add3A_2157, %xor3A_419 : vector<16xi1>, vector<16xi32>
    %broadcast_in_dim3A_2159 = vector.shape_cast %select_n3A_2158 : vector<16xi32> to vector<16x1xi32>
    %gather3A_2160 = vector.shape_cast %broadcast_in_dim3A_2159 : vector<16x1xi32> to vector<16xi32>
    %gather3A_2161 = tpu.dynamic_gather %add3A_2151[%gather3A_2160] in [0] : vector<16xi32>, vector<16xi32> -> vector<16xi32>
    %add3A_2162 = arith.addi %add3A_2151, %gather3A_2161 : vector<16xi32>
    %lt3A_2163 = arith.constant 0 : i32
    %lt3A_2164 = vector.broadcast %lt3A_2163 : i32 to vector<16xi32>
    %lt3A_2165 = arith.cmpi slt, %xor3A_422, %lt3A_2164 : vector<16xi32>
    %add3A_2166 = arith.constant 16 : i32
    %add3A_2167 = vector.broadcast %add3A_2166 : i32 to vector<16xi32>
    %add3A_2168 = arith.addi %xor3A_422, %add3A_2167 : vector<16xi32>
    %select_n3A_2169 = arith.select %lt3A_2165, %add3A_2168, %xor3A_422 : vector<16xi1>, vector<16xi32>
    %broadcast_in_dim3A_2170 = vector.shape_cast %select_n3A_2169 : vector<16xi32> to vector<16x1xi32>
    %gather3A_2171 = vector.shape_cast %broadcast_in_dim3A_2170 : vector<16x1xi32> to vector<16xi32>
    %gather3A_2172 = tpu.dynamic_gather %add3A_2162[%gather3A_2171] in [0] : vector<16xi32>, vector<16xi32> -> vector<16xi32>
    %add3A_2173 = arith.addi %add3A_2162, %gather3A_2172 : vector<16xi32>
    %lt3A_2174 = arith.constant 0 : i32
    %lt3A_2175 = vector.broadcast %lt3A_2174 : i32 to vector<16xi32>
    %lt3A_2176 = arith.cmpi slt, %xor3A_425, %lt3A_2175 : vector<16xi32>
    %add3A_2177 = arith.constant 16 : i32
    %add3A_2178 = vector.broadcast %add3A_2177 : i32 to vector<16xi32>
    %add3A_2179 = arith.addi %xor3A_425, %add3A_2178 : vector<16xi32>
    %select_n3A_2180 = arith.select %lt3A_2176, %add3A_2179, %xor3A_425 : vector<16xi1>, vector<16xi32>
    %broadcast_in_dim3A_2181 = vector.shape_cast %select_n3A_2180 : vector<16xi32> to vector<16x1xi32>
    %gather3A_2182 = vector.shape_cast %broadcast_in_dim3A_2181 : vector<16x1xi32> to vector<16xi32>
    %gather3A_2183 = tpu.dynamic_gather %add3A_2173[%gather3A_2182] in [0] : vector<16xi32>, vector<16xi32> -> vector<16xi32>
    %add3A_2184 = arith.addi %add3A_2173, %gather3A_2183 : vector<16xi32>
    %slice3A_2185 = vector.extract_strided_slice %add3A_2184 {offsets = [0], sizes = [1], strides = [1]} : vector<16xi32> to vector<1xi32>
    %squeeze3A_2186 = vector.extract %slice3A_2185[0] : i32 from vector<1xi32>
    %swap3A_2187 = arith.constant 28 : i32
    %swap3A_2188 = arith.index_cast %swap3A_2187 : i32 to index
    %swap3A_2189 = memref.load %arg9[%swap3A_2188] : memref<32xi32, #tpu.memory_space<smem>>
    memref.store %squeeze3A_2186, %arg9[%swap3A_2188] : memref<32xi32, #tpu.memory_space<smem>>
    %get3A_2190 = arith.constant 464 : index
    %get3A_2191 = tpu.vector_load %arg6[%get3A_2190] {strides = array<i32>} : memref<512xi32, #tpu.memory_space<vmem>>, vector<16xi32>,
    %get3A_2192 = vector.shape_cast %get3A_2191 : vector<16xi32> to vector<16xi32>
    %eq3A_2193 = arith.constant 100000 : i32
    %eq3A_2194 = vector.broadcast %eq3A_2193 : i32 to vector<16xi32>
    %eq3A_2195 = arith.cmpi eq, %get3A_2192, %eq3A_2194 : vector<16xi32>
    %shift_left3A_2196 = arith.constant 1 : i32
    %shift_left3A_2197 = vector.broadcast %shift_left3A_2196 : i32 to vector<16xi32>
    %shift_left3A_2198 = arith.shli %shift_left3A_2197, %iota3A : vector<16xi32>
    %jit3A_2199 = arith.constant 0 : i32
    %broadcast_in_dim3A_2200 = vector.broadcast %jit3A_2199 : i32 to vector<16xi32>
    %select_n3A_2201 = arith.select %eq3A_2195, %shift_left3A_2198, %broadcast_in_dim3A_2200 : vector<16xi1>, vector<16xi32>
    %lt3A_2202 = arith.constant 0 : i32
    %lt3A_2203 = vector.broadcast %lt3A_2202 : i32 to vector<16xi32>
    %lt3A_2204 = arith.cmpi slt, %xor3A_416, %lt3A_2203 : vector<16xi32>
    %add3A_2205 = arith.constant 16 : i32
    %add3A_2206 = vector.broadcast %add3A_2205 : i32 to vector<16xi32>
    %add3A_2207 = arith.addi %xor3A_416, %add3A_2206 : vector<16xi32>
    %select_n3A_2208 = arith.select %lt3A_2204, %add3A_2207, %xor3A_416 : vector<16xi1>, vector<16xi32>
    %broadcast_in_dim3A_2209 = vector.shape_cast %select_n3A_2208 : vector<16xi32> to vector<16x1xi32>
    %gather3A_2210 = vector.shape_cast %broadcast_in_dim3A_2209 : vector<16x1xi32> to vector<16xi32>
    %gather3A_2211 = tpu.dynamic_gather %select_n3A_2201[%gather3A_2210] in [0] : vector<16xi32>, vector<16xi32> -> vector<16xi32>
    %add3A_2212 = arith.addi %select_n3A_2201, %gather3A_2211 : vector<16xi32>
    %lt3A_2213 = arith.constant 0 : i32
    %lt3A_2214 = vector.broadcast %lt3A_2213 : i32 to vector<16xi32>
    %lt3A_2215 = arith.cmpi slt, %xor3A_419, %lt3A_2214 : vector<16xi32>
    %add3A_2216 = arith.constant 16 : i32
    %add3A_2217 = vector.broadcast %add3A_2216 : i32 to vector<16xi32>
    %add3A_2218 = arith.addi %xor3A_419, %add3A_2217 : vector<16xi32>
    %select_n3A_2219 = arith.select %lt3A_2215, %add3A_2218, %xor3A_419 : vector<16xi1>, vector<16xi32>
    %broadcast_in_dim3A_2220 = vector.shape_cast %select_n3A_2219 : vector<16xi32> to vector<16x1xi32>
    %gather3A_2221 = vector.shape_cast %broadcast_in_dim3A_2220 : vector<16x1xi32> to vector<16xi32>
    %gather3A_2222 = tpu.dynamic_gather %add3A_2212[%gather3A_2221] in [0] : vector<16xi32>, vector<16xi32> -> vector<16xi32>
    %add3A_2223 = arith.addi %add3A_2212, %gather3A_2222 : vector<16xi32>
    %lt3A_2224 = arith.constant 0 : i32
    %lt3A_2225 = vector.broadcast %lt3A_2224 : i32 to vector<16xi32>
    %lt3A_2226 = arith.cmpi slt, %xor3A_422, %lt3A_2225 : vector<16xi32>
    %add3A_2227 = arith.constant 16 : i32
    %add3A_2228 = vector.broadcast %add3A_2227 : i32 to vector<16xi32>
    %add3A_2229 = arith.addi %xor3A_422, %add3A_2228 : vector<16xi32>
    %select_n3A_2230 = arith.select %lt3A_2226, %add3A_2229, %xor3A_422 : vector<16xi1>, vector<16xi32>
    %broadcast_in_dim3A_2231 = vector.shape_cast %select_n3A_2230 : vector<16xi32> to vector<16x1xi32>
    %gather3A_2232 = vector.shape_cast %broadcast_in_dim3A_2231 : vector<16x1xi32> to vector<16xi32>
    %gather3A_2233 = tpu.dynamic_gather %add3A_2223[%gather3A_2232] in [0] : vector<16xi32>, vector<16xi32> -> vector<16xi32>
    %add3A_2234 = arith.addi %add3A_2223, %gather3A_2233 : vector<16xi32>
    %lt3A_2235 = arith.constant 0 : i32
    %lt3A_2236 = vector.broadcast %lt3A_2235 : i32 to vector<16xi32>
    %lt3A_2237 = arith.cmpi slt, %xor3A_425, %lt3A_2236 : vector<16xi32>
    %add3A_2238 = arith.constant 16 : i32
    %add3A_2239 = vector.broadcast %add3A_2238 : i32 to vector<16xi32>
    %add3A_2240 = arith.addi %xor3A_425, %add3A_2239 : vector<16xi32>
    %select_n3A_2241 = arith.select %lt3A_2237, %add3A_2240, %xor3A_425 : vector<16xi1>, vector<16xi32>
    %broadcast_in_dim3A_2242 = vector.shape_cast %select_n3A_2241 : vector<16xi32> to vector<16x1xi32>
    %gather3A_2243 = vector.shape_cast %broadcast_in_dim3A_2242 : vector<16x1xi32> to vector<16xi32>
    %gather3A_2244 = tpu.dynamic_gather %add3A_2234[%gather3A_2243] in [0] : vector<16xi32>, vector<16xi32> -> vector<16xi32>
    %add3A_2245 = arith.addi %add3A_2234, %gather3A_2244 : vector<16xi32>
    %slice3A_2246 = vector.extract_strided_slice %add3A_2245 {offsets = [0], sizes = [1], strides = [1]} : vector<16xi32> to vector<1xi32>
    %squeeze3A_2247 = vector.extract %slice3A_2246[0] : i32 from vector<1xi32>
    %swap3A_2248 = arith.constant 29 : i32
    %swap3A_2249 = arith.index_cast %swap3A_2248 : i32 to index
    %swap3A_2250 = memref.load %arg9[%swap3A_2249] : memref<32xi32, #tpu.memory_space<smem>>
    memref.store %squeeze3A_2247, %arg9[%swap3A_2249] : memref<32xi32, #tpu.memory_space<smem>>
    %get3A_2251 = arith.constant 480 : index
    %get3A_2252 = tpu.vector_load %arg6[%get3A_2251] {strides = array<i32>} : memref<512xi32, #tpu.memory_space<vmem>>, vector<16xi32>,
    %get3A_2253 = vector.shape_cast %get3A_2252 : vector<16xi32> to vector<16xi32>
    %eq3A_2254 = arith.constant 100000 : i32
    %eq3A_2255 = vector.broadcast %eq3A_2254 : i32 to vector<16xi32>
    %eq3A_2256 = arith.cmpi eq, %get3A_2253, %eq3A_2255 : vector<16xi32>
    %shift_left3A_2257 = arith.constant 1 : i32
    %shift_left3A_2258 = vector.broadcast %shift_left3A_2257 : i32 to vector<16xi32>
    %shift_left3A_2259 = arith.shli %shift_left3A_2258, %iota3A : vector<16xi32>
    %jit3A_2260 = arith.constant 0 : i32
    %broadcast_in_dim3A_2261 = vector.broadcast %jit3A_2260 : i32 to vector<16xi32>
    %select_n3A_2262 = arith.select %eq3A_2256, %shift_left3A_2259, %broadcast_in_dim3A_2261 : vector<16xi1>, vector<16xi32>
    %lt3A_2263 = arith.constant 0 : i32
    %lt3A_2264 = vector.broadcast %lt3A_2263 : i32 to vector<16xi32>
    %lt3A_2265 = arith.cmpi slt, %xor3A_416, %lt3A_2264 : vector<16xi32>
    %add3A_2266 = arith.constant 16 : i32
    %add3A_2267 = vector.broadcast %add3A_2266 : i32 to vector<16xi32>
    %add3A_2268 = arith.addi %xor3A_416, %add3A_2267 : vector<16xi32>
    %select_n3A_2269 = arith.select %lt3A_2265, %add3A_2268, %xor3A_416 : vector<16xi1>, vector<16xi32>
    %broadcast_in_dim3A_2270 = vector.shape_cast %select_n3A_2269 : vector<16xi32> to vector<16x1xi32>
    %gather3A_2271 = vector.shape_cast %broadcast_in_dim3A_2270 : vector<16x1xi32> to vector<16xi32>
    %gather3A_2272 = tpu.dynamic_gather %select_n3A_2262[%gather3A_2271] in [0] : vector<16xi32>, vector<16xi32> -> vector<16xi32>
    %add3A_2273 = arith.addi %select_n3A_2262, %gather3A_2272 : vector<16xi32>
    %lt3A_2274 = arith.constant 0 : i32
    %lt3A_2275 = vector.broadcast %lt3A_2274 : i32 to vector<16xi32>
    %lt3A_2276 = arith.cmpi slt, %xor3A_419, %lt3A_2275 : vector<16xi32>
    %add3A_2277 = arith.constant 16 : i32
    %add3A_2278 = vector.broadcast %add3A_2277 : i32 to vector<16xi32>
    %add3A_2279 = arith.addi %xor3A_419, %add3A_2278 : vector<16xi32>
    %select_n3A_2280 = arith.select %lt3A_2276, %add3A_2279, %xor3A_419 : vector<16xi1>, vector<16xi32>
    %broadcast_in_dim3A_2281 = vector.shape_cast %select_n3A_2280 : vector<16xi32> to vector<16x1xi32>
    %gather3A_2282 = vector.shape_cast %broadcast_in_dim3A_2281 : vector<16x1xi32> to vector<16xi32>
    %gather3A_2283 = tpu.dynamic_gather %add3A_2273[%gather3A_2282] in [0] : vector<16xi32>, vector<16xi32> -> vector<16xi32>
    %add3A_2284 = arith.addi %add3A_2273, %gather3A_2283 : vector<16xi32>
    %lt3A_2285 = arith.constant 0 : i32
    %lt3A_2286 = vector.broadcast %lt3A_2285 : i32 to vector<16xi32>
    %lt3A_2287 = arith.cmpi slt, %xor3A_422, %lt3A_2286 : vector<16xi32>
    %add3A_2288 = arith.constant 16 : i32
    %add3A_2289 = vector.broadcast %add3A_2288 : i32 to vector<16xi32>
    %add3A_2290 = arith.addi %xor3A_422, %add3A_2289 : vector<16xi32>
    %select_n3A_2291 = arith.select %lt3A_2287, %add3A_2290, %xor3A_422 : vector<16xi1>, vector<16xi32>
    %broadcast_in_dim3A_2292 = vector.shape_cast %select_n3A_2291 : vector<16xi32> to vector<16x1xi32>
    %gather3A_2293 = vector.shape_cast %broadcast_in_dim3A_2292 : vector<16x1xi32> to vector<16xi32>
    %gather3A_2294 = tpu.dynamic_gather %add3A_2284[%gather3A_2293] in [0] : vector<16xi32>, vector<16xi32> -> vector<16xi32>
    %add3A_2295 = arith.addi %add3A_2284, %gather3A_2294 : vector<16xi32>
    %lt3A_2296 = arith.constant 0 : i32
    %lt3A_2297 = vector.broadcast %lt3A_2296 : i32 to vector<16xi32>
    %lt3A_2298 = arith.cmpi slt, %xor3A_425, %lt3A_2297 : vector<16xi32>
    %add3A_2299 = arith.constant 16 : i32
    %add3A_2300 = vector.broadcast %add3A_2299 : i32 to vector<16xi32>
    %add3A_2301 = arith.addi %xor3A_425, %add3A_2300 : vector<16xi32>
    %select_n3A_2302 = arith.select %lt3A_2298, %add3A_2301, %xor3A_425 : vector<16xi1>, vector<16xi32>
    %broadcast_in_dim3A_2303 = vector.shape_cast %select_n3A_2302 : vector<16xi32> to vector<16x1xi32>
    %gather3A_2304 = vector.shape_cast %broadcast_in_dim3A_2303 : vector<16x1xi32> to vector<16xi32>
    %gather3A_2305 = tpu.dynamic_gather %add3A_2295[%gather3A_2304] in [0] : vector<16xi32>, vector<16xi32> -> vector<16xi32>
    %add3A_2306 = arith.addi %add3A_2295, %gather3A_2305 : vector<16xi32>
    %slice3A_2307 = vector.extract_strided_slice %add3A_2306 {offsets = [0], sizes = [1], strides = [1]} : vector<16xi32> to vector<1xi32>
    %squeeze3A_2308 = vector.extract %slice3A_2307[0] : i32 from vector<1xi32>
    %swap3A_2309 = arith.constant 30 : i32
    %swap3A_2310 = arith.index_cast %swap3A_2309 : i32 to index
    %swap3A_2311 = memref.load %arg9[%swap3A_2310] : memref<32xi32, #tpu.memory_space<smem>>
    memref.store %squeeze3A_2308, %arg9[%swap3A_2310] : memref<32xi32, #tpu.memory_space<smem>>
    %get3A_2312 = arith.constant 496 : index
    %get3A_2313 = tpu.vector_load %arg6[%get3A_2312] {strides = array<i32>} : memref<512xi32, #tpu.memory_space<vmem>>, vector<16xi32>,
    %get3A_2314 = vector.shape_cast %get3A_2313 : vector<16xi32> to vector<16xi32>
    %eq3A_2315 = arith.constant 100000 : i32
    %eq3A_2316 = vector.broadcast %eq3A_2315 : i32 to vector<16xi32>
    %eq3A_2317 = arith.cmpi eq, %get3A_2314, %eq3A_2316 : vector<16xi32>
    %shift_left3A_2318 = arith.constant 1 : i32
    %shift_left3A_2319 = vector.broadcast %shift_left3A_2318 : i32 to vector<16xi32>
    %shift_left3A_2320 = arith.shli %shift_left3A_2319, %iota3A : vector<16xi32>
    %jit3A_2321 = arith.constant 0 : i32
    %broadcast_in_dim3A_2322 = vector.broadcast %jit3A_2321 : i32 to vector<16xi32>
    %select_n3A_2323 = arith.select %eq3A_2317, %shift_left3A_2320, %broadcast_in_dim3A_2322 : vector<16xi1>, vector<16xi32>
    %lt3A_2324 = arith.constant 0 : i32
    %lt3A_2325 = vector.broadcast %lt3A_2324 : i32 to vector<16xi32>
    %lt3A_2326 = arith.cmpi slt, %xor3A_416, %lt3A_2325 : vector<16xi32>
    %add3A_2327 = arith.constant 16 : i32
    %add3A_2328 = vector.broadcast %add3A_2327 : i32 to vector<16xi32>
    %add3A_2329 = arith.addi %xor3A_416, %add3A_2328 : vector<16xi32>
    %select_n3A_2330 = arith.select %lt3A_2326, %add3A_2329, %xor3A_416 : vector<16xi1>, vector<16xi32>
    %broadcast_in_dim3A_2331 = vector.shape_cast %select_n3A_2330 : vector<16xi32> to vector<16x1xi32>
    %gather3A_2332 = vector.shape_cast %broadcast_in_dim3A_2331 : vector<16x1xi32> to vector<16xi32>
    %gather3A_2333 = tpu.dynamic_gather %select_n3A_2323[%gather3A_2332] in [0] : vector<16xi32>, vector<16xi32> -> vector<16xi32>
    %add3A_2334 = arith.addi %select_n3A_2323, %gather3A_2333 : vector<16xi32>
    %lt3A_2335 = arith.constant 0 : i32
    %lt3A_2336 = vector.broadcast %lt3A_2335 : i32 to vector<16xi32>
    %lt3A_2337 = arith.cmpi slt, %xor3A_419, %lt3A_2336 : vector<16xi32>
    %add3A_2338 = arith.constant 16 : i32
    %add3A_2339 = vector.broadcast %add3A_2338 : i32 to vector<16xi32>
    %add3A_2340 = arith.addi %xor3A_419, %add3A_2339 : vector<16xi32>
    %select_n3A_2341 = arith.select %lt3A_2337, %add3A_2340, %xor3A_419 : vector<16xi1>, vector<16xi32>
    %broadcast_in_dim3A_2342 = vector.shape_cast %select_n3A_2341 : vector<16xi32> to vector<16x1xi32>
    %gather3A_2343 = vector.shape_cast %broadcast_in_dim3A_2342 : vector<16x1xi32> to vector<16xi32>
    %gather3A_2344 = tpu.dynamic_gather %add3A_2334[%gather3A_2343] in [0] : vector<16xi32>, vector<16xi32> -> vector<16xi32>
    %add3A_2345 = arith.addi %add3A_2334, %gather3A_2344 : vector<16xi32>
    %lt3A_2346 = arith.constant 0 : i32
    %lt3A_2347 = vector.broadcast %lt3A_2346 : i32 to vector<16xi32>
    %lt3A_2348 = arith.cmpi slt, %xor3A_422, %lt3A_2347 : vector<16xi32>
    %add3A_2349 = arith.constant 16 : i32
    %add3A_2350 = vector.broadcast %add3A_2349 : i32 to vector<16xi32>
    %add3A_2351 = arith.addi %xor3A_422, %add3A_2350 : vector<16xi32>
    %select_n3A_2352 = arith.select %lt3A_2348, %add3A_2351, %xor3A_422 : vector<16xi1>, vector<16xi32>
    %broadcast_in_dim3A_2353 = vector.shape_cast %select_n3A_2352 : vector<16xi32> to vector<16x1xi32>
    %gather3A_2354 = vector.shape_cast %broadcast_in_dim3A_2353 : vector<16x1xi32> to vector<16xi32>
    %gather3A_2355 = tpu.dynamic_gather %add3A_2345[%gather3A_2354] in [0] : vector<16xi32>, vector<16xi32> -> vector<16xi32>
    %add3A_2356 = arith.addi %add3A_2345, %gather3A_2355 : vector<16xi32>
    %lt3A_2357 = arith.constant 0 : i32
    %lt3A_2358 = vector.broadcast %lt3A_2357 : i32 to vector<16xi32>
    %lt3A_2359 = arith.cmpi slt, %xor3A_425, %lt3A_2358 : vector<16xi32>
    %add3A_2360 = arith.constant 16 : i32
    %add3A_2361 = vector.broadcast %add3A_2360 : i32 to vector<16xi32>
    %add3A_2362 = arith.addi %xor3A_425, %add3A_2361 : vector<16xi32>
    %select_n3A_2363 = arith.select %lt3A_2359, %add3A_2362, %xor3A_425 : vector<16xi1>, vector<16xi32>
    %broadcast_in_dim3A_2364 = vector.shape_cast %select_n3A_2363 : vector<16xi32> to vector<16x1xi32>
    %gather3A_2365 = vector.shape_cast %broadcast_in_dim3A_2364 : vector<16x1xi32> to vector<16xi32>
    %gather3A_2366 = tpu.dynamic_gather %add3A_2356[%gather3A_2365] in [0] : vector<16xi32>, vector<16xi32> -> vector<16xi32>
    %add3A_2367 = arith.addi %add3A_2356, %gather3A_2366 : vector<16xi32>
    %slice3A_2368 = vector.extract_strided_slice %add3A_2367 {offsets = [0], sizes = [1], strides = [1]} : vector<16xi32> to vector<1xi32>
    %squeeze3A_2369 = vector.extract %slice3A_2368[0] : i32 from vector<1xi32>
    %swap3A_2370 = arith.constant 31 : i32
    %swap3A_2371 = arith.index_cast %swap3A_2370 : i32 to index
    %swap3A_2372 = memref.load %arg9[%swap3A_2371] : memref<32xi32, #tpu.memory_space<smem>>
    memref.store %squeeze3A_2369, %arg9[%swap3A_2371] : memref<32xi32, #tpu.memory_space<smem>>
    %swap3A_2373 = arith.constant 0 : i32
    %swap3A_2374 = arith.constant 0 : i32
    %swap3A_2375 = arith.index_cast %swap3A_2374 : i32 to index
    %swap3A_2376 = memref.load %arg11[%swap3A_2375] : memref<8xi32, #tpu.memory_space<smem>>
    memref.store %swap3A_2373, %arg11[%swap3A_2375] : memref<8xi32, #tpu.memory_space<smem>>
    %scan3A = arith.constant 0 : i32
    %scan3A_2377 = arith.constant 0 : i32
    %scan3A_2378 = arith.constant 32 : i32
    %scan3A_2379 = arith.addi %scan3A_2377, %scan3A_2378 : i32
    %scan3A_2380 = arith.constant 1 : i32
    scf.for %scan3A_2393 = %scan3A_2377 to %scan3A_2379 step %scan3A_2380  : i32 {
      %get3A_2394 = arith.index_cast %scan3A_2393 : i32 to index
      %get3A_2395 = memref.load %arg9[%get3A_2394] : memref<32xi32, #tpu.memory_space<smem>>
      %ne3A = arith.constant 0 : i32
      %ne3A_2396 = arith.cmpi ne, %get3A_2395, %ne3A : i32
      %convert_element_type3A = arith.extui %ne3A_2396 : i1 to i32
      %cond3A = arith.constant 0 : i32
      %cond3A_2397 = arith.cmpi ne, %convert_element_type3A, %cond3A : i32
      scf.if %cond3A_2397 {
        %shift_right_arithmetic3A = arith.constant 0 : i32
        %shift_right_arithmetic3A_2398 = arith.shrsi %get3A_2395, %shift_right_arithmetic3A : i32
        %and3A = arith.constant 1 : i32
        %and3A_2399 = arith.andi %shift_right_arithmetic3A_2398, %and3A : i32
        %ne3A_2400 = arith.constant 0 : i32
        %ne3A_2401 = arith.cmpi ne, %and3A_2399, %ne3A_2400 : i32
        %convert_element_type3A_2402 = arith.extui %ne3A_2401 : i1 to i32
        %cond3A_2403 = arith.constant 0 : i32
        %cond3A_2404 = arith.cmpi ne, %convert_element_type3A_2402, %cond3A_2403 : i32
        scf.if %cond3A_2404 {
          %get3A_2540 = arith.constant 0 : i32
          %get3A_2541 = arith.index_cast %get3A_2540 : i32 to index
          %get3A_2542 = memref.load %arg11[%get3A_2541] : memref<8xi32, #tpu.memory_space<smem>>
          %mul3A_2543 = arith.constant 16 : i32
          %mul3A_2544 = arith.muli %scan3A_2393, %mul3A_2543 : i32
          %add3A_2545 = arith.constant 0 : i32
          %add3A_2546 = arith.addi %mul3A_2544, %add3A_2545 : i32
          %swap3A_2547 = arith.index_cast %get3A_2542 : i32 to index
          %swap3A_2548 = memref.load %arg10[%swap3A_2547] : memref<512xi32, #tpu.memory_space<smem>>
          memref.store %add3A_2546, %arg10[%swap3A_2547] : memref<512xi32, #tpu.memory_space<smem>>
          %add3A_2549 = arith.constant 1 : i32
          %add3A_2550 = arith.addi %get3A_2542, %add3A_2549 : i32
          %swap3A_2551 = arith.constant 0 : i32
          %swap3A_2552 = arith.index_cast %swap3A_2551 : i32 to index
          %swap3A_2553 = memref.load %arg11[%swap3A_2552] : memref<8xi32, #tpu.memory_space<smem>>
          memref.store %add3A_2550, %arg11[%swap3A_2552] : memref<8xi32, #tpu.memory_space<smem>>
        } else {
        }
        %shift_right_arithmetic3A_2405 = arith.constant 1 : i32
        %shift_right_arithmetic3A_2406 = arith.shrsi %get3A_2395, %shift_right_arithmetic3A_2405 : i32
        %and3A_2407 = arith.constant 1 : i32
        %and3A_2408 = arith.andi %shift_right_arithmetic3A_2406, %and3A_2407 : i32
        %ne3A_2409 = arith.constant 0 : i32
        %ne3A_2410 = arith.cmpi ne, %and3A_2408, %ne3A_2409 : i32
        %convert_element_type3A_2411 = arith.extui %ne3A_2410 : i1 to i32
        %cond3A_2412 = arith.constant 0 : i32
        %cond3A_2413 = arith.cmpi ne, %convert_element_type3A_2411, %cond3A_2412 : i32
        scf.if %cond3A_2413 {
          %get3A_2540 = arith.constant 0 : i32
          %get3A_2541 = arith.index_cast %get3A_2540 : i32 to index
          %get3A_2542 = memref.load %arg11[%get3A_2541] : memref<8xi32, #tpu.memory_space<smem>>
          %mul3A_2543 = arith.constant 16 : i32
          %mul3A_2544 = arith.muli %scan3A_2393, %mul3A_2543 : i32
          %add3A_2545 = arith.constant 1 : i32
          %add3A_2546 = arith.addi %mul3A_2544, %add3A_2545 : i32
          %swap3A_2547 = arith.index_cast %get3A_2542 : i32 to index
          %swap3A_2548 = memref.load %arg10[%swap3A_2547] : memref<512xi32, #tpu.memory_space<smem>>
          memref.store %add3A_2546, %arg10[%swap3A_2547] : memref<512xi32, #tpu.memory_space<smem>>
          %add3A_2549 = arith.constant 1 : i32
          %add3A_2550 = arith.addi %get3A_2542, %add3A_2549 : i32
          %swap3A_2551 = arith.constant 0 : i32
          %swap3A_2552 = arith.index_cast %swap3A_2551 : i32 to index
          %swap3A_2553 = memref.load %arg11[%swap3A_2552] : memref<8xi32, #tpu.memory_space<smem>>
          memref.store %add3A_2550, %arg11[%swap3A_2552] : memref<8xi32, #tpu.memory_space<smem>>
        } else {
        }
        %shift_right_arithmetic3A_2414 = arith.constant 2 : i32
        %shift_right_arithmetic3A_2415 = arith.shrsi %get3A_2395, %shift_right_arithmetic3A_2414 : i32
        %and3A_2416 = arith.constant 1 : i32
        %and3A_2417 = arith.andi %shift_right_arithmetic3A_2415, %and3A_2416 : i32
        %ne3A_2418 = arith.constant 0 : i32
        %ne3A_2419 = arith.cmpi ne, %and3A_2417, %ne3A_2418 : i32
        %convert_element_type3A_2420 = arith.extui %ne3A_2419 : i1 to i32
        %cond3A_2421 = arith.constant 0 : i32
        %cond3A_2422 = arith.cmpi ne, %convert_element_type3A_2420, %cond3A_2421 : i32
        scf.if %cond3A_2422 {
          %get3A_2540 = arith.constant 0 : i32
          %get3A_2541 = arith.index_cast %get3A_2540 : i32 to index
          %get3A_2542 = memref.load %arg11[%get3A_2541] : memref<8xi32, #tpu.memory_space<smem>>
          %mul3A_2543 = arith.constant 16 : i32
          %mul3A_2544 = arith.muli %scan3A_2393, %mul3A_2543 : i32
          %add3A_2545 = arith.constant 2 : i32
          %add3A_2546 = arith.addi %mul3A_2544, %add3A_2545 : i32
          %swap3A_2547 = arith.index_cast %get3A_2542 : i32 to index
          %swap3A_2548 = memref.load %arg10[%swap3A_2547] : memref<512xi32, #tpu.memory_space<smem>>
          memref.store %add3A_2546, %arg10[%swap3A_2547] : memref<512xi32, #tpu.memory_space<smem>>
          %add3A_2549 = arith.constant 1 : i32
          %add3A_2550 = arith.addi %get3A_2542, %add3A_2549 : i32
          %swap3A_2551 = arith.constant 0 : i32
          %swap3A_2552 = arith.index_cast %swap3A_2551 : i32 to index
          %swap3A_2553 = memref.load %arg11[%swap3A_2552] : memref<8xi32, #tpu.memory_space<smem>>
          memref.store %add3A_2550, %arg11[%swap3A_2552] : memref<8xi32, #tpu.memory_space<smem>>
        } else {
        }
        %shift_right_arithmetic3A_2423 = arith.constant 3 : i32
        %shift_right_arithmetic3A_2424 = arith.shrsi %get3A_2395, %shift_right_arithmetic3A_2423 : i32
        %and3A_2425 = arith.constant 1 : i32
        %and3A_2426 = arith.andi %shift_right_arithmetic3A_2424, %and3A_2425 : i32
        %ne3A_2427 = arith.constant 0 : i32
        %ne3A_2428 = arith.cmpi ne, %and3A_2426, %ne3A_2427 : i32
        %convert_element_type3A_2429 = arith.extui %ne3A_2428 : i1 to i32
        %cond3A_2430 = arith.constant 0 : i32
        %cond3A_2431 = arith.cmpi ne, %convert_element_type3A_2429, %cond3A_2430 : i32
        scf.if %cond3A_2431 {
          %get3A_2540 = arith.constant 0 : i32
          %get3A_2541 = arith.index_cast %get3A_2540 : i32 to index
          %get3A_2542 = memref.load %arg11[%get3A_2541] : memref<8xi32, #tpu.memory_space<smem>>
          %mul3A_2543 = arith.constant 16 : i32
          %mul3A_2544 = arith.muli %scan3A_2393, %mul3A_2543 : i32
          %add3A_2545 = arith.constant 3 : i32
          %add3A_2546 = arith.addi %mul3A_2544, %add3A_2545 : i32
          %swap3A_2547 = arith.index_cast %get3A_2542 : i32 to index
          %swap3A_2548 = memref.load %arg10[%swap3A_2547] : memref<512xi32, #tpu.memory_space<smem>>
          memref.store %add3A_2546, %arg10[%swap3A_2547] : memref<512xi32, #tpu.memory_space<smem>>
          %add3A_2549 = arith.constant 1 : i32
          %add3A_2550 = arith.addi %get3A_2542, %add3A_2549 : i32
          %swap3A_2551 = arith.constant 0 : i32
          %swap3A_2552 = arith.index_cast %swap3A_2551 : i32 to index
          %swap3A_2553 = memref.load %arg11[%swap3A_2552] : memref<8xi32, #tpu.memory_space<smem>>
          memref.store %add3A_2550, %arg11[%swap3A_2552] : memref<8xi32, #tpu.memory_space<smem>>
        } else {
        }
        %shift_right_arithmetic3A_2432 = arith.constant 4 : i32
        %shift_right_arithmetic3A_2433 = arith.shrsi %get3A_2395, %shift_right_arithmetic3A_2432 : i32
        %and3A_2434 = arith.constant 1 : i32
        %and3A_2435 = arith.andi %shift_right_arithmetic3A_2433, %and3A_2434 : i32
        %ne3A_2436 = arith.constant 0 : i32
        %ne3A_2437 = arith.cmpi ne, %and3A_2435, %ne3A_2436 : i32
        %convert_element_type3A_2438 = arith.extui %ne3A_2437 : i1 to i32
        %cond3A_2439 = arith.constant 0 : i32
        %cond3A_2440 = arith.cmpi ne, %convert_element_type3A_2438, %cond3A_2439 : i32
        scf.if %cond3A_2440 {
          %get3A_2540 = arith.constant 0 : i32
          %get3A_2541 = arith.index_cast %get3A_2540 : i32 to index
          %get3A_2542 = memref.load %arg11[%get3A_2541] : memref<8xi32, #tpu.memory_space<smem>>
          %mul3A_2543 = arith.constant 16 : i32
          %mul3A_2544 = arith.muli %scan3A_2393, %mul3A_2543 : i32
          %add3A_2545 = arith.constant 4 : i32
          %add3A_2546 = arith.addi %mul3A_2544, %add3A_2545 : i32
          %swap3A_2547 = arith.index_cast %get3A_2542 : i32 to index
          %swap3A_2548 = memref.load %arg10[%swap3A_2547] : memref<512xi32, #tpu.memory_space<smem>>
          memref.store %add3A_2546, %arg10[%swap3A_2547] : memref<512xi32, #tpu.memory_space<smem>>
          %add3A_2549 = arith.constant 1 : i32
          %add3A_2550 = arith.addi %get3A_2542, %add3A_2549 : i32
          %swap3A_2551 = arith.constant 0 : i32
          %swap3A_2552 = arith.index_cast %swap3A_2551 : i32 to index
          %swap3A_2553 = memref.load %arg11[%swap3A_2552] : memref<8xi32, #tpu.memory_space<smem>>
          memref.store %add3A_2550, %arg11[%swap3A_2552] : memref<8xi32, #tpu.memory_space<smem>>
        } else {
        }
        %shift_right_arithmetic3A_2441 = arith.constant 5 : i32
        %shift_right_arithmetic3A_2442 = arith.shrsi %get3A_2395, %shift_right_arithmetic3A_2441 : i32
        %and3A_2443 = arith.constant 1 : i32
        %and3A_2444 = arith.andi %shift_right_arithmetic3A_2442, %and3A_2443 : i32
        %ne3A_2445 = arith.constant 0 : i32
        %ne3A_2446 = arith.cmpi ne, %and3A_2444, %ne3A_2445 : i32
        %convert_element_type3A_2447 = arith.extui %ne3A_2446 : i1 to i32
        %cond3A_2448 = arith.constant 0 : i32
        %cond3A_2449 = arith.cmpi ne, %convert_element_type3A_2447, %cond3A_2448 : i32
        scf.if %cond3A_2449 {
          %get3A_2540 = arith.constant 0 : i32
          %get3A_2541 = arith.index_cast %get3A_2540 : i32 to index
          %get3A_2542 = memref.load %arg11[%get3A_2541] : memref<8xi32, #tpu.memory_space<smem>>
          %mul3A_2543 = arith.constant 16 : i32
          %mul3A_2544 = arith.muli %scan3A_2393, %mul3A_2543 : i32
          %add3A_2545 = arith.constant 5 : i32
          %add3A_2546 = arith.addi %mul3A_2544, %add3A_2545 : i32
          %swap3A_2547 = arith.index_cast %get3A_2542 : i32 to index
          %swap3A_2548 = memref.load %arg10[%swap3A_2547] : memref<512xi32, #tpu.memory_space<smem>>
          memref.store %add3A_2546, %arg10[%swap3A_2547] : memref<512xi32, #tpu.memory_space<smem>>
          %add3A_2549 = arith.constant 1 : i32
          %add3A_2550 = arith.addi %get3A_2542, %add3A_2549 : i32
          %swap3A_2551 = arith.constant 0 : i32
          %swap3A_2552 = arith.index_cast %swap3A_2551 : i32 to index
          %swap3A_2553 = memref.load %arg11[%swap3A_2552] : memref<8xi32, #tpu.memory_space<smem>>
          memref.store %add3A_2550, %arg11[%swap3A_2552] : memref<8xi32, #tpu.memory_space<smem>>
        } else {
        }
        %shift_right_arithmetic3A_2450 = arith.constant 6 : i32
        %shift_right_arithmetic3A_2451 = arith.shrsi %get3A_2395, %shift_right_arithmetic3A_2450 : i32
        %and3A_2452 = arith.constant 1 : i32
        %and3A_2453 = arith.andi %shift_right_arithmetic3A_2451, %and3A_2452 : i32
        %ne3A_2454 = arith.constant 0 : i32
        %ne3A_2455 = arith.cmpi ne, %and3A_2453, %ne3A_2454 : i32
        %convert_element_type3A_2456 = arith.extui %ne3A_2455 : i1 to i32
        %cond3A_2457 = arith.constant 0 : i32
        %cond3A_2458 = arith.cmpi ne, %convert_element_type3A_2456, %cond3A_2457 : i32
        scf.if %cond3A_2458 {
          %get3A_2540 = arith.constant 0 : i32
          %get3A_2541 = arith.index_cast %get3A_2540 : i32 to index
          %get3A_2542 = memref.load %arg11[%get3A_2541] : memref<8xi32, #tpu.memory_space<smem>>
          %mul3A_2543 = arith.constant 16 : i32
          %mul3A_2544 = arith.muli %scan3A_2393, %mul3A_2543 : i32
          %add3A_2545 = arith.constant 6 : i32
          %add3A_2546 = arith.addi %mul3A_2544, %add3A_2545 : i32
          %swap3A_2547 = arith.index_cast %get3A_2542 : i32 to index
          %swap3A_2548 = memref.load %arg10[%swap3A_2547] : memref<512xi32, #tpu.memory_space<smem>>
          memref.store %add3A_2546, %arg10[%swap3A_2547] : memref<512xi32, #tpu.memory_space<smem>>
          %add3A_2549 = arith.constant 1 : i32
          %add3A_2550 = arith.addi %get3A_2542, %add3A_2549 : i32
          %swap3A_2551 = arith.constant 0 : i32
          %swap3A_2552 = arith.index_cast %swap3A_2551 : i32 to index
          %swap3A_2553 = memref.load %arg11[%swap3A_2552] : memref<8xi32, #tpu.memory_space<smem>>
          memref.store %add3A_2550, %arg11[%swap3A_2552] : memref<8xi32, #tpu.memory_space<smem>>
        } else {
        }
        %shift_right_arithmetic3A_2459 = arith.constant 7 : i32
        %shift_right_arithmetic3A_2460 = arith.shrsi %get3A_2395, %shift_right_arithmetic3A_2459 : i32
        %and3A_2461 = arith.constant 1 : i32
        %and3A_2462 = arith.andi %shift_right_arithmetic3A_2460, %and3A_2461 : i32
        %ne3A_2463 = arith.constant 0 : i32
        %ne3A_2464 = arith.cmpi ne, %and3A_2462, %ne3A_2463 : i32
        %convert_element_type3A_2465 = arith.extui %ne3A_2464 : i1 to i32
        %cond3A_2466 = arith.constant 0 : i32
        %cond3A_2467 = arith.cmpi ne, %convert_element_type3A_2465, %cond3A_2466 : i32
        scf.if %cond3A_2467 {
          %get3A_2540 = arith.constant 0 : i32
          %get3A_2541 = arith.index_cast %get3A_2540 : i32 to index
          %get3A_2542 = memref.load %arg11[%get3A_2541] : memref<8xi32, #tpu.memory_space<smem>>
          %mul3A_2543 = arith.constant 16 : i32
          %mul3A_2544 = arith.muli %scan3A_2393, %mul3A_2543 : i32
          %add3A_2545 = arith.constant 7 : i32
          %add3A_2546 = arith.addi %mul3A_2544, %add3A_2545 : i32
          %swap3A_2547 = arith.index_cast %get3A_2542 : i32 to index
          %swap3A_2548 = memref.load %arg10[%swap3A_2547] : memref<512xi32, #tpu.memory_space<smem>>
          memref.store %add3A_2546, %arg10[%swap3A_2547] : memref<512xi32, #tpu.memory_space<smem>>
          %add3A_2549 = arith.constant 1 : i32
          %add3A_2550 = arith.addi %get3A_2542, %add3A_2549 : i32
          %swap3A_2551 = arith.constant 0 : i32
          %swap3A_2552 = arith.index_cast %swap3A_2551 : i32 to index
          %swap3A_2553 = memref.load %arg11[%swap3A_2552] : memref<8xi32, #tpu.memory_space<smem>>
          memref.store %add3A_2550, %arg11[%swap3A_2552] : memref<8xi32, #tpu.memory_space<smem>>
        } else {
        }
        %shift_right_arithmetic3A_2468 = arith.constant 8 : i32
        %shift_right_arithmetic3A_2469 = arith.shrsi %get3A_2395, %shift_right_arithmetic3A_2468 : i32
        %and3A_2470 = arith.constant 1 : i32
        %and3A_2471 = arith.andi %shift_right_arithmetic3A_2469, %and3A_2470 : i32
        %ne3A_2472 = arith.constant 0 : i32
        %ne3A_2473 = arith.cmpi ne, %and3A_2471, %ne3A_2472 : i32
        %convert_element_type3A_2474 = arith.extui %ne3A_2473 : i1 to i32
        %cond3A_2475 = arith.constant 0 : i32
        %cond3A_2476 = arith.cmpi ne, %convert_element_type3A_2474, %cond3A_2475 : i32
        scf.if %cond3A_2476 {
          %get3A_2540 = arith.constant 0 : i32
          %get3A_2541 = arith.index_cast %get3A_2540 : i32 to index
          %get3A_2542 = memref.load %arg11[%get3A_2541] : memref<8xi32, #tpu.memory_space<smem>>
          %mul3A_2543 = arith.constant 16 : i32
          %mul3A_2544 = arith.muli %scan3A_2393, %mul3A_2543 : i32
          %add3A_2545 = arith.constant 8 : i32
          %add3A_2546 = arith.addi %mul3A_2544, %add3A_2545 : i32
          %swap3A_2547 = arith.index_cast %get3A_2542 : i32 to index
          %swap3A_2548 = memref.load %arg10[%swap3A_2547] : memref<512xi32, #tpu.memory_space<smem>>
          memref.store %add3A_2546, %arg10[%swap3A_2547] : memref<512xi32, #tpu.memory_space<smem>>
          %add3A_2549 = arith.constant 1 : i32
          %add3A_2550 = arith.addi %get3A_2542, %add3A_2549 : i32
          %swap3A_2551 = arith.constant 0 : i32
          %swap3A_2552 = arith.index_cast %swap3A_2551 : i32 to index
          %swap3A_2553 = memref.load %arg11[%swap3A_2552] : memref<8xi32, #tpu.memory_space<smem>>
          memref.store %add3A_2550, %arg11[%swap3A_2552] : memref<8xi32, #tpu.memory_space<smem>>
        } else {
        }
        %shift_right_arithmetic3A_2477 = arith.constant 9 : i32
        %shift_right_arithmetic3A_2478 = arith.shrsi %get3A_2395, %shift_right_arithmetic3A_2477 : i32
        %and3A_2479 = arith.constant 1 : i32
        %and3A_2480 = arith.andi %shift_right_arithmetic3A_2478, %and3A_2479 : i32
        %ne3A_2481 = arith.constant 0 : i32
        %ne3A_2482 = arith.cmpi ne, %and3A_2480, %ne3A_2481 : i32
        %convert_element_type3A_2483 = arith.extui %ne3A_2482 : i1 to i32
        %cond3A_2484 = arith.constant 0 : i32
        %cond3A_2485 = arith.cmpi ne, %convert_element_type3A_2483, %cond3A_2484 : i32
        scf.if %cond3A_2485 {
          %get3A_2540 = arith.constant 0 : i32
          %get3A_2541 = arith.index_cast %get3A_2540 : i32 to index
          %get3A_2542 = memref.load %arg11[%get3A_2541] : memref<8xi32, #tpu.memory_space<smem>>
          %mul3A_2543 = arith.constant 16 : i32
          %mul3A_2544 = arith.muli %scan3A_2393, %mul3A_2543 : i32
          %add3A_2545 = arith.constant 9 : i32
          %add3A_2546 = arith.addi %mul3A_2544, %add3A_2545 : i32
          %swap3A_2547 = arith.index_cast %get3A_2542 : i32 to index
          %swap3A_2548 = memref.load %arg10[%swap3A_2547] : memref<512xi32, #tpu.memory_space<smem>>
          memref.store %add3A_2546, %arg10[%swap3A_2547] : memref<512xi32, #tpu.memory_space<smem>>
          %add3A_2549 = arith.constant 1 : i32
          %add3A_2550 = arith.addi %get3A_2542, %add3A_2549 : i32
          %swap3A_2551 = arith.constant 0 : i32
          %swap3A_2552 = arith.index_cast %swap3A_2551 : i32 to index
          %swap3A_2553 = memref.load %arg11[%swap3A_2552] : memref<8xi32, #tpu.memory_space<smem>>
          memref.store %add3A_2550, %arg11[%swap3A_2552] : memref<8xi32, #tpu.memory_space<smem>>
        } else {
        }
        %shift_right_arithmetic3A_2486 = arith.constant 10 : i32
        %shift_right_arithmetic3A_2487 = arith.shrsi %get3A_2395, %shift_right_arithmetic3A_2486 : i32
        %and3A_2488 = arith.constant 1 : i32
        %and3A_2489 = arith.andi %shift_right_arithmetic3A_2487, %and3A_2488 : i32
        %ne3A_2490 = arith.constant 0 : i32
        %ne3A_2491 = arith.cmpi ne, %and3A_2489, %ne3A_2490 : i32
        %convert_element_type3A_2492 = arith.extui %ne3A_2491 : i1 to i32
        %cond3A_2493 = arith.constant 0 : i32
        %cond3A_2494 = arith.cmpi ne, %convert_element_type3A_2492, %cond3A_2493 : i32
        scf.if %cond3A_2494 {
          %get3A_2540 = arith.constant 0 : i32
          %get3A_2541 = arith.index_cast %get3A_2540 : i32 to index
          %get3A_2542 = memref.load %arg11[%get3A_2541] : memref<8xi32, #tpu.memory_space<smem>>
          %mul3A_2543 = arith.constant 16 : i32
          %mul3A_2544 = arith.muli %scan3A_2393, %mul3A_2543 : i32
          %add3A_2545 = arith.constant 10 : i32
          %add3A_2546 = arith.addi %mul3A_2544, %add3A_2545 : i32
          %swap3A_2547 = arith.index_cast %get3A_2542 : i32 to index
          %swap3A_2548 = memref.load %arg10[%swap3A_2547] : memref<512xi32, #tpu.memory_space<smem>>
          memref.store %add3A_2546, %arg10[%swap3A_2547] : memref<512xi32, #tpu.memory_space<smem>>
          %add3A_2549 = arith.constant 1 : i32
          %add3A_2550 = arith.addi %get3A_2542, %add3A_2549 : i32
          %swap3A_2551 = arith.constant 0 : i32
          %swap3A_2552 = arith.index_cast %swap3A_2551 : i32 to index
          %swap3A_2553 = memref.load %arg11[%swap3A_2552] : memref<8xi32, #tpu.memory_space<smem>>
          memref.store %add3A_2550, %arg11[%swap3A_2552] : memref<8xi32, #tpu.memory_space<smem>>
        } else {
        }
        %shift_right_arithmetic3A_2495 = arith.constant 11 : i32
        %shift_right_arithmetic3A_2496 = arith.shrsi %get3A_2395, %shift_right_arithmetic3A_2495 : i32
        %and3A_2497 = arith.constant 1 : i32
        %and3A_2498 = arith.andi %shift_right_arithmetic3A_2496, %and3A_2497 : i32
        %ne3A_2499 = arith.constant 0 : i32
        %ne3A_2500 = arith.cmpi ne, %and3A_2498, %ne3A_2499 : i32
        %convert_element_type3A_2501 = arith.extui %ne3A_2500 : i1 to i32
        %cond3A_2502 = arith.constant 0 : i32
        %cond3A_2503 = arith.cmpi ne, %convert_element_type3A_2501, %cond3A_2502 : i32
        scf.if %cond3A_2503 {
          %get3A_2540 = arith.constant 0 : i32
          %get3A_2541 = arith.index_cast %get3A_2540 : i32 to index
          %get3A_2542 = memref.load %arg11[%get3A_2541] : memref<8xi32, #tpu.memory_space<smem>>
          %mul3A_2543 = arith.constant 16 : i32
          %mul3A_2544 = arith.muli %scan3A_2393, %mul3A_2543 : i32
          %add3A_2545 = arith.constant 11 : i32
          %add3A_2546 = arith.addi %mul3A_2544, %add3A_2545 : i32
          %swap3A_2547 = arith.index_cast %get3A_2542 : i32 to index
          %swap3A_2548 = memref.load %arg10[%swap3A_2547] : memref<512xi32, #tpu.memory_space<smem>>
          memref.store %add3A_2546, %arg10[%swap3A_2547] : memref<512xi32, #tpu.memory_space<smem>>
          %add3A_2549 = arith.constant 1 : i32
          %add3A_2550 = arith.addi %get3A_2542, %add3A_2549 : i32
          %swap3A_2551 = arith.constant 0 : i32
          %swap3A_2552 = arith.index_cast %swap3A_2551 : i32 to index
          %swap3A_2553 = memref.load %arg11[%swap3A_2552] : memref<8xi32, #tpu.memory_space<smem>>
          memref.store %add3A_2550, %arg11[%swap3A_2552] : memref<8xi32, #tpu.memory_space<smem>>
        } else {
        }
        %shift_right_arithmetic3A_2504 = arith.constant 12 : i32
        %shift_right_arithmetic3A_2505 = arith.shrsi %get3A_2395, %shift_right_arithmetic3A_2504 : i32
        %and3A_2506 = arith.constant 1 : i32
        %and3A_2507 = arith.andi %shift_right_arithmetic3A_2505, %and3A_2506 : i32
        %ne3A_2508 = arith.constant 0 : i32
        %ne3A_2509 = arith.cmpi ne, %and3A_2507, %ne3A_2508 : i32
        %convert_element_type3A_2510 = arith.extui %ne3A_2509 : i1 to i32
        %cond3A_2511 = arith.constant 0 : i32
        %cond3A_2512 = arith.cmpi ne, %convert_element_type3A_2510, %cond3A_2511 : i32
        scf.if %cond3A_2512 {
          %get3A_2540 = arith.constant 0 : i32
          %get3A_2541 = arith.index_cast %get3A_2540 : i32 to index
          %get3A_2542 = memref.load %arg11[%get3A_2541] : memref<8xi32, #tpu.memory_space<smem>>
          %mul3A_2543 = arith.constant 16 : i32
          %mul3A_2544 = arith.muli %scan3A_2393, %mul3A_2543 : i32
          %add3A_2545 = arith.constant 12 : i32
          %add3A_2546 = arith.addi %mul3A_2544, %add3A_2545 : i32
          %swap3A_2547 = arith.index_cast %get3A_2542 : i32 to index
          %swap3A_2548 = memref.load %arg10[%swap3A_2547] : memref<512xi32, #tpu.memory_space<smem>>
          memref.store %add3A_2546, %arg10[%swap3A_2547] : memref<512xi32, #tpu.memory_space<smem>>
          %add3A_2549 = arith.constant 1 : i32
          %add3A_2550 = arith.addi %get3A_2542, %add3A_2549 : i32
          %swap3A_2551 = arith.constant 0 : i32
          %swap3A_2552 = arith.index_cast %swap3A_2551 : i32 to index
          %swap3A_2553 = memref.load %arg11[%swap3A_2552] : memref<8xi32, #tpu.memory_space<smem>>
          memref.store %add3A_2550, %arg11[%swap3A_2552] : memref<8xi32, #tpu.memory_space<smem>>
        } else {
        }
        %shift_right_arithmetic3A_2513 = arith.constant 13 : i32
        %shift_right_arithmetic3A_2514 = arith.shrsi %get3A_2395, %shift_right_arithmetic3A_2513 : i32
        %and3A_2515 = arith.constant 1 : i32
        %and3A_2516 = arith.andi %shift_right_arithmetic3A_2514, %and3A_2515 : i32
        %ne3A_2517 = arith.constant 0 : i32
        %ne3A_2518 = arith.cmpi ne, %and3A_2516, %ne3A_2517 : i32
        %convert_element_type3A_2519 = arith.extui %ne3A_2518 : i1 to i32
        %cond3A_2520 = arith.constant 0 : i32
        %cond3A_2521 = arith.cmpi ne, %convert_element_type3A_2519, %cond3A_2520 : i32
        scf.if %cond3A_2521 {
          %get3A_2540 = arith.constant 0 : i32
          %get3A_2541 = arith.index_cast %get3A_2540 : i32 to index
          %get3A_2542 = memref.load %arg11[%get3A_2541] : memref<8xi32, #tpu.memory_space<smem>>
          %mul3A_2543 = arith.constant 16 : i32
          %mul3A_2544 = arith.muli %scan3A_2393, %mul3A_2543 : i32
          %add3A_2545 = arith.constant 13 : i32
          %add3A_2546 = arith.addi %mul3A_2544, %add3A_2545 : i32
          %swap3A_2547 = arith.index_cast %get3A_2542 : i32 to index
          %swap3A_2548 = memref.load %arg10[%swap3A_2547] : memref<512xi32, #tpu.memory_space<smem>>
          memref.store %add3A_2546, %arg10[%swap3A_2547] : memref<512xi32, #tpu.memory_space<smem>>
          %add3A_2549 = arith.constant 1 : i32
          %add3A_2550 = arith.addi %get3A_2542, %add3A_2549 : i32
          %swap3A_2551 = arith.constant 0 : i32
          %swap3A_2552 = arith.index_cast %swap3A_2551 : i32 to index
          %swap3A_2553 = memref.load %arg11[%swap3A_2552] : memref<8xi32, #tpu.memory_space<smem>>
          memref.store %add3A_2550, %arg11[%swap3A_2552] : memref<8xi32, #tpu.memory_space<smem>>
        } else {
        }
        %shift_right_arithmetic3A_2522 = arith.constant 14 : i32
        %shift_right_arithmetic3A_2523 = arith.shrsi %get3A_2395, %shift_right_arithmetic3A_2522 : i32
        %and3A_2524 = arith.constant 1 : i32
        %and3A_2525 = arith.andi %shift_right_arithmetic3A_2523, %and3A_2524 : i32
        %ne3A_2526 = arith.constant 0 : i32
        %ne3A_2527 = arith.cmpi ne, %and3A_2525, %ne3A_2526 : i32
        %convert_element_type3A_2528 = arith.extui %ne3A_2527 : i1 to i32
        %cond3A_2529 = arith.constant 0 : i32
        %cond3A_2530 = arith.cmpi ne, %convert_element_type3A_2528, %cond3A_2529 : i32
        scf.if %cond3A_2530 {
          %get3A_2540 = arith.constant 0 : i32
          %get3A_2541 = arith.index_cast %get3A_2540 : i32 to index
          %get3A_2542 = memref.load %arg11[%get3A_2541] : memref<8xi32, #tpu.memory_space<smem>>
          %mul3A_2543 = arith.constant 16 : i32
          %mul3A_2544 = arith.muli %scan3A_2393, %mul3A_2543 : i32
          %add3A_2545 = arith.constant 14 : i32
          %add3A_2546 = arith.addi %mul3A_2544, %add3A_2545 : i32
          %swap3A_2547 = arith.index_cast %get3A_2542 : i32 to index
          %swap3A_2548 = memref.load %arg10[%swap3A_2547] : memref<512xi32, #tpu.memory_space<smem>>
          memref.store %add3A_2546, %arg10[%swap3A_2547] : memref<512xi32, #tpu.memory_space<smem>>
          %add3A_2549 = arith.constant 1 : i32
          %add3A_2550 = arith.addi %get3A_2542, %add3A_2549 : i32
          %swap3A_2551 = arith.constant 0 : i32
          %swap3A_2552 = arith.index_cast %swap3A_2551 : i32 to index
          %swap3A_2553 = memref.load %arg11[%swap3A_2552] : memref<8xi32, #tpu.memory_space<smem>>
          memref.store %add3A_2550, %arg11[%swap3A_2552] : memref<8xi32, #tpu.memory_space<smem>>
        } else {
        }
        %shift_right_arithmetic3A_2531 = arith.constant 15 : i32
        %shift_right_arithmetic3A_2532 = arith.shrsi %get3A_2395, %shift_right_arithmetic3A_2531 : i32
        %and3A_2533 = arith.constant 1 : i32
        %and3A_2534 = arith.andi %shift_right_arithmetic3A_2532, %and3A_2533 : i32
        %ne3A_2535 = arith.constant 0 : i32
        %ne3A_2536 = arith.cmpi ne, %and3A_2534, %ne3A_2535 : i32
        %convert_element_type3A_2537 = arith.extui %ne3A_2536 : i1 to i32
        %cond3A_2538 = arith.constant 0 : i32
        %cond3A_2539 = arith.cmpi ne, %convert_element_type3A_2537, %cond3A_2538 : i32
        scf.if %cond3A_2539 {
          %get3A_2540 = arith.constant 0 : i32
          %get3A_2541 = arith.index_cast %get3A_2540 : i32 to index
          %get3A_2542 = memref.load %arg11[%get3A_2541] : memref<8xi32, #tpu.memory_space<smem>>
          %mul3A_2543 = arith.constant 16 : i32
          %mul3A_2544 = arith.muli %scan3A_2393, %mul3A_2543 : i32
          %add3A_2545 = arith.constant 15 : i32
          %add3A_2546 = arith.addi %mul3A_2544, %add3A_2545 : i32
          %swap3A_2547 = arith.index_cast %get3A_2542 : i32 to index
          %swap3A_2548 = memref.load %arg10[%swap3A_2547] : memref<512xi32, #tpu.memory_space<smem>>
          memref.store %add3A_2546, %arg10[%swap3A_2547] : memref<512xi32, #tpu.memory_space<smem>>
          %add3A_2549 = arith.constant 1 : i32
          %add3A_2550 = arith.addi %get3A_2542, %add3A_2549 : i32
          %swap3A_2551 = arith.constant 0 : i32
          %swap3A_2552 = arith.index_cast %swap3A_2551 : i32 to index
          %swap3A_2553 = memref.load %arg11[%swap3A_2552] : memref<8xi32, #tpu.memory_space<smem>>
          memref.store %add3A_2550, %arg11[%swap3A_2552] : memref<8xi32, #tpu.memory_space<smem>>
        } else {
        }
      } else {
      }
    }
    %scan3A_2381 = arith.constant 32 : i32
    %dma_wait3A = arith.constant 0 : i32
    %dma_wait3A_2382 = arith.constant 0 : i32
    %dma_wait3A_2383 = tpu.memref_slice %arg3[%dma_wait3A, %dma_wait3A_2382] : memref<100000x128xf32, #tpu.memory_space<hbm>> -> memref<100000x128xf32, #tpu.memory_space<hbm>>
    tpu.wait_indirect_dma semaphore(%arg12 : memref<!tpu.dma_semaphore, #tpu.memory_space<semaphore_mem>>) src(%dma_wait3A_2383 : memref<100000x128xf32, #tpu.memory_space<hbm>>) dst(%arg8 : memref<512x128xf32, #tpu.memory_space<vmem>>)
    %get3A_2384 = arith.constant 0 : i32
    %get3A_2385 = arith.index_cast %get3A_2384 : i32 to index
    %get3A_2386 = memref.load %arg11[%get3A_2385] : memref<8xi32, #tpu.memory_space<smem>>
    %scan3A_2387 = arith.constant 0 : i32
    %scan3A_2388 = arith.constant 0 : i32
    %scan3A_2389 = arith.constant 32 : i32
    %scan3A_2390 = arith.addi %scan3A_2388, %scan3A_2389 : i32
    %scan3A_2391 = arith.constant 1 : i32
    scf.for %scan3A_2393 = %scan3A_2388 to %scan3A_2390 step %scan3A_2391  : i32 {
      %mul3A_2394 = arith.constant 16 : i32
      %mul3A_2395 = arith.muli %scan3A_2393, %mul3A_2394 : i32
      %gt3A = arith.cmpi sgt, %get3A_2386, %mul3A_2395 : i32
      %convert_element_type3A = arith.extui %gt3A : i1 to i32
      %cond3A = arith.constant 0 : i32
      %cond3A_2396 = arith.cmpi ne, %convert_element_type3A, %cond3A : i32
      scf.if %cond3A_2396 {
        %mul3A_2397 = arith.constant 16 : i32
        %mul3A_2398 = arith.muli %scan3A_2393, %mul3A_2397 : i32
        %add3A_2399 = arith.constant 0 : i32
        %add3A_2400 = arith.addi %mul3A_2398, %add3A_2399 : i32
        %lt3A_2401 = arith.cmpi slt, %add3A_2400, %get3A_2386 : i32
        %convert_element_type3A_2402 = arith.extui %lt3A_2401 : i1 to i32
        %cond3A_2403 = arith.constant 0 : i32
        %cond3A_2404 = arith.cmpi ne, %convert_element_type3A_2402, %cond3A_2403 : i32
        scf.if %cond3A_2404 {
          %get3A_2525 = arith.index_cast %add3A_2400 : i32 to index
          %get3A_2526 = memref.load %arg10[%get3A_2525] : memref<512xi32, #tpu.memory_space<smem>>
          "tpu.region"() ({
            %run_scoped3A = tpu.sem_alloc : memref<!tpu.dma_semaphore, #tpu.memory_space<semaphore_mem>>
            %dma_start3A_2527 = arith.constant 0 : i32
            %dma_start3A_2528 = tpu.memref_slice %arg8[%get3A_2526, %dma_start3A_2527] : memref<512x128xf32, #tpu.memory_space<vmem>> -> memref<1x128xf32, #tpu.memory_space<vmem>>
            %dma_start3A_2529 = tpu.memref_squeeze %dma_start3A_2528 : memref<1x128xf32, #tpu.memory_space<vmem>> -> memref<128xf32, #tpu.memory_space<vmem>>
            %dma_start3A_2530 = arith.constant 0 : i32
            %dma_start3A_2531 = tpu.memref_slice %arg8[%get3A_2526, %dma_start3A_2530] : memref<512x128xf32, #tpu.memory_space<vmem>> -> memref<1x128xf32, #tpu.memory_space<vmem>>
            %dma_start3A_2532 = tpu.memref_squeeze %dma_start3A_2531 : memref<1x128xf32, #tpu.memory_space<vmem>> -> memref<128xf32, #tpu.memory_space<vmem>>
            tpu.enqueue_dma source(%arg4 : memref<128xf32, #tpu.memory_space<hbm>>) target(%dma_start3A_2532 : memref<128xf32, #tpu.memory_space<vmem>>) target_semaphore(%run_scoped3A : memref<!tpu.dma_semaphore, #tpu.memory_space<semaphore_mem>>)
            %dma_wait3A_2533 = arith.constant 0 : i32
            %dma_wait3A_2534 = tpu.memref_slice %arg8[%get3A_2526, %dma_wait3A_2533] : memref<512x128xf32, #tpu.memory_space<vmem>> -> memref<1x128xf32, #tpu.memory_space<vmem>>
            %dma_wait3A_2535 = tpu.memref_squeeze %dma_wait3A_2534 : memref<1x128xf32, #tpu.memory_space<vmem>> -> memref<128xf32, #tpu.memory_space<vmem>>
            %dma_wait3A_2536 = arith.constant 0 : i32
            %dma_wait3A_2537 = tpu.memref_slice %arg8[%get3A_2526, %dma_wait3A_2536] : memref<512x128xf32, #tpu.memory_space<vmem>> -> memref<1x128xf32, #tpu.memory_space<vmem>>
            %dma_wait3A_2538 = tpu.memref_squeeze %dma_wait3A_2537 : memref<1x128xf32, #tpu.memory_space<vmem>> -> memref<128xf32, #tpu.memory_space<vmem>>
            tpu.wait_dma2 semaphore(%run_scoped3A : memref<!tpu.dma_semaphore, #tpu.memory_space<semaphore_mem>>) src(%arg4 : memref<128xf32, #tpu.memory_space<hbm>>) dst(%dma_wait3A_2538 : memref<128xf32, #tpu.memory_space<vmem>>)
            tpu.yield
          }) : () -> ()
        } else {
        }
        %mul3A_2405 = arith.constant 16 : i32
        %mul3A_2406 = arith.muli %scan3A_2393, %mul3A_2405 : i32
        %add3A_2407 = arith.constant 1 : i32
        %add3A_2408 = arith.addi %mul3A_2406, %add3A_2407 : i32
        %lt3A_2409 = arith.cmpi slt, %add3A_2408, %get3A_2386 : i32
        %convert_element_type3A_2410 = arith.extui %lt3A_2409 : i1 to i32
        %cond3A_2411 = arith.constant 0 : i32
        %cond3A_2412 = arith.cmpi ne, %convert_element_type3A_2410, %cond3A_2411 : i32
        scf.if %cond3A_2412 {
          %get3A_2525 = arith.index_cast %add3A_2408 : i32 to index
          %get3A_2526 = memref.load %arg10[%get3A_2525] : memref<512xi32, #tpu.memory_space<smem>>
          "tpu.region"() ({
            %run_scoped3A = tpu.sem_alloc : memref<!tpu.dma_semaphore, #tpu.memory_space<semaphore_mem>>
            %dma_start3A_2527 = arith.constant 0 : i32
            %dma_start3A_2528 = tpu.memref_slice %arg8[%get3A_2526, %dma_start3A_2527] : memref<512x128xf32, #tpu.memory_space<vmem>> -> memref<1x128xf32, #tpu.memory_space<vmem>>
            %dma_start3A_2529 = tpu.memref_squeeze %dma_start3A_2528 : memref<1x128xf32, #tpu.memory_space<vmem>> -> memref<128xf32, #tpu.memory_space<vmem>>
            %dma_start3A_2530 = arith.constant 0 : i32
            %dma_start3A_2531 = tpu.memref_slice %arg8[%get3A_2526, %dma_start3A_2530] : memref<512x128xf32, #tpu.memory_space<vmem>> -> memref<1x128xf32, #tpu.memory_space<vmem>>
            %dma_start3A_2532 = tpu.memref_squeeze %dma_start3A_2531 : memref<1x128xf32, #tpu.memory_space<vmem>> -> memref<128xf32, #tpu.memory_space<vmem>>
            tpu.enqueue_dma source(%arg4 : memref<128xf32, #tpu.memory_space<hbm>>) target(%dma_start3A_2532 : memref<128xf32, #tpu.memory_space<vmem>>) target_semaphore(%run_scoped3A : memref<!tpu.dma_semaphore, #tpu.memory_space<semaphore_mem>>)
            %dma_wait3A_2533 = arith.constant 0 : i32
            %dma_wait3A_2534 = tpu.memref_slice %arg8[%get3A_2526, %dma_wait3A_2533] : memref<512x128xf32, #tpu.memory_space<vmem>> -> memref<1x128xf32, #tpu.memory_space<vmem>>
            %dma_wait3A_2535 = tpu.memref_squeeze %dma_wait3A_2534 : memref<1x128xf32, #tpu.memory_space<vmem>> -> memref<128xf32, #tpu.memory_space<vmem>>
            %dma_wait3A_2536 = arith.constant 0 : i32
            %dma_wait3A_2537 = tpu.memref_slice %arg8[%get3A_2526, %dma_wait3A_2536] : memref<512x128xf32, #tpu.memory_space<vmem>> -> memref<1x128xf32, #tpu.memory_space<vmem>>
            %dma_wait3A_2538 = tpu.memref_squeeze %dma_wait3A_2537 : memref<1x128xf32, #tpu.memory_space<vmem>> -> memref<128xf32, #tpu.memory_space<vmem>>
            tpu.wait_dma2 semaphore(%run_scoped3A : memref<!tpu.dma_semaphore, #tpu.memory_space<semaphore_mem>>) src(%arg4 : memref<128xf32, #tpu.memory_space<hbm>>) dst(%dma_wait3A_2538 : memref<128xf32, #tpu.memory_space<vmem>>)
            tpu.yield
          }) : () -> ()
        } else {
        }
        %mul3A_2413 = arith.constant 16 : i32
        %mul3A_2414 = arith.muli %scan3A_2393, %mul3A_2413 : i32
        %add3A_2415 = arith.constant 2 : i32
        %add3A_2416 = arith.addi %mul3A_2414, %add3A_2415 : i32
        %lt3A_2417 = arith.cmpi slt, %add3A_2416, %get3A_2386 : i32
        %convert_element_type3A_2418 = arith.extui %lt3A_2417 : i1 to i32
        %cond3A_2419 = arith.constant 0 : i32
        %cond3A_2420 = arith.cmpi ne, %convert_element_type3A_2418, %cond3A_2419 : i32
        scf.if %cond3A_2420 {
          %get3A_2525 = arith.index_cast %add3A_2416 : i32 to index
          %get3A_2526 = memref.load %arg10[%get3A_2525] : memref<512xi32, #tpu.memory_space<smem>>
          "tpu.region"() ({
            %run_scoped3A = tpu.sem_alloc : memref<!tpu.dma_semaphore, #tpu.memory_space<semaphore_mem>>
            %dma_start3A_2527 = arith.constant 0 : i32
            %dma_start3A_2528 = tpu.memref_slice %arg8[%get3A_2526, %dma_start3A_2527] : memref<512x128xf32, #tpu.memory_space<vmem>> -> memref<1x128xf32, #tpu.memory_space<vmem>>
            %dma_start3A_2529 = tpu.memref_squeeze %dma_start3A_2528 : memref<1x128xf32, #tpu.memory_space<vmem>> -> memref<128xf32, #tpu.memory_space<vmem>>
            %dma_start3A_2530 = arith.constant 0 : i32
            %dma_start3A_2531 = tpu.memref_slice %arg8[%get3A_2526, %dma_start3A_2530] : memref<512x128xf32, #tpu.memory_space<vmem>> -> memref<1x128xf32, #tpu.memory_space<vmem>>
            %dma_start3A_2532 = tpu.memref_squeeze %dma_start3A_2531 : memref<1x128xf32, #tpu.memory_space<vmem>> -> memref<128xf32, #tpu.memory_space<vmem>>
            tpu.enqueue_dma source(%arg4 : memref<128xf32, #tpu.memory_space<hbm>>) target(%dma_start3A_2532 : memref<128xf32, #tpu.memory_space<vmem>>) target_semaphore(%run_scoped3A : memref<!tpu.dma_semaphore, #tpu.memory_space<semaphore_mem>>)
            %dma_wait3A_2533 = arith.constant 0 : i32
            %dma_wait3A_2534 = tpu.memref_slice %arg8[%get3A_2526, %dma_wait3A_2533] : memref<512x128xf32, #tpu.memory_space<vmem>> -> memref<1x128xf32, #tpu.memory_space<vmem>>
            %dma_wait3A_2535 = tpu.memref_squeeze %dma_wait3A_2534 : memref<1x128xf32, #tpu.memory_space<vmem>> -> memref<128xf32, #tpu.memory_space<vmem>>
            %dma_wait3A_2536 = arith.constant 0 : i32
            %dma_wait3A_2537 = tpu.memref_slice %arg8[%get3A_2526, %dma_wait3A_2536] : memref<512x128xf32, #tpu.memory_space<vmem>> -> memref<1x128xf32, #tpu.memory_space<vmem>>
            %dma_wait3A_2538 = tpu.memref_squeeze %dma_wait3A_2537 : memref<1x128xf32, #tpu.memory_space<vmem>> -> memref<128xf32, #tpu.memory_space<vmem>>
            tpu.wait_dma2 semaphore(%run_scoped3A : memref<!tpu.dma_semaphore, #tpu.memory_space<semaphore_mem>>) src(%arg4 : memref<128xf32, #tpu.memory_space<hbm>>) dst(%dma_wait3A_2538 : memref<128xf32, #tpu.memory_space<vmem>>)
            tpu.yield
          }) : () -> ()
        } else {
        }
        %mul3A_2421 = arith.constant 16 : i32
        %mul3A_2422 = arith.muli %scan3A_2393, %mul3A_2421 : i32
        %add3A_2423 = arith.constant 3 : i32
        %add3A_2424 = arith.addi %mul3A_2422, %add3A_2423 : i32
        %lt3A_2425 = arith.cmpi slt, %add3A_2424, %get3A_2386 : i32
        %convert_element_type3A_2426 = arith.extui %lt3A_2425 : i1 to i32
        %cond3A_2427 = arith.constant 0 : i32
        %cond3A_2428 = arith.cmpi ne, %convert_element_type3A_2426, %cond3A_2427 : i32
        scf.if %cond3A_2428 {
          %get3A_2525 = arith.index_cast %add3A_2424 : i32 to index
          %get3A_2526 = memref.load %arg10[%get3A_2525] : memref<512xi32, #tpu.memory_space<smem>>
          "tpu.region"() ({
            %run_scoped3A = tpu.sem_alloc : memref<!tpu.dma_semaphore, #tpu.memory_space<semaphore_mem>>
            %dma_start3A_2527 = arith.constant 0 : i32
            %dma_start3A_2528 = tpu.memref_slice %arg8[%get3A_2526, %dma_start3A_2527] : memref<512x128xf32, #tpu.memory_space<vmem>> -> memref<1x128xf32, #tpu.memory_space<vmem>>
            %dma_start3A_2529 = tpu.memref_squeeze %dma_start3A_2528 : memref<1x128xf32, #tpu.memory_space<vmem>> -> memref<128xf32, #tpu.memory_space<vmem>>
            %dma_start3A_2530 = arith.constant 0 : i32
            %dma_start3A_2531 = tpu.memref_slice %arg8[%get3A_2526, %dma_start3A_2530] : memref<512x128xf32, #tpu.memory_space<vmem>> -> memref<1x128xf32, #tpu.memory_space<vmem>>
            %dma_start3A_2532 = tpu.memref_squeeze %dma_start3A_2531 : memref<1x128xf32, #tpu.memory_space<vmem>> -> memref<128xf32, #tpu.memory_space<vmem>>
            tpu.enqueue_dma source(%arg4 : memref<128xf32, #tpu.memory_space<hbm>>) target(%dma_start3A_2532 : memref<128xf32, #tpu.memory_space<vmem>>) target_semaphore(%run_scoped3A : memref<!tpu.dma_semaphore, #tpu.memory_space<semaphore_mem>>)
            %dma_wait3A_2533 = arith.constant 0 : i32
            %dma_wait3A_2534 = tpu.memref_slice %arg8[%get3A_2526, %dma_wait3A_2533] : memref<512x128xf32, #tpu.memory_space<vmem>> -> memref<1x128xf32, #tpu.memory_space<vmem>>
            %dma_wait3A_2535 = tpu.memref_squeeze %dma_wait3A_2534 : memref<1x128xf32, #tpu.memory_space<vmem>> -> memref<128xf32, #tpu.memory_space<vmem>>
            %dma_wait3A_2536 = arith.constant 0 : i32
            %dma_wait3A_2537 = tpu.memref_slice %arg8[%get3A_2526, %dma_wait3A_2536] : memref<512x128xf32, #tpu.memory_space<vmem>> -> memref<1x128xf32, #tpu.memory_space<vmem>>
            %dma_wait3A_2538 = tpu.memref_squeeze %dma_wait3A_2537 : memref<1x128xf32, #tpu.memory_space<vmem>> -> memref<128xf32, #tpu.memory_space<vmem>>
            tpu.wait_dma2 semaphore(%run_scoped3A : memref<!tpu.dma_semaphore, #tpu.memory_space<semaphore_mem>>) src(%arg4 : memref<128xf32, #tpu.memory_space<hbm>>) dst(%dma_wait3A_2538 : memref<128xf32, #tpu.memory_space<vmem>>)
            tpu.yield
          }) : () -> ()
        } else {
        }
        %mul3A_2429 = arith.constant 16 : i32
        %mul3A_2430 = arith.muli %scan3A_2393, %mul3A_2429 : i32
        %add3A_2431 = arith.constant 4 : i32
        %add3A_2432 = arith.addi %mul3A_2430, %add3A_2431 : i32
        %lt3A_2433 = arith.cmpi slt, %add3A_2432, %get3A_2386 : i32
        %convert_element_type3A_2434 = arith.extui %lt3A_2433 : i1 to i32
        %cond3A_2435 = arith.constant 0 : i32
        %cond3A_2436 = arith.cmpi ne, %convert_element_type3A_2434, %cond3A_2435 : i32
        scf.if %cond3A_2436 {
          %get3A_2525 = arith.index_cast %add3A_2432 : i32 to index
          %get3A_2526 = memref.load %arg10[%get3A_2525] : memref<512xi32, #tpu.memory_space<smem>>
          "tpu.region"() ({
            %run_scoped3A = tpu.sem_alloc : memref<!tpu.dma_semaphore, #tpu.memory_space<semaphore_mem>>
            %dma_start3A_2527 = arith.constant 0 : i32
            %dma_start3A_2528 = tpu.memref_slice %arg8[%get3A_2526, %dma_start3A_2527] : memref<512x128xf32, #tpu.memory_space<vmem>> -> memref<1x128xf32, #tpu.memory_space<vmem>>
            %dma_start3A_2529 = tpu.memref_squeeze %dma_start3A_2528 : memref<1x128xf32, #tpu.memory_space<vmem>> -> memref<128xf32, #tpu.memory_space<vmem>>
            %dma_start3A_2530 = arith.constant 0 : i32
            %dma_start3A_2531 = tpu.memref_slice %arg8[%get3A_2526, %dma_start3A_2530] : memref<512x128xf32, #tpu.memory_space<vmem>> -> memref<1x128xf32, #tpu.memory_space<vmem>>
            %dma_start3A_2532 = tpu.memref_squeeze %dma_start3A_2531 : memref<1x128xf32, #tpu.memory_space<vmem>> -> memref<128xf32, #tpu.memory_space<vmem>>
            tpu.enqueue_dma source(%arg4 : memref<128xf32, #tpu.memory_space<hbm>>) target(%dma_start3A_2532 : memref<128xf32, #tpu.memory_space<vmem>>) target_semaphore(%run_scoped3A : memref<!tpu.dma_semaphore, #tpu.memory_space<semaphore_mem>>)
            %dma_wait3A_2533 = arith.constant 0 : i32
            %dma_wait3A_2534 = tpu.memref_slice %arg8[%get3A_2526, %dma_wait3A_2533] : memref<512x128xf32, #tpu.memory_space<vmem>> -> memref<1x128xf32, #tpu.memory_space<vmem>>
            %dma_wait3A_2535 = tpu.memref_squeeze %dma_wait3A_2534 : memref<1x128xf32, #tpu.memory_space<vmem>> -> memref<128xf32, #tpu.memory_space<vmem>>
            %dma_wait3A_2536 = arith.constant 0 : i32
            %dma_wait3A_2537 = tpu.memref_slice %arg8[%get3A_2526, %dma_wait3A_2536] : memref<512x128xf32, #tpu.memory_space<vmem>> -> memref<1x128xf32, #tpu.memory_space<vmem>>
            %dma_wait3A_2538 = tpu.memref_squeeze %dma_wait3A_2537 : memref<1x128xf32, #tpu.memory_space<vmem>> -> memref<128xf32, #tpu.memory_space<vmem>>
            tpu.wait_dma2 semaphore(%run_scoped3A : memref<!tpu.dma_semaphore, #tpu.memory_space<semaphore_mem>>) src(%arg4 : memref<128xf32, #tpu.memory_space<hbm>>) dst(%dma_wait3A_2538 : memref<128xf32, #tpu.memory_space<vmem>>)
            tpu.yield
          }) : () -> ()
        } else {
        }
        %mul3A_2437 = arith.constant 16 : i32
        %mul3A_2438 = arith.muli %scan3A_2393, %mul3A_2437 : i32
        %add3A_2439 = arith.constant 5 : i32
        %add3A_2440 = arith.addi %mul3A_2438, %add3A_2439 : i32
        %lt3A_2441 = arith.cmpi slt, %add3A_2440, %get3A_2386 : i32
        %convert_element_type3A_2442 = arith.extui %lt3A_2441 : i1 to i32
        %cond3A_2443 = arith.constant 0 : i32
        %cond3A_2444 = arith.cmpi ne, %convert_element_type3A_2442, %cond3A_2443 : i32
        scf.if %cond3A_2444 {
          %get3A_2525 = arith.index_cast %add3A_2440 : i32 to index
          %get3A_2526 = memref.load %arg10[%get3A_2525] : memref<512xi32, #tpu.memory_space<smem>>
          "tpu.region"() ({
            %run_scoped3A = tpu.sem_alloc : memref<!tpu.dma_semaphore, #tpu.memory_space<semaphore_mem>>
            %dma_start3A_2527 = arith.constant 0 : i32
            %dma_start3A_2528 = tpu.memref_slice %arg8[%get3A_2526, %dma_start3A_2527] : memref<512x128xf32, #tpu.memory_space<vmem>> -> memref<1x128xf32, #tpu.memory_space<vmem>>
            %dma_start3A_2529 = tpu.memref_squeeze %dma_start3A_2528 : memref<1x128xf32, #tpu.memory_space<vmem>> -> memref<128xf32, #tpu.memory_space<vmem>>
            %dma_start3A_2530 = arith.constant 0 : i32
            %dma_start3A_2531 = tpu.memref_slice %arg8[%get3A_2526, %dma_start3A_2530] : memref<512x128xf32, #tpu.memory_space<vmem>> -> memref<1x128xf32, #tpu.memory_space<vmem>>
            %dma_start3A_2532 = tpu.memref_squeeze %dma_start3A_2531 : memref<1x128xf32, #tpu.memory_space<vmem>> -> memref<128xf32, #tpu.memory_space<vmem>>
            tpu.enqueue_dma source(%arg4 : memref<128xf32, #tpu.memory_space<hbm>>) target(%dma_start3A_2532 : memref<128xf32, #tpu.memory_space<vmem>>) target_semaphore(%run_scoped3A : memref<!tpu.dma_semaphore, #tpu.memory_space<semaphore_mem>>)
            %dma_wait3A_2533 = arith.constant 0 : i32
            %dma_wait3A_2534 = tpu.memref_slice %arg8[%get3A_2526, %dma_wait3A_2533] : memref<512x128xf32, #tpu.memory_space<vmem>> -> memref<1x128xf32, #tpu.memory_space<vmem>>
            %dma_wait3A_2535 = tpu.memref_squeeze %dma_wait3A_2534 : memref<1x128xf32, #tpu.memory_space<vmem>> -> memref<128xf32, #tpu.memory_space<vmem>>
            %dma_wait3A_2536 = arith.constant 0 : i32
            %dma_wait3A_2537 = tpu.memref_slice %arg8[%get3A_2526, %dma_wait3A_2536] : memref<512x128xf32, #tpu.memory_space<vmem>> -> memref<1x128xf32, #tpu.memory_space<vmem>>
            %dma_wait3A_2538 = tpu.memref_squeeze %dma_wait3A_2537 : memref<1x128xf32, #tpu.memory_space<vmem>> -> memref<128xf32, #tpu.memory_space<vmem>>
            tpu.wait_dma2 semaphore(%run_scoped3A : memref<!tpu.dma_semaphore, #tpu.memory_space<semaphore_mem>>) src(%arg4 : memref<128xf32, #tpu.memory_space<hbm>>) dst(%dma_wait3A_2538 : memref<128xf32, #tpu.memory_space<vmem>>)
            tpu.yield
          }) : () -> ()
        } else {
        }
        %mul3A_2445 = arith.constant 16 : i32
        %mul3A_2446 = arith.muli %scan3A_2393, %mul3A_2445 : i32
        %add3A_2447 = arith.constant 6 : i32
        %add3A_2448 = arith.addi %mul3A_2446, %add3A_2447 : i32
        %lt3A_2449 = arith.cmpi slt, %add3A_2448, %get3A_2386 : i32
        %convert_element_type3A_2450 = arith.extui %lt3A_2449 : i1 to i32
        %cond3A_2451 = arith.constant 0 : i32
        %cond3A_2452 = arith.cmpi ne, %convert_element_type3A_2450, %cond3A_2451 : i32
        scf.if %cond3A_2452 {
          %get3A_2525 = arith.index_cast %add3A_2448 : i32 to index
          %get3A_2526 = memref.load %arg10[%get3A_2525] : memref<512xi32, #tpu.memory_space<smem>>
          "tpu.region"() ({
            %run_scoped3A = tpu.sem_alloc : memref<!tpu.dma_semaphore, #tpu.memory_space<semaphore_mem>>
            %dma_start3A_2527 = arith.constant 0 : i32
            %dma_start3A_2528 = tpu.memref_slice %arg8[%get3A_2526, %dma_start3A_2527] : memref<512x128xf32, #tpu.memory_space<vmem>> -> memref<1x128xf32, #tpu.memory_space<vmem>>
            %dma_start3A_2529 = tpu.memref_squeeze %dma_start3A_2528 : memref<1x128xf32, #tpu.memory_space<vmem>> -> memref<128xf32, #tpu.memory_space<vmem>>
            %dma_start3A_2530 = arith.constant 0 : i32
            %dma_start3A_2531 = tpu.memref_slice %arg8[%get3A_2526, %dma_start3A_2530] : memref<512x128xf32, #tpu.memory_space<vmem>> -> memref<1x128xf32, #tpu.memory_space<vmem>>
            %dma_start3A_2532 = tpu.memref_squeeze %dma_start3A_2531 : memref<1x128xf32, #tpu.memory_space<vmem>> -> memref<128xf32, #tpu.memory_space<vmem>>
            tpu.enqueue_dma source(%arg4 : memref<128xf32, #tpu.memory_space<hbm>>) target(%dma_start3A_2532 : memref<128xf32, #tpu.memory_space<vmem>>) target_semaphore(%run_scoped3A : memref<!tpu.dma_semaphore, #tpu.memory_space<semaphore_mem>>)
            %dma_wait3A_2533 = arith.constant 0 : i32
            %dma_wait3A_2534 = tpu.memref_slice %arg8[%get3A_2526, %dma_wait3A_2533] : memref<512x128xf32, #tpu.memory_space<vmem>> -> memref<1x128xf32, #tpu.memory_space<vmem>>
            %dma_wait3A_2535 = tpu.memref_squeeze %dma_wait3A_2534 : memref<1x128xf32, #tpu.memory_space<vmem>> -> memref<128xf32, #tpu.memory_space<vmem>>
            %dma_wait3A_2536 = arith.constant 0 : i32
            %dma_wait3A_2537 = tpu.memref_slice %arg8[%get3A_2526, %dma_wait3A_2536] : memref<512x128xf32, #tpu.memory_space<vmem>> -> memref<1x128xf32, #tpu.memory_space<vmem>>
            %dma_wait3A_2538 = tpu.memref_squeeze %dma_wait3A_2537 : memref<1x128xf32, #tpu.memory_space<vmem>> -> memref<128xf32, #tpu.memory_space<vmem>>
            tpu.wait_dma2 semaphore(%run_scoped3A : memref<!tpu.dma_semaphore, #tpu.memory_space<semaphore_mem>>) src(%arg4 : memref<128xf32, #tpu.memory_space<hbm>>) dst(%dma_wait3A_2538 : memref<128xf32, #tpu.memory_space<vmem>>)
            tpu.yield
          }) : () -> ()
        } else {
        }
        %mul3A_2453 = arith.constant 16 : i32
        %mul3A_2454 = arith.muli %scan3A_2393, %mul3A_2453 : i32
        %add3A_2455 = arith.constant 7 : i32
        %add3A_2456 = arith.addi %mul3A_2454, %add3A_2455 : i32
        %lt3A_2457 = arith.cmpi slt, %add3A_2456, %get3A_2386 : i32
        %convert_element_type3A_2458 = arith.extui %lt3A_2457 : i1 to i32
        %cond3A_2459 = arith.constant 0 : i32
        %cond3A_2460 = arith.cmpi ne, %convert_element_type3A_2458, %cond3A_2459 : i32
        scf.if %cond3A_2460 {
          %get3A_2525 = arith.index_cast %add3A_2456 : i32 to index
          %get3A_2526 = memref.load %arg10[%get3A_2525] : memref<512xi32, #tpu.memory_space<smem>>
          "tpu.region"() ({
            %run_scoped3A = tpu.sem_alloc : memref<!tpu.dma_semaphore, #tpu.memory_space<semaphore_mem>>
            %dma_start3A_2527 = arith.constant 0 : i32
            %dma_start3A_2528 = tpu.memref_slice %arg8[%get3A_2526, %dma_start3A_2527] : memref<512x128xf32, #tpu.memory_space<vmem>> -> memref<1x128xf32, #tpu.memory_space<vmem>>
            %dma_start3A_2529 = tpu.memref_squeeze %dma_start3A_2528 : memref<1x128xf32, #tpu.memory_space<vmem>> -> memref<128xf32, #tpu.memory_space<vmem>>
            %dma_start3A_2530 = arith.constant 0 : i32
            %dma_start3A_2531 = tpu.memref_slice %arg8[%get3A_2526, %dma_start3A_2530] : memref<512x128xf32, #tpu.memory_space<vmem>> -> memref<1x128xf32, #tpu.memory_space<vmem>>
            %dma_start3A_2532 = tpu.memref_squeeze %dma_start3A_2531 : memref<1x128xf32, #tpu.memory_space<vmem>> -> memref<128xf32, #tpu.memory_space<vmem>>
            tpu.enqueue_dma source(%arg4 : memref<128xf32, #tpu.memory_space<hbm>>) target(%dma_start3A_2532 : memref<128xf32, #tpu.memory_space<vmem>>) target_semaphore(%run_scoped3A : memref<!tpu.dma_semaphore, #tpu.memory_space<semaphore_mem>>)
            %dma_wait3A_2533 = arith.constant 0 : i32
            %dma_wait3A_2534 = tpu.memref_slice %arg8[%get3A_2526, %dma_wait3A_2533] : memref<512x128xf32, #tpu.memory_space<vmem>> -> memref<1x128xf32, #tpu.memory_space<vmem>>
            %dma_wait3A_2535 = tpu.memref_squeeze %dma_wait3A_2534 : memref<1x128xf32, #tpu.memory_space<vmem>> -> memref<128xf32, #tpu.memory_space<vmem>>
            %dma_wait3A_2536 = arith.constant 0 : i32
            %dma_wait3A_2537 = tpu.memref_slice %arg8[%get3A_2526, %dma_wait3A_2536] : memref<512x128xf32, #tpu.memory_space<vmem>> -> memref<1x128xf32, #tpu.memory_space<vmem>>
            %dma_wait3A_2538 = tpu.memref_squeeze %dma_wait3A_2537 : memref<1x128xf32, #tpu.memory_space<vmem>> -> memref<128xf32, #tpu.memory_space<vmem>>
            tpu.wait_dma2 semaphore(%run_scoped3A : memref<!tpu.dma_semaphore, #tpu.memory_space<semaphore_mem>>) src(%arg4 : memref<128xf32, #tpu.memory_space<hbm>>) dst(%dma_wait3A_2538 : memref<128xf32, #tpu.memory_space<vmem>>)
            tpu.yield
          }) : () -> ()
        } else {
        }
        %mul3A_2461 = arith.constant 16 : i32
        %mul3A_2462 = arith.muli %scan3A_2393, %mul3A_2461 : i32
        %add3A_2463 = arith.constant 8 : i32
        %add3A_2464 = arith.addi %mul3A_2462, %add3A_2463 : i32
        %lt3A_2465 = arith.cmpi slt, %add3A_2464, %get3A_2386 : i32
        %convert_element_type3A_2466 = arith.extui %lt3A_2465 : i1 to i32
        %cond3A_2467 = arith.constant 0 : i32
        %cond3A_2468 = arith.cmpi ne, %convert_element_type3A_2466, %cond3A_2467 : i32
        scf.if %cond3A_2468 {
          %get3A_2525 = arith.index_cast %add3A_2464 : i32 to index
          %get3A_2526 = memref.load %arg10[%get3A_2525] : memref<512xi32, #tpu.memory_space<smem>>
          "tpu.region"() ({
            %run_scoped3A = tpu.sem_alloc : memref<!tpu.dma_semaphore, #tpu.memory_space<semaphore_mem>>
            %dma_start3A_2527 = arith.constant 0 : i32
            %dma_start3A_2528 = tpu.memref_slice %arg8[%get3A_2526, %dma_start3A_2527] : memref<512x128xf32, #tpu.memory_space<vmem>> -> memref<1x128xf32, #tpu.memory_space<vmem>>
            %dma_start3A_2529 = tpu.memref_squeeze %dma_start3A_2528 : memref<1x128xf32, #tpu.memory_space<vmem>> -> memref<128xf32, #tpu.memory_space<vmem>>
            %dma_start3A_2530 = arith.constant 0 : i32
            %dma_start3A_2531 = tpu.memref_slice %arg8[%get3A_2526, %dma_start3A_2530] : memref<512x128xf32, #tpu.memory_space<vmem>> -> memref<1x128xf32, #tpu.memory_space<vmem>>
            %dma_start3A_2532 = tpu.memref_squeeze %dma_start3A_2531 : memref<1x128xf32, #tpu.memory_space<vmem>> -> memref<128xf32, #tpu.memory_space<vmem>>
            tpu.enqueue_dma source(%arg4 : memref<128xf32, #tpu.memory_space<hbm>>) target(%dma_start3A_2532 : memref<128xf32, #tpu.memory_space<vmem>>) target_semaphore(%run_scoped3A : memref<!tpu.dma_semaphore, #tpu.memory_space<semaphore_mem>>)
            %dma_wait3A_2533 = arith.constant 0 : i32
            %dma_wait3A_2534 = tpu.memref_slice %arg8[%get3A_2526, %dma_wait3A_2533] : memref<512x128xf32, #tpu.memory_space<vmem>> -> memref<1x128xf32, #tpu.memory_space<vmem>>
            %dma_wait3A_2535 = tpu.memref_squeeze %dma_wait3A_2534 : memref<1x128xf32, #tpu.memory_space<vmem>> -> memref<128xf32, #tpu.memory_space<vmem>>
            %dma_wait3A_2536 = arith.constant 0 : i32
            %dma_wait3A_2537 = tpu.memref_slice %arg8[%get3A_2526, %dma_wait3A_2536] : memref<512x128xf32, #tpu.memory_space<vmem>> -> memref<1x128xf32, #tpu.memory_space<vmem>>
            %dma_wait3A_2538 = tpu.memref_squeeze %dma_wait3A_2537 : memref<1x128xf32, #tpu.memory_space<vmem>> -> memref<128xf32, #tpu.memory_space<vmem>>
            tpu.wait_dma2 semaphore(%run_scoped3A : memref<!tpu.dma_semaphore, #tpu.memory_space<semaphore_mem>>) src(%arg4 : memref<128xf32, #tpu.memory_space<hbm>>) dst(%dma_wait3A_2538 : memref<128xf32, #tpu.memory_space<vmem>>)
            tpu.yield
          }) : () -> ()
        } else {
        }
        %mul3A_2469 = arith.constant 16 : i32
        %mul3A_2470 = arith.muli %scan3A_2393, %mul3A_2469 : i32
        %add3A_2471 = arith.constant 9 : i32
        %add3A_2472 = arith.addi %mul3A_2470, %add3A_2471 : i32
        %lt3A_2473 = arith.cmpi slt, %add3A_2472, %get3A_2386 : i32
        %convert_element_type3A_2474 = arith.extui %lt3A_2473 : i1 to i32
        %cond3A_2475 = arith.constant 0 : i32
        %cond3A_2476 = arith.cmpi ne, %convert_element_type3A_2474, %cond3A_2475 : i32
        scf.if %cond3A_2476 {
          %get3A_2525 = arith.index_cast %add3A_2472 : i32 to index
          %get3A_2526 = memref.load %arg10[%get3A_2525] : memref<512xi32, #tpu.memory_space<smem>>
          "tpu.region"() ({
            %run_scoped3A = tpu.sem_alloc : memref<!tpu.dma_semaphore, #tpu.memory_space<semaphore_mem>>
            %dma_start3A_2527 = arith.constant 0 : i32
            %dma_start3A_2528 = tpu.memref_slice %arg8[%get3A_2526, %dma_start3A_2527] : memref<512x128xf32, #tpu.memory_space<vmem>> -> memref<1x128xf32, #tpu.memory_space<vmem>>
            %dma_start3A_2529 = tpu.memref_squeeze %dma_start3A_2528 : memref<1x128xf32, #tpu.memory_space<vmem>> -> memref<128xf32, #tpu.memory_space<vmem>>
            %dma_start3A_2530 = arith.constant 0 : i32
            %dma_start3A_2531 = tpu.memref_slice %arg8[%get3A_2526, %dma_start3A_2530] : memref<512x128xf32, #tpu.memory_space<vmem>> -> memref<1x128xf32, #tpu.memory_space<vmem>>
            %dma_start3A_2532 = tpu.memref_squeeze %dma_start3A_2531 : memref<1x128xf32, #tpu.memory_space<vmem>> -> memref<128xf32, #tpu.memory_space<vmem>>
            tpu.enqueue_dma source(%arg4 : memref<128xf32, #tpu.memory_space<hbm>>) target(%dma_start3A_2532 : memref<128xf32, #tpu.memory_space<vmem>>) target_semaphore(%run_scoped3A : memref<!tpu.dma_semaphore, #tpu.memory_space<semaphore_mem>>)
            %dma_wait3A_2533 = arith.constant 0 : i32
            %dma_wait3A_2534 = tpu.memref_slice %arg8[%get3A_2526, %dma_wait3A_2533] : memref<512x128xf32, #tpu.memory_space<vmem>> -> memref<1x128xf32, #tpu.memory_space<vmem>>
            %dma_wait3A_2535 = tpu.memref_squeeze %dma_wait3A_2534 : memref<1x128xf32, #tpu.memory_space<vmem>> -> memref<128xf32, #tpu.memory_space<vmem>>
            %dma_wait3A_2536 = arith.constant 0 : i32
            %dma_wait3A_2537 = tpu.memref_slice %arg8[%get3A_2526, %dma_wait3A_2536] : memref<512x128xf32, #tpu.memory_space<vmem>> -> memref<1x128xf32, #tpu.memory_space<vmem>>
            %dma_wait3A_2538 = tpu.memref_squeeze %dma_wait3A_2537 : memref<1x128xf32, #tpu.memory_space<vmem>> -> memref<128xf32, #tpu.memory_space<vmem>>
            tpu.wait_dma2 semaphore(%run_scoped3A : memref<!tpu.dma_semaphore, #tpu.memory_space<semaphore_mem>>) src(%arg4 : memref<128xf32, #tpu.memory_space<hbm>>) dst(%dma_wait3A_2538 : memref<128xf32, #tpu.memory_space<vmem>>)
            tpu.yield
          }) : () -> ()
        } else {
        }
        %mul3A_2477 = arith.constant 16 : i32
        %mul3A_2478 = arith.muli %scan3A_2393, %mul3A_2477 : i32
        %add3A_2479 = arith.constant 10 : i32
        %add3A_2480 = arith.addi %mul3A_2478, %add3A_2479 : i32
        %lt3A_2481 = arith.cmpi slt, %add3A_2480, %get3A_2386 : i32
        %convert_element_type3A_2482 = arith.extui %lt3A_2481 : i1 to i32
        %cond3A_2483 = arith.constant 0 : i32
        %cond3A_2484 = arith.cmpi ne, %convert_element_type3A_2482, %cond3A_2483 : i32
        scf.if %cond3A_2484 {
          %get3A_2525 = arith.index_cast %add3A_2480 : i32 to index
          %get3A_2526 = memref.load %arg10[%get3A_2525] : memref<512xi32, #tpu.memory_space<smem>>
          "tpu.region"() ({
            %run_scoped3A = tpu.sem_alloc : memref<!tpu.dma_semaphore, #tpu.memory_space<semaphore_mem>>
            %dma_start3A_2527 = arith.constant 0 : i32
            %dma_start3A_2528 = tpu.memref_slice %arg8[%get3A_2526, %dma_start3A_2527] : memref<512x128xf32, #tpu.memory_space<vmem>> -> memref<1x128xf32, #tpu.memory_space<vmem>>
            %dma_start3A_2529 = tpu.memref_squeeze %dma_start3A_2528 : memref<1x128xf32, #tpu.memory_space<vmem>> -> memref<128xf32, #tpu.memory_space<vmem>>
            %dma_start3A_2530 = arith.constant 0 : i32
            %dma_start3A_2531 = tpu.memref_slice %arg8[%get3A_2526, %dma_start3A_2530] : memref<512x128xf32, #tpu.memory_space<vmem>> -> memref<1x128xf32, #tpu.memory_space<vmem>>
            %dma_start3A_2532 = tpu.memref_squeeze %dma_start3A_2531 : memref<1x128xf32, #tpu.memory_space<vmem>> -> memref<128xf32, #tpu.memory_space<vmem>>
            tpu.enqueue_dma source(%arg4 : memref<128xf32, #tpu.memory_space<hbm>>) target(%dma_start3A_2532 : memref<128xf32, #tpu.memory_space<vmem>>) target_semaphore(%run_scoped3A : memref<!tpu.dma_semaphore, #tpu.memory_space<semaphore_mem>>)
            %dma_wait3A_2533 = arith.constant 0 : i32
            %dma_wait3A_2534 = tpu.memref_slice %arg8[%get3A_2526, %dma_wait3A_2533] : memref<512x128xf32, #tpu.memory_space<vmem>> -> memref<1x128xf32, #tpu.memory_space<vmem>>
            %dma_wait3A_2535 = tpu.memref_squeeze %dma_wait3A_2534 : memref<1x128xf32, #tpu.memory_space<vmem>> -> memref<128xf32, #tpu.memory_space<vmem>>
            %dma_wait3A_2536 = arith.constant 0 : i32
            %dma_wait3A_2537 = tpu.memref_slice %arg8[%get3A_2526, %dma_wait3A_2536] : memref<512x128xf32, #tpu.memory_space<vmem>> -> memref<1x128xf32, #tpu.memory_space<vmem>>
            %dma_wait3A_2538 = tpu.memref_squeeze %dma_wait3A_2537 : memref<1x128xf32, #tpu.memory_space<vmem>> -> memref<128xf32, #tpu.memory_space<vmem>>
            tpu.wait_dma2 semaphore(%run_scoped3A : memref<!tpu.dma_semaphore, #tpu.memory_space<semaphore_mem>>) src(%arg4 : memref<128xf32, #tpu.memory_space<hbm>>) dst(%dma_wait3A_2538 : memref<128xf32, #tpu.memory_space<vmem>>)
            tpu.yield
          }) : () -> ()
        } else {
        }
        %mul3A_2485 = arith.constant 16 : i32
        %mul3A_2486 = arith.muli %scan3A_2393, %mul3A_2485 : i32
        %add3A_2487 = arith.constant 11 : i32
        %add3A_2488 = arith.addi %mul3A_2486, %add3A_2487 : i32
        %lt3A_2489 = arith.cmpi slt, %add3A_2488, %get3A_2386 : i32
        %convert_element_type3A_2490 = arith.extui %lt3A_2489 : i1 to i32
        %cond3A_2491 = arith.constant 0 : i32
        %cond3A_2492 = arith.cmpi ne, %convert_element_type3A_2490, %cond3A_2491 : i32
        scf.if %cond3A_2492 {
          %get3A_2525 = arith.index_cast %add3A_2488 : i32 to index
          %get3A_2526 = memref.load %arg10[%get3A_2525] : memref<512xi32, #tpu.memory_space<smem>>
          "tpu.region"() ({
            %run_scoped3A = tpu.sem_alloc : memref<!tpu.dma_semaphore, #tpu.memory_space<semaphore_mem>>
            %dma_start3A_2527 = arith.constant 0 : i32
            %dma_start3A_2528 = tpu.memref_slice %arg8[%get3A_2526, %dma_start3A_2527] : memref<512x128xf32, #tpu.memory_space<vmem>> -> memref<1x128xf32, #tpu.memory_space<vmem>>
            %dma_start3A_2529 = tpu.memref_squeeze %dma_start3A_2528 : memref<1x128xf32, #tpu.memory_space<vmem>> -> memref<128xf32, #tpu.memory_space<vmem>>
            %dma_start3A_2530 = arith.constant 0 : i32
            %dma_start3A_2531 = tpu.memref_slice %arg8[%get3A_2526, %dma_start3A_2530] : memref<512x128xf32, #tpu.memory_space<vmem>> -> memref<1x128xf32, #tpu.memory_space<vmem>>
            %dma_start3A_2532 = tpu.memref_squeeze %dma_start3A_2531 : memref<1x128xf32, #tpu.memory_space<vmem>> -> memref<128xf32, #tpu.memory_space<vmem>>
            tpu.enqueue_dma source(%arg4 : memref<128xf32, #tpu.memory_space<hbm>>) target(%dma_start3A_2532 : memref<128xf32, #tpu.memory_space<vmem>>) target_semaphore(%run_scoped3A : memref<!tpu.dma_semaphore, #tpu.memory_space<semaphore_mem>>)
            %dma_wait3A_2533 = arith.constant 0 : i32
            %dma_wait3A_2534 = tpu.memref_slice %arg8[%get3A_2526, %dma_wait3A_2533] : memref<512x128xf32, #tpu.memory_space<vmem>> -> memref<1x128xf32, #tpu.memory_space<vmem>>
            %dma_wait3A_2535 = tpu.memref_squeeze %dma_wait3A_2534 : memref<1x128xf32, #tpu.memory_space<vmem>> -> memref<128xf32, #tpu.memory_space<vmem>>
            %dma_wait3A_2536 = arith.constant 0 : i32
            %dma_wait3A_2537 = tpu.memref_slice %arg8[%get3A_2526, %dma_wait3A_2536] : memref<512x128xf32, #tpu.memory_space<vmem>> -> memref<1x128xf32, #tpu.memory_space<vmem>>
            %dma_wait3A_2538 = tpu.memref_squeeze %dma_wait3A_2537 : memref<1x128xf32, #tpu.memory_space<vmem>> -> memref<128xf32, #tpu.memory_space<vmem>>
            tpu.wait_dma2 semaphore(%run_scoped3A : memref<!tpu.dma_semaphore, #tpu.memory_space<semaphore_mem>>) src(%arg4 : memref<128xf32, #tpu.memory_space<hbm>>) dst(%dma_wait3A_2538 : memref<128xf32, #tpu.memory_space<vmem>>)
            tpu.yield
          }) : () -> ()
        } else {
        }
        %mul3A_2493 = arith.constant 16 : i32
        %mul3A_2494 = arith.muli %scan3A_2393, %mul3A_2493 : i32
        %add3A_2495 = arith.constant 12 : i32
        %add3A_2496 = arith.addi %mul3A_2494, %add3A_2495 : i32
        %lt3A_2497 = arith.cmpi slt, %add3A_2496, %get3A_2386 : i32
        %convert_element_type3A_2498 = arith.extui %lt3A_2497 : i1 to i32
        %cond3A_2499 = arith.constant 0 : i32
        %cond3A_2500 = arith.cmpi ne, %convert_element_type3A_2498, %cond3A_2499 : i32
        scf.if %cond3A_2500 {
          %get3A_2525 = arith.index_cast %add3A_2496 : i32 to index
          %get3A_2526 = memref.load %arg10[%get3A_2525] : memref<512xi32, #tpu.memory_space<smem>>
          "tpu.region"() ({
            %run_scoped3A = tpu.sem_alloc : memref<!tpu.dma_semaphore, #tpu.memory_space<semaphore_mem>>
            %dma_start3A_2527 = arith.constant 0 : i32
            %dma_start3A_2528 = tpu.memref_slice %arg8[%get3A_2526, %dma_start3A_2527] : memref<512x128xf32, #tpu.memory_space<vmem>> -> memref<1x128xf32, #tpu.memory_space<vmem>>
            %dma_start3A_2529 = tpu.memref_squeeze %dma_start3A_2528 : memref<1x128xf32, #tpu.memory_space<vmem>> -> memref<128xf32, #tpu.memory_space<vmem>>
            %dma_start3A_2530 = arith.constant 0 : i32
            %dma_start3A_2531 = tpu.memref_slice %arg8[%get3A_2526, %dma_start3A_2530] : memref<512x128xf32, #tpu.memory_space<vmem>> -> memref<1x128xf32, #tpu.memory_space<vmem>>
            %dma_start3A_2532 = tpu.memref_squeeze %dma_start3A_2531 : memref<1x128xf32, #tpu.memory_space<vmem>> -> memref<128xf32, #tpu.memory_space<vmem>>
            tpu.enqueue_dma source(%arg4 : memref<128xf32, #tpu.memory_space<hbm>>) target(%dma_start3A_2532 : memref<128xf32, #tpu.memory_space<vmem>>) target_semaphore(%run_scoped3A : memref<!tpu.dma_semaphore, #tpu.memory_space<semaphore_mem>>)
            %dma_wait3A_2533 = arith.constant 0 : i32
            %dma_wait3A_2534 = tpu.memref_slice %arg8[%get3A_2526, %dma_wait3A_2533] : memref<512x128xf32, #tpu.memory_space<vmem>> -> memref<1x128xf32, #tpu.memory_space<vmem>>
            %dma_wait3A_2535 = tpu.memref_squeeze %dma_wait3A_2534 : memref<1x128xf32, #tpu.memory_space<vmem>> -> memref<128xf32, #tpu.memory_space<vmem>>
            %dma_wait3A_2536 = arith.constant 0 : i32
            %dma_wait3A_2537 = tpu.memref_slice %arg8[%get3A_2526, %dma_wait3A_2536] : memref<512x128xf32, #tpu.memory_space<vmem>> -> memref<1x128xf32, #tpu.memory_space<vmem>>
            %dma_wait3A_2538 = tpu.memref_squeeze %dma_wait3A_2537 : memref<1x128xf32, #tpu.memory_space<vmem>> -> memref<128xf32, #tpu.memory_space<vmem>>
            tpu.wait_dma2 semaphore(%run_scoped3A : memref<!tpu.dma_semaphore, #tpu.memory_space<semaphore_mem>>) src(%arg4 : memref<128xf32, #tpu.memory_space<hbm>>) dst(%dma_wait3A_2538 : memref<128xf32, #tpu.memory_space<vmem>>)
            tpu.yield
          }) : () -> ()
        } else {
        }
        %mul3A_2501 = arith.constant 16 : i32
        %mul3A_2502 = arith.muli %scan3A_2393, %mul3A_2501 : i32
        %add3A_2503 = arith.constant 13 : i32
        %add3A_2504 = arith.addi %mul3A_2502, %add3A_2503 : i32
        %lt3A_2505 = arith.cmpi slt, %add3A_2504, %get3A_2386 : i32
        %convert_element_type3A_2506 = arith.extui %lt3A_2505 : i1 to i32
        %cond3A_2507 = arith.constant 0 : i32
        %cond3A_2508 = arith.cmpi ne, %convert_element_type3A_2506, %cond3A_2507 : i32
        scf.if %cond3A_2508 {
          %get3A_2525 = arith.index_cast %add3A_2504 : i32 to index
          %get3A_2526 = memref.load %arg10[%get3A_2525] : memref<512xi32, #tpu.memory_space<smem>>
          "tpu.region"() ({
            %run_scoped3A = tpu.sem_alloc : memref<!tpu.dma_semaphore, #tpu.memory_space<semaphore_mem>>
            %dma_start3A_2527 = arith.constant 0 : i32
            %dma_start3A_2528 = tpu.memref_slice %arg8[%get3A_2526, %dma_start3A_2527] : memref<512x128xf32, #tpu.memory_space<vmem>> -> memref<1x128xf32, #tpu.memory_space<vmem>>
            %dma_start3A_2529 = tpu.memref_squeeze %dma_start3A_2528 : memref<1x128xf32, #tpu.memory_space<vmem>> -> memref<128xf32, #tpu.memory_space<vmem>>
            %dma_start3A_2530 = arith.constant 0 : i32
            %dma_start3A_2531 = tpu.memref_slice %arg8[%get3A_2526, %dma_start3A_2530] : memref<512x128xf32, #tpu.memory_space<vmem>> -> memref<1x128xf32, #tpu.memory_space<vmem>>
            %dma_start3A_2532 = tpu.memref_squeeze %dma_start3A_2531 : memref<1x128xf32, #tpu.memory_space<vmem>> -> memref<128xf32, #tpu.memory_space<vmem>>
            tpu.enqueue_dma source(%arg4 : memref<128xf32, #tpu.memory_space<hbm>>) target(%dma_start3A_2532 : memref<128xf32, #tpu.memory_space<vmem>>) target_semaphore(%run_scoped3A : memref<!tpu.dma_semaphore, #tpu.memory_space<semaphore_mem>>)
            %dma_wait3A_2533 = arith.constant 0 : i32
            %dma_wait3A_2534 = tpu.memref_slice %arg8[%get3A_2526, %dma_wait3A_2533] : memref<512x128xf32, #tpu.memory_space<vmem>> -> memref<1x128xf32, #tpu.memory_space<vmem>>
            %dma_wait3A_2535 = tpu.memref_squeeze %dma_wait3A_2534 : memref<1x128xf32, #tpu.memory_space<vmem>> -> memref<128xf32, #tpu.memory_space<vmem>>
            %dma_wait3A_2536 = arith.constant 0 : i32
            %dma_wait3A_2537 = tpu.memref_slice %arg8[%get3A_2526, %dma_wait3A_2536] : memref<512x128xf32, #tpu.memory_space<vmem>> -> memref<1x128xf32, #tpu.memory_space<vmem>>
            %dma_wait3A_2538 = tpu.memref_squeeze %dma_wait3A_2537 : memref<1x128xf32, #tpu.memory_space<vmem>> -> memref<128xf32, #tpu.memory_space<vmem>>
            tpu.wait_dma2 semaphore(%run_scoped3A : memref<!tpu.dma_semaphore, #tpu.memory_space<semaphore_mem>>) src(%arg4 : memref<128xf32, #tpu.memory_space<hbm>>) dst(%dma_wait3A_2538 : memref<128xf32, #tpu.memory_space<vmem>>)
            tpu.yield
          }) : () -> ()
        } else {
        }
        %mul3A_2509 = arith.constant 16 : i32
        %mul3A_2510 = arith.muli %scan3A_2393, %mul3A_2509 : i32
        %add3A_2511 = arith.constant 14 : i32
        %add3A_2512 = arith.addi %mul3A_2510, %add3A_2511 : i32
        %lt3A_2513 = arith.cmpi slt, %add3A_2512, %get3A_2386 : i32
        %convert_element_type3A_2514 = arith.extui %lt3A_2513 : i1 to i32
        %cond3A_2515 = arith.constant 0 : i32
        %cond3A_2516 = arith.cmpi ne, %convert_element_type3A_2514, %cond3A_2515 : i32
        scf.if %cond3A_2516 {
          %get3A_2525 = arith.index_cast %add3A_2512 : i32 to index
          %get3A_2526 = memref.load %arg10[%get3A_2525] : memref<512xi32, #tpu.memory_space<smem>>
          "tpu.region"() ({
            %run_scoped3A = tpu.sem_alloc : memref<!tpu.dma_semaphore, #tpu.memory_space<semaphore_mem>>
            %dma_start3A_2527 = arith.constant 0 : i32
            %dma_start3A_2528 = tpu.memref_slice %arg8[%get3A_2526, %dma_start3A_2527] : memref<512x128xf32, #tpu.memory_space<vmem>> -> memref<1x128xf32, #tpu.memory_space<vmem>>
            %dma_start3A_2529 = tpu.memref_squeeze %dma_start3A_2528 : memref<1x128xf32, #tpu.memory_space<vmem>> -> memref<128xf32, #tpu.memory_space<vmem>>
            %dma_start3A_2530 = arith.constant 0 : i32
            %dma_start3A_2531 = tpu.memref_slice %arg8[%get3A_2526, %dma_start3A_2530] : memref<512x128xf32, #tpu.memory_space<vmem>> -> memref<1x128xf32, #tpu.memory_space<vmem>>
            %dma_start3A_2532 = tpu.memref_squeeze %dma_start3A_2531 : memref<1x128xf32, #tpu.memory_space<vmem>> -> memref<128xf32, #tpu.memory_space<vmem>>
            tpu.enqueue_dma source(%arg4 : memref<128xf32, #tpu.memory_space<hbm>>) target(%dma_start3A_2532 : memref<128xf32, #tpu.memory_space<vmem>>) target_semaphore(%run_scoped3A : memref<!tpu.dma_semaphore, #tpu.memory_space<semaphore_mem>>)
            %dma_wait3A_2533 = arith.constant 0 : i32
            %dma_wait3A_2534 = tpu.memref_slice %arg8[%get3A_2526, %dma_wait3A_2533] : memref<512x128xf32, #tpu.memory_space<vmem>> -> memref<1x128xf32, #tpu.memory_space<vmem>>
            %dma_wait3A_2535 = tpu.memref_squeeze %dma_wait3A_2534 : memref<1x128xf32, #tpu.memory_space<vmem>> -> memref<128xf32, #tpu.memory_space<vmem>>
            %dma_wait3A_2536 = arith.constant 0 : i32
            %dma_wait3A_2537 = tpu.memref_slice %arg8[%get3A_2526, %dma_wait3A_2536] : memref<512x128xf32, #tpu.memory_space<vmem>> -> memref<1x128xf32, #tpu.memory_space<vmem>>
            %dma_wait3A_2538 = tpu.memref_squeeze %dma_wait3A_2537 : memref<1x128xf32, #tpu.memory_space<vmem>> -> memref<128xf32, #tpu.memory_space<vmem>>
            tpu.wait_dma2 semaphore(%run_scoped3A : memref<!tpu.dma_semaphore, #tpu.memory_space<semaphore_mem>>) src(%arg4 : memref<128xf32, #tpu.memory_space<hbm>>) dst(%dma_wait3A_2538 : memref<128xf32, #tpu.memory_space<vmem>>)
            tpu.yield
          }) : () -> ()
        } else {
        }
        %mul3A_2517 = arith.constant 16 : i32
        %mul3A_2518 = arith.muli %scan3A_2393, %mul3A_2517 : i32
        %add3A_2519 = arith.constant 15 : i32
        %add3A_2520 = arith.addi %mul3A_2518, %add3A_2519 : i32
        %lt3A_2521 = arith.cmpi slt, %add3A_2520, %get3A_2386 : i32
        %convert_element_type3A_2522 = arith.extui %lt3A_2521 : i1 to i32
        %cond3A_2523 = arith.constant 0 : i32
        %cond3A_2524 = arith.cmpi ne, %convert_element_type3A_2522, %cond3A_2523 : i32
        scf.if %cond3A_2524 {
          %get3A_2525 = arith.index_cast %add3A_2520 : i32 to index
          %get3A_2526 = memref.load %arg10[%get3A_2525] : memref<512xi32, #tpu.memory_space<smem>>
          "tpu.region"() ({
            %run_scoped3A = tpu.sem_alloc : memref<!tpu.dma_semaphore, #tpu.memory_space<semaphore_mem>>
            %dma_start3A_2527 = arith.constant 0 : i32
            %dma_start3A_2528 = tpu.memref_slice %arg8[%get3A_2526, %dma_start3A_2527] : memref<512x128xf32, #tpu.memory_space<vmem>> -> memref<1x128xf32, #tpu.memory_space<vmem>>
            %dma_start3A_2529 = tpu.memref_squeeze %dma_start3A_2528 : memref<1x128xf32, #tpu.memory_space<vmem>> -> memref<128xf32, #tpu.memory_space<vmem>>
            %dma_start3A_2530 = arith.constant 0 : i32
            %dma_start3A_2531 = tpu.memref_slice %arg8[%get3A_2526, %dma_start3A_2530] : memref<512x128xf32, #tpu.memory_space<vmem>> -> memref<1x128xf32, #tpu.memory_space<vmem>>
            %dma_start3A_2532 = tpu.memref_squeeze %dma_start3A_2531 : memref<1x128xf32, #tpu.memory_space<vmem>> -> memref<128xf32, #tpu.memory_space<vmem>>
            tpu.enqueue_dma source(%arg4 : memref<128xf32, #tpu.memory_space<hbm>>) target(%dma_start3A_2532 : memref<128xf32, #tpu.memory_space<vmem>>) target_semaphore(%run_scoped3A : memref<!tpu.dma_semaphore, #tpu.memory_space<semaphore_mem>>)
            %dma_wait3A_2533 = arith.constant 0 : i32
            %dma_wait3A_2534 = tpu.memref_slice %arg8[%get3A_2526, %dma_wait3A_2533] : memref<512x128xf32, #tpu.memory_space<vmem>> -> memref<1x128xf32, #tpu.memory_space<vmem>>
            %dma_wait3A_2535 = tpu.memref_squeeze %dma_wait3A_2534 : memref<1x128xf32, #tpu.memory_space<vmem>> -> memref<128xf32, #tpu.memory_space<vmem>>
            %dma_wait3A_2536 = arith.constant 0 : i32
            %dma_wait3A_2537 = tpu.memref_slice %arg8[%get3A_2526, %dma_wait3A_2536] : memref<512x128xf32, #tpu.memory_space<vmem>> -> memref<1x128xf32, #tpu.memory_space<vmem>>
            %dma_wait3A_2538 = tpu.memref_squeeze %dma_wait3A_2537 : memref<1x128xf32, #tpu.memory_space<vmem>> -> memref<128xf32, #tpu.memory_space<vmem>>
            tpu.wait_dma2 semaphore(%run_scoped3A : memref<!tpu.dma_semaphore, #tpu.memory_space<semaphore_mem>>) src(%arg4 : memref<128xf32, #tpu.memory_space<hbm>>) dst(%dma_wait3A_2538 : memref<128xf32, #tpu.memory_space<vmem>>)
            tpu.yield
          }) : () -> ()
        } else {
        }
      } else {
      }
    }
    %scan3A_2392 = arith.constant 32 : i32
    "tpu.region"() ({
      %run_scoped3A = tpu.sem_alloc : memref<!tpu.dma_semaphore, #tpu.memory_space<semaphore_mem>>
      %dma_start3A_2393 = arith.constant 0 : i32
      %dma_start3A_2394 = tpu.memref_slice %arg5[%mul3A_2, %dma_start3A_2393] : memref<16384x128xf32, #tpu.memory_space<hbm>> -> memref<512x128xf32, #tpu.memory_space<hbm>>
      %dma_start3A_2395 = arith.constant 0 : i32
      %dma_start3A_2396 = tpu.memref_slice %arg5[%mul3A_2, %dma_start3A_2395] : memref<16384x128xf32, #tpu.memory_space<hbm>> -> memref<512x128xf32, #tpu.memory_space<hbm>>
      tpu.enqueue_dma source(%arg8 : memref<512x128xf32, #tpu.memory_space<vmem>>) target(%dma_start3A_2396 : memref<512x128xf32, #tpu.memory_space<hbm>>) target_semaphore(%run_scoped3A : memref<!tpu.dma_semaphore, #tpu.memory_space<semaphore_mem>>)
      %dma_wait3A_2397 = arith.constant 0 : i32
      %dma_wait3A_2398 = tpu.memref_slice %arg5[%mul3A_2, %dma_wait3A_2397] : memref<16384x128xf32, #tpu.memory_space<hbm>> -> memref<512x128xf32, #tpu.memory_space<hbm>>
      %dma_wait3A_2399 = arith.constant 0 : i32
      %dma_wait3A_2400 = tpu.memref_slice %arg5[%mul3A_2, %dma_wait3A_2399] : memref<16384x128xf32, #tpu.memory_space<hbm>> -> memref<512x128xf32, #tpu.memory_space<hbm>>
      tpu.wait_dma2 semaphore(%run_scoped3A : memref<!tpu.dma_semaphore, #tpu.memory_space<semaphore_mem>>) src(%arg8 : memref<512x128xf32, #tpu.memory_space<vmem>>) dst(%dma_wait3A_2400 : memref<512x128xf32, #tpu.memory_space<hbm>>)
      tpu.yield
    }) : () -> ()
    return
  }
}

</mosaic_0001>

<sc_bundles>
// kernel: _gather.3.cloned.1.call-start
scs
__scs_entry_jumppad:
0x0: {  	(pc) =	sbr.rel $0x88, $3  }
0x1: {  	(tag) =	ssettag $0x0;
	lr =	simm.s32 $0x1  }
0x2: {  	[smem:$0x3F9E] =	sst lr;
	_ =	strace $0xD0000000  }
0x3: {  	_ = 	snop  }
0x4: {  	_ = 	snop  }
0x5: {  	_ = 	snop  }
0x6: {  	_ = 	snop  }
0x7: {  	_ = 	snop  }
__scs_overlays_trampoline_lowered:
0x8: {  	[smem:$0x3FAD] =	sst s0  }
0x9: {  	[smem:$0x3FAE] =	sst s1  }
0xa: {  	[smem:$0x3FAF] =	sst s2  }
0xb: {  	[smem:$0x3FB0] =	sst s3  }
0xc: {  	[smem:$0x3FB1] =	sst s4  }
0xd: {  	[smem:$0x3FB2] =	sst s5  }
0xe: {  	[smem:$0x3FB3] =	sst s6  }
0xf: {  	[smem:$0x3FB4] =	sst s7  }
0x10: {  	[smem:$0x3FB5] =	sst s8  }
0x11: {  	[smem:$0x3FB6] =	sst s9;
	s0 =	simm.s32 @!p0 $0x0  }
0x12: {  	s1 =	sld [smem:$0x3F9C];
	s0 =	simm.s32 @p0 $0x1  }
0x13: {  	[smem:$0x3FB7] =	sst s0;
	s0 =	simm.s32 @!p1 $0x0  }
0x14: {  	s2 =	sld [smem:$0x3F9B];
	s0 =	simm.s32 @p1 $0x1  }
0x15: {  	[smem:$0x3FB8] =	sst s0;
	s0 =	simm.s32 @!p2 $0x0  }
0x16: {  	s3 =	sld [smem:$0x3FDB];
	s0 =	simm.s32 @p2 $0x1  }
0x17: {  	s4 =	simm.s32 $0x1BF5;
	[smem:$0x3FBA] =	sst s0  }
0x18: {  	s0 =	sld [smem:$0x3F9D];
	_ =	swait.ge [sflag:s4], $0x0  }
0x19: {  	s7 =	sld [smem:$0x3F9E]  }
0x1a: {  	s8 =	sadd.s32 $0xFFFFE003, lr  }
0x1b: {  	s9 =	sadd.s32 $0xFFFFFEF7, lr;
	s5 =	simm.s32 $0xFFFFFFFF;
	p2 =	slt.u32 s8, $0xFFFFF086  }
0x1c: {  	p1 =	slt.u32 s9, $0xF7A;
	s5 =	simm.s32 @!p2 $0x0  }
0x1d: {  	s5 =	simm.s32 @p1 $0x1;
	p0 =	seq.s32 s7, s2  }
0x1e: {  	s7 =	smul.u32 @!p0 $0xF7A, s2;
	p2 =	seq.s32 @!p0 s5, $0x0  }
0x1f: {  	s9 =	smul.u32 $0xF7A, s1;
	s8 =	simm.s32 @!p0 $0x1BF5;
	p2 =	por !p2, p0  }
0x20: {  	[sflag:s8] =	ssyncset.s32 @!p0 $0xFFFFF086;
	s6 =	sadd.s32 @!p0 s3, s7;
	s7 =	simm.s32 @!p0 $0x108  }
0x21: {  	s3 =	sadd.s32 s3, s9;
	s6 =	sadd.s32 @!p0 $0x88, s6;
	s7 =	simm.s32 @p2 $0x1082  }
0x22: {  	[simem:s7], [sflag:s8] =	dma.local @!p0 [hbm:s6], $0xF7A  }
0x23: {  	s9 =	sor.u32 $0xD0000000, s2;
	s6 =	simm.s32 $0x108;
	_ =	swait.ge @!p0 [sflag:s8], $0x0  }
0x24: {  	s3 =	sadd.s32 $0x88, s3;
	s6 =	simm.s32 @!p1 $0x1082;
	[sflag:s4] =	ssyncset.s32 $0xFFFFF086  }
0x25: {  	[simem:s6], [sflag:s4] =	dma.local [hbm:s3], $0xF7A  }
0x26: {  	[smem:$0x3F9E] =	sst s1;
	(tag) =	ssettag s2;
	_ =	strace s9  }
0x27: {  	s1 =	sld [smem:$0x3FAE]  }
0x28: {  	s2 =	sld [smem:$0x3FAF]  }
0x29: {  	s4 =	sld [smem:$0x3FB1]  }
0x2a: {  	p0 =	seq.s32 s5, $0x0;
	s5 =	sld [smem:$0x3FB2]  }
0x2b: {  	s6 =	sld [smem:$0x3FB3]  }
0x2c: {  	s7 =	sld [smem:$0x3FB4]  }
0x2d: {  	s3 =	simm.s32 $0x108;
	s8 =	sld [smem:$0x3FB5]  }
0x2e: {  	s3 =	simm.s32 @!p0 $0x1082;
	s9 =	sld [smem:$0x3FB6]  }
0x2f: {  	lr =	sadd.s32 s0, s3;
	s0 =	sld [smem:$0x3FAD]  }
0x30: {  	s3 =	sld [smem:$0x3FB0]  }
0x31: {  	[smem:$0x3FB9] =	sst s10  }
0x32: {  	s10 =	sld [smem:$0x3FB7];
	_ =	sdelay $0x3  }
0x33: {  	p0 =	seq.s32 s10, $0x1;
	s10 =	sld [smem:$0x3FB9];
	_ =	sdelay $0x3  }
0x34: {  	[smem:$0x3FB9] =	sst s10  }
0x35: {  	s10 =	sld [smem:$0x3FB8];
	_ =	sdelay $0x3  }
0x36: {  	p1 =	seq.s32 s10, $0x1;
	s10 =	sld [smem:$0x3FB9];
	_ =	sdelay $0x3  }
0x37: {  	[smem:$0x3FB9] =	sst s10  }
0x38: {  	s10 =	sld [smem:$0x3FBA]  }
0x39: {  	_ = 	snop;
	(pc) =	sbr.ind lr, $3  }
0x3a: {  	_ = 	snop  }
0x3b: {  	_ = 	snop  }
0x3c: {  	p2 =	seq.s32 s10, $0x1;
	s10 =	sld [smem:$0x3FB9]  }
0x3d: {  	_ =	shalt  }
0x3e: {  	_ =	shalt  }
0x3f: {  	_ =	shalt  }
0x40: {  	_ =	shalt  }
0x41: {  	_ =	shalt  }
0x42: {  	_ =	shalt  }
0x43: {  	_ =	shalt  }
0x44: {  	_ =	shalt  }
0x45: {  	_ =	shalt  }
0x46: {  	_ =	shalt  }
0x47: {  	_ =	shalt  }
0x48: {  	_ =	shalt  }
0x49: {  	_ =	shalt  }
0x4a: {  	_ =	shalt  }
0x4b: {  	_ =	shalt  }
0x4c: {  	_ =	shalt  }
0x4d: {  	_ =	shalt  }
0x4e: {  	_ =	shalt  }
0x4f: {  	_ =	shalt  }
0x50: {  	_ =	shalt  }
0x51: {  	_ =	shalt  }
0x52: {  	_ =	shalt  }
0x53: {  	_ =	shalt  }
0x54: {  	_ =	shalt  }
0x55: {  	_ =	shalt  }
0x56: {  	_ =	shalt  }
0x57: {  	_ =	shalt  }
0x58: {  	_ =	shalt  }
0x59: {  	_ =	shalt  }
0x5a: {  	_ =	shalt  }
0x5b: {  	_ =	shalt  }
0x5c: {  	_ =	shalt  }
0x5d: {  	_ =	shalt  }
0x5e: {  	_ =	shalt  }
0x5f: {  	_ =	shalt  }
0x60: {  	_ =	shalt  }
0x61: {  	_ =	shalt  }
0x62: {  	_ =	shalt  }
0x63: {  	_ =	shalt  }
0x64: {  	_ =	shalt  }
0x65: {  	_ =	shalt  }
0x66: {  	_ =	shalt  }
0x67: {  	_ =	shalt  }
0x68: {  	_ =	shalt  }
0x69: {  	_ =	shalt  }
0x6a: {  	_ =	shalt  }
0x6b: {  	_ =	shalt  }
0x6c: {  	_ =	shalt  }
0x6d: {  	_ =	shalt  }
0x6e: {  	_ =	shalt  }
0x6f: {  	_ =	shalt  }
0x70: {  	_ =	shalt  }
0x71: {  	_ =	shalt  }
0x72: {  	_ =	shalt  }
0x73: {  	_ =	shalt  }
0x74: {  	_ =	shalt  }
0x75: {  	_ =	shalt  }
0x76: {  	_ =	shalt  }
0x77: {  	_ =	shalt  }
0x78: {  	_ =	shalt  }
0x79: {  	_ =	shalt  }
0x7a: {  	_ =	shalt  }
0x7b: {  	_ =	shalt  }
0x7c: {  	_ =	shalt  }
0x7d: {  	_ =	shalt  }
0x7e: {  	_ =	shalt  }
0x7f: {  	_ =	shalt  }
0x80: {  	_ =	shalt  }
0x81: {  	_ =	shalt  }
0x82: {  	_ =	shalt  }
0x83: {  	_ =	shalt  }
0x84: {  	_ =	shalt  }
0x85: {  	_ =	shalt  }
0x86: {  	_ =	shalt  }
0x87: {  	_ =	shalt  }
.Lfunc_end0:
.L_simem_size_0:
called_computation_lowered:
.L_overlay_start_0:
0x88: {  	s2 =	sld [smem:$0x3FD9]  }
0x89: {  	s3 =	sld [smem:$0x3FFE];
	_ =	sdelay $0x1  }
0x8a: {  	s1 =	srdreg.scid  }
0x8b: {  	s0 =	sand.u32 $0x1, s1  }
0x8c: {  	s18 =	sshll.u32 s0, $0xA;
	s2 =	sadd.s32 s3, s2  }
0x8d: {  	s2 =	sadd.s32 s2, s18  }
0x8e: {  	[smem:$0x3FC5] =	sst s2  }
0x8f: {  	_ = 	snop  }
0x90: {  	s2 =	sld [smem:$0x3FC9]  }
0x91: {  	s19 =	sld [smem:$0x3FC8]  }
0x92: {  	s4 =	sld [smem:$0x3FC7]  }
0x93: {  	s5 =	sld [smem:$0x3FD0];
	(tm) =	ssettm $0x1  }
0x94: {  	s6 =	sld [smem:$0x3FFB];
	_ =	sdelay $0x3  }
0x95: {  	_ =	strace s6  }
0x96: {  	s6 =	sld [smem:$0x3FFC];
	_ =	sdelay $0x3  }
0x97: {  	_ =	strace s6  }
0x98: {  	s6 =	sld [smem:$0x3FFD];
	_ =	sdelay $0x3  }
0x99: {  	_ =	strace s6  }
0x9a: {  	_ =	strace $0x8FFFFFFF  }
0x9b: {  	s20 =	sld [smem:$0x3FDB];
	_ =	sdelay $0x1  }
0x9c: {  	s7 =	simm.s32 $_scs_section_size  }
0x9d: {  	s8 =	simm.s32 $_size__tile_overlayer_lowered;
	s9 =	simm.s32 $_tile_overlayer_lowered  }
0x9e: {  	s23 =	simm.s32 $0x1BFF;
	s22 =	sshll.u32 s9, $0x1;
	s6 =	sadd.s32 s7, s20  }
0x9f: {  	s10 =	simm.s32 $0x0;
	s21 =	sshll.u32 s8, $0x1;
	s8 =	sadd.s32 s22, s6  }
0xa0: {  	[timem:s10], [sflag:s23] =	dma.local [hbm:s8], s21  }
0xa1: {  	_ =	swait.ge [sflag:s23], s21  }
0xa2: {  	s7 =	ssub.s32 $0x0, s21;
	[sflag:s23] =	ssyncset.done $0x0  }
0xa3: {  	[sflag:s23] =	ssyncadd.s32 s7;
	_ =	sdelay $0x1  }
0xa4: {  	s24 =	simm.s32 $0x1B8B  }
0xa5: {  	_ =	swait.ge [sflag:s24], $0x1  }
0xa6: {  	[sflag:s24] =	ssyncset.done $0x0  }
0xa7: {  	s25 =	simm.s32 $0x1B8E;
	[sflag:s24] =	ssyncadd.s32 $0xFFFFFFFF  }
0xa8: {  	s26 =	simm.s32 $execute0_lowered;
	[smem:$0x3FD2] =	sst s25  }
0xa9: {  	s7 =	sshll.u32 s26, $0x1;
	_ =	strace $0x80000046;
	[dreg:$0x1] =	wrdreg $0xFFFFFFFF  }
0xaa: {  	s28 =	simm.s32 $_size_execute0_lowered;
	s6 =	sadd.s32 s6, s7;
	[dreg:$0x0] =	wrdreg $0x0  }
0xab: {  	s7 =	sshll.u32 s28, $0x1;
	[dreg:$0x2] =	wrdreg s6  }
0xac: {  	[dreg:$0x3] =	wrdreg s7  }
0xad: {  	[dreg:$0x4] =	wrdreg $0xC0  }
0xae: {  	_ =	task [dreg:s10], $0x5FFFF  }
0xaf: {  	[dreg:$0x1] =	wrdreg $0xFFFFFFFF  }
0xb0: {  	[dreg:$0x0] =	wrdreg $0x60  }
0xb1: {  	[dreg:$0x2] =	wrdreg s2  }
0xb2: {  	[dreg:$0x3] =	wrdreg s19  }
0xb3: {  	[dreg:$0x4] =	wrdreg s4  }
0xb4: {  	[dreg:$0x5] =	wrdreg s5  }
0xb5: {  	[dreg:$0x6] =	wrdreg $0x9  }
0xb6: {  	_ =	task.clear_ibuf [dreg:s10], $0x7FFFF;
	_ =	strace $0x90000046  }
0xb7: {  	s29 =	simm.s32 $0x9;
	_ =	strace $0x80000048  }
0xb8: {  	_ =	swait.ge [sflag:s29], $0x1  }
0xb9: {  	[sflag:s29] =	ssyncadd.s32 $0xFFFFFFFF  }
0xba: {  	_ =	strace $0x90000048  }
0xbb: {  	_ =	sfence  }
0xbc: {  	s30 =	sld [smem:$0x0];
	_ =	sdelay $0x2  }
0xbd: {  	s31 =	sshll.u32 s1, $0xD;
	s1 =	sshrl.u32 s1, $0x2  }
0xbe: {  	s3 =	sand.u32 $0x4000, s31;
	s1 =	sadd.s32 s1, s30  }
0xbf: {  	s0 =	sor.u32 s3, s0;
	s1 =	sshll.u32 s1, $0x11  }
0xc0: {  	s0 =	sor.u32 s1, s0  }
0xc1: {  	s0 =	sadd.s32 $0x8F2B, s0  }
0xc2: {  	[sflag:s0] =	ssyncadd.remote.s32 $0x1  }
0xc3: {  	_ =	sfence.sel $0xFFFF  }
0xc4: {  	[dreg:$0x0] =	wrdreg $0xFFFFFFFF;
	(pc) =	sbr.abs _section_cstart, $3  }
0xc5: {  	[dreg:$0x1] =	wrdreg $0xFFFFFFFF  }
0xc6: {  	_ =	task.clear_ibuf [dreg:s10], $0x2FFFF;
	_ =	strace $0x9FFFFFFF  }
0xc7: {  	(tm) =	ssettm $0x7FFFFFFF  }
tec
execute0_lowered:
.L_overlay_start_1:
0x0: {  	(tag) =	ssettag $0x1  }
0x1: {  	v0 =	vimm.s32 $0x8040201  }
0x2: {  	v1 =	vimm.s32 $0x80402010;
	v2 =	vimm.s32 $0xBA98FEDC;
	v3 =	vimm.s32 $0x32107654  }
0x3: {  	vm0 =	vcmask $0xF00;
	vm8 =	vcmask $0x1F10;
	v0 =	vunpack.c.0.s8.s32 v0  }
0x4: {  	v1 =	vunpack.c.0.s8.s32 v1;
	v2 =	vunpack.c.l.s4.s8 v2;
	v3 =	vunpack.c.l.s4.s8 v3  }
0x5: {  	vm9 =	vcmask $0x2320;
	v4 =	vimm.s32 $0xEFCDAB89;
	v0 =	vnsel vm0, $0x8000, v0  }
0x6: {  	v1 =	vand.u32 $0xFF, v1;
	v2 =	vunpack.c.0.s8.s32 v2;
	v3 =	vunpack.c.0.s8.s32 v3  }
0x7: {  	s5 =	rddreg [dreg:$0x0];
	v5 =	vimm.s32 $0x67452301;
	v4 =	vunpack.c.l.s4.s8 v4;
	v0 =	vsel vm8, v1, v0  }
0x8: {  	s0 =	rddreg [dreg:$0x1];
	v1 =	vimm.s32 $0xDCFE98BA;
	v2 =	vcombine.low v3, v2;
	v3 =	vimm.s32 $0x54761032  }
0x9: {  	s1 =	rddreg [dreg:$0x2];
	v5 =	vunpack.c.l.s4.s8 v5;
	v1 =	vunpack.c.l.s4.s8 v1;
	v3 =	vunpack.c.l.s4.s8 v3  }
0xa: {  	vm10 =	vcmask $0x2724;
	s6 =	rddreg [dreg:$0x3];
	vm11 =	vcmask $0x2B28;
	v4 =	vunpack.c.0.s8.s32 v4  }
0xb: {  	s2 =	rddreg [dreg:$0x4];
	v5 =	vunpack.c.0.s8.s32 v5;
	v1 =	vunpack.c.0.s8.s32 v1;
	v3 =	vunpack.c.0.s8.s32 v3  }
0xc: {  	s3 =	simm.s32 $0x0;
	s7 =	srdreg.scid;
	s4 =	stileid.u32;
	vm12 =	vcmask $0x2F2C;
	vm13 =	vcmask $0x3330;
	v0 =	vsel vm9, $0x100, v0  }
0xd: {  	s11 =	simm.s32 $0x1;
	s12 =	simm.s32 $0x3;
	s13 =	simm.s32 $0x0;
	v4 =	vcombine.low v5, v4;
	v3 =	vcombine.low v3, v1;
	v1 =	vimm.s32 $0xFEDCBA98  }
0xe: {  	[smem:$0x7FF] =	sst s3;
	s7 =	sand.u32 $0x1, s7;
	s9 =	sshll.u32 s4, $0xA;
	v5 =	vimm.s32 $0x76543210;
	v0 =	vsel vm10, $0x200, v0;
	v1 =	vunpack.c.l.s4.s8 v1  }
.Ltmp0:
0xf: {  	vm14 =	vcmask $0x3734;
	s8 =	ssub.s32 $0x2, s7;
	s7 =	sshll.u32 s7, $0x9;
	v5 =	vunpack.c.l.s4.s8 v5;
	v0 =	vsel vm11, $0x400, v0;
	(pc) =	sbr.rel .LBB2_1-.Ltmp0, $4  }
0x10: {  	vm15 =	vcmask $0x3B38;
	_ =	strace $0x80000047;
	s10 =	sshrl.u32 s8, $0x1;
	s7 =	sor.u32 s7, s9;
	v0 =	vsel vm12, $0x800, v0;
	v1 =	vunpack.c.0.s8.s32 v1  }
0x11: {  	s8 =	ssub.s32 s8, s10;
	s9 =	sshrl.u32 s7, $0x3;
	s7 =	sshll.u32 s7, $0x4;
	v2 =	vand.u32 $0xF, v2;
	v5 =	vunpack.c.0.s8.s32 v5;
	v0 =	vsel vm13, $0x1000, v0  }
0x12: {  	s10 =	simm.s32 $0x400;
	s5 =	sadd.s32 s5, s9;
	s6 =	sadd.s32 s6, s7;
	v4 =	vand.u32 $0xF, v4;
	v0 =	vsel vm14, $0x2000, v0;
	v1 =	vand.u32 $0xF, v1  }
0x13: {  	s7 =	smax.u32 s8, $0x1;
	s8 =	simm.s32 $0x2;
	s9 =	simm.s32 $0x200;
	v0 =	vsel vm15, $0x4000, v0;
	v3 =	vand.u32 $0xF, v3;
	v1 =	vcombine.low v1, v5  }
.LBB2_9:
0x14: {  	s13 =	sadd.s32 $0x1, s13  }
0x15: {  	p0 =	sne.s32 s13, s7  }
.Ltmp1:
0x16: {  	_ = 	snop;
	(pc) =	sbr.rel @!p0 .LBB2_10-.Ltmp1, $4  }
0x17: {  	[hbm4b:s6+s3] =	stream.linear.scatter [tilespmem:s10], [sflag:$0x2], $0x10000, $0x38;
	[tilespmem:$0x10400] =	vst v63  }
0x18: {  	_ =	swait.ge [sflag:s8], $0x10000  }
0x19: {  	[sflag:s8] =	ssyncset.done $0x0  }
0x1a: {  	[sflag:s8] =	ssyncadd.s32 $0xFFFF0000  }
.LBB2_1:
0x1b: {  	[tilespmem:s3], [sflag:$0x2] =	stream.linear.gather [hbm4b:s5+s3], $0x200, $0x38;
	[tilespmem:$0x10400] =	vst v63  }
0x1c: {  	_ =	swait.ge [sflag:s8], $0x200  }
0x1d: {  	[sflag:s8] =	ssyncset.done $0x0  }
0x1e: {  	[sflag:s8] =	ssyncadd.s32 $0xFFFFFE00  }
0x1f: {  	v5 =	vld [tilespmem:$0x0]  }
0x20: {  	v6 =	vld [tilespmem:$0x10]  }
0x21: {  	v7 =	vld [tilespmem:$0x20]  }
0x22: {  	v8 =	vld [tilespmem:$0x30]  }
0x23: {  	v9 =	vld [tilespmem:$0x40]  }
0x24: {  	v10 =	vld [tilespmem:$0x50];
	vm0 =	veq.s32 v5, $0x186A0  }
0x25: {  	v11 =	vld [tilespmem:$0x60];
	vm13 =	veq.s32 v6, $0x186A0;
	v5 =	vsel vm0, $0x0, v5  }
0x26: {  	vm14 =	veq.s32 v7, $0x186A0;
	[tilespmem:$0x200] =	vst v5;
	v5 =	vsel vm13, $0x0, v6;
	v6 =	vld [tilespmem:$0x70]  }
0x27: {  	vm15 =	veq.s32 v8, $0x186A0;
	[tilespmem:$0x210] =	vst v5;
	v5 =	vsel vm14, $0x0, v7;
	v7 =	vld [tilespmem:$0x80]  }
0x28: {  	v24 =	vld [tilespmem:$0x90];
	vm4 =	veq.s32 v9, $0x186A0;
	[tilespmem:$0x220] =	vst v5;
	v5 =	vsel vm15, $0x0, v8  }
0x29: {  	v25 =	vld [tilespmem:$0xA0];
	vm5 =	veq.s32 v10, $0x186A0;
	[tilespmem:$0x230] =	vst v5;
	v5 =	vsel vm4, $0x0, v9  }
0x2a: {  	v26 =	vld [tilespmem:$0xB0];
	vm6 =	veq.s32 v11, $0x186A0;
	[tilespmem:$0x240] =	vst v5;
	v5 =	vsel vm5, $0x0, v10  }
0x2b: {  	v27 =	vld [tilespmem:$0xC0];
	[tilespmem:$0x250] =	vst v5;
	v5 =	vsel vm6, $0x0, v11;
	vm7 =	veq.s32 v6, $0x186A0  }
0x2c: {  	[tilespmem:$0x260] =	vst v5;
	v5 =	vsel vm7, $0x0, v6;
	vm8 =	veq.s32 v7, $0x186A0;
	v6 =	vld [tilespmem:$0xD0]  }
0x2d: {  	vm9 =	veq.s32 v24, $0x186A0;
	[tilespmem:$0x270] =	vst v5;
	v5 =	vsel vm8, $0x0, v7;
	v7 =	vld [tilespmem:$0xE0]  }
0x2e: {  	v28 =	vld [tilespmem:$0xF0];
	vm10 =	veq.s32 v25, $0x186A0;
	[tilespmem:$0x280] =	vst v5;
	v5 =	vsel vm9, $0x0, v24  }
0x2f: {  	v29 =	vld [tilespmem:$0x100];
	vm11 =	veq.s32 v26, $0x186A0;
	[tilespmem:$0x290] =	vst v5;
	v5 =	vsel vm10, $0x0, v25  }
0x30: {  	v30 =	vld [tilespmem:$0x110];
	vm12 =	veq.s32 v27, $0x186A0;
	[tilespmem:$0x2A0] =	vst v5;
	v5 =	vsel vm11, $0x0, v26  }
0x31: {  	v31 =	vld [tilespmem:$0x120];
	[tilespmem:$0x2B0] =	vst v5;
	v5 =	vsel vm12, $0x0, v27;
	vm13 =	veq.s32 v6, $0x186A0  }
0x32: {  	[tilespmem:$0x2C0] =	vst v5;
	v5 =	vsel vm13, $0x0, v6;
	vm14 =	veq.s32 v7, $0x186A0;
	v6 =	vld [tilespmem:$0x130]  }
0x33: {  	vm15 =	veq.s32 v28, $0x186A0;
	[tilespmem:$0x2D0] =	vst v5;
	v5 =	vsel vm14, $0x0, v7;
	v7 =	vld [tilespmem:$0x140]  }
0x34: {  	v32 =	vld [tilespmem:$0x150];
	vm4 =	veq.s32 v29, $0x186A0;
	[tilespmem:$0x2E0] =	vst v5;
	v5 =	vsel vm15, $0x0, v28  }
0x35: {  	v33 =	vld [tilespmem:$0x160];
	vm5 =	veq.s32 v30, $0x186A0;
	[tilespmem:$0x2F0] =	vst v5;
	v5 =	vsel vm4, $0x0, v29  }
0x36: {  	v34 =	vld [tilespmem:$0x170];
	vm6 =	veq.s32 v31, $0x186A0;
	[tilespmem:$0x300] =	vst v5;
	v5 =	vsel vm5, $0x0, v30  }
0x37: {  	v35 =	vld [tilespmem:$0x180];
	[tilespmem:$0x310] =	vst v5;
	v5 =	vsel vm6, $0x0, v31;
	vm7 =	veq.s32 v6, $0x186A0  }
0x38: {  	[tilespmem:$0x320] =	vst v5;
	v5 =	vsel vm7, $0x0, v6;
	vm8 =	veq.s32 v7, $0x186A0;
	v6 =	vld [tilespmem:$0x190]  }
0x39: {  	vm9 =	veq.s32 v32, $0x186A0;
	[tilespmem:$0x330] =	vst v5;
	v5 =	vsel vm8, $0x0, v7;
	v7 =	vld [tilespmem:$0x1A0]  }
0x3a: {  	v36 =	vld [tilespmem:$0x1B0];
	vm10 =	veq.s32 v33, $0x186A0;
	[tilespmem:$0x340] =	vst v5;
	v5 =	vsel vm9, $0x0, v32  }
0x3b: {  	v37 =	vld [tilespmem:$0x1C0];
	vm11 =	veq.s32 v34, $0x186A0;
	[tilespmem:$0x350] =	vst v5;
	v5 =	vsel vm10, $0x0, v33  }
0x3c: {  	v38 =	vld [tilespmem:$0x1D0];
	vm12 =	veq.s32 v35, $0x186A0;
	[tilespmem:$0x360] =	vst v5;
	v5 =	vsel vm11, $0x0, v34  }
0x3d: {  	v39 =	vld [tilespmem:$0x1E0];
	[tilespmem:$0x370] =	vst v5;
	v5 =	vsel vm12, $0x0, v35;
	vm13 =	veq.s32 v6, $0x186A0  }
0x3e: {  	[tilespmem:$0x380] =	vst v5;
	v5 =	vsel vm13, $0x0, v6;
	vm14 =	veq.s32 v7, $0x186A0;
	v6 =	vld [tilespmem:$0x1F0]  }
0x3f: {  	vm15 =	veq.s32 v36, $0x186A0;
	[tilespmem:$0x390] =	vst v5;
	v5 =	vsel vm14, $0x0, v7  }
0x40: {  	vm4 =	veq.s32 v37, $0x186A0;
	[tilespmem:$0x3A0] =	vst v5;
	v5 =	vsel vm15, $0x0, v36  }
0x41: {  	vm5 =	veq.s32 v38, $0x186A0;
	[tilespmem:$0x3B0] =	vst v5;
	v5 =	vsel vm4, $0x0, v37  }
0x42: {  	vm6 =	veq.s32 v39, $0x186A0;
	[tilespmem:$0x3C0] =	vst v5;
	v5 =	vsel vm5, $0x0, v38  }
0x43: {  	[tilespmem:$0x3D0] =	vst v5;
	v5 =	vsel vm6, $0x0, v39;
	vm7 =	veq.s32 v6, $0x186A0  }
0x44: {  	[tilespmem:$0x3E0] =	vst v5;
	v5 =	vsel vm7, $0x0, v6  }
0x45: {  	[tilespmem:$0x3F0] =	vst v5  }
0x46: {  	[tilespmem:s10], [sflag:$0x1] =	stream.indirect.gather [hbm4b:s0+s9], $0x80, s9, s9, $0xb8;
	[tilespmem:$0x10400] =	vst v63  }
0x47: {  	v5 =	vld [tilespmem:$0x0]  }
0x48: {  	v6 =	vld [tilespmem:$0x10]  }
0x49: {  	v41 =	vld [tilespmem:$0x20]  }
0x4a: {  	v42 =	vld [tilespmem:$0x30]  }
0x4b: {  	v13 =	vld [tilespmem:$0x50]  }
0x4c: {  	v51 =	vld [tilespmem:$0x60];
	vm8 =	veq.s32 v5, $0x186A0  }
0x4d: {  	v52 =	vld [tilespmem:$0x70];
	v5 =	vnsel vm8, $0x0, v0  }
0x4e: {  	v55 =	vld [tilespmem:$0x80];
	v7 =	vperm.xlane v5, v1  }
0x4f: {  	v60 =	vld [tilespmem:$0x90]  }
0x50: {  	v17 =	vld [tilespmem:$0xA0];
	v5 =	vadd.s32 v7, v5  }
0x51: {  	vm9 =	veq.s32 v6, $0x186A0;
	vm10 =	veq.s32 v41, $0x186A0;
	v7 =	vperm.xlane v5, v2  }
0x52: {  	vm11 =	veq.s32 v42, $0x186A0;
	vm13 =	veq.s32 v13, $0x186A0;
	vm14 =	veq.s32 v51, $0x186A0  }
0x53: {  	v22 =	vld [tilespmem:$0xC0];
	vm15 =	veq.s32 v52, $0x186A0;
	v6 =	vnsel vm9, $0x0, v0;
	v5 =	vadd.s32 v7, v5  }
0x54: {  	vm4 =	veq.s32 v55, $0x186A0;
	v40 =	vperm.xlane v6, v1;
	v7 =	vperm.xlane v5, v3  }
0x55: {  	v27 =	vld [tilespmem:$0xD0];
	vm5 =	veq.s32 v60, $0x186A0;
	vm6 =	veq.s32 v17, $0x186A0;
	v9 =	vnsel vm10, $0x0, v0  }
0x56: {  	v12 =	vnsel vm11, $0x0, v0;
	v6 =	vadd.s32 v40, v6;
	v5 =	vadd.s32 v7, v5;
	v7 =	vld [tilespmem:$0x40]  }
0x57: {  	v48 =	vnsel vm13, $0x0, v0;
	v56 =	vnsel vm14, $0x0, v0;
	v8 =	vperm.xlane v6, v2  }
0x58: {  	v59 =	vnsel vm15, $0x0, v0;
	v23 =	vnsel vm6, $0x0, v0;
	vm8 =	veq.s32 v22, $0x186A0  }
0x59: {  	v44 =	vperm.xlane v9, v1;
	v45 =	vperm.xlane v12, v1;
	v6 =	vadd.s32 v8, v6  }
0x5a: {  	vm9 =	veq.s32 v27, $0x186A0;
	v50 =	vperm.xlane v48, v1;
	v8 =	vperm.xlane v6, v3  }
0x5b: {  	v9 =	vadd.s32 v44, v9;
	v43 =	vperm.xlane v5, v4;
	vm12 =	veq.s32 v7, $0x186A0  }
0x5c: {  	v11 =	vperm.xlane v9, v2;
	v6 =	vadd.s32 v8, v6;
	v7 =	vnsel vm12, $0x0, v0  }
0x5d: {  	v8 =	vadd.s32 v45, v12;
	v5 =	vadd.s32 v43, v5;
	v47 =	vperm.xlane v7, v1  }
0x5e: {  	v9 =	vadd.s32 v11, v9;
	(v2sf) =	vpush v5, $0x0;
	v5 =	vperm.xlane v8, v2  }
0x5f: {  	v11 =	vperm.xlane v9, v3;
	v46 =	vperm.xlane v6, v4;
	v7 =	vadd.s32 v47, v7  }
0x60: {  	v10 =	vadd.s32 v50, v48;
	v5 =	vadd.s32 v5, v8;
	v49 =	vperm.xlane v7, v2  }
0x61: {  	v9 =	vadd.s32 v11, v9;
	v6 =	vadd.s32 v46, v6;
	v8 =	vperm.xlane v5, v3  }
0x62: {  	(v2sf) =	vpush v6, $0x0;
	v6 =	vperm.xlane v9, v4;
	v7 =	vadd.s32 v49, v7  }
0x63: {  	v54 =	vperm.xlane v10, v2;
	v5 =	vadd.s32 v8, v5;
	v53 =	vperm.xlane v7, v3  }
0x64: {  	v30 =	vld [tilespmem:$0xE0];
	v58 =	vperm.xlane v56, v1;
	v6 =	vadd.s32 v6, v9;
	v14 =	vperm.xlane v5, v4  }
0x65: {  	(v2sf) =	vpush v6, $0x0;
	v6 =	vadd.s32 v53, v7;
	v7 =	vadd.s32 v54, v10  }
0x66: {  	v11 =	vadd.s32 v58, v56;
	v5 =	vadd.s32 v14, v5;
	v10 =	vperm.xlane v7, v3  }
0x67: {  	v31 =	vld [tilespmem:$0xF0];
	v12 =	vperm.xlane v11, v2;
	v9 =	vnsel vm4, $0x0, v0;
	(v2sf) =	vpush v5, $0x0  }
0x68: {  	v57 =	vperm.xlane v6, v4;
	v5 =	vadd.s32 v10, v7;
	v7 =	vperm.xlane v59, v1  }
0x69: {  	vm10 =	veq.s32 v30, $0x186A0;
	v24 =	vperm.xlane v23, v1;
	v63 =	vperm.xlane v9, v1  }
0x6a: {  	v62 =	vadd.s32 v12, v11;
	v6 =	vadd.s32 v57, v6;
	v7 =	vadd.s32 v7, v59  }
0x6b: {  	v9 =	vadd.s32 v63, v9;
	(v2sf) =	vpush v6, $0x0;
	v6 =	vperm.xlane v7, v2  }
0x6c: {  	vm11 =	veq.s32 v31, $0x186A0;
	v12 =	vperm.xlane v62, v3;
	v11 =	vperm.xlane v9, v2  }
0x6d: {  	v10 =	vnsel vm5, $0x0, v0;
	v61 =	vperm.xlane v5, v4;
	v6 =	vadd.s32 v6, v7  }
0x6e: {  	v35 =	vnsel vm10, $0x0, v0;
	v16 =	vperm.xlane v10, v1;
	v7 =	vperm.xlane v6, v3  }
0x6f: {  	v37 =	vperm.xlane v35, v1;
	v8 =	vadd.s32 v12, v62;
	v9 =	vadd.s32 v11, v9  }
0x70: {  	v5 =	vadd.s32 v61, v5;
	v10 =	vadd.s32 v16, v10;
	v6 =	vadd.s32 v7, v6;
	v7 =	vld [tilespmem:$0xB0]  }
0x71: {  	(v2sf) =	vpush v5, $0x0;
	v5 =	vperm.xlane v8, v4;
	v20 =	vperm.xlane v10, v2  }
0x72: {  	v38 =	vnsel vm11, $0x0, v0;
	v40 =	vadd.s32 v37, v35;
	v19 =	vperm.xlane v9, v3  }
0x73: {  	v5 =	vadd.s32 v5, v8;
	v21 =	vadd.s32 v20, v10;
	v18 =	vperm.xlane v6, v4  }
0x74: {  	v11 =	vadd.s32 v24, v23;
	(v2sf) =	vpush v5, $0x0;
	v10 =	vperm.xlane v21, v3  }
0x75: {  	v5 =	vadd.s32 v18, v6;
	v6 =	vadd.s32 v19, v9;
	vm7 =	veq.s32 v7, $0x186A0  }
0x76: {  	v41 =	vld [tilespmem:$0x110];
	v12 =	vperm.xlane v11, v2;
	v7 =	vperm.xlane v6, v4;
	v25 =	vnsel vm7, $0x0, v0  }
0x77: {  	(v2sf) =	vpush v5, $0x0;
	v5 =	vadd.s32 v10, v21;
	v26 =	vperm.xlane v25, v1  }
0x78: {  	v9 =	vnsel vm8, $0x0, v0;
	v6 =	vadd.s32 v7, v6;
	v7 =	vperm.xlane v5, v4  }
0x79: {  	v28 =	vperm.xlane v9, v1;
	(v2sf) =	vpush v6, $0x0;
	v8 =	vadd.s32 v26, v25  }
0x7a: {  	v5 =	vadd.s32 v7, v5;
	v7 =	vadd.s32 v12, v11;
	v6 =	vperm.xlane v8, v2  }
0x7b: {  	v31 =	vld [tilespmem:$0x1A0];
	vm13 =	veq.s32 v41, $0x186A0;
	v10 =	vnsel vm9, $0x0, v0;
	v12 =	vperm.xlane v7, v3  }
0x7c: {  	v44 =	vld [tilespmem:$0x120];
	v29 =	vperm.xlane v10, v1;
	v9 =	vadd.s32 v28, v9;
	v6 =	vadd.s32 v6, v8  }
0x7d: {  	v11 =	vperm.xlane v9, v2;
	v7 =	vadd.s32 v12, v7;
	v8 =	vperm.xlane v6, v3  }
0x7e: {  	v35 =	vld [tilespmem:$0x1B0];
	v10 =	vadd.s32 v29, v10;
	(v2sf) =	vpush v5, $0x0;
	v5 =	vperm.xlane v7, v4  }
0x7f: {  	v33 =	vperm.xlane v10, v2;
	v9 =	vadd.s32 v11, v9;
	v6 =	vadd.s32 v8, v6  }
0x80: {  	v34 =	vld [tilespmem:$0x100];
	v5 =	vadd.s32 v5, v7;
	v7 =	vperm.xlane v9, v3;
	v32 =	vperm.xlane v6, v4  }
0x81: {  	vm10 =	veq.s32 v31, $0x186A0;
	vm14 =	veq.s32 v44, $0x186A0;
	v49 =	vld [tilespmem:$0x130];
	(v2sf) =	vpush v5, $0x0  }
0x82: {  	v57 =	vld [tilespmem:$0x140];
	v5 =	vadd.s32 v32, v6;
	v6 =	vadd.s32 v7, v9;
	v7 =	vadd.s32 v33, v10  }
0x83: {  	v51 =	vnsel vm14, $0x0, v0;
	vm11 =	veq.s32 v35, $0x186A0;
	v10 =	vperm.xlane v7, v3  }
0x84: {  	v46 =	vnsel vm13, $0x0, v0;
	v53 =	vperm.xlane v51, v1;
	v36 =	vperm.xlane v6, v4  }
0x85: {  	(v2sf) =	vpush v5, $0x0;
	v5 =	vadd.s32 v10, v7;
	v7 =	vperm.xlane v38, v1  }
0x86: {  	vm12 =	veq.s32 v34, $0x186A0;
	v54 =	vadd.s32 v53, v51;
	vm15 =	veq.s32 v49, $0x186A0  }
0x87: {  	v59 =	vld [tilespmem:$0x150];
	vm4 =	veq.s32 v57, $0x186A0;
	v6 =	vadd.s32 v36, v6;
	v7 =	vadd.s32 v7, v38  }
0x88: {  	v12 =	vperm.xlane v40, v2;
	(v2sf) =	vpush v6, $0x0;
	v6 =	vperm.xlane v7, v2  }
0x89: {  	v56 =	vperm.xlane v54, v2;
	v63 =	vnsel vm4, $0x0, v0;
	v39 =	vperm.xlane v5, v4  }
0x8a: {  	v42 =	vadd.s32 v12, v40;
	v9 =	vnsel vm12, $0x0, v0;
	v6 =	vadd.s32 v6, v7  }
0x8b: {  	v61 =	vld [tilespmem:$0x160];
	v43 =	vperm.xlane v9, v1;
	v5 =	vadd.s32 v39, v5;
	v7 =	vperm.xlane v6, v3  }
0x8c: {  	vm5 =	veq.s32 v59, $0x186A0;
	(v2sf) =	vpush v5, $0x0;
	v5 =	vperm.xlane v42, v3  }
0x8d: {  	v9 =	vadd.s32 v43, v9;
	v6 =	vadd.s32 v7, v6;
	v7 =	vperm.xlane v46, v1  }
0x8e: {  	v16 =	vperm.xlane v63, v1;
	v45 =	vperm.xlane v9, v2;
	v5 =	vadd.s32 v5, v42  }
0x8f: {  	v17 =	vnsel vm5, $0x0, v0;
	v47 =	vperm.xlane v5, v4;
	v7 =	vadd.s32 v7, v46  }
0x90: {  	vm6 =	veq.s32 v61, $0x186A0;
	v8 =	vadd.s32 v45, v9;
	v52 =	vperm.xlane v7, v2  }
0x91: {  	v27 =	vld [tilespmem:$0x180];
	v50 =	vperm.xlane v8, v3;
	v48 =	vperm.xlane v6, v4;
	v5 =	vadd.s32 v47, v5  }
0x92: {  	v30 =	vld [tilespmem:$0x190];
	v20 =	vnsel vm6, $0x0, v0;
	(v2sf) =	vpush v5, $0x0;
	v7 =	vadd.s32 v52, v7  }
0x93: {  	v5 =	vadd.s32 v48, v6;
	v6 =	vadd.s32 v50, v8;
	v55 =	vperm.xlane v7, v3  }
0x94: {  	v19 =	vperm.xlane v17, v1;
	(v2sf) =	vpush v5, $0x0;
	v5 =	vperm.xlane v6, v4  }
0x95: {  	v9 =	vnsel vm15, $0x0, v0;
	v8 =	vadd.s32 v56, v54;
	v7 =	vadd.s32 v55, v7  }
0x96: {  	v22 =	vld [tilespmem:$0x170];
	v60 =	vperm.xlane v8, v3;
	v5 =	vadd.s32 v5, v6;
	v6 =	vperm.xlane v7, v4  }
0x97: {  	vm8 =	veq.s32 v27, $0x186A0;
	vm9 =	veq.s32 v30, $0x186A0;
	v58 =	vperm.xlane v9, v1  }
0x98: {  	(v2sf) =	vpush v5, $0x0;
	v6 =	vadd.s32 v6, v7;
	v7 =	vadd.s32 v60, v8  }
0x99: {  	v5 =	vadd.s32 v58, v9;
	(v2sf) =	vpush v6, $0x0;
	v6 =	vperm.xlane v7, v4  }
0x9a: {  	v21 =	vperm.xlane v20, v1;
	v34 =	vnsel vm9, $0x0, v0;
	v62 =	vperm.xlane v5, v2  }
0x9b: {  	vm7 =	veq.s32 v22, $0x186A0;
	v6 =	vadd.s32 v6, v7;
	v7 =	vadd.s32 v16, v63  }
0x9c: {  	v10 =	vadd.s32 v19, v17;
	v5 =	vadd.s32 v62, v5;
	v23 =	vperm.xlane v7, v2  }
0x9d: {  	v25 =	vperm.xlane v10, v2;
	v18 =	vperm.xlane v5, v3;
	v8 =	vadd.s32 v21, v20  }
0x9e: {  	(v2sf) =	vpush v6, $0x0;
	v6 =	vadd.s32 v23, v7;
	v7 =	vperm.xlane v8, v2  }
0x9f: {  	v10 =	vadd.s32 v25, v10;
	v5 =	vadd.s32 v18, v5;
	v11 =	vperm.xlane v6, v3  }
0xa0: {  	v26 =	vperm.xlane v10, v3;
	v24 =	vperm.xlane v5, v4;
	v7 =	vadd.s32 v7, v8  }
0xa1: {  	v37 =	vperm.xlane v34, v1;
	v6 =	vadd.s32 v11, v6;
	v8 =	vperm.xlane v7, v3  }
0xa2: {  	v10 =	vadd.s32 v26, v10;
	v5 =	vadd.s32 v24, v5;
	v28 =	vperm.xlane v6, v4  }
0xa3: {  	(v2sf) =	vpush v5, $0x0;
	v5 =	vperm.xlane v10, v4;
	v7 =	vadd.s32 v8, v7  }
0xa4: {  	v9 =	vnsel vm7, $0x0, v0;
	v6 =	vadd.s32 v28, v6;
	v32 =	vperm.xlane v7, v4  }
0xa5: {  	s14 =	spop (v2sf);
	v29 =	vperm.xlane v9, v1;
	v5 =	vadd.s32 v5, v10;
	(v2sf) =	vpush v6, $0x0  }
0xa6: {  	s15 =	spop (v2sf);
	(v2sf) =	vpush v5, $0x0;
	v5 =	vadd.s32 v32, v7;
	v7 =	vnsel vm8, $0x0, v0  }
0xa7: {  	v9 =	vadd.s32 v29, v9;
	v10 =	vadd.s32 v37, v34;
	v33 =	vperm.xlane v7, v1  }
0xa8: {  	v49 =	vld [tilespmem:$0x1E0];
	v38 =	vnsel vm10, $0x0, v0;
	v12 =	vperm.xlane v10, v2;
	v6 =	vperm.xlane v9, v2  }
0xa9: {  	s16 =	spop (v2sf);
	(v2sf) =	vpush v5, $0x0;
	v5 =	vadd.s32 v33, v7;
	v7 =	vperm.xlane v38, v1  }
0xaa: {  	v10 =	vadd.s32 v12, v10;
	v6 =	vadd.s32 v6, v9;
	v9 =	vperm.xlane v5, v2  }
0xab: {  	v41 =	vnsel vm11, $0x0, v0;
	v42 =	vperm.xlane v10, v3;
	v7 =	vadd.s32 v7, v38  }
0xac: {  	v36 =	vperm.xlane v6, v3;
	v5 =	vadd.s32 v9, v5;
	v39 =	vperm.xlane v7, v2  }
0xad: {  	vm14 =	veq.s32 v49, $0x186A0;
	v43 =	vperm.xlane v41, v1;
	v40 =	vperm.xlane v5, v3  }
0xae: {  	v46 =	vld [tilespmem:$0x1C0];
	v10 =	vadd.s32 v42, v10;
	v6 =	vadd.s32 v36, v6;
	v7 =	vadd.s32 v39, v7  }
0xaf: {  	v48 =	vld [tilespmem:$0x1D0];
	v11 =	vperm.xlane v6, v4;
	v5 =	vadd.s32 v40, v5;
	v44 =	vperm.xlane v7, v3  }
0xb0: {  	v50 =	vld [tilespmem:$0x1F0];
	v13 =	vperm.xlane v10, v4;
	v9 =	vadd.s32 v43, v41;
	v45 =	vperm.xlane v5, v4  }
0xb1: {  	v6 =	vadd.s32 v11, v6;
	v47 =	vperm.xlane v9, v2;
	v7 =	vadd.s32 v44, v7  }
0xb2: {  	s17 =	spop (v2sf);
	(v2sf) =	vpush v6, $0x0;
	v5 =	vadd.s32 v45, v5;
	v6 =	vperm.xlane v7, v4  }
0xb3: {  	s18 =	spop (v2sf);
	v8 =	vadd.s32 v47, v9;
	(v2sf) =	vpush v5, $0x0;
	v5 =	vadd.s32 v13, v10  }
0xb4: {  	s19 =	spop (v2sf);
	(v2sf) =	vpush v5, $0x0;
	v5 =	vadd.s32 v6, v7;
	v6 =	vperm.xlane v8, v3  }
0xb5: {  	vm12 =	veq.s32 v46, $0x186A0;
	vm13 =	veq.s32 v48, $0x186A0;
	vm15 =	veq.s32 v50, $0x186A0  }
0xb6: {  	s20 =	spop (v2sf);
	(v2sf) =	vpush v5, $0x0;
	v5 =	vadd.s32 v6, v8;
	v6 =	vnsel vm12, $0x0, v0  }
0xb7: {  	v51 =	vnsel vm13, $0x0, v0;
	v9 =	vnsel vm15, $0x0, v0;
	v7 =	vperm.xlane v6, v1  }
0xb8: {  	[smem:$0x0] =	sst s14;
	v52 =	vperm.xlane v51, v1;
	v11 =	vnsel vm14, $0x0, v0;
	v54 =	vperm.xlane v9, v1  }
0xb9: {  	[smem:$0x1] =	sst s15;
	v6 =	vadd.s32 v7, v6;
	v7 =	vperm.xlane v11, v1  }
0xba: {  	[smem:$0x2] =	sst s16;
	v9 =	vadd.s32 v54, v9;
	v8 =	vadd.s32 v52, v51;
	v53 =	vperm.xlane v6, v2  }
0xbb: {  	[smem:$0x3] =	sst s17;
	v59 =	vperm.xlane v9, v2;
	v56 =	vperm.xlane v8, v2;
	v7 =	vadd.s32 v7, v11  }
0xbc: {  	[smem:$0x4] =	sst s18;
	v6 =	vadd.s32 v53, v6;
	v57 =	vperm.xlane v7, v2  }
0xbd: {  	[smem:$0x5] =	sst s19;
	s22 =	spop (v2sf);
	v9 =	vadd.s32 v59, v9;
	v8 =	vadd.s32 v56, v8;
	v58 =	vperm.xlane v6, v3  }
0xbe: {  	[smem:$0x6] =	sst s20;
	s23 =	spop (v2sf);
	v55 =	vperm.xlane v5, v4;
	v60 =	vperm.xlane v8, v3;
	v7 =	vadd.s32 v57, v7  }
0xbf: {  	[smem:$0x7] =	sst s22;
	s24 =	spop (v2sf);
	v63 =	vperm.xlane v9, v3;
	v6 =	vadd.s32 v58, v6;
	v61 =	vperm.xlane v7, v3  }
0xc0: {  	[smem:$0x8] =	sst s23;
	s25 =	spop (v2sf);
	v5 =	vadd.s32 v55, v5;
	v8 =	vadd.s32 v60, v8;
	v62 =	vperm.xlane v6, v4  }
0xc1: {  	[smem:$0x9] =	sst s24;
	s26 =	spop (v2sf);
	(v2sf) =	vpush v5, $0x0;
	v5 =	vadd.s32 v61, v7;
	v7 =	vperm.xlane v8, v4  }
0xc2: {  	[smem:$0xA] =	sst s25;
	s28 =	spop (v2sf);
	v9 =	vadd.s32 v63, v9;
	v6 =	vadd.s32 v62, v6  }
0xc3: {  	[smem:$0xB] =	sst s26;
	s29 =	spop (v2sf);
	v10 =	vperm.xlane v5, v4;
	(v2sf) =	vpush v6, $0x0;
	v6 =	vadd.s32 v7, v8  }
0xc4: {  	[smem:$0xC] =	sst s28;
	s30 =	spop (v2sf);
	v7 =	vperm.xlane v9, v4;
	(v2sf) =	vpush v6, $0x0  }
0xc5: {  	[smem:$0xD] =	sst s29;
	s31 =	spop (v2sf);
	v5 =	vadd.s32 v10, v5  }
0xc6: {  	[smem:$0xE] =	sst s30;
	s15 =	spop (v2sf);
	(v2sf) =	vpush v5, $0x0;
	v5 =	vadd.s32 v7, v9  }
0xc7: {  	[smem:$0xF] =	sst s31;
	s16 =	spop (v2sf);
	(v2sf) =	vpush v5, $0x0  }
0xc8: {  	[smem:$0x10] =	sst s15;
	s17 =	spop (v2sf)  }
0xc9: {  	[smem:$0x11] =	sst s16;
	s18 =	spop (v2sf)  }
0xca: {  	[smem:$0x12] =	sst s17;
	s19 =	spop (v2sf)  }
0xcb: {  	[smem:$0x13] =	sst s18;
	s20 =	spop (v2sf)  }
0xcc: {  	[smem:$0x14] =	sst s19;
	s21 =	spop (v2sf)  }
0xcd: {  	[smem:$0x15] =	sst s20;
	s22 =	spop (v2sf)  }
0xce: {  	[smem:$0x16] =	sst s21;
	s23 =	spop (v2sf)  }
0xcf: {  	[smem:$0x17] =	sst s22;
	s24 =	spop (v2sf)  }
0xd0: {  	[smem:$0x18] =	sst s23;
	s25 =	spop (v2sf)  }
0xd1: {  	[smem:$0x19] =	sst s24;
	s26 =	spop (v2sf)  }
0xd2: {  	[smem:$0x1A] =	sst s25;
	s28 =	spop (v2sf)  }
0xd3: {  	[smem:$0x1B] =	sst s26;
	s29 =	spop (v2sf)  }
.Ltmp2:
0xd4: {  	[smem:$0x1C] =	sst s28;
	(pc) =	sbr.rel .LBB2_2-.Ltmp2, $4  }
0xd5: {  	s30 =	spop (v2sf);
	[smem:$0x1D] =	sst s29  }
0xd6: {  	[smem:$0x1E] =	sst s30;
	s31 =	spop (v2sf)  }
0xd7: {  	s14 =	simm.s32 $0x0;
	[smem:$0x1F] =	sst s31  }
0xd8: {  	s15 =	simm.s32 $0x0;
	s16 =	simm.s32 $0x0;
	[smem:$0x280] =	sst s3  }
.LBB2_4:
0xd9: {  	s16 =	sadd.s32 $0x10, s16  }
0xda: {  	p0 =	sne.s32 s16, $0x200  }
.Ltmp3:
0xdb: {  	_ = 	snop;
	(pc) =	sbr.rel @!p0 .LBB2_5-.Ltmp3, $2  }
0xdc: {  	_ =	sdelay $0x2  }
0xdd: {  	s15 =	sadd.s32 $0x1, s15  }
.LBB2_2:
0xde: {  	s17 =	sld [smem:s15+$0x0];
	_ =	sdelay $0x2  }
0xdf: {  	p0 =	seq.s32 s17, $0x0  }
.Ltmp4:
0xe0: {  	_ = 	snop;
	(pc) =	sbr.rel @p0 .LBB2_4-.Ltmp4, $1  }
0xe1: {  	_ =	sdelay $0x3  }
0xe2: {  	s18 =	sand.u32 $0x1, s17;
	s19 =	sand.u32 $0x2, s17;
	s29 =	sand.u32 $0x4, s17  }
0xe3: {  	s30 =	sand.u32 $0x8, s17;
	s31 =	sand.u32 $0x10, s17;
	s20 =	sand.u32 $0x20, s17  }
0xe4: {  	s21 =	sand.u32 $0x40, s17;
	s22 =	sand.u32 $0x80, s17;
	s23 =	sand.u32 $0x100, s17  }
0xe5: {  	s24 =	sand.u32 $0x200, s17;
	s25 =	sand.u32 $0x400, s17;
	p0 =	seq.s32 s18, $0x0  }
0xe6: {  	s26 =	sand.u32 $0x800, s17;
	[smem:s14+$0x80] =	sst @!p0 s16;
	s18 =	sadd.s32 @!p0 $0x1, s14  }
0xe7: {  	s28 =	sand.u32 $0x1000, s17;
	p1 =	seq.s32 s19, $0x0;
	[smem:$0x280] =	sst @!p0 s18  }
0xe8: {  	s18 =	smov.u32 @p0 s14;
	s14 =	sadd.s32 @!p1 $0x1, s16;
	p0 =	seq.s32 s29, $0x0  }
0xe9: {  	s29 =	sand.u32 $0x2000, s17;
	[smem:s18+$0x80] =	sst @!p1 s14;
	s14 =	sadd.s32 @!p1 $0x1, s18  }
0xea: {  	[smem:$0x280] =	sst @!p1 s14;
	s14 =	smov.u32 @p1 s18;
	s18 =	sadd.s32 @!p0 $0x2, s16  }
0xeb: {  	p1 =	seq.s32 s30, $0x0;
	[smem:s14+$0x80] =	sst @!p0 s18;
	s18 =	sadd.s32 @!p0 $0x1, s14  }
0xec: {  	[smem:$0x280] =	sst @!p0 s18;
	s18 =	smov.u32 @p0 s14;
	s14 =	sadd.s32 @!p1 $0x3, s16  }
0xed: {  	p0 =	seq.s32 s31, $0x0;
	[smem:s18+$0x80] =	sst @!p1 s14;
	s14 =	sadd.s32 @!p1 $0x1, s18  }
0xee: {  	[smem:$0x280] =	sst @!p1 s14;
	s14 =	smov.u32 @p1 s18;
	s18 =	sadd.s32 @!p0 $0x4, s16  }
0xef: {  	p1 =	seq.s32 s20, $0x0;
	[smem:s14+$0x80] =	sst @!p0 s18;
	s18 =	sadd.s32 @!p0 $0x1, s14  }
0xf0: {  	[smem:$0x280] =	sst @!p0 s18;
	s18 =	smov.u32 @p0 s14;
	s14 =	sadd.s32 @!p1 $0x5, s16  }
0xf1: {  	p0 =	seq.s32 s21, $0x0;
	[smem:s18+$0x80] =	sst @!p1 s14;
	s14 =	sadd.s32 @!p1 $0x1, s18  }
0xf2: {  	[smem:$0x280] =	sst @!p1 s14;
	s14 =	smov.u32 @p1 s18;
	s18 =	sadd.s32 @!p0 $0x6, s16  }
0xf3: {  	p1 =	seq.s32 s22, $0x0;
	[smem:s14+$0x80] =	sst @!p0 s18;
	s18 =	sadd.s32 @!p0 $0x1, s14  }
0xf4: {  	[smem:$0x280] =	sst @!p0 s18;
	s18 =	smov.u32 @p0 s14;
	s14 =	sadd.s32 @!p1 $0x7, s16  }
0xf5: {  	p0 =	seq.s32 s23, $0x0;
	[smem:s18+$0x80] =	sst @!p1 s14;
	s14 =	sadd.s32 @!p1 $0x1, s18  }
0xf6: {  	[smem:$0x280] =	sst @!p1 s14;
	s14 =	smov.u32 @p1 s18;
	s18 =	sadd.s32 @!p0 $0x8, s16  }
0xf7: {  	p1 =	seq.s32 s24, $0x0;
	[smem:s14+$0x80] =	sst @!p0 s18;
	s18 =	sadd.s32 @!p0 $0x1, s14  }
0xf8: {  	[smem:$0x280] =	sst @!p0 s18;
	s18 =	smov.u32 @p0 s14;
	s14 =	sadd.s32 @!p1 $0x9, s16  }
0xf9: {  	p0 =	seq.s32 s25, $0x0;
	[smem:s18+$0x80] =	sst @!p1 s14;
	s14 =	sadd.s32 @!p1 $0x1, s18  }
0xfa: {  	[smem:$0x280] =	sst @!p1 s14;
	s14 =	smov.u32 @p1 s18;
	s18 =	sadd.s32 @!p0 $0xA, s16  }
0xfb: {  	p1 =	seq.s32 s26, $0x0;
	[smem:s14+$0x80] =	sst @!p0 s18;
	s18 =	sadd.s32 @!p0 $0x1, s14  }
0xfc: {  	[smem:$0x280] =	sst @!p0 s18;
	s18 =	smov.u32 @p0 s14;
	s14 =	sadd.s32 @!p1 $0xB, s16  }
0xfd: {  	p0 =	seq.s32 s28, $0x0;
	[smem:s18+$0x80] =	sst @!p1 s14;
	s14 =	sadd.s32 @!p1 $0x1, s18  }
0xfe: {  	[smem:$0x280] =	sst @!p1 s14;
	s14 =	smov.u32 @p1 s18;
	s18 =	sadd.s32 @!p0 $0xC, s16  }
0xff: {  	p1 =	seq.s32 s29, $0x0;
	[smem:s14+$0x80] =	sst @!p0 s18;
	s18 =	sadd.s32 @!p0 $0x1, s14  }
0x100: {  	[smem:$0x280] =	sst @!p0 s18;
	s18 =	smov.u32 @p0 s14;
	s14 =	sadd.s32 @!p1 $0xD, s16  }
0x101: {  	s30 =	sand.u32 $0x4000, s17;
	[smem:s18+$0x80] =	sst @!p1 s14;
	s14 =	sadd.s32 @!p1 $0x1, s18  }
0x102: {  	s31 =	sand.u32 $0x8000, s17;
	p0 =	seq.s32 s30, $0x0;
	[smem:$0x280] =	sst @!p1 s14  }
.Ltmp5:
0x103: {  	s14 =	smov.u32 @p1 s18;
	s18 =	sadd.s32 @!p0 $0xE, s16;
	(pc) =	sbr.rel .LBB2_4-.Ltmp5, $4  }
0x104: {  	p1 =	seq.s32 s31, $0x0;
	[smem:s14+$0x80] =	sst @!p0 s18;
	s18 =	sadd.s32 @!p0 $0x1, s14  }
0x105: {  	[smem:$0x280] =	sst @!p0 s18;
	s18 =	smov.u32 @p0 s14;
	s14 =	sadd.s32 @!p1 $0xF, s16  }
0x106: {  	[smem:s18+$0x80] =	sst @!p1 s14;
	s14 =	sadd.s32 @!p1 $0x1, s18  }
0x107: {  	[smem:$0x280] =	sst @!p1 s14;
	s14 =	smov.u32 @p1 s18  }
.LBB2_5:
.Ltmp6:
0x108: {  	(pc) =	sbr.rel .LBB2_6-.Ltmp6, $4  }
0x109: {  	_ = 	snop  }
0x10a: {  	_ =	swait.ge [sflag:s11], $0x10000  }
0x10b: {  	[sflag:s11] =	ssyncset.done $0x0  }
0x10c: {  	s15 =	simm.s32 $0xF;
	s16 =	simm.s32 $0x88;
	[sflag:s11] =	ssyncadd.s32 $0xFFFF0000  }
.LBB2_8:
0x10d: {  	s15 =	sadd.s32 $0x10, s15  }
0x10e: {  	p0 =	sne.s32 s15, $0x20F  }
.Ltmp7:
0x10f: {  	_ = 	snop;
	(pc) =	sbr.rel @!p0 .LBB2_9-.Ltmp7, $2  }
0x110: {  	_ =	sdelay $0x2  }
0x111: {  	s16 =	sadd.s32 $0x10, s16  }
.LBB2_6:
0x112: {  	s17 =	sadd.s32 $0xFFFFFFF1, s15  }
0x113: {  	p0 =	sle.s32 s14, s17  }
.Ltmp8:
0x114: {  	_ = 	snop;
	(pc) =	sbr.rel @p0 .LBB2_8-.Ltmp8, $1  }
0x115: {  	_ =	sdelay $0x3  }
0x116: {  	s17 =	sld [smem:s16+$0xFFFFFFF8];
	_ =	sdelay $0x2  }
0x117: {  	s17 =	sshll.u32 s17, $0x9  }
0x118: {  	s17 =	sshra.s32 s17, $0x2  }
0x119: {  	s17 =	sadd.s32 $0x400, s17  }
0x11a: {  	[tilespmem:s17], [sflag:$0x3] =	stream.linear.gather [hbm4b:s1+s3], $0x80, $0x38;
	[tilespmem:$0x10400] =	vst v63  }
0x11b: {  	_ =	swait.ge [sflag:s12], $0x80  }
0x11c: {  	s30 =	sadd.s32 $0xFFFFFFF2, s15;
	[sflag:s12] =	ssyncset.done $0x0  }
0x11d: {  	p0 =	sge.u32 s30, s14;
	[sflag:s12] =	ssyncadd.s32 $0xFFFFFF80  }
0x11e: {  	s17 =	sld @!p0 [smem:s16+$0xFFFFFFF9];
	_ =	sdelay $0x2  }
0x11f: {  	s17 =	sshll.u32 @!p0 s17, $0x9  }
0x120: {  	s17 =	sshra.s32 @!p0 s17, $0x2  }
0x121: {  	s18 =	simm.s32 @!p0 $0x0;
	s17 =	sadd.s32 @!p0 $0x400, s17  }
0x122: {  	[tilespmem:s17], [sflag:$0x3] =	stream.linear.gather @!p0 [hbm4b:s1+s18], $0x80, $0x38;
	[tilespmem:$0x10400] =	vst v63  }
0x123: {  	s17 =	simm.s32 @!p0 $0x3  }
0x124: {  	_ =	swait.ge @!p0 [sflag:s17], $0x80  }
0x125: {  	s31 =	sadd.s32 $0xFFFFFFF3, s15;
	[sflag:s17] =	ssyncset.done @!p0 $0x0  }
0x126: {  	[sflag:s17] =	ssyncadd.s32 @!p0 $0xFFFFFF80;
	p0 =	sge.u32 s31, s14  }
0x127: {  	s17 =	sld @!p0 [smem:s16+$0xFFFFFFFA];
	_ =	sdelay $0x2  }
0x128: {  	s17 =	sshll.u32 @!p0 s17, $0x9  }
0x129: {  	s17 =	sshra.s32 @!p0 s17, $0x2  }
0x12a: {  	s18 =	simm.s32 @!p0 $0x0;
	s17 =	sadd.s32 @!p0 $0x400, s17  }
0x12b: {  	[tilespmem:s17], [sflag:$0x3] =	stream.linear.gather @!p0 [hbm4b:s1+s18], $0x80, $0x38;
	[tilespmem:$0x10400] =	vst v63  }
0x12c: {  	s17 =	simm.s32 @!p0 $0x3  }
0x12d: {  	_ =	swait.ge @!p0 [sflag:s17], $0x80  }
0x12e: {  	s19 =	sadd.s32 $0xFFFFFFF4, s15;
	[sflag:s17] =	ssyncset.done @!p0 $0x0  }
0x12f: {  	[sflag:s17] =	ssyncadd.s32 @!p0 $0xFFFFFF80;
	p0 =	sge.u32 s19, s14  }
0x130: {  	s17 =	sld @!p0 [smem:s16+$0xFFFFFFFB];
	_ =	sdelay $0x2  }
0x131: {  	s17 =	sshll.u32 @!p0 s17, $0x9  }
0x132: {  	s17 =	sshra.s32 @!p0 s17, $0x2  }
0x133: {  	s18 =	simm.s32 @!p0 $0x0;
	s17 =	sadd.s32 @!p0 $0x400, s17  }
0x134: {  	[tilespmem:s17], [sflag:$0x3] =	stream.linear.gather @!p0 [hbm4b:s1+s18], $0x80, $0x38;
	[tilespmem:$0x10400] =	vst v63  }
0x135: {  	s17 =	simm.s32 @!p0 $0x3  }
0x136: {  	_ =	swait.ge @!p0 [sflag:s17], $0x80  }
0x137: {  	s20 =	sadd.s32 $0xFFFFFFF5, s15;
	[sflag:s17] =	ssyncset.done @!p0 $0x0  }
0x138: {  	[sflag:s17] =	ssyncadd.s32 @!p0 $0xFFFFFF80;
	p0 =	sge.u32 s20, s14  }
0x139: {  	s17 =	sld @!p0 [smem:s16+$0xFFFFFFFC];
	_ =	sdelay $0x2  }
0x13a: {  	s17 =	sshll.u32 @!p0 s17, $0x9  }
0x13b: {  	s17 =	sshra.s32 @!p0 s17, $0x2  }
0x13c: {  	s18 =	simm.s32 @!p0 $0x0;
	s17 =	sadd.s32 @!p0 $0x400, s17  }
0x13d: {  	[tilespmem:s17], [sflag:$0x3] =	stream.linear.gather @!p0 [hbm4b:s1+s18], $0x80, $0x38;
	[tilespmem:$0x10400] =	vst v63  }
0x13e: {  	s17 =	simm.s32 @!p0 $0x3  }
0x13f: {  	_ =	swait.ge @!p0 [sflag:s17], $0x80  }
0x140: {  	s21 =	sadd.s32 $0xFFFFFFF6, s15;
	[sflag:s17] =	ssyncset.done @!p0 $0x0  }
0x141: {  	[sflag:s17] =	ssyncadd.s32 @!p0 $0xFFFFFF80;
	p0 =	sge.u32 s21, s14  }
0x142: {  	s17 =	sld @!p0 [smem:s16+$0xFFFFFFFD];
	_ =	sdelay $0x2  }
0x143: {  	s17 =	sshll.u32 @!p0 s17, $0x9  }
0x144: {  	s17 =	sshra.s32 @!p0 s17, $0x2  }
0x145: {  	s18 =	simm.s32 @!p0 $0x0;
	s17 =	sadd.s32 @!p0 $0x400, s17  }
0x146: {  	[tilespmem:s17], [sflag:$0x3] =	stream.linear.gather @!p0 [hbm4b:s1+s18], $0x80, $0x38;
	[tilespmem:$0x10400] =	vst v63  }
0x147: {  	s17 =	simm.s32 @!p0 $0x3  }
0x148: {  	_ =	swait.ge @!p0 [sflag:s17], $0x80  }
0x149: {  	s22 =	sadd.s32 $0xFFFFFFF7, s15;
	[sflag:s17] =	ssyncset.done @!p0 $0x0  }
0x14a: {  	[sflag:s17] =	ssyncadd.s32 @!p0 $0xFFFFFF80;
	p0 =	sge.u32 s22, s14  }
0x14b: {  	s17 =	sld @!p0 [smem:s16+$0xFFFFFFFE];
	_ =	sdelay $0x2  }
0x14c: {  	s17 =	sshll.u32 @!p0 s17, $0x9  }
0x14d: {  	s17 =	sshra.s32 @!p0 s17, $0x2  }
0x14e: {  	s18 =	simm.s32 @!p0 $0x0;
	s17 =	sadd.s32 @!p0 $0x400, s17  }
0x14f: {  	[tilespmem:s17], [sflag:$0x3] =	stream.linear.gather @!p0 [hbm4b:s1+s18], $0x80, $0x38;
	[tilespmem:$0x10400] =	vst v63  }
0x150: {  	s17 =	simm.s32 @!p0 $0x3  }
0x151: {  	_ =	swait.ge @!p0 [sflag:s17], $0x80  }
0x152: {  	s23 =	sadd.s32 $0xFFFFFFF8, s15;
	[sflag:s17] =	ssyncset.done @!p0 $0x0  }
0x153: {  	[sflag:s17] =	ssyncadd.s32 @!p0 $0xFFFFFF80;
	p0 =	sge.u32 s23, s14  }
0x154: {  	s17 =	sld @!p0 [smem:s16+$0xFFFFFFFF];
	_ =	sdelay $0x2  }
0x155: {  	s17 =	sshll.u32 @!p0 s17, $0x9  }
0x156: {  	s17 =	sshra.s32 @!p0 s17, $0x2  }
0x157: {  	s18 =	simm.s32 @!p0 $0x0;
	s17 =	sadd.s32 @!p0 $0x400, s17  }
0x158: {  	[tilespmem:s17], [sflag:$0x3] =	stream.linear.gather @!p0 [hbm4b:s1+s18], $0x80, $0x38;
	[tilespmem:$0x10400] =	vst v63  }
0x159: {  	s17 =	simm.s32 @!p0 $0x3  }
0x15a: {  	_ =	swait.ge @!p0 [sflag:s17], $0x80  }
0x15b: {  	s24 =	sadd.s32 $0xFFFFFFF9, s15;
	[sflag:s17] =	ssyncset.done @!p0 $0x0  }
0x15c: {  	[sflag:s17] =	ssyncadd.s32 @!p0 $0xFFFFFF80;
	p0 =	sge.u32 s24, s14  }
0x15d: {  	s17 =	sld @!p0 [smem:s16+$0x0];
	_ =	sdelay $0x2  }
0x15e: {  	s17 =	sshll.u32 @!p0 s17, $0x9  }
0x15f: {  	s17 =	sshra.s32 @!p0 s17, $0x2  }
0x160: {  	s18 =	simm.s32 @!p0 $0x0;
	s17 =	sadd.s32 @!p0 $0x400, s17  }
0x161: {  	[tilespmem:s17], [sflag:$0x3] =	stream.linear.gather @!p0 [hbm4b:s1+s18], $0x80, $0x38;
	[tilespmem:$0x10400] =	vst v63  }
0x162: {  	s17 =	simm.s32 @!p0 $0x3  }
0x163: {  	_ =	swait.ge @!p0 [sflag:s17], $0x80  }
0x164: {  	s25 =	sadd.s32 $0xFFFFFFFA, s15;
	[sflag:s17] =	ssyncset.done @!p0 $0x0  }
0x165: {  	[sflag:s17] =	ssyncadd.s32 @!p0 $0xFFFFFF80;
	p0 =	sge.u32 s25, s14  }
0x166: {  	s17 =	sld @!p0 [smem:s16+$0x1];
	_ =	sdelay $0x2  }
0x167: {  	s17 =	sshll.u32 @!p0 s17, $0x9  }
0x168: {  	s17 =	sshra.s32 @!p0 s17, $0x2  }
0x169: {  	s18 =	simm.s32 @!p0 $0x0;
	s17 =	sadd.s32 @!p0 $0x400, s17  }
0x16a: {  	[tilespmem:s17], [sflag:$0x3] =	stream.linear.gather @!p0 [hbm4b:s1+s18], $0x80, $0x38;
	[tilespmem:$0x10400] =	vst v63  }
0x16b: {  	s17 =	simm.s32 @!p0 $0x3  }
0x16c: {  	_ =	swait.ge @!p0 [sflag:s17], $0x80  }
0x16d: {  	s26 =	sadd.s32 $0xFFFFFFFB, s15;
	[sflag:s17] =	ssyncset.done @!p0 $0x0  }
0x16e: {  	[sflag:s17] =	ssyncadd.s32 @!p0 $0xFFFFFF80;
	p0 =	sge.u32 s26, s14  }
0x16f: {  	s17 =	sld @!p0 [smem:s16+$0x2];
	_ =	sdelay $0x2  }
0x170: {  	s17 =	sshll.u32 @!p0 s17, $0x9  }
0x171: {  	s17 =	sshra.s32 @!p0 s17, $0x2  }
0x172: {  	s18 =	simm.s32 @!p0 $0x0;
	s17 =	sadd.s32 @!p0 $0x400, s17  }
0x173: {  	[tilespmem:s17], [sflag:$0x3] =	stream.linear.gather @!p0 [hbm4b:s1+s18], $0x80, $0x38;
	[tilespmem:$0x10400] =	vst v63  }
0x174: {  	s17 =	simm.s32 @!p0 $0x3  }
0x175: {  	_ =	swait.ge @!p0 [sflag:s17], $0x80  }
0x176: {  	s28 =	sadd.s32 $0xFFFFFFFC, s15;
	[sflag:s17] =	ssyncset.done @!p0 $0x0  }
0x177: {  	[sflag:s17] =	ssyncadd.s32 @!p0 $0xFFFFFF80;
	p0 =	sge.u32 s28, s14  }
0x178: {  	s17 =	sld @!p0 [smem:s16+$0x3];
	_ =	sdelay $0x2  }
0x179: {  	s17 =	sshll.u32 @!p0 s17, $0x9  }
0x17a: {  	s17 =	sshra.s32 @!p0 s17, $0x2  }
0x17b: {  	s18 =	simm.s32 @!p0 $0x0;
	s17 =	sadd.s32 @!p0 $0x400, s17  }
0x17c: {  	[tilespmem:s17], [sflag:$0x3] =	stream.linear.gather @!p0 [hbm4b:s1+s18], $0x80, $0x38;
	[tilespmem:$0x10400] =	vst v63  }
0x17d: {  	s17 =	simm.s32 @!p0 $0x3  }
0x17e: {  	_ =	swait.ge @!p0 [sflag:s17], $0x80  }
0x17f: {  	s29 =	sadd.s32 $0xFFFFFFFD, s15;
	[sflag:s17] =	ssyncset.done @!p0 $0x0  }
0x180: {  	[sflag:s17] =	ssyncadd.s32 @!p0 $0xFFFFFF80;
	p0 =	sge.u32 s29, s14  }
0x181: {  	s17 =	sld @!p0 [smem:s16+$0x4];
	_ =	sdelay $0x2  }
0x182: {  	s17 =	sshll.u32 @!p0 s17, $0x9  }
0x183: {  	s17 =	sshra.s32 @!p0 s17, $0x2  }
0x184: {  	s18 =	simm.s32 @!p0 $0x0;
	s17 =	sadd.s32 @!p0 $0x400, s17  }
0x185: {  	[tilespmem:s17], [sflag:$0x3] =	stream.linear.gather @!p0 [hbm4b:s1+s18], $0x80, $0x38;
	[tilespmem:$0x10400] =	vst v63  }
0x186: {  	s17 =	simm.s32 @!p0 $0x3  }
0x187: {  	_ =	swait.ge @!p0 [sflag:s17], $0x80  }
0x188: {  	s30 =	sadd.s32 $0xFFFFFFFE, s15;
	[sflag:s17] =	ssyncset.done @!p0 $0x0  }
0x189: {  	[sflag:s17] =	ssyncadd.s32 @!p0 $0xFFFFFF80;
	p0 =	sge.u32 s30, s14  }
0x18a: {  	s17 =	sld @!p0 [smem:s16+$0x5];
	_ =	sdelay $0x2  }
0x18b: {  	s17 =	sshll.u32 @!p0 s17, $0x9  }
0x18c: {  	s17 =	sshra.s32 @!p0 s17, $0x2  }
0x18d: {  	s18 =	simm.s32 @!p0 $0x0;
	s17 =	sadd.s32 @!p0 $0x400, s17  }
0x18e: {  	[tilespmem:s17], [sflag:$0x3] =	stream.linear.gather @!p0 [hbm4b:s1+s18], $0x80, $0x38;
	[tilespmem:$0x10400] =	vst v63  }
0x18f: {  	s17 =	simm.s32 @!p0 $0x3  }
0x190: {  	_ =	swait.ge @!p0 [sflag:s17], $0x80  }
0x191: {  	s31 =	sadd.s32 $0xFFFFFFFF, s15;
	[sflag:s17] =	ssyncset.done @!p0 $0x0  }
0x192: {  	[sflag:s17] =	ssyncadd.s32 @!p0 $0xFFFFFF80;
	p0 =	sge.u32 s31, s14  }
0x193: {  	s17 =	sld @!p0 [smem:s16+$0x6];
	_ =	sdelay $0x2  }
0x194: {  	s17 =	sshll.u32 @!p0 s17, $0x9  }
0x195: {  	s17 =	sshra.s32 @!p0 s17, $0x2  }
0x196: {  	s18 =	simm.s32 @!p0 $0x0;
	s17 =	sadd.s32 @!p0 $0x400, s17  }
0x197: {  	[tilespmem:s17], [sflag:$0x3] =	stream.linear.gather @!p0 [hbm4b:s1+s18], $0x80, $0x38;
	[tilespmem:$0x10400] =	vst v63  }
0x198: {  	s17 =	simm.s32 @!p0 $0x3  }
0x199: {  	_ =	swait.ge @!p0 [sflag:s17], $0x80  }
0x19a: {  	[sflag:s17] =	ssyncset.done @!p0 $0x0  }
0x19b: {  	[sflag:s17] =	ssyncadd.s32 @!p0 $0xFFFFFF80;
	p0 =	sge.u32 s15, s14  }
0x19c: {  	s17 =	sld @!p0 [smem:s16+$0x7];
	_ =	sdelay $0x2  }
0x19d: {  	s17 =	sshll.u32 @!p0 s17, $0x9  }
0x19e: {  	s17 =	sshra.s32 @!p0 s17, $0x2  }
0x19f: {  	s18 =	simm.s32 @!p0 $0x0;
	s17 =	sadd.s32 @!p0 $0x400, s17  }
0x1a0: {  	[tilespmem:s17], [sflag:$0x2] =	stream.linear.gather @!p0 [hbm4b:s1+s18], $0x80, $0x38;
	[tilespmem:$0x10400] =	vst v63  }
.Ltmp9:
0x1a1: {  	_ = 	snop;
	(pc) =	sbr.rel .LBB2_8-.Ltmp9, $4  }
0x1a2: {  	s17 =	simm.s32 @!p0 $0x2  }
0x1a3: {  	_ =	swait.ge @!p0 [sflag:s17], $0x80  }
0x1a4: {  	[sflag:s17] =	ssyncset.done @!p0 $0x0  }
0x1a5: {  	[sflag:s17] =	ssyncadd.s32 @!p0 $0xFFFFFF80  }
.LBB2_10:
0x1a6: {  	_ =	sfence.sel $0x180000  }
0x1a7: {  	[bflag:$0x0] =	sbarrier.arrive $0xFFFF  }
0x1a8: {  	p0 =	sne.s32 s4, $0x0;
	_ =	strace $0x90000047  }
0x1a9: {  	s0 =	sadd.s32 @!p0 $0x100000, s2;
	[bflag:$0x2] =	sbarrier.arrive $0xFFFF  }
0x1aa: {  	[sflag:s0] =	ssyncadd.tile.s32 @!p0 $0x1;
	_ =	shalt  }
.Lfunc_end2:
_tile_overlayer_lowered:
.L_overlay_start_2:
0x1ab: {  	(tag) =	ssettag $0x2  }
0x1ac: {  	s0 =	rddreg [dreg:$0x0];
	s2 =	stileid.u32  }
0x1ad: {  	s1 =	rddreg [dreg:$0x1];
	p0 =	sne.s32 s2, $0x0  }
0x1ae: {  	s3 =	rddreg [dreg:$0x2];
	[bflag:$0x3] =	sbarrier.arrive $0xFFFF;
	s2 =	simm.s32 @!p0 $0x1C02  }
0x1af: {  	[timem:s3], [sflag:s2] =	dma.local @!p0 [hbm:s0], s1  }
0x1b0: {  	s0 =	simm.s32 @!p0 $0x2  }
0x1b1: {  	_ =	swait.ge @!p0 [sflag:s0], s1  }
0x1b2: {  	s1 =	ssub.s32 @!p0 $0x0, s1;
	[sflag:s0] =	ssyncset.done @!p0 $0x0  }
0x1b3: {  	[sflag:s0] =	ssyncadd.s32 @!p0 s1  }
0x1b4: {  	[bflag:$0x3] =	sbarrier.arrive $0xFFFF  }
0x1b5: {  	_ =	shalt  }

</sc_bundles>
